<compile_context>
chip_gen: v7x
topology: tpu7x:2x2x1
jax: 0.10.2.dev20260603
libtpu: 0.0.44.dev20260713+nightly
codegen_flags: <defaults>
</compile_context>

<pallas_src>
import jax
import jax.numpy as jnp
from jax import lax
from jax.experimental import pallas as pl
from jax.experimental.pallas import tpu as pltpu
from jax.experimental.pallas import tpu_sc as plsc

N_MOLS = 10000
N_KEYS = 160000
D = 256
L = 16
NC = 2
NS = 16
NW = NC * NS
BLK = 128
NVB = BLK // L
NBLK_TOTAL = N_KEYS // BLK
BASE_BLKS = NBLK_TOTAL // NW
EXTRA = NBLK_TOTAL - BASE_BLKS * NW
MAXB = BASE_BLKS + 1
MAXK = MAXB * BLK
BASEK = BASE_BLKS * BLK
NMP = 10240
MR = 80
INV_SQRT_D = 0.0625


def _qm_body(q_ref, wq_ref, wk_ref, out_ref):
    m = lax.dot_general(
        wq_ref[...], wk_ref[...], (((0,), (0,)), ((), ())),
        preferred_element_type=jnp.float32, precision=lax.Precision.HIGHEST)
    out_ref[...] = lax.dot_general(
        q_ref[...], m, (((1,), (0,)), ((), ())),
        preferred_element_type=jnp.float32, precision=lax.Precision.HIGHEST)


def _compute_qm(query, wq, wk):
    GB = 1000
    return pl.pallas_call(
        _qm_body,
        grid=(N_MOLS // GB,),
        in_specs=[
            pl.BlockSpec((GB, D), lambda i: (i, 0)),
            pl.BlockSpec((D, D), lambda i: (0, 0)),
            pl.BlockSpec((D, D), lambda i: (0, 0)),
        ],
        out_specs=pl.BlockSpec((GB, D), lambda i: (i, 0)),
        out_shape=jax.ShapeDtypeStruct((N_MOLS, D), jnp.float32),
    )(query, wq, wk)


def _worker_range(wid):
    nblk = BASE_BLKS + jnp.where(wid < EXTRA, 1, 0)
    kstart = (wid * BASE_BLKS + jnp.minimum(wid, EXTRA)) * BLK
    return nblk, kstart


def _pass1_body(qm_hbm, key_hbm, idx_hbm, scores_hbm, e_hbm, part_hbm,
                idx_v, keysA, keysB, rows_v, uq_v, rs_v, sc_v, e_v,
                acc_v, midx_v, shared, semA, semB, sem_g):
    cid = lax.axis_index("c")
    sid = lax.axis_index("s")
    wid = cid * NS + sid
    nblk, kstart = _worker_range(wid)
    nkeys = nblk * BLK

    zer = jnp.zeros((L,), jnp.float32)
    izer = jnp.zeros((L,), jnp.int32)

    def zbody(i, _):
        acc_v[lax.shift_right_logical(i, 3),
              pl.ds(lax.bitwise_and(i, 7) * L, L)] = zer
        return 0

    lax.fori_loop(0, NMP // L, zbody, 0)

    iota = lax.iota(jnp.int32, L)
    for t in range(MR // 16):
        midx_v[pl.ds(t * 16, 16)] = iota + t * 16

    @pl.when(sid == 0)
    def _():
        pltpu.sync_copy(acc_v, shared)

    plsc.subcore_barrier()

    idx_v[pl.ds(0, 16)] = jnp.full((L,), -1, jnp.int32)
    pltpu.sync_copy(idx_hbm.at[pl.ds(kstart, BASEK)], idx_v.at[pl.ds(8, BASEK)])

    @pl.when(nblk == MAXB)
    def _():
        pltpu.sync_copy(idx_hbm.at[pl.ds(kstart + BASEK, BLK)],
                        idx_v.at[pl.ds(8 + BASEK, BLK)])

    idx_v[pl.ds(8 + nkeys, 16)] = jnp.full((L,), -2, jnp.int32)

    def fire_keys(b, buf, sem):
        return pltpu.make_async_copy(
            key_hbm.at[pl.ds(kstart + b * BLK, BLK)], buf, sem)

    fire_keys(0, keysA, semA).start()

    one_lane = iota == 0

    def half(b, cv, keys_v, sem_cur, keys_nxt, sem_nxt):
        k0 = b * BLK

        @pl.when(b + 1 < nblk)
        def _():
            fire_keys(b + 1, keys_nxt, sem_nxt).start()

        for j8 in range(NVB):
            uq_v[pl.ds(j8 * 16, 16)] = izer
        cnt = jnp.int32(0)
        for v in range(NVB):
            kl = k0 + v * L
            ic = idx_v[pl.ds(8 + kl, L)]
            ip = plsc.load_gather(idx_v, [iota + (7 + kl)])
            bmask = ic != ip
            if v == 0:
                bmask = jnp.logical_or(bmask, iota == 0)
            plsc.store_compressed(uq_v.at[pl.ds(cnt, 16)], ic, mask=bmask)
            plsc.store_compressed(rs_v.at[pl.ds(cnt, 16)], iota + v * L, mask=bmask)
            cnt = cnt + jnp.sum(bmask.astype(jnp.int32))
        rs_v[pl.ds(cnt, 16)] = jnp.full((L,), BLK, jnp.int32)

        for t in range(4):
            @pl.when(cnt > 32 * t)
            def _():
                cp = pltpu.make_async_copy(
                    qm_hbm.at[uq_v.at[pl.ds(32 * t, 32)]],
                    rows_v.at[pl.ds(32 * t, 32)], sem_g)
                cp.start()
                cp.wait()

        pltpu.make_async_copy(
            key_hbm.at[pl.ds(kstart + k0, BLK)], keys_v, sem_cur).wait()

        def run_body(r, _):
            s01 = rs_v[pl.ds(r, 16)]
            s0 = s01[0]
            s1 = s01[1]
            row = [rows_v[r, pl.ds(c * 16, 16)] for c in range(16)]

            def kdot(j, _):
                acc = keys_v[j, pl.ds(0, 16)] * row[0]
                for c in range(1, 16):
                    acc = acc + keys_v[j, pl.ds(c * 16, 16)] * row[c]
                plsc.store_scatter(
                    sc_v, [lax.broadcast(k0 + j, (L,))],
                    lax.broadcast(jnp.sum(acc), (L,)), mask=one_lane)
                return 0

            lax.fori_loop(s0, s1, kdot, 0)
            return 0

        lax.fori_loop(0, cnt, run_body, 0)

        for v in range(NVB):
            kl = k0 + v * L
            svec = sc_v[pl.ds(kl, L)] * jnp.float32(INV_SQRT_D)
            sc_v[pl.ds(kl, L)] = svec
            evec = jnp.exp(svec)
            e_v[pl.ds(kl, L)] = evec
            c_incl = plsc.cumsum(evec) + cv
            c_excl = c_incl - evec
            cv = cv + lax.broadcast(jnp.sum(evec), (L,))
            ioff = iota + (8 + kl)
            ic = plsc.load_gather(idx_v, [ioff])
            ip = plsc.load_gather(idx_v, [ioff - 1])
            inx = plsc.load_gather(idx_v, [ioff + 1])
            rr = lax.shift_right_logical(ic, 7)
            rc = lax.bitwise_and(ic, 127)
            plsc.addupdate_scatter(acc_v, [rr, rc], -c_excl, mask=ic != ip)
            plsc.addupdate_scatter(acc_v, [rr, rc], c_incl, mask=ic != inx)
        return cv

    def pair_body(t, cv):
        b0 = 2 * t
        b1 = 2 * t + 1
        cv = lax.cond(b0 < nblk,
                      lambda c: half(b0, c, keysA, semA, keysB, semB),
                      lambda c: c, cv)
        cv = lax.cond(b1 < nblk,
                      lambda c: half(b1, c, keysB, semB, keysA, semA),
                      lambda c: c, cv)
        return cv

    lax.fori_loop(0, MAXB // 2, pair_body, jnp.zeros((L,), jnp.float32))

    pltpu.sync_copy(acc_v, shared.at[midx_v], add=True)

    plsc.subcore_barrier()

    @pl.when(sid == 0)
    def _():
        pltpu.sync_copy(shared, part_hbm.at[cid])

    pltpu.sync_copy(sc_v.at[pl.ds(0, BASEK)], scores_hbm.at[pl.ds(kstart, BASEK)])
    pltpu.sync_copy(e_v.at[pl.ds(0, BASEK)], e_hbm.at[pl.ds(kstart, BASEK)])

    @pl.when(nblk == MAXB)
    def _():
        pltpu.sync_copy(sc_v.at[pl.ds(BASEK, BLK)],
                        scores_hbm.at[pl.ds(kstart + BASEK, BLK)])
        pltpu.sync_copy(e_v.at[pl.ds(BASEK, BLK)],
                        e_hbm.at[pl.ds(kstart + BASEK, BLK)])


def _pass2_body(e_hbm, idx_hbm, part_hbm, w_hbm,
                idx_v, e_v, w_v, d0_v, d1_v):
    cid = lax.axis_index("c")
    sid = lax.axis_index("s")
    wid = cid * NS + sid
    nblk, kstart = _worker_range(wid)

    pltpu.sync_copy(idx_hbm.at[pl.ds(kstart, BASEK)], idx_v.at[pl.ds(0, BASEK)])
    pltpu.sync_copy(e_hbm.at[pl.ds(kstart, BASEK)], e_v.at[pl.ds(0, BASEK)])

    @pl.when(nblk == MAXB)
    def _():
        pltpu.sync_copy(idx_hbm.at[pl.ds(kstart + BASEK, BLK)],
                        idx_v.at[pl.ds(BASEK, BLK)])
        pltpu.sync_copy(e_hbm.at[pl.ds(kstart + BASEK, BLK)],
                        e_v.at[pl.ds(BASEK, BLK)])

    pltpu.sync_copy(part_hbm.at[0], d0_v)
    pltpu.sync_copy(part_hbm.at[1], d1_v)

    def dbody(i, _):
        r = lax.shift_right_logical(i, 3)
        c = lax.bitwise_and(i, 7) * L
        d0_v[r, pl.ds(c, L)] = d0_v[r, pl.ds(c, L)] + d1_v[r, pl.ds(c, L)]
        return 0

    lax.fori_loop(0, NMP // L, dbody, 0)

    def vbody(vv, _):
        kl = vv * L
        ic = idx_v[pl.ds(kl, L)]
        r = lax.shift_right_logical(ic, 7)
        ccol = lax.bitwise_and(ic, 127)
        d = plsc.load_gather(d0_v, [r, ccol])
        w_v[pl.ds(kl, L)] = e_v[pl.ds(kl, L)] / d
        return 0

    lax.fori_loop(0, nblk * (BLK // L), vbody, 0)

    pltpu.sync_copy(w_v.at[pl.ds(0, BASEK)], w_hbm.at[pl.ds(kstart, BASEK)])

    @pl.when(nblk == MAXB)
    def _():
        pltpu.sync_copy(w_v.at[pl.ds(BASEK, BLK)],
                        w_hbm.at[pl.ds(kstart + BASEK, BLK)])


def _sc_mesh():
    return plsc.VectorSubcoreMesh(core_axis_name="c", subcore_axis_name="s")


def _pass1(qm, key_batch, idx):
    return pl.kernel(
        _pass1_body,
        out_type=[
            jax.ShapeDtypeStruct((N_KEYS,), jnp.float32),
            jax.ShapeDtypeStruct((N_KEYS,), jnp.float32),
            jax.ShapeDtypeStruct((NC, MR, 128), jnp.float32),
        ],
        mesh=_sc_mesh(),
        compiler_params=pltpu.CompilerParams(needs_layout_passes=False),
        scratch_types=[
            pltpu.VMEM((8 + MAXK + 24,), jnp.int32),
            pltpu.VMEM((BLK, D), jnp.float32),
            pltpu.VMEM((BLK, D), jnp.float32),
            pltpu.VMEM((BLK, D), jnp.float32),
            pltpu.VMEM((BLK,), jnp.int32),
            pltpu.VMEM((BLK + 24,), jnp.int32),
            pltpu.VMEM((MAXK,), jnp.float32),
            pltpu.VMEM((MAXK,), jnp.float32),
            pltpu.VMEM((MR, 128), jnp.float32),
            pltpu.VMEM((MR,), jnp.int32),
            pltpu.VMEM_SHARED((MR, 128), jnp.float32),
            pltpu.SemaphoreType.DMA,
            pltpu.SemaphoreType.DMA,
            pltpu.SemaphoreType.DMA,
        ],
    )(qm, key_batch, idx)


def _pass2(e, idx, part):
    return pl.kernel(
        _pass2_body,
        out_type=jax.ShapeDtypeStruct((N_KEYS,), jnp.float32),
        mesh=_sc_mesh(),
        compiler_params=pltpu.CompilerParams(needs_layout_passes=False),
        scratch_types=[
            pltpu.VMEM((MAXK,), jnp.int32),
            pltpu.VMEM((MAXK,), jnp.float32),
            pltpu.VMEM((MAXK,), jnp.float32),
            pltpu.VMEM((MR, 128), jnp.float32),
            pltpu.VMEM((MR, 128), jnp.float32),
        ],
    )(e, idx, part)


def kernel(query_batch, key_batch, original_mol_idx_for_keys, WQ, WK):
    qm = _compute_qm(query_batch, WQ, WK)
    scores, e, part = _pass1(qm, key_batch, original_mol_idx_for_keys)
    weights = _pass2(e, original_mol_idx_for_keys, part)
    return (weights, scores)

# --- scband reference (transcript-rebuilt; emitter-appended) ---
"""Pipeline reference for scband-py-gattention-22093311771376 (READ-ONLY COPY).

The authoritative reference and input builder live on the scoring server;
editing this copy changes nothing except your own understanding.
"""

import jax, jax.numpy as jnp
import numpy as np

N_MOLS = 10000
N_KEYS = 160000
QUERY_DIM = 256
KEY_DIM = 256
HIDDEN_DIM = 256


def setup_inputs(seed: int = 0) -> dict:
    key = jax.random.key(seed)
    k1, k2, k3, k4, k5 = jax.random.split(key, 5)
    query_batch = jax.random.normal(k1, (N_MOLS, QUERY_DIM), dtype=jnp.float32)
    key_batch = jax.random.normal(k2, (N_KEYS, KEY_DIM), dtype=jnp.float32)
    original_mol_idx_for_keys = jnp.sort(
        jax.random.randint(k3, (N_KEYS,), 0, N_MOLS, dtype=jnp.int32)
    )
    # Learned parameters: torch nn.Linear(in, out, bias=False) weight has shape [out, in]
    WQ = jax.random.normal(k4, (HIDDEN_DIM, QUERY_DIM), dtype=jnp.float32) * (1.0 / np.sqrt(QUERY_DIM))
    WK = jax.random.normal(k5, (HIDDEN_DIM, KEY_DIM), dtype=jnp.float32) * (1.0 / np.sqrt(KEY_DIM))
    return {
        "query_batch": query_batch,
        "key_batch": key_batch,
        "original_mol_idx_for_keys": original_mol_idx_for_keys,
        "WQ": WQ,
        "WK": WK,
    }


def _scatter_softmax(scores, index, num_segments):
    seg_max = jax.ops.segment_max(scores, index, num_segments=num_segments)
    seg_max = jnp.where(jnp.isfinite(seg_max), seg_max, 0.0)
    shifted = scores - seg_max[index]
    ex = jnp.exp(shifted)
    denom = jax.ops.segment_sum(ex, index, num_segments=num_segments)
    return ex / denom[index]


def reference(query_batch, key_batch, original_mol_idx_for_keys, WQ, WK):
    Q_proj = query_batch @ WQ.T
    K_proj = key_batch @ WK.T
    Q_expanded = Q_proj[original_mol_idx_for_keys]
    attention_scores_flat = jnp.sum(Q_expanded * K_proj, axis=1) / jnp.sqrt(jnp.float32(HIDDEN_DIM))
    attention_weights_flat = _scatter_softmax(attention_scores_flat, original_mol_idx_for_keys, N_MOLS)
    return (attention_weights_flat, attention_scores_flat)

if __name__ == "__main__":
    import jax
    _d = setup_inputs()
    print(jax.jit(kernel)(*tuple(_d.values())))

</pallas_src>

<mosaic_0001>
#map = affine_map<(d0, d1) -> (0)>
#map1 = affine_map<(d0, d1) -> (0, 0, 0)>
module attributes {stable_mosaic.version = 14 : i64} {
  func.func @_pass2_body(%arg0: i32, %arg1: i32, %arg2: memref<160000xf32, #tpu.memory_space<hbm>>, %arg3: memref<160000xi32, #tpu.memory_space<hbm>>, %arg4: memref<2x80x128xf32, #tpu.memory_space<hbm>>, %arg5: memref<160000xf32, #tpu.memory_space<hbm>>, %arg6: memref<5120xi32, #tpu.memory_space<vmem>>, %arg7: memref<5120xf32, #tpu.memory_space<vmem>>, %arg8: memref<5120xf32, #tpu.memory_space<vmem>>, %arg9: memref<80x128xf32, #tpu.memory_space<vmem>>, %arg10: memref<80x128xf32, #tpu.memory_space<vmem>>) attributes {dimension_semantics = [#tpu.dimension_semantics<core_parallel>, #tpu.dimension_semantics<subcore_parallel>], iteration_bounds = array<i64: 2, 16>, scalar_prefetch = 0 : i64, scratch_operands = 5 : i64, tpu.core_type = #tpu.core_type<sc_vector_subcore>, window_params = [{transform_indices = #map}, {transform_indices = #map}, {transform_indices = #map1}, {transform_indices = #map}]} {
    %mul3A = arith.constant 16 : i32
    %mul3A_0 = arith.muli %arg0, %mul3A : i32
    %add3A = arith.addi %mul3A_0, %arg1 : i32
    %lt3A = arith.constant 2 : i32
    %lt3A_1 = arith.cmpi slt, %add3A, %lt3A : i32
    %jit3A = arith.constant 1 : i32
    %jit3A_2 = arith.constant 0 : i32
    %select_n3A = arith.select %lt3A_1, %jit3A, %jit3A_2 : i32
    %add3A_3 = arith.constant 39 : i32
    %add3A_4 = arith.addi %add3A_3, %select_n3A : i32
    %mul3A_5 = arith.constant 39 : i32
    %mul3A_6 = arith.muli %add3A, %mul3A_5 : i32
    %min3A = arith.constant 2 : i32
    %min3A_7 = arith.minsi %add3A, %min3A : i32
    %add3A_8 = arith.addi %mul3A_6, %min3A_7 : i32
    %mul3A_9 = arith.constant 128 : i32
    %mul3A_10 = arith.muli %add3A_8, %mul3A_9 : i32
    "tpu.region"() ({
      %run_scoped3A_38 = tpu.sem_alloc : memref<!tpu.dma_semaphore, #tpu.memory_space<semaphore_mem>>
      %dma_start3A = arith.constant 0 : i32
      %dma_start3A_39 = tpu.memref_slice %arg6[%dma_start3A] : memref<5120xi32, #tpu.memory_space<vmem>> -> memref<4992xi32, #tpu.memory_space<vmem>>
      %dma_start3A_40 = tpu.memref_slice %arg3[%mul3A_10] : memref<160000xi32, #tpu.memory_space<hbm>> -> memref<4992xi32, #tpu.memory_space<hbm>>
      %dma_start3A_41 = arith.constant 0 : i32
      %dma_start3A_42 = tpu.memref_slice %arg6[%dma_start3A_41] : memref<5120xi32, #tpu.memory_space<vmem>> -> memref<4992xi32, #tpu.memory_space<vmem>>
      %dma_start3A_43 = tpu.memref_slice %arg3[%mul3A_10] : memref<160000xi32, #tpu.memory_space<hbm>> -> memref<4992xi32, #tpu.memory_space<hbm>>
      tpu.enqueue_dma source(%dma_start3A_43 : memref<4992xi32, #tpu.memory_space<hbm>>) target(%dma_start3A_42 : memref<4992xi32, #tpu.memory_space<vmem>>) target_semaphore(%run_scoped3A_38 : memref<!tpu.dma_semaphore, #tpu.memory_space<semaphore_mem>>)
      %dma_wait3A = arith.constant 0 : i32
      %dma_wait3A_44 = tpu.memref_slice %arg6[%dma_wait3A] : memref<5120xi32, #tpu.memory_space<vmem>> -> memref<4992xi32, #tpu.memory_space<vmem>>
      %dma_wait3A_45 = tpu.memref_slice %arg3[%mul3A_10] : memref<160000xi32, #tpu.memory_space<hbm>> -> memref<4992xi32, #tpu.memory_space<hbm>>
      %dma_wait3A_46 = arith.constant 0 : i32
      %dma_wait3A_47 = tpu.memref_slice %arg6[%dma_wait3A_46] : memref<5120xi32, #tpu.memory_space<vmem>> -> memref<4992xi32, #tpu.memory_space<vmem>>
      %dma_wait3A_48 = tpu.memref_slice %arg3[%mul3A_10] : memref<160000xi32, #tpu.memory_space<hbm>> -> memref<4992xi32, #tpu.memory_space<hbm>>
      tpu.wait_dma2 semaphore(%run_scoped3A_38 : memref<!tpu.dma_semaphore, #tpu.memory_space<semaphore_mem>>) src(%dma_wait3A_48 : memref<4992xi32, #tpu.memory_space<hbm>>) dst(%dma_wait3A_47 : memref<4992xi32, #tpu.memory_space<vmem>>)
      tpu.yield
    }) : () -> ()
    "tpu.region"() ({
      %run_scoped3A_38 = tpu.sem_alloc : memref<!tpu.dma_semaphore, #tpu.memory_space<semaphore_mem>>
      %dma_start3A = arith.constant 0 : i32
      %dma_start3A_39 = tpu.memref_slice %arg7[%dma_start3A] : memref<5120xf32, #tpu.memory_space<vmem>> -> memref<4992xf32, #tpu.memory_space<vmem>>
      %dma_start3A_40 = tpu.memref_slice %arg2[%mul3A_10] : memref<160000xf32, #tpu.memory_space<hbm>> -> memref<4992xf32, #tpu.memory_space<hbm>>
      %dma_start3A_41 = arith.constant 0 : i32
      %dma_start3A_42 = tpu.memref_slice %arg7[%dma_start3A_41] : memref<5120xf32, #tpu.memory_space<vmem>> -> memref<4992xf32, #tpu.memory_space<vmem>>
      %dma_start3A_43 = tpu.memref_slice %arg2[%mul3A_10] : memref<160000xf32, #tpu.memory_space<hbm>> -> memref<4992xf32, #tpu.memory_space<hbm>>
      tpu.enqueue_dma source(%dma_start3A_43 : memref<4992xf32, #tpu.memory_space<hbm>>) target(%dma_start3A_42 : memref<4992xf32, #tpu.memory_space<vmem>>) target_semaphore(%run_scoped3A_38 : memref<!tpu.dma_semaphore, #tpu.memory_space<semaphore_mem>>)
      %dma_wait3A = arith.constant 0 : i32
      %dma_wait3A_44 = tpu.memref_slice %arg7[%dma_wait3A] : memref<5120xf32, #tpu.memory_space<vmem>> -> memref<4992xf32, #tpu.memory_space<vmem>>
      %dma_wait3A_45 = tpu.memref_slice %arg2[%mul3A_10] : memref<160000xf32, #tpu.memory_space<hbm>> -> memref<4992xf32, #tpu.memory_space<hbm>>
      %dma_wait3A_46 = arith.constant 0 : i32
      %dma_wait3A_47 = tpu.memref_slice %arg7[%dma_wait3A_46] : memref<5120xf32, #tpu.memory_space<vmem>> -> memref<4992xf32, #tpu.memory_space<vmem>>
      %dma_wait3A_48 = tpu.memref_slice %arg2[%mul3A_10] : memref<160000xf32, #tpu.memory_space<hbm>> -> memref<4992xf32, #tpu.memory_space<hbm>>
      tpu.wait_dma2 semaphore(%run_scoped3A_38 : memref<!tpu.dma_semaphore, #tpu.memory_space<semaphore_mem>>) src(%dma_wait3A_48 : memref<4992xf32, #tpu.memory_space<hbm>>) dst(%dma_wait3A_47 : memref<4992xf32, #tpu.memory_space<vmem>>)
      tpu.yield
    }) : () -> ()
    %eq3A = arith.constant 40 : i32
    %eq3A_11 = arith.cmpi eq, %add3A_4, %eq3A : i32
    %convert_element_type3A = arith.extui %eq3A_11 : i1 to i32
    %cond3A = arith.constant 0 : i32
    %cond3A_12 = arith.cmpi ne, %convert_element_type3A, %cond3A : i32
    scf.if %cond3A_12 {
      %add3A_38 = arith.constant 4992 : i32
      %add3A_39 = arith.addi %mul3A_10, %add3A_38 : i32
      "tpu.region"() ({
        %run_scoped3A_42 = tpu.sem_alloc : memref<!tpu.dma_semaphore, #tpu.memory_space<semaphore_mem>>
        %dma_start3A = arith.constant 4992 : i32
        %dma_start3A_43 = tpu.memref_slice %arg6[%dma_start3A] : memref<5120xi32, #tpu.memory_space<vmem>> -> memref<128xi32, #tpu.memory_space<vmem>>
        %dma_start3A_44 = tpu.memref_slice %arg3[%add3A_39] : memref<160000xi32, #tpu.memory_space<hbm>> -> memref<128xi32, #tpu.memory_space<hbm>>
        %dma_start3A_45 = arith.constant 4992 : i32
        %dma_start3A_46 = tpu.memref_slice %arg6[%dma_start3A_45] : memref<5120xi32, #tpu.memory_space<vmem>> -> memref<128xi32, #tpu.memory_space<vmem>>
        %dma_start3A_47 = tpu.memref_slice %arg3[%add3A_39] : memref<160000xi32, #tpu.memory_space<hbm>> -> memref<128xi32, #tpu.memory_space<hbm>>
        tpu.enqueue_dma source(%dma_start3A_47 : memref<128xi32, #tpu.memory_space<hbm>>) target(%dma_start3A_46 : memref<128xi32, #tpu.memory_space<vmem>>) target_semaphore(%run_scoped3A_42 : memref<!tpu.dma_semaphore, #tpu.memory_space<semaphore_mem>>)
        %dma_wait3A = arith.constant 4992 : i32
        %dma_wait3A_48 = tpu.memref_slice %arg6[%dma_wait3A] : memref<5120xi32, #tpu.memory_space<vmem>> -> memref<128xi32, #tpu.memory_space<vmem>>
        %dma_wait3A_49 = tpu.memref_slice %arg3[%add3A_39] : memref<160000xi32, #tpu.memory_space<hbm>> -> memref<128xi32, #tpu.memory_space<hbm>>
        %dma_wait3A_50 = arith.constant 4992 : i32
        %dma_wait3A_51 = tpu.memref_slice %arg6[%dma_wait3A_50] : memref<5120xi32, #tpu.memory_space<vmem>> -> memref<128xi32, #tpu.memory_space<vmem>>
        %dma_wait3A_52 = tpu.memref_slice %arg3[%add3A_39] : memref<160000xi32, #tpu.memory_space<hbm>> -> memref<128xi32, #tpu.memory_space<hbm>>
        tpu.wait_dma2 semaphore(%run_scoped3A_42 : memref<!tpu.dma_semaphore, #tpu.memory_space<semaphore_mem>>) src(%dma_wait3A_52 : memref<128xi32, #tpu.memory_space<hbm>>) dst(%dma_wait3A_51 : memref<128xi32, #tpu.memory_space<vmem>>)
        tpu.yield
      }) : () -> ()
      %add3A_40 = arith.constant 4992 : i32
      %add3A_41 = arith.addi %mul3A_10, %add3A_40 : i32
      "tpu.region"() ({
        %run_scoped3A_42 = tpu.sem_alloc : memref<!tpu.dma_semaphore, #tpu.memory_space<semaphore_mem>>
        %dma_start3A = arith.constant 4992 : i32
        %dma_start3A_43 = tpu.memref_slice %arg7[%dma_start3A] : memref<5120xf32, #tpu.memory_space<vmem>> -> memref<128xf32, #tpu.memory_space<vmem>>
        %dma_start3A_44 = tpu.memref_slice %arg2[%add3A_41] : memref<160000xf32, #tpu.memory_space<hbm>> -> memref<128xf32, #tpu.memory_space<hbm>>
        %dma_start3A_45 = arith.constant 4992 : i32
        %dma_start3A_46 = tpu.memref_slice %arg7[%dma_start3A_45] : memref<5120xf32, #tpu.memory_space<vmem>> -> memref<128xf32, #tpu.memory_space<vmem>>
        %dma_start3A_47 = tpu.memref_slice %arg2[%add3A_41] : memref<160000xf32, #tpu.memory_space<hbm>> -> memref<128xf32, #tpu.memory_space<hbm>>
        tpu.enqueue_dma source(%dma_start3A_47 : memref<128xf32, #tpu.memory_space<hbm>>) target(%dma_start3A_46 : memref<128xf32, #tpu.memory_space<vmem>>) target_semaphore(%run_scoped3A_42 : memref<!tpu.dma_semaphore, #tpu.memory_space<semaphore_mem>>)
        %dma_wait3A = arith.constant 4992 : i32
        %dma_wait3A_48 = tpu.memref_slice %arg7[%dma_wait3A] : memref<5120xf32, #tpu.memory_space<vmem>> -> memref<128xf32, #tpu.memory_space<vmem>>
        %dma_wait3A_49 = tpu.memref_slice %arg2[%add3A_41] : memref<160000xf32, #tpu.memory_space<hbm>> -> memref<128xf32, #tpu.memory_space<hbm>>
        %dma_wait3A_50 = arith.constant 4992 : i32
        %dma_wait3A_51 = tpu.memref_slice %arg7[%dma_wait3A_50] : memref<5120xf32, #tpu.memory_space<vmem>> -> memref<128xf32, #tpu.memory_space<vmem>>
        %dma_wait3A_52 = tpu.memref_slice %arg2[%add3A_41] : memref<160000xf32, #tpu.memory_space<hbm>> -> memref<128xf32, #tpu.memory_space<hbm>>
        tpu.wait_dma2 semaphore(%run_scoped3A_42 : memref<!tpu.dma_semaphore, #tpu.memory_space<semaphore_mem>>) src(%dma_wait3A_52 : memref<128xf32, #tpu.memory_space<hbm>>) dst(%dma_wait3A_51 : memref<128xf32, #tpu.memory_space<vmem>>)
        tpu.yield
      }) : () -> ()
    } else {
    }
    %run_scoped3A = arith.constant 0 : i32
    "tpu.region"() ({
      %run_scoped3A_38 = tpu.sem_alloc : memref<!tpu.dma_semaphore, #tpu.memory_space<semaphore_mem>>
      %dma_start3A = arith.constant 0 : i32
      %dma_start3A_39 = arith.constant 0 : i32
      %dma_start3A_40 = tpu.memref_slice %arg4[%run_scoped3A, %dma_start3A, %dma_start3A_39] : memref<2x80x128xf32, #tpu.memory_space<hbm>> -> memref<1x80x128xf32, #tpu.memory_space<hbm>>
      %dma_start3A_41 = tpu.memref_squeeze %dma_start3A_40 : memref<1x80x128xf32, #tpu.memory_space<hbm>> -> memref<80x128xf32, #tpu.memory_space<hbm>>
      %dma_start3A_42 = arith.constant 0 : i32
      %dma_start3A_43 = arith.constant 0 : i32
      %dma_start3A_44 = tpu.memref_slice %arg4[%run_scoped3A, %dma_start3A_42, %dma_start3A_43] : memref<2x80x128xf32, #tpu.memory_space<hbm>> -> memref<1x80x128xf32, #tpu.memory_space<hbm>>
      %dma_start3A_45 = tpu.memref_squeeze %dma_start3A_44 : memref<1x80x128xf32, #tpu.memory_space<hbm>> -> memref<80x128xf32, #tpu.memory_space<hbm>>
      tpu.enqueue_dma source(%dma_start3A_45 : memref<80x128xf32, #tpu.memory_space<hbm>>) target(%arg9 : memref<80x128xf32, #tpu.memory_space<vmem>>) target_semaphore(%run_scoped3A_38 : memref<!tpu.dma_semaphore, #tpu.memory_space<semaphore_mem>>)
      %dma_wait3A = arith.constant 0 : i32
      %dma_wait3A_46 = arith.constant 0 : i32
      %dma_wait3A_47 = tpu.memref_slice %arg4[%run_scoped3A, %dma_wait3A, %dma_wait3A_46] : memref<2x80x128xf32, #tpu.memory_space<hbm>> -> memref<1x80x128xf32, #tpu.memory_space<hbm>>
      %dma_wait3A_48 = tpu.memref_squeeze %dma_wait3A_47 : memref<1x80x128xf32, #tpu.memory_space<hbm>> -> memref<80x128xf32, #tpu.memory_space<hbm>>
      %dma_wait3A_49 = arith.constant 0 : i32
      %dma_wait3A_50 = arith.constant 0 : i32
      %dma_wait3A_51 = tpu.memref_slice %arg4[%run_scoped3A, %dma_wait3A_49, %dma_wait3A_50] : memref<2x80x128xf32, #tpu.memory_space<hbm>> -> memref<1x80x128xf32, #tpu.memory_space<hbm>>
      %dma_wait3A_52 = tpu.memref_squeeze %dma_wait3A_51 : memref<1x80x128xf32, #tpu.memory_space<hbm>> -> memref<80x128xf32, #tpu.memory_space<hbm>>
      tpu.wait_dma2 semaphore(%run_scoped3A_38 : memref<!tpu.dma_semaphore, #tpu.memory_space<semaphore_mem>>) src(%dma_wait3A_52 : memref<80x128xf32, #tpu.memory_space<hbm>>) dst(%arg9 : memref<80x128xf32, #tpu.memory_space<vmem>>)
      tpu.yield
    }) : () -> ()
    %run_scoped3A_13 = arith.constant 1 : i32
    "tpu.region"() ({
      %run_scoped3A_38 = tpu.sem_alloc : memref<!tpu.dma_semaphore, #tpu.memory_space<semaphore_mem>>
      %dma_start3A = arith.constant 0 : i32
      %dma_start3A_39 = arith.constant 0 : i32
      %dma_start3A_40 = tpu.memref_slice %arg4[%run_scoped3A_13, %dma_start3A, %dma_start3A_39] : memref<2x80x128xf32, #tpu.memory_space<hbm>> -> memref<1x80x128xf32, #tpu.memory_space<hbm>>
      %dma_start3A_41 = tpu.memref_squeeze %dma_start3A_40 : memref<1x80x128xf32, #tpu.memory_space<hbm>> -> memref<80x128xf32, #tpu.memory_space<hbm>>
      %dma_start3A_42 = arith.constant 0 : i32
      %dma_start3A_43 = arith.constant 0 : i32
      %dma_start3A_44 = tpu.memref_slice %arg4[%run_scoped3A_13, %dma_start3A_42, %dma_start3A_43] : memref<2x80x128xf32, #tpu.memory_space<hbm>> -> memref<1x80x128xf32, #tpu.memory_space<hbm>>
      %dma_start3A_45 = tpu.memref_squeeze %dma_start3A_44 : memref<1x80x128xf32, #tpu.memory_space<hbm>> -> memref<80x128xf32, #tpu.memory_space<hbm>>
      tpu.enqueue_dma source(%dma_start3A_45 : memref<80x128xf32, #tpu.memory_space<hbm>>) target(%arg10 : memref<80x128xf32, #tpu.memory_space<vmem>>) target_semaphore(%run_scoped3A_38 : memref<!tpu.dma_semaphore, #tpu.memory_space<semaphore_mem>>)
      %dma_wait3A = arith.constant 0 : i32
      %dma_wait3A_46 = arith.constant 0 : i32
      %dma_wait3A_47 = tpu.memref_slice %arg4[%run_scoped3A_13, %dma_wait3A, %dma_wait3A_46] : memref<2x80x128xf32, #tpu.memory_space<hbm>> -> memref<1x80x128xf32, #tpu.memory_space<hbm>>
      %dma_wait3A_48 = tpu.memref_squeeze %dma_wait3A_47 : memref<1x80x128xf32, #tpu.memory_space<hbm>> -> memref<80x128xf32, #tpu.memory_space<hbm>>
      %dma_wait3A_49 = arith.constant 0 : i32
      %dma_wait3A_50 = arith.constant 0 : i32
      %dma_wait3A_51 = tpu.memref_slice %arg4[%run_scoped3A_13, %dma_wait3A_49, %dma_wait3A_50] : memref<2x80x128xf32, #tpu.memory_space<hbm>> -> memref<1x80x128xf32, #tpu.memory_space<hbm>>
      %dma_wait3A_52 = tpu.memref_squeeze %dma_wait3A_51 : memref<1x80x128xf32, #tpu.memory_space<hbm>> -> memref<80x128xf32, #tpu.memory_space<hbm>>
      tpu.wait_dma2 semaphore(%run_scoped3A_38 : memref<!tpu.dma_semaphore, #tpu.memory_space<semaphore_mem>>) src(%dma_wait3A_52 : memref<80x128xf32, #tpu.memory_space<hbm>>) dst(%arg10 : memref<80x128xf32, #tpu.memory_space<vmem>>)
      tpu.yield
    }) : () -> ()
    %scan3A = arith.constant 0 : i32
    %scan3A_14 = arith.constant 0 : i32
    %scan3A_15 = arith.constant 640 : i32
    %scan3A_16 = arith.addi %scan3A_14, %scan3A_15 : i32
    %scan3A_17 = arith.constant 1 : i32
    %scan3A_18 = scf.for %scan3A_38 = %scan3A_14 to %scan3A_16 step %scan3A_17 iter_args(%scan3A_39 = %scan3A) -> (i32)  : i32 {
      %shift_right_logical3A = arith.constant 3 : i32
      %shift_right_logical3A_40 = arith.shrui %scan3A_38, %shift_right_logical3A : i32
      %and3A = arith.constant 7 : i32
      %and3A_41 = arith.andi %scan3A_38, %and3A : i32
      %mul3A_42 = arith.constant 16 : i32
      %mul3A_43 = arith.muli %and3A_41, %mul3A_42 : i32
      %get3A = arith.index_cast %shift_right_logical3A_40 : i32 to index
      %get3A_44 = arith.index_cast %mul3A_43 : i32 to index
      %get3A_45 = tpu.vector_load %arg9[%get3A, %get3A_44] {strides = array<i32>} : memref<80x128xf32, #tpu.memory_space<vmem>>, vector<16xf32>,
      %get3A_46 = arith.index_cast %shift_right_logical3A_40 : i32 to index
      %get3A_47 = arith.index_cast %mul3A_43 : i32 to index
      %get3A_48 = tpu.vector_load %arg10[%get3A_46, %get3A_47] {strides = array<i32>} : memref<80x128xf32, #tpu.memory_space<vmem>>, vector<16xf32>,
      %add3A_49 = arith.addf %get3A_45, %get3A_48 : vector<16xf32>
      %swap3A = arith.index_cast %shift_right_logical3A_40 : i32 to index
      %swap3A_50 = arith.index_cast %mul3A_43 : i32 to index
      %swap3A_51 = tpu.vector_load %arg9[%swap3A, %swap3A_50] {strides = array<i32>} : memref<80x128xf32, #tpu.memory_space<vmem>>, vector<16xf32>,
      tpu.vector_store %arg9[%swap3A, %swap3A_50], %add3A_49 {strides = array<i32>} : memref<80x128xf32, #tpu.memory_space<vmem>>, vector<16xf32>,
      %scan3A_52 = arith.constant 0 : i32
      scf.yield %scan3A_52 : i32
    }
    %scan3A_19 = arith.constant 640 : i32
    %mul3A_20 = arith.constant 8 : i32
    %mul3A_21 = arith.muli %add3A_4, %mul3A_20 : i32
    %while3A = arith.constant 0 : i32
    %while3A_22 = arith.constant 0 : i32
    %while3A_23 = arith.subi %mul3A_21, %while3A : i32
    %while3A_24 = arith.addi %while3A, %while3A_23 : i32
    %while3A_25 = arith.constant 1 : i32
    %while3A_26 = arith.divsi %while3A_23, %while3A_25 : i32
    %while3A_27 = arith.muli %while3A_26, %while3A_25 : i32
    %while3A_28 = arith.addi %while3A, %while3A_27 : i32
    %while3A_29 = arith.constant 1 : i32
    %while3A_30 = scf.for %while3A_38 = %while3A to %while3A_28 step %while3A_29 iter_args(%while3A_39 = %while3A_22) -> (i32)  : i32 {
      %mul3A_40 = arith.constant 16 : i32
      %mul3A_41 = arith.muli %while3A_38, %mul3A_40 : i32
      %get3A = arith.index_cast %mul3A_41 : i32 to index
      %get3A_42 = tpu.vector_load %arg6[%get3A] {strides = array<i32>} : memref<5120xi32, #tpu.memory_space<vmem>>, vector<16xi32>,
      %shift_right_logical3A = arith.constant 7 : i32
      %shift_right_logical3A_43 = vector.broadcast %shift_right_logical3A : i32 to vector<16xi32>
      %shift_right_logical3A_44 = arith.shrui %get3A_42, %shift_right_logical3A_43 : vector<16xi32>
      %and3A = arith.constant 127 : i32
      %and3A_45 = vector.broadcast %and3A : i32 to vector<16xi32>
      %and3A_46 = arith.andi %get3A_42, %and3A_45 : vector<16xi32>
      %gather3A = tpu.vector_load_idx %arg9[%shift_right_logical3A_44, %and3A_46] : memref<80x128xf32, #tpu.memory_space<vmem>>[vector<16xi32>, vector<16xi32>], vector<16xf32>,
      %get3A_47 = arith.index_cast %mul3A_41 : i32 to index
      %get3A_48 = tpu.vector_load %arg7[%get3A_47] {strides = array<i32>} : memref<5120xf32, #tpu.memory_space<vmem>>, vector<16xf32>,
      %div3A = arith.divf %get3A_48, %gather3A : vector<16xf32>
      %swap3A = arith.index_cast %mul3A_41 : i32 to index
      %swap3A_49 = tpu.vector_load %arg8[%swap3A] {strides = array<i32>} : memref<5120xf32, #tpu.memory_space<vmem>>, vector<16xf32>,
      tpu.vector_store %arg8[%swap3A], %div3A {strides = array<i32>} : memref<5120xf32, #tpu.memory_space<vmem>>, vector<16xf32>,
      %while3A_50 = arith.constant 0 : i32
      scf.yield %while3A_50 : i32
    }
    %while3A_31 = arith.constant 1 : i32
    %while3A_32 = scf.for %while3A_38 = %while3A_28 to %while3A_24 step %while3A_31 iter_args(%while3A_39 = %while3A_30) -> (i32)  : i32 {
      %mul3A_40 = arith.constant 16 : i32
      %mul3A_41 = arith.muli %while3A_38, %mul3A_40 : i32
      %get3A = arith.index_cast %mul3A_41 : i32 to index
      %get3A_42 = tpu.vector_load %arg6[%get3A] {strides = array<i32>} : memref<5120xi32, #tpu.memory_space<vmem>>, vector<16xi32>,
      %shift_right_logical3A = arith.constant 7 : i32
      %shift_right_logical3A_43 = vector.broadcast %shift_right_logical3A : i32 to vector<16xi32>
      %shift_right_logical3A_44 = arith.shrui %get3A_42, %shift_right_logical3A_43 : vector<16xi32>
      %and3A = arith.constant 127 : i32
      %and3A_45 = vector.broadcast %and3A : i32 to vector<16xi32>
      %and3A_46 = arith.andi %get3A_42, %and3A_45 : vector<16xi32>
      %gather3A = tpu.vector_load_idx %arg9[%shift_right_logical3A_44, %and3A_46] : memref<80x128xf32, #tpu.memory_space<vmem>>[vector<16xi32>, vector<16xi32>], vector<16xf32>,
      %get3A_47 = arith.index_cast %mul3A_41 : i32 to index
      %get3A_48 = tpu.vector_load %arg7[%get3A_47] {strides = array<i32>} : memref<5120xf32, #tpu.memory_space<vmem>>, vector<16xf32>,
      %div3A = arith.divf %get3A_48, %gather3A : vector<16xf32>
      %swap3A = arith.index_cast %mul3A_41 : i32 to index
      %swap3A_49 = tpu.vector_load %arg8[%swap3A] {strides = array<i32>} : memref<5120xf32, #tpu.memory_space<vmem>>, vector<16xf32>,
      tpu.vector_store %arg8[%swap3A], %div3A {strides = array<i32>} : memref<5120xf32, #tpu.memory_space<vmem>>, vector<16xf32>,
      %while3A_50 = arith.constant 0 : i32
      scf.yield %while3A_50 : i32
    }
    "tpu.region"() ({
      %run_scoped3A_38 = tpu.sem_alloc : memref<!tpu.dma_semaphore, #tpu.memory_space<semaphore_mem>>
      %dma_start3A = arith.constant 0 : i32
      %dma_start3A_39 = tpu.memref_slice %arg8[%dma_start3A] : memref<5120xf32, #tpu.memory_space<vmem>> -> memref<4992xf32, #tpu.memory_space<vmem>>
      %dma_start3A_40 = tpu.memref_slice %arg5[%mul3A_10] : memref<160000xf32, #tpu.memory_space<hbm>> -> memref<4992xf32, #tpu.memory_space<hbm>>
      %dma_start3A_41 = tpu.memref_slice %arg5[%mul3A_10] : memref<160000xf32, #tpu.memory_space<hbm>> -> memref<4992xf32, #tpu.memory_space<hbm>>
      %dma_start3A_42 = arith.constant 0 : i32
      %dma_start3A_43 = tpu.memref_slice %arg8[%dma_start3A_42] : memref<5120xf32, #tpu.memory_space<vmem>> -> memref<4992xf32, #tpu.memory_space<vmem>>
      tpu.enqueue_dma source(%dma_start3A_43 : memref<4992xf32, #tpu.memory_space<vmem>>) target(%dma_start3A_41 : memref<4992xf32, #tpu.memory_space<hbm>>) target_semaphore(%run_scoped3A_38 : memref<!tpu.dma_semaphore, #tpu.memory_space<semaphore_mem>>)
      %dma_wait3A = arith.constant 0 : i32
      %dma_wait3A_44 = tpu.memref_slice %arg8[%dma_wait3A] : memref<5120xf32, #tpu.memory_space<vmem>> -> memref<4992xf32, #tpu.memory_space<vmem>>
      %dma_wait3A_45 = tpu.memref_slice %arg5[%mul3A_10] : memref<160000xf32, #tpu.memory_space<hbm>> -> memref<4992xf32, #tpu.memory_space<hbm>>
      %dma_wait3A_46 = tpu.memref_slice %arg5[%mul3A_10] : memref<160000xf32, #tpu.memory_space<hbm>> -> memref<4992xf32, #tpu.memory_space<hbm>>
      %dma_wait3A_47 = arith.constant 0 : i32
      %dma_wait3A_48 = tpu.memref_slice %arg8[%dma_wait3A_47] : memref<5120xf32, #tpu.memory_space<vmem>> -> memref<4992xf32, #tpu.memory_space<vmem>>
      tpu.wait_dma2 semaphore(%run_scoped3A_38 : memref<!tpu.dma_semaphore, #tpu.memory_space<semaphore_mem>>) src(%dma_wait3A_48 : memref<4992xf32, #tpu.memory_space<vmem>>) dst(%dma_wait3A_46 : memref<4992xf32, #tpu.memory_space<hbm>>)
      tpu.yield
    }) : () -> ()
    %eq3A_33 = arith.constant 40 : i32
    %eq3A_34 = arith.cmpi eq, %add3A_4, %eq3A_33 : i32
    %convert_element_type3A_35 = arith.extui %eq3A_34 : i1 to i32
    %cond3A_36 = arith.constant 0 : i32
    %cond3A_37 = arith.cmpi ne, %convert_element_type3A_35, %cond3A_36 : i32
    scf.if %cond3A_37 {
      %add3A_38 = arith.constant 4992 : i32
      %add3A_39 = arith.addi %mul3A_10, %add3A_38 : i32
      "tpu.region"() ({
        %run_scoped3A_40 = tpu.sem_alloc : memref<!tpu.dma_semaphore, #tpu.memory_space<semaphore_mem>>
        %dma_start3A = arith.constant 4992 : i32
        %dma_start3A_41 = tpu.memref_slice %arg8[%dma_start3A] : memref<5120xf32, #tpu.memory_space<vmem>> -> memref<128xf32, #tpu.memory_space<vmem>>
        %dma_start3A_42 = tpu.memref_slice %arg5[%add3A_39] : memref<160000xf32, #tpu.memory_space<hbm>> -> memref<128xf32, #tpu.memory_space<hbm>>
        %dma_start3A_43 = tpu.memref_slice %arg5[%add3A_39] : memref<160000xf32, #tpu.memory_space<hbm>> -> memref<128xf32, #tpu.memory_space<hbm>>
        %dma_start3A_44 = arith.constant 4992 : i32
        %dma_start3A_45 = tpu.memref_slice %arg8[%dma_start3A_44] : memref<5120xf32, #tpu.memory_space<vmem>> -> memref<128xf32, #tpu.memory_space<vmem>>
        tpu.enqueue_dma source(%dma_start3A_45 : memref<128xf32, #tpu.memory_space<vmem>>) target(%dma_start3A_43 : memref<128xf32, #tpu.memory_space<hbm>>) target_semaphore(%run_scoped3A_40 : memref<!tpu.dma_semaphore, #tpu.memory_space<semaphore_mem>>)
        %dma_wait3A = arith.constant 4992 : i32
        %dma_wait3A_46 = tpu.memref_slice %arg8[%dma_wait3A] : memref<5120xf32, #tpu.memory_space<vmem>> -> memref<128xf32, #tpu.memory_space<vmem>>
        %dma_wait3A_47 = tpu.memref_slice %arg5[%add3A_39] : memref<160000xf32, #tpu.memory_space<hbm>> -> memref<128xf32, #tpu.memory_space<hbm>>
        %dma_wait3A_48 = tpu.memref_slice %arg5[%add3A_39] : memref<160000xf32, #tpu.memory_space<hbm>> -> memref<128xf32, #tpu.memory_space<hbm>>
        %dma_wait3A_49 = arith.constant 4992 : i32
        %dma_wait3A_50 = tpu.memref_slice %arg8[%dma_wait3A_49] : memref<5120xf32, #tpu.memory_space<vmem>> -> memref<128xf32, #tpu.memory_space<vmem>>
        tpu.wait_dma2 semaphore(%run_scoped3A_40 : memref<!tpu.dma_semaphore, #tpu.memory_space<semaphore_mem>>) src(%dma_wait3A_50 : memref<128xf32, #tpu.memory_space<vmem>>) dst(%dma_wait3A_48 : memref<128xf32, #tpu.memory_space<hbm>>)
        tpu.yield
      }) : () -> ()
    } else {
    }
    return
  }
}

#map = affine_map<(d0, d1) -> (0, 0)>
#map1 = affine_map<(d0, d1) -> (0)>
#map2 = affine_map<(d0, d1) -> (0, 0, 0)>
module attributes {stable_mosaic.version = 14 : i64} {
  func.func @_pass1_body(%arg0: i32, %arg1: i32, %arg2: memref<10000x256xf32, #tpu.memory_space<hbm>>, %arg3: memref<160000x256xf32, #tpu.memory_space<hbm>>, %arg4: memref<160000xi32, #tpu.memory_space<hbm>>, %arg5: memref<160000xf32, #tpu.memory_space<hbm>>, %arg6: memref<160000xf32, #tpu.memory_space<hbm>>, %arg7: memref<2x80x128xf32, #tpu.memory_space<hbm>>, %arg8: memref<5152xi32, #tpu.memory_space<vmem>>, %arg9: memref<128x256xf32, #tpu.memory_space<vmem>>, %arg10: memref<128x256xf32, #tpu.memory_space<vmem>>, %arg11: memref<128x256xf32, #tpu.memory_space<vmem>>, %arg12: memref<128xi32, #tpu.memory_space<vmem>>, %arg13: memref<152xi32, #tpu.memory_space<vmem>>, %arg14: memref<5120xf32, #tpu.memory_space<vmem>>, %arg15: memref<5120xf32, #tpu.memory_space<vmem>>, %arg16: memref<80x128xf32, #tpu.memory_space<vmem>>, %arg17: memref<80xi32, #tpu.memory_space<vmem>>, %arg18: memref<80x128xf32, #tpu.memory_space<vmem_shared>>, %arg19: memref<!tpu.dma_semaphore, #tpu.memory_space<semaphore_mem>>, %arg20: memref<!tpu.dma_semaphore, #tpu.memory_space<semaphore_mem>>, %arg21: memref<!tpu.dma_semaphore, #tpu.memory_space<semaphore_mem>>) attributes {dimension_semantics = [#tpu.dimension_semantics<core_parallel>, #tpu.dimension_semantics<subcore_parallel>], iteration_bounds = array<i64: 2, 16>, scalar_prefetch = 0 : i64, scratch_operands = 14 : i64, tpu.core_type = #tpu.core_type<sc_vector_subcore>, window_params = [{transform_indices = #map}, {transform_indices = #map}, {transform_indices = #map1}, {transform_indices = #map1}, {transform_indices = #map1}, {transform_indices = #map2}]} {
    %mul3A = arith.constant 16 : i32
    %mul3A_0 = arith.muli %arg0, %mul3A : i32
    %add3A = arith.addi %mul3A_0, %arg1 : i32
    %lt3A = arith.constant 2 : i32
    %lt3A_1 = arith.cmpi slt, %add3A, %lt3A : i32
    %jit3A = arith.constant 1 : i32
    %jit3A_2 = arith.constant 0 : i32
    %select_n3A = arith.select %lt3A_1, %jit3A, %jit3A_2 : i32
    %add3A_3 = arith.constant 39 : i32
    %add3A_4 = arith.addi %add3A_3, %select_n3A : i32
    %mul3A_5 = arith.constant 39 : i32
    %mul3A_6 = arith.muli %add3A, %mul3A_5 : i32
    %min3A = arith.constant 2 : i32
    %min3A_7 = arith.minsi %add3A, %min3A : i32
    %add3A_8 = arith.addi %mul3A_6, %min3A_7 : i32
    %mul3A_9 = arith.constant 128 : i32
    %mul3A_10 = arith.muli %add3A_8, %mul3A_9 : i32
    %mul3A_11 = arith.constant 128 : i32
    %mul3A_12 = arith.muli %add3A_4, %mul3A_11 : i32
    %broadcast_in_dim3A = arith.constant 0.000000e+00 : f32
    %broadcast_in_dim3A_13 = vector.broadcast %broadcast_in_dim3A : f32 to vector<16xf32>
    %broadcast_in_dim3A_14 = arith.constant 0 : i32
    %broadcast_in_dim3A_15 = vector.broadcast %broadcast_in_dim3A_14 : i32 to vector<16xi32>
    %scan3A = arith.constant 0 : i32
    %scan3A_16 = arith.constant 0 : i32
    %scan3A_17 = arith.constant 640 : i32
    %scan3A_18 = arith.addi %scan3A_16, %scan3A_17 : i32
    %scan3A_19 = arith.constant 1 : i32
    %scan3A_20 = scf.for %scan3A_90 = %scan3A_16 to %scan3A_18 step %scan3A_19 iter_args(%scan3A_91 = %scan3A) -> (i32)  : i32 {
      %shift_right_logical3A = arith.constant 3 : i32
      %shift_right_logical3A_92 = arith.shrui %scan3A_90, %shift_right_logical3A : i32
      %and3A = arith.constant 7 : i32
      %and3A_93 = arith.andi %scan3A_90, %and3A : i32
      %mul3A_94 = arith.constant 16 : i32
      %mul3A_95 = arith.muli %and3A_93, %mul3A_94 : i32
      %swap3A_96 = arith.index_cast %shift_right_logical3A_92 : i32 to index
      %swap3A_97 = arith.index_cast %mul3A_95 : i32 to index
      %swap3A_98 = tpu.vector_load %arg16[%swap3A_96, %swap3A_97] {strides = array<i32>} : memref<80x128xf32, #tpu.memory_space<vmem>>, vector<16xf32>,
      tpu.vector_store %arg16[%swap3A_96, %swap3A_97], %broadcast_in_dim3A_13 {strides = array<i32>} : memref<80x128xf32, #tpu.memory_space<vmem>>, vector<16xf32>,
      %scan3A_99 = arith.constant 0 : i32
      scf.yield %scan3A_99 : i32
    }
    %scan3A_21 = arith.constant 640 : i32
    %iota3A = tpu.iota {dimensions = array<i32: 0>} : vector<16xi32>
    %add3A_22 = arith.constant 0 : i32
    %add3A_23 = vector.broadcast %add3A_22 : i32 to vector<16xi32>
    %add3A_24 = arith.addi %iota3A, %add3A_23 : vector<16xi32>
    %swap3A = arith.constant 0 : index
    %swap3A_25 = tpu.vector_load %arg17[%swap3A] {strides = array<i32>} : memref<80xi32, #tpu.memory_space<vmem>>, vector<16xi32>,
    tpu.vector_store %arg17[%swap3A], %add3A_24 {strides = array<i32>} : memref<80xi32, #tpu.memory_space<vmem>>, vector<16xi32>,
    %add3A_26 = arith.constant 16 : i32
    %add3A_27 = vector.broadcast %add3A_26 : i32 to vector<16xi32>
    %add3A_28 = arith.addi %iota3A, %add3A_27 : vector<16xi32>
    %swap3A_29 = arith.constant 16 : index
    %swap3A_30 = tpu.vector_load %arg17[%swap3A_29] {strides = array<i32>} : memref<80xi32, #tpu.memory_space<vmem>>, vector<16xi32>,
    tpu.vector_store %arg17[%swap3A_29], %add3A_28 {strides = array<i32>} : memref<80xi32, #tpu.memory_space<vmem>>, vector<16xi32>,
    %add3A_31 = arith.constant 32 : i32
    %add3A_32 = vector.broadcast %add3A_31 : i32 to vector<16xi32>
    %add3A_33 = arith.addi %iota3A, %add3A_32 : vector<16xi32>
    %swap3A_34 = arith.constant 32 : index
    %swap3A_35 = tpu.vector_load %arg17[%swap3A_34] {strides = array<i32>} : memref<80xi32, #tpu.memory_space<vmem>>, vector<16xi32>,
    tpu.vector_store %arg17[%swap3A_34], %add3A_33 {strides = array<i32>} : memref<80xi32, #tpu.memory_space<vmem>>, vector<16xi32>,
    %add3A_36 = arith.constant 48 : i32
    %add3A_37 = vector.broadcast %add3A_36 : i32 to vector<16xi32>
    %add3A_38 = arith.addi %iota3A, %add3A_37 : vector<16xi32>
    %swap3A_39 = arith.constant 48 : index
    %swap3A_40 = tpu.vector_load %arg17[%swap3A_39] {strides = array<i32>} : memref<80xi32, #tpu.memory_space<vmem>>, vector<16xi32>,
    tpu.vector_store %arg17[%swap3A_39], %add3A_38 {strides = array<i32>} : memref<80xi32, #tpu.memory_space<vmem>>, vector<16xi32>,
    %add3A_41 = arith.constant 64 : i32
    %add3A_42 = vector.broadcast %add3A_41 : i32 to vector<16xi32>
    %add3A_43 = arith.addi %iota3A, %add3A_42 : vector<16xi32>
    %swap3A_44 = arith.constant 64 : index
    %swap3A_45 = tpu.vector_load %arg17[%swap3A_44] {strides = array<i32>} : memref<80xi32, #tpu.memory_space<vmem>>, vector<16xi32>,
    tpu.vector_store %arg17[%swap3A_44], %add3A_43 {strides = array<i32>} : memref<80xi32, #tpu.memory_space<vmem>>, vector<16xi32>,
    %eq3A = arith.constant 0 : i32
    %eq3A_46 = arith.cmpi eq, %arg1, %eq3A : i32
    %convert_element_type3A = arith.extui %eq3A_46 : i1 to i32
    %cond3A = arith.constant 0 : i32
    %cond3A_47 = arith.cmpi ne, %convert_element_type3A, %cond3A : i32
    scf.if %cond3A_47 {
      "tpu.region"() ({
        %run_scoped3A = tpu.sem_alloc : memref<!tpu.dma_semaphore, #tpu.memory_space<semaphore_mem>>
        tpu.enqueue_dma source(%arg16 : memref<80x128xf32, #tpu.memory_space<vmem>>) target(%arg18 : memref<80x128xf32, #tpu.memory_space<vmem_shared>>) target_semaphore(%run_scoped3A : memref<!tpu.dma_semaphore, #tpu.memory_space<semaphore_mem>>)
        tpu.wait_dma2 semaphore(%run_scoped3A : memref<!tpu.dma_semaphore, #tpu.memory_space<semaphore_mem>>) src(%arg16 : memref<80x128xf32, #tpu.memory_space<vmem>>) dst(%arg18 : memref<80x128xf32, #tpu.memory_space<vmem_shared>>)
        tpu.yield
      }) : () -> ()
    } else {
    }
    %barrier3A = arith.constant 0 : index
    tpu.barrier barrier_id(%barrier3A)
    %broadcast_in_dim3A_48 = arith.constant -1 : i32
    %broadcast_in_dim3A_49 = vector.broadcast %broadcast_in_dim3A_48 : i32 to vector<16xi32>
    %swap3A_50 = arith.constant 0 : index
    %swap3A_51 = tpu.vector_load %arg8[%swap3A_50] {strides = array<i32>} : memref<5152xi32, #tpu.memory_space<vmem>>, vector<16xi32>,
    tpu.vector_store %arg8[%swap3A_50], %broadcast_in_dim3A_49 {strides = array<i32>} : memref<5152xi32, #tpu.memory_space<vmem>>, vector<16xi32>,
    "tpu.region"() ({
      %run_scoped3A = tpu.sem_alloc : memref<!tpu.dma_semaphore, #tpu.memory_space<semaphore_mem>>
      %dma_start3A_90 = arith.constant 8 : i32
      %dma_start3A_91 = tpu.memref_slice %arg8[%dma_start3A_90] : memref<5152xi32, #tpu.memory_space<vmem>> -> memref<4992xi32, #tpu.memory_space<vmem>>
      %dma_start3A_92 = tpu.memref_slice %arg4[%mul3A_10] : memref<160000xi32, #tpu.memory_space<hbm>> -> memref<4992xi32, #tpu.memory_space<hbm>>
      %dma_start3A_93 = arith.constant 8 : i32
      %dma_start3A_94 = tpu.memref_slice %arg8[%dma_start3A_93] : memref<5152xi32, #tpu.memory_space<vmem>> -> memref<4992xi32, #tpu.memory_space<vmem>>
      %dma_start3A_95 = tpu.memref_slice %arg4[%mul3A_10] : memref<160000xi32, #tpu.memory_space<hbm>> -> memref<4992xi32, #tpu.memory_space<hbm>>
      tpu.enqueue_dma source(%dma_start3A_95 : memref<4992xi32, #tpu.memory_space<hbm>>) target(%dma_start3A_94 : memref<4992xi32, #tpu.memory_space<vmem>>) target_semaphore(%run_scoped3A : memref<!tpu.dma_semaphore, #tpu.memory_space<semaphore_mem>>)
      %dma_wait3A = arith.constant 8 : i32
      %dma_wait3A_96 = tpu.memref_slice %arg8[%dma_wait3A] : memref<5152xi32, #tpu.memory_space<vmem>> -> memref<4992xi32, #tpu.memory_space<vmem>>
      %dma_wait3A_97 = tpu.memref_slice %arg4[%mul3A_10] : memref<160000xi32, #tpu.memory_space<hbm>> -> memref<4992xi32, #tpu.memory_space<hbm>>
      %dma_wait3A_98 = arith.constant 8 : i32
      %dma_wait3A_99 = tpu.memref_slice %arg8[%dma_wait3A_98] : memref<5152xi32, #tpu.memory_space<vmem>> -> memref<4992xi32, #tpu.memory_space<vmem>>
      %dma_wait3A_100 = tpu.memref_slice %arg4[%mul3A_10] : memref<160000xi32, #tpu.memory_space<hbm>> -> memref<4992xi32, #tpu.memory_space<hbm>>
      tpu.wait_dma2 semaphore(%run_scoped3A : memref<!tpu.dma_semaphore, #tpu.memory_space<semaphore_mem>>) src(%dma_wait3A_100 : memref<4992xi32, #tpu.memory_space<hbm>>) dst(%dma_wait3A_99 : memref<4992xi32, #tpu.memory_space<vmem>>)
      tpu.yield
    }) : () -> ()
    %eq3A_52 = arith.constant 40 : i32
    %eq3A_53 = arith.cmpi eq, %add3A_4, %eq3A_52 : i32
    %convert_element_type3A_54 = arith.extui %eq3A_53 : i1 to i32
    %cond3A_55 = arith.constant 0 : i32
    %cond3A_56 = arith.cmpi ne, %convert_element_type3A_54, %cond3A_55 : i32
    scf.if %cond3A_56 {
      %add3A_90 = arith.constant 4992 : i32
      %add3A_91 = arith.addi %mul3A_10, %add3A_90 : i32
      "tpu.region"() ({
        %run_scoped3A = tpu.sem_alloc : memref<!tpu.dma_semaphore, #tpu.memory_space<semaphore_mem>>
        %dma_start3A_92 = arith.constant 5000 : i32
        %dma_start3A_93 = tpu.memref_slice %arg8[%dma_start3A_92] : memref<5152xi32, #tpu.memory_space<vmem>> -> memref<128xi32, #tpu.memory_space<vmem>>
        %dma_start3A_94 = tpu.memref_slice %arg4[%add3A_91] : memref<160000xi32, #tpu.memory_space<hbm>> -> memref<128xi32, #tpu.memory_space<hbm>>
        %dma_start3A_95 = arith.constant 5000 : i32
        %dma_start3A_96 = tpu.memref_slice %arg8[%dma_start3A_95] : memref<5152xi32, #tpu.memory_space<vmem>> -> memref<128xi32, #tpu.memory_space<vmem>>
        %dma_start3A_97 = tpu.memref_slice %arg4[%add3A_91] : memref<160000xi32, #tpu.memory_space<hbm>> -> memref<128xi32, #tpu.memory_space<hbm>>
        tpu.enqueue_dma source(%dma_start3A_97 : memref<128xi32, #tpu.memory_space<hbm>>) target(%dma_start3A_96 : memref<128xi32, #tpu.memory_space<vmem>>) target_semaphore(%run_scoped3A : memref<!tpu.dma_semaphore, #tpu.memory_space<semaphore_mem>>)
        %dma_wait3A = arith.constant 5000 : i32
        %dma_wait3A_98 = tpu.memref_slice %arg8[%dma_wait3A] : memref<5152xi32, #tpu.memory_space<vmem>> -> memref<128xi32, #tpu.memory_space<vmem>>
        %dma_wait3A_99 = tpu.memref_slice %arg4[%add3A_91] : memref<160000xi32, #tpu.memory_space<hbm>> -> memref<128xi32, #tpu.memory_space<hbm>>
        %dma_wait3A_100 = arith.constant 5000 : i32
        %dma_wait3A_101 = tpu.memref_slice %arg8[%dma_wait3A_100] : memref<5152xi32, #tpu.memory_space<vmem>> -> memref<128xi32, #tpu.memory_space<vmem>>
        %dma_wait3A_102 = tpu.memref_slice %arg4[%add3A_91] : memref<160000xi32, #tpu.memory_space<hbm>> -> memref<128xi32, #tpu.memory_space<hbm>>
        tpu.wait_dma2 semaphore(%run_scoped3A : memref<!tpu.dma_semaphore, #tpu.memory_space<semaphore_mem>>) src(%dma_wait3A_102 : memref<128xi32, #tpu.memory_space<hbm>>) dst(%dma_wait3A_101 : memref<128xi32, #tpu.memory_space<vmem>>)
        tpu.yield
      }) : () -> ()
    } else {
    }
    %broadcast_in_dim3A_57 = arith.constant -2 : i32
    %broadcast_in_dim3A_58 = vector.broadcast %broadcast_in_dim3A_57 : i32 to vector<16xi32>
    %add3A_59 = arith.constant 8 : i32
    %add3A_60 = arith.addi %add3A_59, %mul3A_12 : i32
    %swap3A_61 = arith.index_cast %add3A_60 : i32 to index
    %swap3A_62 = tpu.vector_load %arg8[%swap3A_61] {strides = array<i32>} : memref<5152xi32, #tpu.memory_space<vmem>>, vector<16xi32>,
    tpu.vector_store %arg8[%swap3A_61], %broadcast_in_dim3A_58 {strides = array<i32>} : memref<5152xi32, #tpu.memory_space<vmem>>, vector<16xi32>,
    %add3A_63 = arith.constant 0 : i32
    %add3A_64 = arith.addi %mul3A_10, %add3A_63 : i32
    %dma_start3A = arith.constant 0 : i32
    %dma_start3A_65 = tpu.memref_slice %arg3[%add3A_64, %dma_start3A] : memref<160000x256xf32, #tpu.memory_space<hbm>> -> memref<128x256xf32, #tpu.memory_space<hbm>>
    %dma_start3A_66 = arith.constant 0 : i32
    %dma_start3A_67 = tpu.memref_slice %arg3[%add3A_64, %dma_start3A_66] : memref<160000x256xf32, #tpu.memory_space<hbm>> -> memref<128x256xf32, #tpu.memory_space<hbm>>
    tpu.enqueue_dma source(%dma_start3A_67 : memref<128x256xf32, #tpu.memory_space<hbm>>) target(%arg9 : memref<128x256xf32, #tpu.memory_space<vmem>>) target_semaphore(%arg19 : memref<!tpu.dma_semaphore, #tpu.memory_space<semaphore_mem>>)
    %eq3A_68 = arith.constant 0 : i32
    %eq3A_69 = vector.broadcast %eq3A_68 : i32 to vector<16xi32>
    %eq3A_70 = arith.cmpi eq, %iota3A, %eq3A_69 : vector<16xi32>
    %broadcast_in_dim3A_71 = arith.constant 0.000000e+00 : f32
    %broadcast_in_dim3A_72 = vector.broadcast %broadcast_in_dim3A_71 : f32 to vector<16xf32>
    %scan3A_73 = arith.constant 0 : i32
    %scan3A_74 = arith.constant 20 : i32
    %scan3A_75 = arith.addi %scan3A_73, %scan3A_74 : i32
    %scan3A_76 = arith.constant 1 : i32
    %scan3A_77 = scf.for %scan3A_90 = %scan3A_73 to %scan3A_75 step %scan3A_76 iter_args(%scan3A_91 = %broadcast_in_dim3A_72) -> (vector<16xf32>)  : i32 {
      %mul3A_92 = arith.constant 2 : i32
      %mul3A_93 = arith.muli %mul3A_92, %scan3A_90 : i32
      %mul3A_94 = arith.constant 2 : i32
      %mul3A_95 = arith.muli %mul3A_94, %scan3A_90 : i32
      %add3A_96 = arith.constant 1 : i32
      %add3A_97 = arith.addi %mul3A_95, %add3A_96 : i32
      %lt3A_98 = arith.cmpi slt, %mul3A_93, %add3A_4 : i32
      %convert_element_type3A_99 = arith.extui %lt3A_98 : i1 to i32
      %cond3A_100 = arith.constant 0 : i32
      %cond3A_101 = arith.cmpi ne, %convert_element_type3A_99, %cond3A_100 : i32
      %cond3A_102 = scf.if %cond3A_101 -> (vector<16xf32>) {
        %mul3A_108 = arith.constant 128 : i32
        %mul3A_109 = arith.muli %mul3A_93, %mul3A_108 : i32
        %add3A_110 = arith.constant 1 : i32
        %add3A_111 = arith.addi %mul3A_93, %add3A_110 : i32
        %lt3A_112 = arith.cmpi slt, %add3A_111, %add3A_4 : i32
        %convert_element_type3A_113 = arith.extui %lt3A_112 : i1 to i32
        %cond3A_114 = arith.constant 0 : i32
        %cond3A_115 = arith.cmpi ne, %convert_element_type3A_113, %cond3A_114 : i32
        scf.if %cond3A_115 {
          %add3A_742 = arith.constant 1 : i32
          %add3A_743 = arith.addi %mul3A_93, %add3A_742 : i32
          %mul3A_744 = arith.constant 128 : i32
          %mul3A_745 = arith.muli %add3A_743, %mul3A_744 : i32
          %add3A_746 = arith.addi %mul3A_10, %mul3A_745 : i32
          %dma_start3A_747 = arith.constant 0 : i32
          %dma_start3A_748 = tpu.memref_slice %arg3[%add3A_746, %dma_start3A_747] : memref<160000x256xf32, #tpu.memory_space<hbm>> -> memref<128x256xf32, #tpu.memory_space<hbm>>
          %dma_start3A_749 = arith.constant 0 : i32
          %dma_start3A_750 = tpu.memref_slice %arg3[%add3A_746, %dma_start3A_749] : memref<160000x256xf32, #tpu.memory_space<hbm>> -> memref<128x256xf32, #tpu.memory_space<hbm>>
          tpu.enqueue_dma source(%dma_start3A_750 : memref<128x256xf32, #tpu.memory_space<hbm>>) target(%arg10 : memref<128x256xf32, #tpu.memory_space<vmem>>) target_semaphore(%arg20 : memref<!tpu.dma_semaphore, #tpu.memory_space<semaphore_mem>>)
        } else {
        }
        %swap3A_116 = arith.constant 0 : index
        %swap3A_117 = tpu.vector_load %arg12[%swap3A_116] {strides = array<i32>} : memref<128xi32, #tpu.memory_space<vmem>>, vector<16xi32>,
        tpu.vector_store %arg12[%swap3A_116], %broadcast_in_dim3A_15 {strides = array<i32>} : memref<128xi32, #tpu.memory_space<vmem>>, vector<16xi32>,
        %swap3A_118 = arith.constant 16 : index
        %swap3A_119 = tpu.vector_load %arg12[%swap3A_118] {strides = array<i32>} : memref<128xi32, #tpu.memory_space<vmem>>, vector<16xi32>,
        tpu.vector_store %arg12[%swap3A_118], %broadcast_in_dim3A_15 {strides = array<i32>} : memref<128xi32, #tpu.memory_space<vmem>>, vector<16xi32>,
        %swap3A_120 = arith.constant 32 : index
        %swap3A_121 = tpu.vector_load %arg12[%swap3A_120] {strides = array<i32>} : memref<128xi32, #tpu.memory_space<vmem>>, vector<16xi32>,
        tpu.vector_store %arg12[%swap3A_120], %broadcast_in_dim3A_15 {strides = array<i32>} : memref<128xi32, #tpu.memory_space<vmem>>, vector<16xi32>,
        %swap3A_122 = arith.constant 48 : index
        %swap3A_123 = tpu.vector_load %arg12[%swap3A_122] {strides = array<i32>} : memref<128xi32, #tpu.memory_space<vmem>>, vector<16xi32>,
        tpu.vector_store %arg12[%swap3A_122], %broadcast_in_dim3A_15 {strides = array<i32>} : memref<128xi32, #tpu.memory_space<vmem>>, vector<16xi32>,
        %swap3A_124 = arith.constant 64 : index
        %swap3A_125 = tpu.vector_load %arg12[%swap3A_124] {strides = array<i32>} : memref<128xi32, #tpu.memory_space<vmem>>, vector<16xi32>,
        tpu.vector_store %arg12[%swap3A_124], %broadcast_in_dim3A_15 {strides = array<i32>} : memref<128xi32, #tpu.memory_space<vmem>>, vector<16xi32>,
        %swap3A_126 = arith.constant 80 : index
        %swap3A_127 = tpu.vector_load %arg12[%swap3A_126] {strides = array<i32>} : memref<128xi32, #tpu.memory_space<vmem>>, vector<16xi32>,
        tpu.vector_store %arg12[%swap3A_126], %broadcast_in_dim3A_15 {strides = array<i32>} : memref<128xi32, #tpu.memory_space<vmem>>, vector<16xi32>,
        %swap3A_128 = arith.constant 96 : index
        %swap3A_129 = tpu.vector_load %arg12[%swap3A_128] {strides = array<i32>} : memref<128xi32, #tpu.memory_space<vmem>>, vector<16xi32>,
        tpu.vector_store %arg12[%swap3A_128], %broadcast_in_dim3A_15 {strides = array<i32>} : memref<128xi32, #tpu.memory_space<vmem>>, vector<16xi32>,
        %swap3A_130 = arith.constant 112 : index
        %swap3A_131 = tpu.vector_load %arg12[%swap3A_130] {strides = array<i32>} : memref<128xi32, #tpu.memory_space<vmem>>, vector<16xi32>,
        tpu.vector_store %arg12[%swap3A_130], %broadcast_in_dim3A_15 {strides = array<i32>} : memref<128xi32, #tpu.memory_space<vmem>>, vector<16xi32>,
        %add3A_132 = arith.constant 0 : i32
        %add3A_133 = arith.addi %mul3A_109, %add3A_132 : i32
        %add3A_134 = arith.constant 8 : i32
        %add3A_135 = arith.addi %add3A_134, %add3A_133 : i32
        %get3A = arith.index_cast %add3A_135 : i32 to index
        %get3A_136 = tpu.vector_load %arg8[%get3A] {strides = array<i32>} : memref<5152xi32, #tpu.memory_space<vmem>>, vector<16xi32>,
        %add3A_137 = arith.constant 7 : i32
        %add3A_138 = arith.addi %add3A_137, %add3A_133 : i32
        %add3A_139 = vector.broadcast %add3A_138 : i32 to vector<16xi32>
        %add3A_140 = arith.addi %iota3A, %add3A_139 : vector<16xi32>
        %gather3A = tpu.vector_load_idx %arg8[%add3A_140] : memref<5152xi32, #tpu.memory_space<vmem>>[vector<16xi32>], vector<16xi32>,
        %ne3A = arith.cmpi ne, %get3A_136, %gather3A : vector<16xi32>
        %eq3A_141 = arith.constant 0 : i32
        %eq3A_142 = vector.broadcast %eq3A_141 : i32 to vector<16xi32>
        %eq3A_143 = arith.cmpi eq, %iota3A, %eq3A_142 : vector<16xi32>
        %or3A = arith.ori %ne3A, %eq3A_143 : vector<16xi1>
        %swap3A_144 = arith.constant 0 : i32
        %swap3A_145 = arith.index_cast %swap3A_144 : i32 to index
        %swap3A_146 = tpu.vector_load %arg12[%swap3A_145] masked %or3A {strides = array<i32>} : memref<128xi32, #tpu.memory_space<vmem>>, vector<16xi32>, vector<16xi1>
        tpu.vector_store %arg12[%swap3A_145], %get3A_136 masked %or3A {strides = array<i32>} : memref<128xi32, #tpu.memory_space<vmem>>, vector<16xi32>, vector<16xi1>
        %add3A_147 = arith.constant 0 : i32
        %add3A_148 = vector.broadcast %add3A_147 : i32 to vector<16xi32>
        %add3A_149 = arith.addi %iota3A, %add3A_148 : vector<16xi32>
        %swap3A_150 = arith.constant 0 : i32
        %swap3A_151 = arith.index_cast %swap3A_150 : i32 to index
        %swap3A_152 = tpu.vector_load %arg13[%swap3A_151] masked %or3A {strides = array<i32>} : memref<152xi32, #tpu.memory_space<vmem>>, vector<16xi32>, vector<16xi1>
        tpu.vector_store %arg13[%swap3A_151], %add3A_149 masked %or3A {strides = array<i32>} : memref<152xi32, #tpu.memory_space<vmem>>, vector<16xi32>, vector<16xi1>
        %convert_element_type3A_153 = arith.extui %or3A : vector<16xi1> to vector<16xi32>
        %reduce_sum3A = arith.constant true
        %reduce_sum3A_154 = vector.broadcast %reduce_sum3A : i1 to vector<16xi1>
        %reduce_sum3A_155 = tpu.scan <sum>, %convert_element_type3A_153 masked %reduce_sum3A_154 : vector<16xi32>, vector<16xi1> -> vector<16xi32>
        %reduce_sum3A_156 = vector.extract %reduce_sum3A_155[15] : i32 from vector<16xi32>
        %add3A_157 = arith.constant 0 : i32
        %add3A_158 = arith.addi %add3A_157, %reduce_sum3A_156 : i32
        %add3A_159 = arith.constant 16 : i32
        %add3A_160 = arith.addi %mul3A_109, %add3A_159 : i32
        %add3A_161 = arith.constant 8 : i32
        %add3A_162 = arith.addi %add3A_161, %add3A_160 : i32
        %get3A_163 = arith.index_cast %add3A_162 : i32 to index
        %get3A_164 = tpu.vector_load %arg8[%get3A_163] {strides = array<i32>} : memref<5152xi32, #tpu.memory_space<vmem>>, vector<16xi32>,
        %add3A_165 = arith.constant 7 : i32
        %add3A_166 = arith.addi %add3A_165, %add3A_160 : i32
        %add3A_167 = vector.broadcast %add3A_166 : i32 to vector<16xi32>
        %add3A_168 = arith.addi %iota3A, %add3A_167 : vector<16xi32>
        %gather3A_169 = tpu.vector_load_idx %arg8[%add3A_168] : memref<5152xi32, #tpu.memory_space<vmem>>[vector<16xi32>], vector<16xi32>,
        %ne3A_170 = arith.cmpi ne, %get3A_164, %gather3A_169 : vector<16xi32>
        %swap3A_171 = arith.index_cast %add3A_158 : i32 to index
        %swap3A_172 = tpu.vector_load %arg12[%swap3A_171] masked %ne3A_170 {strides = array<i32>} : memref<128xi32, #tpu.memory_space<vmem>>, vector<16xi32>, vector<16xi1>
        tpu.vector_store %arg12[%swap3A_171], %get3A_164 masked %ne3A_170 {strides = array<i32>} : memref<128xi32, #tpu.memory_space<vmem>>, vector<16xi32>, vector<16xi1>
        %add3A_173 = arith.constant 16 : i32
        %add3A_174 = vector.broadcast %add3A_173 : i32 to vector<16xi32>
        %add3A_175 = arith.addi %iota3A, %add3A_174 : vector<16xi32>
        %swap3A_176 = arith.index_cast %add3A_158 : i32 to index
        %swap3A_177 = tpu.vector_load %arg13[%swap3A_176] masked %ne3A_170 {strides = array<i32>} : memref<152xi32, #tpu.memory_space<vmem>>, vector<16xi32>, vector<16xi1>
        tpu.vector_store %arg13[%swap3A_176], %add3A_175 masked %ne3A_170 {strides = array<i32>} : memref<152xi32, #tpu.memory_space<vmem>>, vector<16xi32>, vector<16xi1>
        %convert_element_type3A_178 = arith.extui %ne3A_170 : vector<16xi1> to vector<16xi32>
        %reduce_sum3A_179 = arith.constant true
        %reduce_sum3A_180 = vector.broadcast %reduce_sum3A_179 : i1 to vector<16xi1>
        %reduce_sum3A_181 = tpu.scan <sum>, %convert_element_type3A_178 masked %reduce_sum3A_180 : vector<16xi32>, vector<16xi1> -> vector<16xi32>
        %reduce_sum3A_182 = vector.extract %reduce_sum3A_181[15] : i32 from vector<16xi32>
        %add3A_183 = arith.addi %add3A_158, %reduce_sum3A_182 : i32
        %add3A_184 = arith.constant 32 : i32
        %add3A_185 = arith.addi %mul3A_109, %add3A_184 : i32
        %add3A_186 = arith.constant 8 : i32
        %add3A_187 = arith.addi %add3A_186, %add3A_185 : i32
        %get3A_188 = arith.index_cast %add3A_187 : i32 to index
        %get3A_189 = tpu.vector_load %arg8[%get3A_188] {strides = array<i32>} : memref<5152xi32, #tpu.memory_space<vmem>>, vector<16xi32>,
        %add3A_190 = arith.constant 7 : i32
        %add3A_191 = arith.addi %add3A_190, %add3A_185 : i32
        %add3A_192 = vector.broadcast %add3A_191 : i32 to vector<16xi32>
        %add3A_193 = arith.addi %iota3A, %add3A_192 : vector<16xi32>
        %gather3A_194 = tpu.vector_load_idx %arg8[%add3A_193] : memref<5152xi32, #tpu.memory_space<vmem>>[vector<16xi32>], vector<16xi32>,
        %ne3A_195 = arith.cmpi ne, %get3A_189, %gather3A_194 : vector<16xi32>
        %swap3A_196 = arith.index_cast %add3A_183 : i32 to index
        %swap3A_197 = tpu.vector_load %arg12[%swap3A_196] masked %ne3A_195 {strides = array<i32>} : memref<128xi32, #tpu.memory_space<vmem>>, vector<16xi32>, vector<16xi1>
        tpu.vector_store %arg12[%swap3A_196], %get3A_189 masked %ne3A_195 {strides = array<i32>} : memref<128xi32, #tpu.memory_space<vmem>>, vector<16xi32>, vector<16xi1>
        %add3A_198 = arith.constant 32 : i32
        %add3A_199 = vector.broadcast %add3A_198 : i32 to vector<16xi32>
        %add3A_200 = arith.addi %iota3A, %add3A_199 : vector<16xi32>
        %swap3A_201 = arith.index_cast %add3A_183 : i32 to index
        %swap3A_202 = tpu.vector_load %arg13[%swap3A_201] masked %ne3A_195 {strides = array<i32>} : memref<152xi32, #tpu.memory_space<vmem>>, vector<16xi32>, vector<16xi1>
        tpu.vector_store %arg13[%swap3A_201], %add3A_200 masked %ne3A_195 {strides = array<i32>} : memref<152xi32, #tpu.memory_space<vmem>>, vector<16xi32>, vector<16xi1>
        %convert_element_type3A_203 = arith.extui %ne3A_195 : vector<16xi1> to vector<16xi32>
        %reduce_sum3A_204 = arith.constant true
        %reduce_sum3A_205 = vector.broadcast %reduce_sum3A_204 : i1 to vector<16xi1>
        %reduce_sum3A_206 = tpu.scan <sum>, %convert_element_type3A_203 masked %reduce_sum3A_205 : vector<16xi32>, vector<16xi1> -> vector<16xi32>
        %reduce_sum3A_207 = vector.extract %reduce_sum3A_206[15] : i32 from vector<16xi32>
        %add3A_208 = arith.addi %add3A_183, %reduce_sum3A_207 : i32
        %add3A_209 = arith.constant 48 : i32
        %add3A_210 = arith.addi %mul3A_109, %add3A_209 : i32
        %add3A_211 = arith.constant 8 : i32
        %add3A_212 = arith.addi %add3A_211, %add3A_210 : i32
        %get3A_213 = arith.index_cast %add3A_212 : i32 to index
        %get3A_214 = tpu.vector_load %arg8[%get3A_213] {strides = array<i32>} : memref<5152xi32, #tpu.memory_space<vmem>>, vector<16xi32>,
        %add3A_215 = arith.constant 7 : i32
        %add3A_216 = arith.addi %add3A_215, %add3A_210 : i32
        %add3A_217 = vector.broadcast %add3A_216 : i32 to vector<16xi32>
        %add3A_218 = arith.addi %iota3A, %add3A_217 : vector<16xi32>
        %gather3A_219 = tpu.vector_load_idx %arg8[%add3A_218] : memref<5152xi32, #tpu.memory_space<vmem>>[vector<16xi32>], vector<16xi32>,
        %ne3A_220 = arith.cmpi ne, %get3A_214, %gather3A_219 : vector<16xi32>
        %swap3A_221 = arith.index_cast %add3A_208 : i32 to index
        %swap3A_222 = tpu.vector_load %arg12[%swap3A_221] masked %ne3A_220 {strides = array<i32>} : memref<128xi32, #tpu.memory_space<vmem>>, vector<16xi32>, vector<16xi1>
        tpu.vector_store %arg12[%swap3A_221], %get3A_214 masked %ne3A_220 {strides = array<i32>} : memref<128xi32, #tpu.memory_space<vmem>>, vector<16xi32>, vector<16xi1>
        %add3A_223 = arith.constant 48 : i32
        %add3A_224 = vector.broadcast %add3A_223 : i32 to vector<16xi32>
        %add3A_225 = arith.addi %iota3A, %add3A_224 : vector<16xi32>
        %swap3A_226 = arith.index_cast %add3A_208 : i32 to index
        %swap3A_227 = tpu.vector_load %arg13[%swap3A_226] masked %ne3A_220 {strides = array<i32>} : memref<152xi32, #tpu.memory_space<vmem>>, vector<16xi32>, vector<16xi1>
        tpu.vector_store %arg13[%swap3A_226], %add3A_225 masked %ne3A_220 {strides = array<i32>} : memref<152xi32, #tpu.memory_space<vmem>>, vector<16xi32>, vector<16xi1>
        %convert_element_type3A_228 = arith.extui %ne3A_220 : vector<16xi1> to vector<16xi32>
        %reduce_sum3A_229 = arith.constant true
        %reduce_sum3A_230 = vector.broadcast %reduce_sum3A_229 : i1 to vector<16xi1>
        %reduce_sum3A_231 = tpu.scan <sum>, %convert_element_type3A_228 masked %reduce_sum3A_230 : vector<16xi32>, vector<16xi1> -> vector<16xi32>
        %reduce_sum3A_232 = vector.extract %reduce_sum3A_231[15] : i32 from vector<16xi32>
        %add3A_233 = arith.addi %add3A_208, %reduce_sum3A_232 : i32
        %add3A_234 = arith.constant 64 : i32
        %add3A_235 = arith.addi %mul3A_109, %add3A_234 : i32
        %add3A_236 = arith.constant 8 : i32
        %add3A_237 = arith.addi %add3A_236, %add3A_235 : i32
        %get3A_238 = arith.index_cast %add3A_237 : i32 to index
        %get3A_239 = tpu.vector_load %arg8[%get3A_238] {strides = array<i32>} : memref<5152xi32, #tpu.memory_space<vmem>>, vector<16xi32>,
        %add3A_240 = arith.constant 7 : i32
        %add3A_241 = arith.addi %add3A_240, %add3A_235 : i32
        %add3A_242 = vector.broadcast %add3A_241 : i32 to vector<16xi32>
        %add3A_243 = arith.addi %iota3A, %add3A_242 : vector<16xi32>
        %gather3A_244 = tpu.vector_load_idx %arg8[%add3A_243] : memref<5152xi32, #tpu.memory_space<vmem>>[vector<16xi32>], vector<16xi32>,
        %ne3A_245 = arith.cmpi ne, %get3A_239, %gather3A_244 : vector<16xi32>
        %swap3A_246 = arith.index_cast %add3A_233 : i32 to index
        %swap3A_247 = tpu.vector_load %arg12[%swap3A_246] masked %ne3A_245 {strides = array<i32>} : memref<128xi32, #tpu.memory_space<vmem>>, vector<16xi32>, vector<16xi1>
        tpu.vector_store %arg12[%swap3A_246], %get3A_239 masked %ne3A_245 {strides = array<i32>} : memref<128xi32, #tpu.memory_space<vmem>>, vector<16xi32>, vector<16xi1>
        %add3A_248 = arith.constant 64 : i32
        %add3A_249 = vector.broadcast %add3A_248 : i32 to vector<16xi32>
        %add3A_250 = arith.addi %iota3A, %add3A_249 : vector<16xi32>
        %swap3A_251 = arith.index_cast %add3A_233 : i32 to index
        %swap3A_252 = tpu.vector_load %arg13[%swap3A_251] masked %ne3A_245 {strides = array<i32>} : memref<152xi32, #tpu.memory_space<vmem>>, vector<16xi32>, vector<16xi1>
        tpu.vector_store %arg13[%swap3A_251], %add3A_250 masked %ne3A_245 {strides = array<i32>} : memref<152xi32, #tpu.memory_space<vmem>>, vector<16xi32>, vector<16xi1>
        %convert_element_type3A_253 = arith.extui %ne3A_245 : vector<16xi1> to vector<16xi32>
        %reduce_sum3A_254 = arith.constant true
        %reduce_sum3A_255 = vector.broadcast %reduce_sum3A_254 : i1 to vector<16xi1>
        %reduce_sum3A_256 = tpu.scan <sum>, %convert_element_type3A_253 masked %reduce_sum3A_255 : vector<16xi32>, vector<16xi1> -> vector<16xi32>
        %reduce_sum3A_257 = vector.extract %reduce_sum3A_256[15] : i32 from vector<16xi32>
        %add3A_258 = arith.addi %add3A_233, %reduce_sum3A_257 : i32
        %add3A_259 = arith.constant 80 : i32
        %add3A_260 = arith.addi %mul3A_109, %add3A_259 : i32
        %add3A_261 = arith.constant 8 : i32
        %add3A_262 = arith.addi %add3A_261, %add3A_260 : i32
        %get3A_263 = arith.index_cast %add3A_262 : i32 to index
        %get3A_264 = tpu.vector_load %arg8[%get3A_263] {strides = array<i32>} : memref<5152xi32, #tpu.memory_space<vmem>>, vector<16xi32>,
        %add3A_265 = arith.constant 7 : i32
        %add3A_266 = arith.addi %add3A_265, %add3A_260 : i32
        %add3A_267 = vector.broadcast %add3A_266 : i32 to vector<16xi32>
        %add3A_268 = arith.addi %iota3A, %add3A_267 : vector<16xi32>
        %gather3A_269 = tpu.vector_load_idx %arg8[%add3A_268] : memref<5152xi32, #tpu.memory_space<vmem>>[vector<16xi32>], vector<16xi32>,
        %ne3A_270 = arith.cmpi ne, %get3A_264, %gather3A_269 : vector<16xi32>
        %swap3A_271 = arith.index_cast %add3A_258 : i32 to index
        %swap3A_272 = tpu.vector_load %arg12[%swap3A_271] masked %ne3A_270 {strides = array<i32>} : memref<128xi32, #tpu.memory_space<vmem>>, vector<16xi32>, vector<16xi1>
        tpu.vector_store %arg12[%swap3A_271], %get3A_264 masked %ne3A_270 {strides = array<i32>} : memref<128xi32, #tpu.memory_space<vmem>>, vector<16xi32>, vector<16xi1>
        %add3A_273 = arith.constant 80 : i32
        %add3A_274 = vector.broadcast %add3A_273 : i32 to vector<16xi32>
        %add3A_275 = arith.addi %iota3A, %add3A_274 : vector<16xi32>
        %swap3A_276 = arith.index_cast %add3A_258 : i32 to index
        %swap3A_277 = tpu.vector_load %arg13[%swap3A_276] masked %ne3A_270 {strides = array<i32>} : memref<152xi32, #tpu.memory_space<vmem>>, vector<16xi32>, vector<16xi1>
        tpu.vector_store %arg13[%swap3A_276], %add3A_275 masked %ne3A_270 {strides = array<i32>} : memref<152xi32, #tpu.memory_space<vmem>>, vector<16xi32>, vector<16xi1>
        %convert_element_type3A_278 = arith.extui %ne3A_270 : vector<16xi1> to vector<16xi32>
        %reduce_sum3A_279 = arith.constant true
        %reduce_sum3A_280 = vector.broadcast %reduce_sum3A_279 : i1 to vector<16xi1>
        %reduce_sum3A_281 = tpu.scan <sum>, %convert_element_type3A_278 masked %reduce_sum3A_280 : vector<16xi32>, vector<16xi1> -> vector<16xi32>
        %reduce_sum3A_282 = vector.extract %reduce_sum3A_281[15] : i32 from vector<16xi32>
        %add3A_283 = arith.addi %add3A_258, %reduce_sum3A_282 : i32
        %add3A_284 = arith.constant 96 : i32
        %add3A_285 = arith.addi %mul3A_109, %add3A_284 : i32
        %add3A_286 = arith.constant 8 : i32
        %add3A_287 = arith.addi %add3A_286, %add3A_285 : i32
        %get3A_288 = arith.index_cast %add3A_287 : i32 to index
        %get3A_289 = tpu.vector_load %arg8[%get3A_288] {strides = array<i32>} : memref<5152xi32, #tpu.memory_space<vmem>>, vector<16xi32>,
        %add3A_290 = arith.constant 7 : i32
        %add3A_291 = arith.addi %add3A_290, %add3A_285 : i32
        %add3A_292 = vector.broadcast %add3A_291 : i32 to vector<16xi32>
        %add3A_293 = arith.addi %iota3A, %add3A_292 : vector<16xi32>
        %gather3A_294 = tpu.vector_load_idx %arg8[%add3A_293] : memref<5152xi32, #tpu.memory_space<vmem>>[vector<16xi32>], vector<16xi32>,
        %ne3A_295 = arith.cmpi ne, %get3A_289, %gather3A_294 : vector<16xi32>
        %swap3A_296 = arith.index_cast %add3A_283 : i32 to index
        %swap3A_297 = tpu.vector_load %arg12[%swap3A_296] masked %ne3A_295 {strides = array<i32>} : memref<128xi32, #tpu.memory_space<vmem>>, vector<16xi32>, vector<16xi1>
        tpu.vector_store %arg12[%swap3A_296], %get3A_289 masked %ne3A_295 {strides = array<i32>} : memref<128xi32, #tpu.memory_space<vmem>>, vector<16xi32>, vector<16xi1>
        %add3A_298 = arith.constant 96 : i32
        %add3A_299 = vector.broadcast %add3A_298 : i32 to vector<16xi32>
        %add3A_300 = arith.addi %iota3A, %add3A_299 : vector<16xi32>
        %swap3A_301 = arith.index_cast %add3A_283 : i32 to index
        %swap3A_302 = tpu.vector_load %arg13[%swap3A_301] masked %ne3A_295 {strides = array<i32>} : memref<152xi32, #tpu.memory_space<vmem>>, vector<16xi32>, vector<16xi1>
        tpu.vector_store %arg13[%swap3A_301], %add3A_300 masked %ne3A_295 {strides = array<i32>} : memref<152xi32, #tpu.memory_space<vmem>>, vector<16xi32>, vector<16xi1>
        %convert_element_type3A_303 = arith.extui %ne3A_295 : vector<16xi1> to vector<16xi32>
        %reduce_sum3A_304 = arith.constant true
        %reduce_sum3A_305 = vector.broadcast %reduce_sum3A_304 : i1 to vector<16xi1>
        %reduce_sum3A_306 = tpu.scan <sum>, %convert_element_type3A_303 masked %reduce_sum3A_305 : vector<16xi32>, vector<16xi1> -> vector<16xi32>
        %reduce_sum3A_307 = vector.extract %reduce_sum3A_306[15] : i32 from vector<16xi32>
        %add3A_308 = arith.addi %add3A_283, %reduce_sum3A_307 : i32
        %add3A_309 = arith.constant 112 : i32
        %add3A_310 = arith.addi %mul3A_109, %add3A_309 : i32
        %add3A_311 = arith.constant 8 : i32
        %add3A_312 = arith.addi %add3A_311, %add3A_310 : i32
        %get3A_313 = arith.index_cast %add3A_312 : i32 to index
        %get3A_314 = tpu.vector_load %arg8[%get3A_313] {strides = array<i32>} : memref<5152xi32, #tpu.memory_space<vmem>>, vector<16xi32>,
        %add3A_315 = arith.constant 7 : i32
        %add3A_316 = arith.addi %add3A_315, %add3A_310 : i32
        %add3A_317 = vector.broadcast %add3A_316 : i32 to vector<16xi32>
        %add3A_318 = arith.addi %iota3A, %add3A_317 : vector<16xi32>
        %gather3A_319 = tpu.vector_load_idx %arg8[%add3A_318] : memref<5152xi32, #tpu.memory_space<vmem>>[vector<16xi32>], vector<16xi32>,
        %ne3A_320 = arith.cmpi ne, %get3A_314, %gather3A_319 : vector<16xi32>
        %swap3A_321 = arith.index_cast %add3A_308 : i32 to index
        %swap3A_322 = tpu.vector_load %arg12[%swap3A_321] masked %ne3A_320 {strides = array<i32>} : memref<128xi32, #tpu.memory_space<vmem>>, vector<16xi32>, vector<16xi1>
        tpu.vector_store %arg12[%swap3A_321], %get3A_314 masked %ne3A_320 {strides = array<i32>} : memref<128xi32, #tpu.memory_space<vmem>>, vector<16xi32>, vector<16xi1>
        %add3A_323 = arith.constant 112 : i32
        %add3A_324 = vector.broadcast %add3A_323 : i32 to vector<16xi32>
        %add3A_325 = arith.addi %iota3A, %add3A_324 : vector<16xi32>
        %swap3A_326 = arith.index_cast %add3A_308 : i32 to index
        %swap3A_327 = tpu.vector_load %arg13[%swap3A_326] masked %ne3A_320 {strides = array<i32>} : memref<152xi32, #tpu.memory_space<vmem>>, vector<16xi32>, vector<16xi1>
        tpu.vector_store %arg13[%swap3A_326], %add3A_325 masked %ne3A_320 {strides = array<i32>} : memref<152xi32, #tpu.memory_space<vmem>>, vector<16xi32>, vector<16xi1>
        %convert_element_type3A_328 = arith.extui %ne3A_320 : vector<16xi1> to vector<16xi32>
        %reduce_sum3A_329 = arith.constant true
        %reduce_sum3A_330 = vector.broadcast %reduce_sum3A_329 : i1 to vector<16xi1>
        %reduce_sum3A_331 = tpu.scan <sum>, %convert_element_type3A_328 masked %reduce_sum3A_330 : vector<16xi32>, vector<16xi1> -> vector<16xi32>
        %reduce_sum3A_332 = vector.extract %reduce_sum3A_331[15] : i32 from vector<16xi32>
        %add3A_333 = arith.addi %add3A_308, %reduce_sum3A_332 : i32
        %broadcast_in_dim3A_334 = arith.constant 128 : i32
        %broadcast_in_dim3A_335 = vector.broadcast %broadcast_in_dim3A_334 : i32 to vector<16xi32>
        %swap3A_336 = arith.index_cast %add3A_333 : i32 to index
        %swap3A_337 = tpu.vector_load %arg13[%swap3A_336] {strides = array<i32>} : memref<152xi32, #tpu.memory_space<vmem>>, vector<16xi32>,
        tpu.vector_store %arg13[%swap3A_336], %broadcast_in_dim3A_335 {strides = array<i32>} : memref<152xi32, #tpu.memory_space<vmem>>, vector<16xi32>,
        %gt3A = arith.constant 0 : i32
        %gt3A_338 = arith.cmpi sgt, %add3A_333, %gt3A : i32
        %convert_element_type3A_339 = arith.extui %gt3A_338 : i1 to i32
        %cond3A_340 = arith.constant 0 : i32
        %cond3A_341 = arith.cmpi ne, %convert_element_type3A_339, %cond3A_340 : i32
        scf.if %cond3A_341 {
          %dma_start3A_742 = arith.constant 0 : i32
          %dma_start3A_743 = arith.constant 0 : i32
          %dma_start3A_744 = tpu.memref_slice %arg11[%dma_start3A_742, %dma_start3A_743] : memref<128x256xf32, #tpu.memory_space<vmem>> -> memref<32x256xf32, #tpu.memory_space<vmem>>
          %dma_start3A_745 = arith.constant 0 : i32
          %dma_start3A_746 = tpu.memref_slice %arg12[%dma_start3A_745] : memref<128xi32, #tpu.memory_space<vmem>> -> memref<32xi32, #tpu.memory_space<vmem>>
          %dma_start3A_747 = arith.constant 0 : i32
          %dma_start3A_748 = arith.constant 0 : i32
          %dma_start3A_749 = tpu.memref_slice %arg2[%dma_start3A_747, %dma_start3A_748] : memref<10000x256xf32, #tpu.memory_space<hbm>> -> memref<10000x256xf32, #tpu.memory_space<hbm>>
          tpu.enqueue_indirect_dma source(%dma_start3A_749 : memref<10000x256xf32, #tpu.memory_space<hbm>>) target(%dma_start3A_744 : memref<32x256xf32, #tpu.memory_space<vmem>>) offsets(%dma_start3A_746 : memref<32xi32, #tpu.memory_space<vmem>>) semaphore(%arg21 : memref<!tpu.dma_semaphore, #tpu.memory_space<semaphore_mem>>)
          %dma_wait3A_750 = arith.constant 0 : i32
          %dma_wait3A_751 = arith.constant 0 : i32
          %dma_wait3A_752 = tpu.memref_slice %arg11[%dma_wait3A_750, %dma_wait3A_751] : memref<128x256xf32, #tpu.memory_space<vmem>> -> memref<32x256xf32, #tpu.memory_space<vmem>>
          %dma_wait3A_753 = arith.constant 0 : i32
          %dma_wait3A_754 = tpu.memref_slice %arg12[%dma_wait3A_753] : memref<128xi32, #tpu.memory_space<vmem>> -> memref<32xi32, #tpu.memory_space<vmem>>
          %dma_wait3A_755 = arith.constant 0 : i32
          %dma_wait3A_756 = arith.constant 0 : i32
          %dma_wait3A_757 = tpu.memref_slice %arg2[%dma_wait3A_755, %dma_wait3A_756] : memref<10000x256xf32, #tpu.memory_space<hbm>> -> memref<10000x256xf32, #tpu.memory_space<hbm>>
          tpu.wait_indirect_dma semaphore(%arg21 : memref<!tpu.dma_semaphore, #tpu.memory_space<semaphore_mem>>) src(%dma_wait3A_757 : memref<10000x256xf32, #tpu.memory_space<hbm>>) dst(%dma_wait3A_752 : memref<32x256xf32, #tpu.memory_space<vmem>>)
        } else {
        }
        %gt3A_342 = arith.constant 32 : i32
        %gt3A_343 = arith.cmpi sgt, %add3A_333, %gt3A_342 : i32
        %convert_element_type3A_344 = arith.extui %gt3A_343 : i1 to i32
        %cond3A_345 = arith.constant 0 : i32
        %cond3A_346 = arith.cmpi ne, %convert_element_type3A_344, %cond3A_345 : i32
        scf.if %cond3A_346 {
          %dma_start3A_742 = arith.constant 32 : i32
          %dma_start3A_743 = arith.constant 0 : i32
          %dma_start3A_744 = tpu.memref_slice %arg11[%dma_start3A_742, %dma_start3A_743] : memref<128x256xf32, #tpu.memory_space<vmem>> -> memref<32x256xf32, #tpu.memory_space<vmem>>
          %dma_start3A_745 = arith.constant 32 : i32
          %dma_start3A_746 = tpu.memref_slice %arg12[%dma_start3A_745] : memref<128xi32, #tpu.memory_space<vmem>> -> memref<32xi32, #tpu.memory_space<vmem>>
          %dma_start3A_747 = arith.constant 0 : i32
          %dma_start3A_748 = arith.constant 0 : i32
          %dma_start3A_749 = tpu.memref_slice %arg2[%dma_start3A_747, %dma_start3A_748] : memref<10000x256xf32, #tpu.memory_space<hbm>> -> memref<10000x256xf32, #tpu.memory_space<hbm>>
          tpu.enqueue_indirect_dma source(%dma_start3A_749 : memref<10000x256xf32, #tpu.memory_space<hbm>>) target(%dma_start3A_744 : memref<32x256xf32, #tpu.memory_space<vmem>>) offsets(%dma_start3A_746 : memref<32xi32, #tpu.memory_space<vmem>>) semaphore(%arg21 : memref<!tpu.dma_semaphore, #tpu.memory_space<semaphore_mem>>)
          %dma_wait3A_750 = arith.constant 32 : i32
          %dma_wait3A_751 = arith.constant 0 : i32
          %dma_wait3A_752 = tpu.memref_slice %arg11[%dma_wait3A_750, %dma_wait3A_751] : memref<128x256xf32, #tpu.memory_space<vmem>> -> memref<32x256xf32, #tpu.memory_space<vmem>>
          %dma_wait3A_753 = arith.constant 32 : i32
          %dma_wait3A_754 = tpu.memref_slice %arg12[%dma_wait3A_753] : memref<128xi32, #tpu.memory_space<vmem>> -> memref<32xi32, #tpu.memory_space<vmem>>
          %dma_wait3A_755 = arith.constant 0 : i32
          %dma_wait3A_756 = arith.constant 0 : i32
          %dma_wait3A_757 = tpu.memref_slice %arg2[%dma_wait3A_755, %dma_wait3A_756] : memref<10000x256xf32, #tpu.memory_space<hbm>> -> memref<10000x256xf32, #tpu.memory_space<hbm>>
          tpu.wait_indirect_dma semaphore(%arg21 : memref<!tpu.dma_semaphore, #tpu.memory_space<semaphore_mem>>) src(%dma_wait3A_757 : memref<10000x256xf32, #tpu.memory_space<hbm>>) dst(%dma_wait3A_752 : memref<32x256xf32, #tpu.memory_space<vmem>>)
        } else {
        }
        %gt3A_347 = arith.constant 64 : i32
        %gt3A_348 = arith.cmpi sgt, %add3A_333, %gt3A_347 : i32
        %convert_element_type3A_349 = arith.extui %gt3A_348 : i1 to i32
        %cond3A_350 = arith.constant 0 : i32
        %cond3A_351 = arith.cmpi ne, %convert_element_type3A_349, %cond3A_350 : i32
        scf.if %cond3A_351 {
          %dma_start3A_742 = arith.constant 64 : i32
          %dma_start3A_743 = arith.constant 0 : i32
          %dma_start3A_744 = tpu.memref_slice %arg11[%dma_start3A_742, %dma_start3A_743] : memref<128x256xf32, #tpu.memory_space<vmem>> -> memref<32x256xf32, #tpu.memory_space<vmem>>
          %dma_start3A_745 = arith.constant 64 : i32
          %dma_start3A_746 = tpu.memref_slice %arg12[%dma_start3A_745] : memref<128xi32, #tpu.memory_space<vmem>> -> memref<32xi32, #tpu.memory_space<vmem>>
          %dma_start3A_747 = arith.constant 0 : i32
          %dma_start3A_748 = arith.constant 0 : i32
          %dma_start3A_749 = tpu.memref_slice %arg2[%dma_start3A_747, %dma_start3A_748] : memref<10000x256xf32, #tpu.memory_space<hbm>> -> memref<10000x256xf32, #tpu.memory_space<hbm>>
          tpu.enqueue_indirect_dma source(%dma_start3A_749 : memref<10000x256xf32, #tpu.memory_space<hbm>>) target(%dma_start3A_744 : memref<32x256xf32, #tpu.memory_space<vmem>>) offsets(%dma_start3A_746 : memref<32xi32, #tpu.memory_space<vmem>>) semaphore(%arg21 : memref<!tpu.dma_semaphore, #tpu.memory_space<semaphore_mem>>)
          %dma_wait3A_750 = arith.constant 64 : i32
          %dma_wait3A_751 = arith.constant 0 : i32
          %dma_wait3A_752 = tpu.memref_slice %arg11[%dma_wait3A_750, %dma_wait3A_751] : memref<128x256xf32, #tpu.memory_space<vmem>> -> memref<32x256xf32, #tpu.memory_space<vmem>>
          %dma_wait3A_753 = arith.constant 64 : i32
          %dma_wait3A_754 = tpu.memref_slice %arg12[%dma_wait3A_753] : memref<128xi32, #tpu.memory_space<vmem>> -> memref<32xi32, #tpu.memory_space<vmem>>
          %dma_wait3A_755 = arith.constant 0 : i32
          %dma_wait3A_756 = arith.constant 0 : i32
          %dma_wait3A_757 = tpu.memref_slice %arg2[%dma_wait3A_755, %dma_wait3A_756] : memref<10000x256xf32, #tpu.memory_space<hbm>> -> memref<10000x256xf32, #tpu.memory_space<hbm>>
          tpu.wait_indirect_dma semaphore(%arg21 : memref<!tpu.dma_semaphore, #tpu.memory_space<semaphore_mem>>) src(%dma_wait3A_757 : memref<10000x256xf32, #tpu.memory_space<hbm>>) dst(%dma_wait3A_752 : memref<32x256xf32, #tpu.memory_space<vmem>>)
        } else {
        }
        %gt3A_352 = arith.constant 96 : i32
        %gt3A_353 = arith.cmpi sgt, %add3A_333, %gt3A_352 : i32
        %convert_element_type3A_354 = arith.extui %gt3A_353 : i1 to i32
        %cond3A_355 = arith.constant 0 : i32
        %cond3A_356 = arith.cmpi ne, %convert_element_type3A_354, %cond3A_355 : i32
        scf.if %cond3A_356 {
          %dma_start3A_742 = arith.constant 96 : i32
          %dma_start3A_743 = arith.constant 0 : i32
          %dma_start3A_744 = tpu.memref_slice %arg11[%dma_start3A_742, %dma_start3A_743] : memref<128x256xf32, #tpu.memory_space<vmem>> -> memref<32x256xf32, #tpu.memory_space<vmem>>
          %dma_start3A_745 = arith.constant 96 : i32
          %dma_start3A_746 = tpu.memref_slice %arg12[%dma_start3A_745] : memref<128xi32, #tpu.memory_space<vmem>> -> memref<32xi32, #tpu.memory_space<vmem>>
          %dma_start3A_747 = arith.constant 0 : i32
          %dma_start3A_748 = arith.constant 0 : i32
          %dma_start3A_749 = tpu.memref_slice %arg2[%dma_start3A_747, %dma_start3A_748] : memref<10000x256xf32, #tpu.memory_space<hbm>> -> memref<10000x256xf32, #tpu.memory_space<hbm>>
          tpu.enqueue_indirect_dma source(%dma_start3A_749 : memref<10000x256xf32, #tpu.memory_space<hbm>>) target(%dma_start3A_744 : memref<32x256xf32, #tpu.memory_space<vmem>>) offsets(%dma_start3A_746 : memref<32xi32, #tpu.memory_space<vmem>>) semaphore(%arg21 : memref<!tpu.dma_semaphore, #tpu.memory_space<semaphore_mem>>)
          %dma_wait3A_750 = arith.constant 96 : i32
          %dma_wait3A_751 = arith.constant 0 : i32
          %dma_wait3A_752 = tpu.memref_slice %arg11[%dma_wait3A_750, %dma_wait3A_751] : memref<128x256xf32, #tpu.memory_space<vmem>> -> memref<32x256xf32, #tpu.memory_space<vmem>>
          %dma_wait3A_753 = arith.constant 96 : i32
          %dma_wait3A_754 = tpu.memref_slice %arg12[%dma_wait3A_753] : memref<128xi32, #tpu.memory_space<vmem>> -> memref<32xi32, #tpu.memory_space<vmem>>
          %dma_wait3A_755 = arith.constant 0 : i32
          %dma_wait3A_756 = arith.constant 0 : i32
          %dma_wait3A_757 = tpu.memref_slice %arg2[%dma_wait3A_755, %dma_wait3A_756] : memref<10000x256xf32, #tpu.memory_space<hbm>> -> memref<10000x256xf32, #tpu.memory_space<hbm>>
          tpu.wait_indirect_dma semaphore(%arg21 : memref<!tpu.dma_semaphore, #tpu.memory_space<semaphore_mem>>) src(%dma_wait3A_757 : memref<10000x256xf32, #tpu.memory_space<hbm>>) dst(%dma_wait3A_752 : memref<32x256xf32, #tpu.memory_space<vmem>>)
        } else {
        }
        %add3A_357 = arith.addi %mul3A_10, %mul3A_109 : i32
        %dma_wait3A = arith.constant 0 : i32
        %dma_wait3A_358 = tpu.memref_slice %arg3[%add3A_357, %dma_wait3A] : memref<160000x256xf32, #tpu.memory_space<hbm>> -> memref<128x256xf32, #tpu.memory_space<hbm>>
        %dma_wait3A_359 = arith.constant 0 : i32
        %dma_wait3A_360 = tpu.memref_slice %arg3[%add3A_357, %dma_wait3A_359] : memref<160000x256xf32, #tpu.memory_space<hbm>> -> memref<128x256xf32, #tpu.memory_space<hbm>>
        tpu.wait_dma2 semaphore(%arg19 : memref<!tpu.dma_semaphore, #tpu.memory_space<semaphore_mem>>) src(%dma_wait3A_360 : memref<128x256xf32, #tpu.memory_space<hbm>>) dst(%arg9 : memref<128x256xf32, #tpu.memory_space<vmem>>)
        %while3A = arith.constant 0 : i32
        %while3A_361 = arith.constant 0 : i32
        %while3A_362 = arith.subi %add3A_333, %while3A : i32
        %while3A_363 = arith.addi %while3A, %while3A_362 : i32
        %while3A_364 = arith.constant 1 : i32
        %while3A_365 = arith.divsi %while3A_362, %while3A_364 : i32
        %while3A_366 = arith.muli %while3A_365, %while3A_364 : i32
        %while3A_367 = arith.addi %while3A, %while3A_366 : i32
        %while3A_368 = arith.constant 1 : i32
        %while3A_369 = scf.for %while3A_742 = %while3A to %while3A_367 step %while3A_368 iter_args(%while3A_743 = %while3A_361) -> (i32)  : i32 {
          %get3A_744 = arith.index_cast %while3A_742 : i32 to index
          %get3A_745 = tpu.vector_load %arg13[%get3A_744] {strides = array<i32>} : memref<152xi32, #tpu.memory_space<vmem>>, vector<16xi32>,
          %slice3A = vector.extract_strided_slice %get3A_745 {offsets = [0], sizes = [1], strides = [1]} : vector<16xi32> to vector<1xi32>
          %squeeze3A = vector.extract %slice3A[0] : i32 from vector<1xi32>
          %slice3A_746 = vector.extract_strided_slice %get3A_745 {offsets = [1], sizes = [1], strides = [1]} : vector<16xi32> to vector<1xi32>
          %squeeze3A_747 = vector.extract %slice3A_746[0] : i32 from vector<1xi32>
          %get3A_748 = arith.index_cast %while3A_742 : i32 to index
          %get3A_749 = arith.constant 0 : index
          %get3A_750 = tpu.vector_load %arg11[%get3A_748, %get3A_749] {strides = array<i32>} : memref<128x256xf32, #tpu.memory_space<vmem>>, vector<16xf32>,
          %get3A_751 = arith.index_cast %while3A_742 : i32 to index
          %get3A_752 = arith.constant 16 : index
          %get3A_753 = tpu.vector_load %arg11[%get3A_751, %get3A_752] {strides = array<i32>} : memref<128x256xf32, #tpu.memory_space<vmem>>, vector<16xf32>,
          %get3A_754 = arith.index_cast %while3A_742 : i32 to index
          %get3A_755 = arith.constant 32 : index
          %get3A_756 = tpu.vector_load %arg11[%get3A_754, %get3A_755] {strides = array<i32>} : memref<128x256xf32, #tpu.memory_space<vmem>>, vector<16xf32>,
          %get3A_757 = arith.index_cast %while3A_742 : i32 to index
          %get3A_758 = arith.constant 48 : index
          %get3A_759 = tpu.vector_load %arg11[%get3A_757, %get3A_758] {strides = array<i32>} : memref<128x256xf32, #tpu.memory_space<vmem>>, vector<16xf32>,
          %get3A_760 = arith.index_cast %while3A_742 : i32 to index
          %get3A_761 = arith.constant 64 : index
          %get3A_762 = tpu.vector_load %arg11[%get3A_760, %get3A_761] {strides = array<i32>} : memref<128x256xf32, #tpu.memory_space<vmem>>, vector<16xf32>,
          %get3A_763 = arith.index_cast %while3A_742 : i32 to index
          %get3A_764 = arith.constant 80 : index
          %get3A_765 = tpu.vector_load %arg11[%get3A_763, %get3A_764] {strides = array<i32>} : memref<128x256xf32, #tpu.memory_space<vmem>>, vector<16xf32>,
          %get3A_766 = arith.index_cast %while3A_742 : i32 to index
          %get3A_767 = arith.constant 96 : index
          %get3A_768 = tpu.vector_load %arg11[%get3A_766, %get3A_767] {strides = array<i32>} : memref<128x256xf32, #tpu.memory_space<vmem>>, vector<16xf32>,
          %get3A_769 = arith.index_cast %while3A_742 : i32 to index
          %get3A_770 = arith.constant 112 : index
          %get3A_771 = tpu.vector_load %arg11[%get3A_769, %get3A_770] {strides = array<i32>} : memref<128x256xf32, #tpu.memory_space<vmem>>, vector<16xf32>,
          %get3A_772 = arith.index_cast %while3A_742 : i32 to index
          %get3A_773 = arith.constant 128 : index
          %get3A_774 = tpu.vector_load %arg11[%get3A_772, %get3A_773] {strides = array<i32>} : memref<128x256xf32, #tpu.memory_space<vmem>>, vector<16xf32>,
          %get3A_775 = arith.index_cast %while3A_742 : i32 to index
          %get3A_776 = arith.constant 144 : index
          %get3A_777 = tpu.vector_load %arg11[%get3A_775, %get3A_776] {strides = array<i32>} : memref<128x256xf32, #tpu.memory_space<vmem>>, vector<16xf32>,
          %get3A_778 = arith.index_cast %while3A_742 : i32 to index
          %get3A_779 = arith.constant 160 : index
          %get3A_780 = tpu.vector_load %arg11[%get3A_778, %get3A_779] {strides = array<i32>} : memref<128x256xf32, #tpu.memory_space<vmem>>, vector<16xf32>,
          %get3A_781 = arith.index_cast %while3A_742 : i32 to index
          %get3A_782 = arith.constant 176 : index
          %get3A_783 = tpu.vector_load %arg11[%get3A_781, %get3A_782] {strides = array<i32>} : memref<128x256xf32, #tpu.memory_space<vmem>>, vector<16xf32>,
          %get3A_784 = arith.index_cast %while3A_742 : i32 to index
          %get3A_785 = arith.constant 192 : index
          %get3A_786 = tpu.vector_load %arg11[%get3A_784, %get3A_785] {strides = array<i32>} : memref<128x256xf32, #tpu.memory_space<vmem>>, vector<16xf32>,
          %get3A_787 = arith.index_cast %while3A_742 : i32 to index
          %get3A_788 = arith.constant 208 : index
          %get3A_789 = tpu.vector_load %arg11[%get3A_787, %get3A_788] {strides = array<i32>} : memref<128x256xf32, #tpu.memory_space<vmem>>, vector<16xf32>,
          %get3A_790 = arith.index_cast %while3A_742 : i32 to index
          %get3A_791 = arith.constant 224 : index
          %get3A_792 = tpu.vector_load %arg11[%get3A_790, %get3A_791] {strides = array<i32>} : memref<128x256xf32, #tpu.memory_space<vmem>>, vector<16xf32>,
          %get3A_793 = arith.index_cast %while3A_742 : i32 to index
          %get3A_794 = arith.constant 240 : index
          %get3A_795 = tpu.vector_load %arg11[%get3A_793, %get3A_794] {strides = array<i32>} : memref<128x256xf32, #tpu.memory_space<vmem>>, vector<16xf32>,
          %while3A_796 = arith.constant 0 : i32
          %while3A_797 = arith.subi %squeeze3A_747, %squeeze3A : i32
          %while3A_798 = arith.addi %squeeze3A, %while3A_797 : i32
          %while3A_799 = arith.constant 1 : i32
          %while3A_800 = arith.divsi %while3A_797, %while3A_799 : i32
          %while3A_801 = arith.muli %while3A_800, %while3A_799 : i32
          %while3A_802 = arith.addi %squeeze3A, %while3A_801 : i32
          %while3A_803 = arith.constant 1 : i32
          %while3A_804 = scf.for %while3A_808 = %squeeze3A to %while3A_802 step %while3A_803 iter_args(%while3A_809 = %while3A_796) -> (i32)  : i32 {
            %get3A_810 = arith.index_cast %while3A_808 : i32 to index
            %get3A_811 = arith.constant 0 : index
            %get3A_812 = tpu.vector_load %arg9[%get3A_810, %get3A_811] {strides = array<i32>} : memref<128x256xf32, #tpu.memory_space<vmem>>, vector<16xf32>,
            %mul3A_813 = arith.mulf %get3A_812, %get3A_750 : vector<16xf32>
            %get3A_814 = arith.index_cast %while3A_808 : i32 to index
            %get3A_815 = arith.constant 16 : index
            %get3A_816 = tpu.vector_load %arg9[%get3A_814, %get3A_815] {strides = array<i32>} : memref<128x256xf32, #tpu.memory_space<vmem>>, vector<16xf32>,
            %mul3A_817 = arith.mulf %get3A_816, %get3A_753 : vector<16xf32>
            %add3A_818 = arith.addf %mul3A_813, %mul3A_817 : vector<16xf32>
            %get3A_819 = arith.index_cast %while3A_808 : i32 to index
            %get3A_820 = arith.constant 32 : index
            %get3A_821 = tpu.vector_load %arg9[%get3A_819, %get3A_820] {strides = array<i32>} : memref<128x256xf32, #tpu.memory_space<vmem>>, vector<16xf32>,
            %mul3A_822 = arith.mulf %get3A_821, %get3A_756 : vector<16xf32>
            %add3A_823 = arith.addf %add3A_818, %mul3A_822 : vector<16xf32>
            %get3A_824 = arith.index_cast %while3A_808 : i32 to index
            %get3A_825 = arith.constant 48 : index
            %get3A_826 = tpu.vector_load %arg9[%get3A_824, %get3A_825] {strides = array<i32>} : memref<128x256xf32, #tpu.memory_space<vmem>>, vector<16xf32>,
            %mul3A_827 = arith.mulf %get3A_826, %get3A_759 : vector<16xf32>
            %add3A_828 = arith.addf %add3A_823, %mul3A_827 : vector<16xf32>
            %get3A_829 = arith.index_cast %while3A_808 : i32 to index
            %get3A_830 = arith.constant 64 : index
            %get3A_831 = tpu.vector_load %arg9[%get3A_829, %get3A_830] {strides = array<i32>} : memref<128x256xf32, #tpu.memory_space<vmem>>, vector<16xf32>,
            %mul3A_832 = arith.mulf %get3A_831, %get3A_762 : vector<16xf32>
            %add3A_833 = arith.addf %add3A_828, %mul3A_832 : vector<16xf32>
            %get3A_834 = arith.index_cast %while3A_808 : i32 to index
            %get3A_835 = arith.constant 80 : index
            %get3A_836 = tpu.vector_load %arg9[%get3A_834, %get3A_835] {strides = array<i32>} : memref<128x256xf32, #tpu.memory_space<vmem>>, vector<16xf32>,
            %mul3A_837 = arith.mulf %get3A_836, %get3A_765 : vector<16xf32>
            %add3A_838 = arith.addf %add3A_833, %mul3A_837 : vector<16xf32>
            %get3A_839 = arith.index_cast %while3A_808 : i32 to index
            %get3A_840 = arith.constant 96 : index
            %get3A_841 = tpu.vector_load %arg9[%get3A_839, %get3A_840] {strides = array<i32>} : memref<128x256xf32, #tpu.memory_space<vmem>>, vector<16xf32>,
            %mul3A_842 = arith.mulf %get3A_841, %get3A_768 : vector<16xf32>
            %add3A_843 = arith.addf %add3A_838, %mul3A_842 : vector<16xf32>
            %get3A_844 = arith.index_cast %while3A_808 : i32 to index
            %get3A_845 = arith.constant 112 : index
            %get3A_846 = tpu.vector_load %arg9[%get3A_844, %get3A_845] {strides = array<i32>} : memref<128x256xf32, #tpu.memory_space<vmem>>, vector<16xf32>,
            %mul3A_847 = arith.mulf %get3A_846, %get3A_771 : vector<16xf32>
            %add3A_848 = arith.addf %add3A_843, %mul3A_847 : vector<16xf32>
            %get3A_849 = arith.index_cast %while3A_808 : i32 to index
            %get3A_850 = arith.constant 128 : index
            %get3A_851 = tpu.vector_load %arg9[%get3A_849, %get3A_850] {strides = array<i32>} : memref<128x256xf32, #tpu.memory_space<vmem>>, vector<16xf32>,
            %mul3A_852 = arith.mulf %get3A_851, %get3A_774 : vector<16xf32>
            %add3A_853 = arith.addf %add3A_848, %mul3A_852 : vector<16xf32>
            %get3A_854 = arith.index_cast %while3A_808 : i32 to index
            %get3A_855 = arith.constant 144 : index
            %get3A_856 = tpu.vector_load %arg9[%get3A_854, %get3A_855] {strides = array<i32>} : memref<128x256xf32, #tpu.memory_space<vmem>>, vector<16xf32>,
            %mul3A_857 = arith.mulf %get3A_856, %get3A_777 : vector<16xf32>
            %add3A_858 = arith.addf %add3A_853, %mul3A_857 : vector<16xf32>
            %get3A_859 = arith.index_cast %while3A_808 : i32 to index
            %get3A_860 = arith.constant 160 : index
            %get3A_861 = tpu.vector_load %arg9[%get3A_859, %get3A_860] {strides = array<i32>} : memref<128x256xf32, #tpu.memory_space<vmem>>, vector<16xf32>,
            %mul3A_862 = arith.mulf %get3A_861, %get3A_780 : vector<16xf32>
            %add3A_863 = arith.addf %add3A_858, %mul3A_862 : vector<16xf32>
            %get3A_864 = arith.index_cast %while3A_808 : i32 to index
            %get3A_865 = arith.constant 176 : index
            %get3A_866 = tpu.vector_load %arg9[%get3A_864, %get3A_865] {strides = array<i32>} : memref<128x256xf32, #tpu.memory_space<vmem>>, vector<16xf32>,
            %mul3A_867 = arith.mulf %get3A_866, %get3A_783 : vector<16xf32>
            %add3A_868 = arith.addf %add3A_863, %mul3A_867 : vector<16xf32>
            %get3A_869 = arith.index_cast %while3A_808 : i32 to index
            %get3A_870 = arith.constant 192 : index
            %get3A_871 = tpu.vector_load %arg9[%get3A_869, %get3A_870] {strides = array<i32>} : memref<128x256xf32, #tpu.memory_space<vmem>>, vector<16xf32>,
            %mul3A_872 = arith.mulf %get3A_871, %get3A_786 : vector<16xf32>
            %add3A_873 = arith.addf %add3A_868, %mul3A_872 : vector<16xf32>
            %get3A_874 = arith.index_cast %while3A_808 : i32 to index
            %get3A_875 = arith.constant 208 : index
            %get3A_876 = tpu.vector_load %arg9[%get3A_874, %get3A_875] {strides = array<i32>} : memref<128x256xf32, #tpu.memory_space<vmem>>, vector<16xf32>,
            %mul3A_877 = arith.mulf %get3A_876, %get3A_789 : vector<16xf32>
            %add3A_878 = arith.addf %add3A_873, %mul3A_877 : vector<16xf32>
            %get3A_879 = arith.index_cast %while3A_808 : i32 to index
            %get3A_880 = arith.constant 224 : index
            %get3A_881 = tpu.vector_load %arg9[%get3A_879, %get3A_880] {strides = array<i32>} : memref<128x256xf32, #tpu.memory_space<vmem>>, vector<16xf32>,
            %mul3A_882 = arith.mulf %get3A_881, %get3A_792 : vector<16xf32>
            %add3A_883 = arith.addf %add3A_878, %mul3A_882 : vector<16xf32>
            %get3A_884 = arith.index_cast %while3A_808 : i32 to index
            %get3A_885 = arith.constant 240 : index
            %get3A_886 = tpu.vector_load %arg9[%get3A_884, %get3A_885] {strides = array<i32>} : memref<128x256xf32, #tpu.memory_space<vmem>>, vector<16xf32>,
            %mul3A_887 = arith.mulf %get3A_886, %get3A_795 : vector<16xf32>
            %add3A_888 = arith.addf %add3A_883, %mul3A_887 : vector<16xf32>
            %add3A_889 = arith.addi %mul3A_109, %while3A_808 : i32
            %broadcast_in_dim3A_890 = vector.broadcast %add3A_889 : i32 to vector<16xi32>
            %reduce_sum3A_891 = arith.constant true
            %reduce_sum3A_892 = vector.broadcast %reduce_sum3A_891 : i1 to vector<16xi1>
            %reduce_sum3A_893 = tpu.scan <sum>, %add3A_888 masked %reduce_sum3A_892 : vector<16xf32>, vector<16xi1> -> vector<16xf32>
            %reduce_sum3A_894 = vector.extract %reduce_sum3A_893[15] : f32 from vector<16xf32>
            %broadcast_in_dim3A_895 = vector.broadcast %reduce_sum3A_894 : f32 to vector<16xf32>
            tpu.vector_store_idx %arg14[%broadcast_in_dim3A_890], %broadcast_in_dim3A_895 masked %eq3A_70 : memref<5120xf32, #tpu.memory_space<vmem>>[vector<16xi32>], vector<16xf32>, vector<16xi1>
            %while3A_896 = arith.constant 0 : i32
            scf.yield %while3A_896 : i32
          }
          %while3A_805 = arith.constant 1 : i32
          %while3A_806 = scf.for %while3A_808 = %while3A_802 to %while3A_798 step %while3A_805 iter_args(%while3A_809 = %while3A_804) -> (i32)  : i32 {
            %get3A_810 = arith.index_cast %while3A_808 : i32 to index
            %get3A_811 = arith.constant 0 : index
            %get3A_812 = tpu.vector_load %arg9[%get3A_810, %get3A_811] {strides = array<i32>} : memref<128x256xf32, #tpu.memory_space<vmem>>, vector<16xf32>,
            %mul3A_813 = arith.mulf %get3A_812, %get3A_750 : vector<16xf32>
            %get3A_814 = arith.index_cast %while3A_808 : i32 to index
            %get3A_815 = arith.constant 16 : index
            %get3A_816 = tpu.vector_load %arg9[%get3A_814, %get3A_815] {strides = array<i32>} : memref<128x256xf32, #tpu.memory_space<vmem>>, vector<16xf32>,
            %mul3A_817 = arith.mulf %get3A_816, %get3A_753 : vector<16xf32>
            %add3A_818 = arith.addf %mul3A_813, %mul3A_817 : vector<16xf32>
            %get3A_819 = arith.index_cast %while3A_808 : i32 to index
            %get3A_820 = arith.constant 32 : index
            %get3A_821 = tpu.vector_load %arg9[%get3A_819, %get3A_820] {strides = array<i32>} : memref<128x256xf32, #tpu.memory_space<vmem>>, vector<16xf32>,
            %mul3A_822 = arith.mulf %get3A_821, %get3A_756 : vector<16xf32>
            %add3A_823 = arith.addf %add3A_818, %mul3A_822 : vector<16xf32>
            %get3A_824 = arith.index_cast %while3A_808 : i32 to index
            %get3A_825 = arith.constant 48 : index
            %get3A_826 = tpu.vector_load %arg9[%get3A_824, %get3A_825] {strides = array<i32>} : memref<128x256xf32, #tpu.memory_space<vmem>>, vector<16xf32>,
            %mul3A_827 = arith.mulf %get3A_826, %get3A_759 : vector<16xf32>
            %add3A_828 = arith.addf %add3A_823, %mul3A_827 : vector<16xf32>
            %get3A_829 = arith.index_cast %while3A_808 : i32 to index
            %get3A_830 = arith.constant 64 : index
            %get3A_831 = tpu.vector_load %arg9[%get3A_829, %get3A_830] {strides = array<i32>} : memref<128x256xf32, #tpu.memory_space<vmem>>, vector<16xf32>,
            %mul3A_832 = arith.mulf %get3A_831, %get3A_762 : vector<16xf32>
            %add3A_833 = arith.addf %add3A_828, %mul3A_832 : vector<16xf32>
            %get3A_834 = arith.index_cast %while3A_808 : i32 to index
            %get3A_835 = arith.constant 80 : index
            %get3A_836 = tpu.vector_load %arg9[%get3A_834, %get3A_835] {strides = array<i32>} : memref<128x256xf32, #tpu.memory_space<vmem>>, vector<16xf32>,
            %mul3A_837 = arith.mulf %get3A_836, %get3A_765 : vector<16xf32>
            %add3A_838 = arith.addf %add3A_833, %mul3A_837 : vector<16xf32>
            %get3A_839 = arith.index_cast %while3A_808 : i32 to index
            %get3A_840 = arith.constant 96 : index
            %get3A_841 = tpu.vector_load %arg9[%get3A_839, %get3A_840] {strides = array<i32>} : memref<128x256xf32, #tpu.memory_space<vmem>>, vector<16xf32>,
            %mul3A_842 = arith.mulf %get3A_841, %get3A_768 : vector<16xf32>
            %add3A_843 = arith.addf %add3A_838, %mul3A_842 : vector<16xf32>
            %get3A_844 = arith.index_cast %while3A_808 : i32 to index
            %get3A_845 = arith.constant 112 : index
            %get3A_846 = tpu.vector_load %arg9[%get3A_844, %get3A_845] {strides = array<i32>} : memref<128x256xf32, #tpu.memory_space<vmem>>, vector<16xf32>,
            %mul3A_847 = arith.mulf %get3A_846, %get3A_771 : vector<16xf32>
            %add3A_848 = arith.addf %add3A_843, %mul3A_847 : vector<16xf32>
            %get3A_849 = arith.index_cast %while3A_808 : i32 to index
            %get3A_850 = arith.constant 128 : index
            %get3A_851 = tpu.vector_load %arg9[%get3A_849, %get3A_850] {strides = array<i32>} : memref<128x256xf32, #tpu.memory_space<vmem>>, vector<16xf32>,
            %mul3A_852 = arith.mulf %get3A_851, %get3A_774 : vector<16xf32>
            %add3A_853 = arith.addf %add3A_848, %mul3A_852 : vector<16xf32>
            %get3A_854 = arith.index_cast %while3A_808 : i32 to index
            %get3A_855 = arith.constant 144 : index
            %get3A_856 = tpu.vector_load %arg9[%get3A_854, %get3A_855] {strides = array<i32>} : memref<128x256xf32, #tpu.memory_space<vmem>>, vector<16xf32>,
            %mul3A_857 = arith.mulf %get3A_856, %get3A_777 : vector<16xf32>
            %add3A_858 = arith.addf %add3A_853, %mul3A_857 : vector<16xf32>
            %get3A_859 = arith.index_cast %while3A_808 : i32 to index
            %get3A_860 = arith.constant 160 : index
            %get3A_861 = tpu.vector_load %arg9[%get3A_859, %get3A_860] {strides = array<i32>} : memref<128x256xf32, #tpu.memory_space<vmem>>, vector<16xf32>,
            %mul3A_862 = arith.mulf %get3A_861, %get3A_780 : vector<16xf32>
            %add3A_863 = arith.addf %add3A_858, %mul3A_862 : vector<16xf32>
            %get3A_864 = arith.index_cast %while3A_808 : i32 to index
            %get3A_865 = arith.constant 176 : index
            %get3A_866 = tpu.vector_load %arg9[%get3A_864, %get3A_865] {strides = array<i32>} : memref<128x256xf32, #tpu.memory_space<vmem>>, vector<16xf32>,
            %mul3A_867 = arith.mulf %get3A_866, %get3A_783 : vector<16xf32>
            %add3A_868 = arith.addf %add3A_863, %mul3A_867 : vector<16xf32>
            %get3A_869 = arith.index_cast %while3A_808 : i32 to index
            %get3A_870 = arith.constant 192 : index
            %get3A_871 = tpu.vector_load %arg9[%get3A_869, %get3A_870] {strides = array<i32>} : memref<128x256xf32, #tpu.memory_space<vmem>>, vector<16xf32>,
            %mul3A_872 = arith.mulf %get3A_871, %get3A_786 : vector<16xf32>
            %add3A_873 = arith.addf %add3A_868, %mul3A_872 : vector<16xf32>
            %get3A_874 = arith.index_cast %while3A_808 : i32 to index
            %get3A_875 = arith.constant 208 : index
            %get3A_876 = tpu.vector_load %arg9[%get3A_874, %get3A_875] {strides = array<i32>} : memref<128x256xf32, #tpu.memory_space<vmem>>, vector<16xf32>,
            %mul3A_877 = arith.mulf %get3A_876, %get3A_789 : vector<16xf32>
            %add3A_878 = arith.addf %add3A_873, %mul3A_877 : vector<16xf32>
            %get3A_879 = arith.index_cast %while3A_808 : i32 to index
            %get3A_880 = arith.constant 224 : index
            %get3A_881 = tpu.vector_load %arg9[%get3A_879, %get3A_880] {strides = array<i32>} : memref<128x256xf32, #tpu.memory_space<vmem>>, vector<16xf32>,
            %mul3A_882 = arith.mulf %get3A_881, %get3A_792 : vector<16xf32>
            %add3A_883 = arith.addf %add3A_878, %mul3A_882 : vector<16xf32>
            %get3A_884 = arith.index_cast %while3A_808 : i32 to index
            %get3A_885 = arith.constant 240 : index
            %get3A_886 = tpu.vector_load %arg9[%get3A_884, %get3A_885] {strides = array<i32>} : memref<128x256xf32, #tpu.memory_space<vmem>>, vector<16xf32>,
            %mul3A_887 = arith.mulf %get3A_886, %get3A_795 : vector<16xf32>
            %add3A_888 = arith.addf %add3A_883, %mul3A_887 : vector<16xf32>
            %add3A_889 = arith.addi %mul3A_109, %while3A_808 : i32
            %broadcast_in_dim3A_890 = vector.broadcast %add3A_889 : i32 to vector<16xi32>
            %reduce_sum3A_891 = arith.constant true
            %reduce_sum3A_892 = vector.broadcast %reduce_sum3A_891 : i1 to vector<16xi1>
            %reduce_sum3A_893 = tpu.scan <sum>, %add3A_888 masked %reduce_sum3A_892 : vector<16xf32>, vector<16xi1> -> vector<16xf32>
            %reduce_sum3A_894 = vector.extract %reduce_sum3A_893[15] : f32 from vector<16xf32>
            %broadcast_in_dim3A_895 = vector.broadcast %reduce_sum3A_894 : f32 to vector<16xf32>
            tpu.vector_store_idx %arg14[%broadcast_in_dim3A_890], %broadcast_in_dim3A_895 masked %eq3A_70 : memref<5120xf32, #tpu.memory_space<vmem>>[vector<16xi32>], vector<16xf32>, vector<16xi1>
            %while3A_896 = arith.constant 0 : i32
            scf.yield %while3A_896 : i32
          }
          %while3A_807 = arith.constant 0 : i32
          scf.yield %while3A_807 : i32
        }
        %while3A_370 = arith.constant 1 : i32
        %while3A_371 = scf.for %while3A_742 = %while3A_367 to %while3A_363 step %while3A_370 iter_args(%while3A_743 = %while3A_369) -> (i32)  : i32 {
          %get3A_744 = arith.index_cast %while3A_742 : i32 to index
          %get3A_745 = tpu.vector_load %arg13[%get3A_744] {strides = array<i32>} : memref<152xi32, #tpu.memory_space<vmem>>, vector<16xi32>,
          %slice3A = vector.extract_strided_slice %get3A_745 {offsets = [0], sizes = [1], strides = [1]} : vector<16xi32> to vector<1xi32>
          %squeeze3A = vector.extract %slice3A[0] : i32 from vector<1xi32>
          %slice3A_746 = vector.extract_strided_slice %get3A_745 {offsets = [1], sizes = [1], strides = [1]} : vector<16xi32> to vector<1xi32>
          %squeeze3A_747 = vector.extract %slice3A_746[0] : i32 from vector<1xi32>
          %get3A_748 = arith.index_cast %while3A_742 : i32 to index
          %get3A_749 = arith.constant 0 : index
          %get3A_750 = tpu.vector_load %arg11[%get3A_748, %get3A_749] {strides = array<i32>} : memref<128x256xf32, #tpu.memory_space<vmem>>, vector<16xf32>,
          %get3A_751 = arith.index_cast %while3A_742 : i32 to index
          %get3A_752 = arith.constant 16 : index
          %get3A_753 = tpu.vector_load %arg11[%get3A_751, %get3A_752] {strides = array<i32>} : memref<128x256xf32, #tpu.memory_space<vmem>>, vector<16xf32>,
          %get3A_754 = arith.index_cast %while3A_742 : i32 to index
          %get3A_755 = arith.constant 32 : index
          %get3A_756 = tpu.vector_load %arg11[%get3A_754, %get3A_755] {strides = array<i32>} : memref<128x256xf32, #tpu.memory_space<vmem>>, vector<16xf32>,
          %get3A_757 = arith.index_cast %while3A_742 : i32 to index
          %get3A_758 = arith.constant 48 : index
          %get3A_759 = tpu.vector_load %arg11[%get3A_757, %get3A_758] {strides = array<i32>} : memref<128x256xf32, #tpu.memory_space<vmem>>, vector<16xf32>,
          %get3A_760 = arith.index_cast %while3A_742 : i32 to index
          %get3A_761 = arith.constant 64 : index
          %get3A_762 = tpu.vector_load %arg11[%get3A_760, %get3A_761] {strides = array<i32>} : memref<128x256xf32, #tpu.memory_space<vmem>>, vector<16xf32>,
          %get3A_763 = arith.index_cast %while3A_742 : i32 to index
          %get3A_764 = arith.constant 80 : index
          %get3A_765 = tpu.vector_load %arg11[%get3A_763, %get3A_764] {strides = array<i32>} : memref<128x256xf32, #tpu.memory_space<vmem>>, vector<16xf32>,
          %get3A_766 = arith.index_cast %while3A_742 : i32 to index
          %get3A_767 = arith.constant 96 : index
          %get3A_768 = tpu.vector_load %arg11[%get3A_766, %get3A_767] {strides = array<i32>} : memref<128x256xf32, #tpu.memory_space<vmem>>, vector<16xf32>,
          %get3A_769 = arith.index_cast %while3A_742 : i32 to index
          %get3A_770 = arith.constant 112 : index
          %get3A_771 = tpu.vector_load %arg11[%get3A_769, %get3A_770] {strides = array<i32>} : memref<128x256xf32, #tpu.memory_space<vmem>>, vector<16xf32>,
          %get3A_772 = arith.index_cast %while3A_742 : i32 to index
          %get3A_773 = arith.constant 128 : index
          %get3A_774 = tpu.vector_load %arg11[%get3A_772, %get3A_773] {strides = array<i32>} : memref<128x256xf32, #tpu.memory_space<vmem>>, vector<16xf32>,
          %get3A_775 = arith.index_cast %while3A_742 : i32 to index
          %get3A_776 = arith.constant 144 : index
          %get3A_777 = tpu.vector_load %arg11[%get3A_775, %get3A_776] {strides = array<i32>} : memref<128x256xf32, #tpu.memory_space<vmem>>, vector<16xf32>,
          %get3A_778 = arith.index_cast %while3A_742 : i32 to index
          %get3A_779 = arith.constant 160 : index
          %get3A_780 = tpu.vector_load %arg11[%get3A_778, %get3A_779] {strides = array<i32>} : memref<128x256xf32, #tpu.memory_space<vmem>>, vector<16xf32>,
          %get3A_781 = arith.index_cast %while3A_742 : i32 to index
          %get3A_782 = arith.constant 176 : index
          %get3A_783 = tpu.vector_load %arg11[%get3A_781, %get3A_782] {strides = array<i32>} : memref<128x256xf32, #tpu.memory_space<vmem>>, vector<16xf32>,
          %get3A_784 = arith.index_cast %while3A_742 : i32 to index
          %get3A_785 = arith.constant 192 : index
          %get3A_786 = tpu.vector_load %arg11[%get3A_784, %get3A_785] {strides = array<i32>} : memref<128x256xf32, #tpu.memory_space<vmem>>, vector<16xf32>,
          %get3A_787 = arith.index_cast %while3A_742 : i32 to index
          %get3A_788 = arith.constant 208 : index
          %get3A_789 = tpu.vector_load %arg11[%get3A_787, %get3A_788] {strides = array<i32>} : memref<128x256xf32, #tpu.memory_space<vmem>>, vector<16xf32>,
          %get3A_790 = arith.index_cast %while3A_742 : i32 to index
          %get3A_791 = arith.constant 224 : index
          %get3A_792 = tpu.vector_load %arg11[%get3A_790, %get3A_791] {strides = array<i32>} : memref<128x256xf32, #tpu.memory_space<vmem>>, vector<16xf32>,
          %get3A_793 = arith.index_cast %while3A_742 : i32 to index
          %get3A_794 = arith.constant 240 : index
          %get3A_795 = tpu.vector_load %arg11[%get3A_793, %get3A_794] {strides = array<i32>} : memref<128x256xf32, #tpu.memory_space<vmem>>, vector<16xf32>,
          %while3A_796 = arith.constant 0 : i32
          %while3A_797 = arith.subi %squeeze3A_747, %squeeze3A : i32
          %while3A_798 = arith.addi %squeeze3A, %while3A_797 : i32
          %while3A_799 = arith.constant 1 : i32
          %while3A_800 = arith.divsi %while3A_797, %while3A_799 : i32
          %while3A_801 = arith.muli %while3A_800, %while3A_799 : i32
          %while3A_802 = arith.addi %squeeze3A, %while3A_801 : i32
          %while3A_803 = arith.constant 1 : i32
          %while3A_804 = scf.for %while3A_808 = %squeeze3A to %while3A_802 step %while3A_803 iter_args(%while3A_809 = %while3A_796) -> (i32)  : i32 {
            %get3A_810 = arith.index_cast %while3A_808 : i32 to index
            %get3A_811 = arith.constant 0 : index
            %get3A_812 = tpu.vector_load %arg9[%get3A_810, %get3A_811] {strides = array<i32>} : memref<128x256xf32, #tpu.memory_space<vmem>>, vector<16xf32>,
            %mul3A_813 = arith.mulf %get3A_812, %get3A_750 : vector<16xf32>
            %get3A_814 = arith.index_cast %while3A_808 : i32 to index
            %get3A_815 = arith.constant 16 : index
            %get3A_816 = tpu.vector_load %arg9[%get3A_814, %get3A_815] {strides = array<i32>} : memref<128x256xf32, #tpu.memory_space<vmem>>, vector<16xf32>,
            %mul3A_817 = arith.mulf %get3A_816, %get3A_753 : vector<16xf32>
            %add3A_818 = arith.addf %mul3A_813, %mul3A_817 : vector<16xf32>
            %get3A_819 = arith.index_cast %while3A_808 : i32 to index
            %get3A_820 = arith.constant 32 : index
            %get3A_821 = tpu.vector_load %arg9[%get3A_819, %get3A_820] {strides = array<i32>} : memref<128x256xf32, #tpu.memory_space<vmem>>, vector<16xf32>,
            %mul3A_822 = arith.mulf %get3A_821, %get3A_756 : vector<16xf32>
            %add3A_823 = arith.addf %add3A_818, %mul3A_822 : vector<16xf32>
            %get3A_824 = arith.index_cast %while3A_808 : i32 to index
            %get3A_825 = arith.constant 48 : index
            %get3A_826 = tpu.vector_load %arg9[%get3A_824, %get3A_825] {strides = array<i32>} : memref<128x256xf32, #tpu.memory_space<vmem>>, vector<16xf32>,
            %mul3A_827 = arith.mulf %get3A_826, %get3A_759 : vector<16xf32>
            %add3A_828 = arith.addf %add3A_823, %mul3A_827 : vector<16xf32>
            %get3A_829 = arith.index_cast %while3A_808 : i32 to index
            %get3A_830 = arith.constant 64 : index
            %get3A_831 = tpu.vector_load %arg9[%get3A_829, %get3A_830] {strides = array<i32>} : memref<128x256xf32, #tpu.memory_space<vmem>>, vector<16xf32>,
            %mul3A_832 = arith.mulf %get3A_831, %get3A_762 : vector<16xf32>
            %add3A_833 = arith.addf %add3A_828, %mul3A_832 : vector<16xf32>
            %get3A_834 = arith.index_cast %while3A_808 : i32 to index
            %get3A_835 = arith.constant 80 : index
            %get3A_836 = tpu.vector_load %arg9[%get3A_834, %get3A_835] {strides = array<i32>} : memref<128x256xf32, #tpu.memory_space<vmem>>, vector<16xf32>,
            %mul3A_837 = arith.mulf %get3A_836, %get3A_765 : vector<16xf32>
            %add3A_838 = arith.addf %add3A_833, %mul3A_837 : vector<16xf32>
            %get3A_839 = arith.index_cast %while3A_808 : i32 to index
            %get3A_840 = arith.constant 96 : index
            %get3A_841 = tpu.vector_load %arg9[%get3A_839, %get3A_840] {strides = array<i32>} : memref<128x256xf32, #tpu.memory_space<vmem>>, vector<16xf32>,
            %mul3A_842 = arith.mulf %get3A_841, %get3A_768 : vector<16xf32>
            %add3A_843 = arith.addf %add3A_838, %mul3A_842 : vector<16xf32>
            %get3A_844 = arith.index_cast %while3A_808 : i32 to index
            %get3A_845 = arith.constant 112 : index
            %get3A_846 = tpu.vector_load %arg9[%get3A_844, %get3A_845] {strides = array<i32>} : memref<128x256xf32, #tpu.memory_space<vmem>>, vector<16xf32>,
            %mul3A_847 = arith.mulf %get3A_846, %get3A_771 : vector<16xf32>
            %add3A_848 = arith.addf %add3A_843, %mul3A_847 : vector<16xf32>
            %get3A_849 = arith.index_cast %while3A_808 : i32 to index
            %get3A_850 = arith.constant 128 : index
            %get3A_851 = tpu.vector_load %arg9[%get3A_849, %get3A_850] {strides = array<i32>} : memref<128x256xf32, #tpu.memory_space<vmem>>, vector<16xf32>,
            %mul3A_852 = arith.mulf %get3A_851, %get3A_774 : vector<16xf32>
            %add3A_853 = arith.addf %add3A_848, %mul3A_852 : vector<16xf32>
            %get3A_854 = arith.index_cast %while3A_808 : i32 to index
            %get3A_855 = arith.constant 144 : index
            %get3A_856 = tpu.vector_load %arg9[%get3A_854, %get3A_855] {strides = array<i32>} : memref<128x256xf32, #tpu.memory_space<vmem>>, vector<16xf32>,
            %mul3A_857 = arith.mulf %get3A_856, %get3A_777 : vector<16xf32>
            %add3A_858 = arith.addf %add3A_853, %mul3A_857 : vector<16xf32>
            %get3A_859 = arith.index_cast %while3A_808 : i32 to index
            %get3A_860 = arith.constant 160 : index
            %get3A_861 = tpu.vector_load %arg9[%get3A_859, %get3A_860] {strides = array<i32>} : memref<128x256xf32, #tpu.memory_space<vmem>>, vector<16xf32>,
            %mul3A_862 = arith.mulf %get3A_861, %get3A_780 : vector<16xf32>
            %add3A_863 = arith.addf %add3A_858, %mul3A_862 : vector<16xf32>
            %get3A_864 = arith.index_cast %while3A_808 : i32 to index
            %get3A_865 = arith.constant 176 : index
            %get3A_866 = tpu.vector_load %arg9[%get3A_864, %get3A_865] {strides = array<i32>} : memref<128x256xf32, #tpu.memory_space<vmem>>, vector<16xf32>,
            %mul3A_867 = arith.mulf %get3A_866, %get3A_783 : vector<16xf32>
            %add3A_868 = arith.addf %add3A_863, %mul3A_867 : vector<16xf32>
            %get3A_869 = arith.index_cast %while3A_808 : i32 to index
            %get3A_870 = arith.constant 192 : index
            %get3A_871 = tpu.vector_load %arg9[%get3A_869, %get3A_870] {strides = array<i32>} : memref<128x256xf32, #tpu.memory_space<vmem>>, vector<16xf32>,
            %mul3A_872 = arith.mulf %get3A_871, %get3A_786 : vector<16xf32>
            %add3A_873 = arith.addf %add3A_868, %mul3A_872 : vector<16xf32>
            %get3A_874 = arith.index_cast %while3A_808 : i32 to index
            %get3A_875 = arith.constant 208 : index
            %get3A_876 = tpu.vector_load %arg9[%get3A_874, %get3A_875] {strides = array<i32>} : memref<128x256xf32, #tpu.memory_space<vmem>>, vector<16xf32>,
            %mul3A_877 = arith.mulf %get3A_876, %get3A_789 : vector<16xf32>
            %add3A_878 = arith.addf %add3A_873, %mul3A_877 : vector<16xf32>
            %get3A_879 = arith.index_cast %while3A_808 : i32 to index
            %get3A_880 = arith.constant 224 : index
            %get3A_881 = tpu.vector_load %arg9[%get3A_879, %get3A_880] {strides = array<i32>} : memref<128x256xf32, #tpu.memory_space<vmem>>, vector<16xf32>,
            %mul3A_882 = arith.mulf %get3A_881, %get3A_792 : vector<16xf32>
            %add3A_883 = arith.addf %add3A_878, %mul3A_882 : vector<16xf32>
            %get3A_884 = arith.index_cast %while3A_808 : i32 to index
            %get3A_885 = arith.constant 240 : index
            %get3A_886 = tpu.vector_load %arg9[%get3A_884, %get3A_885] {strides = array<i32>} : memref<128x256xf32, #tpu.memory_space<vmem>>, vector<16xf32>,
            %mul3A_887 = arith.mulf %get3A_886, %get3A_795 : vector<16xf32>
            %add3A_888 = arith.addf %add3A_883, %mul3A_887 : vector<16xf32>
            %add3A_889 = arith.addi %mul3A_109, %while3A_808 : i32
            %broadcast_in_dim3A_890 = vector.broadcast %add3A_889 : i32 to vector<16xi32>
            %reduce_sum3A_891 = arith.constant true
            %reduce_sum3A_892 = vector.broadcast %reduce_sum3A_891 : i1 to vector<16xi1>
            %reduce_sum3A_893 = tpu.scan <sum>, %add3A_888 masked %reduce_sum3A_892 : vector<16xf32>, vector<16xi1> -> vector<16xf32>
            %reduce_sum3A_894 = vector.extract %reduce_sum3A_893[15] : f32 from vector<16xf32>
            %broadcast_in_dim3A_895 = vector.broadcast %reduce_sum3A_894 : f32 to vector<16xf32>
            tpu.vector_store_idx %arg14[%broadcast_in_dim3A_890], %broadcast_in_dim3A_895 masked %eq3A_70 : memref<5120xf32, #tpu.memory_space<vmem>>[vector<16xi32>], vector<16xf32>, vector<16xi1>
            %while3A_896 = arith.constant 0 : i32
            scf.yield %while3A_896 : i32
          }
          %while3A_805 = arith.constant 1 : i32
          %while3A_806 = scf.for %while3A_808 = %while3A_802 to %while3A_798 step %while3A_805 iter_args(%while3A_809 = %while3A_804) -> (i32)  : i32 {
            %get3A_810 = arith.index_cast %while3A_808 : i32 to index
            %get3A_811 = arith.constant 0 : index
            %get3A_812 = tpu.vector_load %arg9[%get3A_810, %get3A_811] {strides = array<i32>} : memref<128x256xf32, #tpu.memory_space<vmem>>, vector<16xf32>,
            %mul3A_813 = arith.mulf %get3A_812, %get3A_750 : vector<16xf32>
            %get3A_814 = arith.index_cast %while3A_808 : i32 to index
            %get3A_815 = arith.constant 16 : index
            %get3A_816 = tpu.vector_load %arg9[%get3A_814, %get3A_815] {strides = array<i32>} : memref<128x256xf32, #tpu.memory_space<vmem>>, vector<16xf32>,
            %mul3A_817 = arith.mulf %get3A_816, %get3A_753 : vector<16xf32>
            %add3A_818 = arith.addf %mul3A_813, %mul3A_817 : vector<16xf32>
            %get3A_819 = arith.index_cast %while3A_808 : i32 to index
            %get3A_820 = arith.constant 32 : index
            %get3A_821 = tpu.vector_load %arg9[%get3A_819, %get3A_820] {strides = array<i32>} : memref<128x256xf32, #tpu.memory_space<vmem>>, vector<16xf32>,
            %mul3A_822 = arith.mulf %get3A_821, %get3A_756 : vector<16xf32>
            %add3A_823 = arith.addf %add3A_818, %mul3A_822 : vector<16xf32>
            %get3A_824 = arith.index_cast %while3A_808 : i32 to index
            %get3A_825 = arith.constant 48 : index
            %get3A_826 = tpu.vector_load %arg9[%get3A_824, %get3A_825] {strides = array<i32>} : memref<128x256xf32, #tpu.memory_space<vmem>>, vector<16xf32>,
            %mul3A_827 = arith.mulf %get3A_826, %get3A_759 : vector<16xf32>
            %add3A_828 = arith.addf %add3A_823, %mul3A_827 : vector<16xf32>
            %get3A_829 = arith.index_cast %while3A_808 : i32 to index
            %get3A_830 = arith.constant 64 : index
            %get3A_831 = tpu.vector_load %arg9[%get3A_829, %get3A_830] {strides = array<i32>} : memref<128x256xf32, #tpu.memory_space<vmem>>, vector<16xf32>,
            %mul3A_832 = arith.mulf %get3A_831, %get3A_762 : vector<16xf32>
            %add3A_833 = arith.addf %add3A_828, %mul3A_832 : vector<16xf32>
            %get3A_834 = arith.index_cast %while3A_808 : i32 to index
            %get3A_835 = arith.constant 80 : index
            %get3A_836 = tpu.vector_load %arg9[%get3A_834, %get3A_835] {strides = array<i32>} : memref<128x256xf32, #tpu.memory_space<vmem>>, vector<16xf32>,
            %mul3A_837 = arith.mulf %get3A_836, %get3A_765 : vector<16xf32>
            %add3A_838 = arith.addf %add3A_833, %mul3A_837 : vector<16xf32>
            %get3A_839 = arith.index_cast %while3A_808 : i32 to index
            %get3A_840 = arith.constant 96 : index
            %get3A_841 = tpu.vector_load %arg9[%get3A_839, %get3A_840] {strides = array<i32>} : memref<128x256xf32, #tpu.memory_space<vmem>>, vector<16xf32>,
            %mul3A_842 = arith.mulf %get3A_841, %get3A_768 : vector<16xf32>
            %add3A_843 = arith.addf %add3A_838, %mul3A_842 : vector<16xf32>
            %get3A_844 = arith.index_cast %while3A_808 : i32 to index
            %get3A_845 = arith.constant 112 : index
            %get3A_846 = tpu.vector_load %arg9[%get3A_844, %get3A_845] {strides = array<i32>} : memref<128x256xf32, #tpu.memory_space<vmem>>, vector<16xf32>,
            %mul3A_847 = arith.mulf %get3A_846, %get3A_771 : vector<16xf32>
            %add3A_848 = arith.addf %add3A_843, %mul3A_847 : vector<16xf32>
            %get3A_849 = arith.index_cast %while3A_808 : i32 to index
            %get3A_850 = arith.constant 128 : index
            %get3A_851 = tpu.vector_load %arg9[%get3A_849, %get3A_850] {strides = array<i32>} : memref<128x256xf32, #tpu.memory_space<vmem>>, vector<16xf32>,
            %mul3A_852 = arith.mulf %get3A_851, %get3A_774 : vector<16xf32>
            %add3A_853 = arith.addf %add3A_848, %mul3A_852 : vector<16xf32>
            %get3A_854 = arith.index_cast %while3A_808 : i32 to index
            %get3A_855 = arith.constant 144 : index
            %get3A_856 = tpu.vector_load %arg9[%get3A_854, %get3A_855] {strides = array<i32>} : memref<128x256xf32, #tpu.memory_space<vmem>>, vector<16xf32>,
            %mul3A_857 = arith.mulf %get3A_856, %get3A_777 : vector<16xf32>
            %add3A_858 = arith.addf %add3A_853, %mul3A_857 : vector<16xf32>
            %get3A_859 = arith.index_cast %while3A_808 : i32 to index
            %get3A_860 = arith.constant 160 : index
            %get3A_861 = tpu.vector_load %arg9[%get3A_859, %get3A_860] {strides = array<i32>} : memref<128x256xf32, #tpu.memory_space<vmem>>, vector<16xf32>,
            %mul3A_862 = arith.mulf %get3A_861, %get3A_780 : vector<16xf32>
            %add3A_863 = arith.addf %add3A_858, %mul3A_862 : vector<16xf32>
            %get3A_864 = arith.index_cast %while3A_808 : i32 to index
            %get3A_865 = arith.constant 176 : index
            %get3A_866 = tpu.vector_load %arg9[%get3A_864, %get3A_865] {strides = array<i32>} : memref<128x256xf32, #tpu.memory_space<vmem>>, vector<16xf32>,
            %mul3A_867 = arith.mulf %get3A_866, %get3A_783 : vector<16xf32>
            %add3A_868 = arith.addf %add3A_863, %mul3A_867 : vector<16xf32>
            %get3A_869 = arith.index_cast %while3A_808 : i32 to index
            %get3A_870 = arith.constant 192 : index
            %get3A_871 = tpu.vector_load %arg9[%get3A_869, %get3A_870] {strides = array<i32>} : memref<128x256xf32, #tpu.memory_space<vmem>>, vector<16xf32>,
            %mul3A_872 = arith.mulf %get3A_871, %get3A_786 : vector<16xf32>
            %add3A_873 = arith.addf %add3A_868, %mul3A_872 : vector<16xf32>
            %get3A_874 = arith.index_cast %while3A_808 : i32 to index
            %get3A_875 = arith.constant 208 : index
            %get3A_876 = tpu.vector_load %arg9[%get3A_874, %get3A_875] {strides = array<i32>} : memref<128x256xf32, #tpu.memory_space<vmem>>, vector<16xf32>,
            %mul3A_877 = arith.mulf %get3A_876, %get3A_789 : vector<16xf32>
            %add3A_878 = arith.addf %add3A_873, %mul3A_877 : vector<16xf32>
            %get3A_879 = arith.index_cast %while3A_808 : i32 to index
            %get3A_880 = arith.constant 224 : index
            %get3A_881 = tpu.vector_load %arg9[%get3A_879, %get3A_880] {strides = array<i32>} : memref<128x256xf32, #tpu.memory_space<vmem>>, vector<16xf32>,
            %mul3A_882 = arith.mulf %get3A_881, %get3A_792 : vector<16xf32>
            %add3A_883 = arith.addf %add3A_878, %mul3A_882 : vector<16xf32>
            %get3A_884 = arith.index_cast %while3A_808 : i32 to index
            %get3A_885 = arith.constant 240 : index
            %get3A_886 = tpu.vector_load %arg9[%get3A_884, %get3A_885] {strides = array<i32>} : memref<128x256xf32, #tpu.memory_space<vmem>>, vector<16xf32>,
            %mul3A_887 = arith.mulf %get3A_886, %get3A_795 : vector<16xf32>
            %add3A_888 = arith.addf %add3A_883, %mul3A_887 : vector<16xf32>
            %add3A_889 = arith.addi %mul3A_109, %while3A_808 : i32
            %broadcast_in_dim3A_890 = vector.broadcast %add3A_889 : i32 to vector<16xi32>
            %reduce_sum3A_891 = arith.constant true
            %reduce_sum3A_892 = vector.broadcast %reduce_sum3A_891 : i1 to vector<16xi1>
            %reduce_sum3A_893 = tpu.scan <sum>, %add3A_888 masked %reduce_sum3A_892 : vector<16xf32>, vector<16xi1> -> vector<16xf32>
            %reduce_sum3A_894 = vector.extract %reduce_sum3A_893[15] : f32 from vector<16xf32>
            %broadcast_in_dim3A_895 = vector.broadcast %reduce_sum3A_894 : f32 to vector<16xf32>
            tpu.vector_store_idx %arg14[%broadcast_in_dim3A_890], %broadcast_in_dim3A_895 masked %eq3A_70 : memref<5120xf32, #tpu.memory_space<vmem>>[vector<16xi32>], vector<16xf32>, vector<16xi1>
            %while3A_896 = arith.constant 0 : i32
            scf.yield %while3A_896 : i32
          }
          %while3A_807 = arith.constant 0 : i32
          scf.yield %while3A_807 : i32
        }
        %add3A_372 = arith.constant 0 : i32
        %add3A_373 = arith.addi %mul3A_109, %add3A_372 : i32
        %get3A_374 = arith.index_cast %add3A_373 : i32 to index
        %get3A_375 = tpu.vector_load %arg14[%get3A_374] {strides = array<i32>} : memref<5120xf32, #tpu.memory_space<vmem>>, vector<16xf32>,
        %mul3A_376 = arith.constant 6.250000e-02 : f32
        %mul3A_377 = vector.broadcast %mul3A_376 : f32 to vector<16xf32>
        %mul3A_378 = arith.mulf %get3A_375, %mul3A_377 : vector<16xf32>
        %swap3A_379 = arith.index_cast %add3A_373 : i32 to index
        %swap3A_380 = tpu.vector_load %arg14[%swap3A_379] {strides = array<i32>} : memref<5120xf32, #tpu.memory_space<vmem>>, vector<16xf32>,
        tpu.vector_store %arg14[%swap3A_379], %mul3A_378 {strides = array<i32>} : memref<5120xf32, #tpu.memory_space<vmem>>, vector<16xf32>,
        %exp3A = math.exp %mul3A_378 : vector<16xf32>
        %swap3A_381 = arith.index_cast %add3A_373 : i32 to index
        %swap3A_382 = tpu.vector_load %arg15[%swap3A_381] {strides = array<i32>} : memref<5120xf32, #tpu.memory_space<vmem>>, vector<16xf32>,
        tpu.vector_store %arg15[%swap3A_381], %exp3A {strides = array<i32>} : memref<5120xf32, #tpu.memory_space<vmem>>, vector<16xf32>,
        %broadcast_in_dim3A_383 = arith.constant true
        %broadcast_in_dim3A_384 = vector.broadcast %broadcast_in_dim3A_383 : i1 to vector<16xi1>
        %masked_cumsum3A = tpu.scan <sum>, %exp3A masked %broadcast_in_dim3A_384 : vector<16xf32>, vector<16xi1> -> vector<16xf32>
        %add3A_385 = arith.addf %masked_cumsum3A, %scan3A_91 : vector<16xf32>
        %sub3A = arith.subf %add3A_385, %exp3A : vector<16xf32>
        %reduce_sum3A_386 = arith.constant true
        %reduce_sum3A_387 = vector.broadcast %reduce_sum3A_386 : i1 to vector<16xi1>
        %reduce_sum3A_388 = tpu.scan <sum>, %exp3A masked %reduce_sum3A_387 : vector<16xf32>, vector<16xi1> -> vector<16xf32>
        %reduce_sum3A_389 = vector.extract %reduce_sum3A_388[15] : f32 from vector<16xf32>
        %broadcast_in_dim3A_390 = vector.broadcast %reduce_sum3A_389 : f32 to vector<16xf32>
        %add3A_391 = arith.addf %scan3A_91, %broadcast_in_dim3A_390 : vector<16xf32>
        %add3A_392 = arith.constant 8 : i32
        %add3A_393 = arith.addi %add3A_392, %add3A_373 : i32
        %add3A_394 = vector.broadcast %add3A_393 : i32 to vector<16xi32>
        %add3A_395 = arith.addi %iota3A, %add3A_394 : vector<16xi32>
        %gather3A_396 = tpu.vector_load_idx %arg8[%add3A_395] : memref<5152xi32, #tpu.memory_space<vmem>>[vector<16xi32>], vector<16xi32>,
        %sub3A_397 = arith.constant 1 : i32
        %sub3A_398 = vector.broadcast %sub3A_397 : i32 to vector<16xi32>
        %sub3A_399 = arith.subi %add3A_395, %sub3A_398 : vector<16xi32>
        %gather3A_400 = tpu.vector_load_idx %arg8[%sub3A_399] : memref<5152xi32, #tpu.memory_space<vmem>>[vector<16xi32>], vector<16xi32>,
        %add3A_401 = arith.constant 1 : i32
        %add3A_402 = vector.broadcast %add3A_401 : i32 to vector<16xi32>
        %add3A_403 = arith.addi %add3A_395, %add3A_402 : vector<16xi32>
        %gather3A_404 = tpu.vector_load_idx %arg8[%add3A_403] : memref<5152xi32, #tpu.memory_space<vmem>>[vector<16xi32>], vector<16xi32>,
        %shift_right_logical3A = arith.constant 7 : i32
        %shift_right_logical3A_405 = vector.broadcast %shift_right_logical3A : i32 to vector<16xi32>
        %shift_right_logical3A_406 = arith.shrui %gather3A_396, %shift_right_logical3A_405 : vector<16xi32>
        %and3A = arith.constant 127 : i32
        %and3A_407 = vector.broadcast %and3A : i32 to vector<16xi32>
        %and3A_408 = arith.andi %gather3A_396, %and3A_407 : vector<16xi32>
        %neg3A = arith.constant 0.000000e+00 : f32
        %neg3A_409 = vector.broadcast %neg3A : f32 to vector<16xf32>
        %neg3A_410 = arith.subf %neg3A_409, %sub3A : vector<16xf32>
        %ne3A_411 = arith.cmpi ne, %gather3A_396, %gather3A_400 : vector<16xi32>
        tpu.vector_store_idx %arg16[%shift_right_logical3A_406, %and3A_408], %neg3A_410 masked %ne3A_411 {add = true} : memref<80x128xf32, #tpu.memory_space<vmem>>[vector<16xi32>, vector<16xi32>], vector<16xf32>, vector<16xi1>
        %ne3A_412 = arith.cmpi ne, %gather3A_396, %gather3A_404 : vector<16xi32>
        tpu.vector_store_idx %arg16[%shift_right_logical3A_406, %and3A_408], %add3A_385 masked %ne3A_412 {add = true} : memref<80x128xf32, #tpu.memory_space<vmem>>[vector<16xi32>, vector<16xi32>], vector<16xf32>, vector<16xi1>
        %add3A_413 = arith.constant 16 : i32
        %add3A_414 = arith.addi %mul3A_109, %add3A_413 : i32
        %get3A_415 = arith.index_cast %add3A_414 : i32 to index
        %get3A_416 = tpu.vector_load %arg14[%get3A_415] {strides = array<i32>} : memref<5120xf32, #tpu.memory_space<vmem>>, vector<16xf32>,
        %mul3A_417 = arith.constant 6.250000e-02 : f32
        %mul3A_418 = vector.broadcast %mul3A_417 : f32 to vector<16xf32>
        %mul3A_419 = arith.mulf %get3A_416, %mul3A_418 : vector<16xf32>
        %swap3A_420 = arith.index_cast %add3A_414 : i32 to index
        %swap3A_421 = tpu.vector_load %arg14[%swap3A_420] {strides = array<i32>} : memref<5120xf32, #tpu.memory_space<vmem>>, vector<16xf32>,
        tpu.vector_store %arg14[%swap3A_420], %mul3A_419 {strides = array<i32>} : memref<5120xf32, #tpu.memory_space<vmem>>, vector<16xf32>,
        %exp3A_422 = math.exp %mul3A_419 : vector<16xf32>
        %swap3A_423 = arith.index_cast %add3A_414 : i32 to index
        %swap3A_424 = tpu.vector_load %arg15[%swap3A_423] {strides = array<i32>} : memref<5120xf32, #tpu.memory_space<vmem>>, vector<16xf32>,
        tpu.vector_store %arg15[%swap3A_423], %exp3A_422 {strides = array<i32>} : memref<5120xf32, #tpu.memory_space<vmem>>, vector<16xf32>,
        %broadcast_in_dim3A_425 = arith.constant true
        %broadcast_in_dim3A_426 = vector.broadcast %broadcast_in_dim3A_425 : i1 to vector<16xi1>
        %masked_cumsum3A_427 = tpu.scan <sum>, %exp3A_422 masked %broadcast_in_dim3A_426 : vector<16xf32>, vector<16xi1> -> vector<16xf32>
        %add3A_428 = arith.addf %masked_cumsum3A_427, %add3A_391 : vector<16xf32>
        %sub3A_429 = arith.subf %add3A_428, %exp3A_422 : vector<16xf32>
        %reduce_sum3A_430 = arith.constant true
        %reduce_sum3A_431 = vector.broadcast %reduce_sum3A_430 : i1 to vector<16xi1>
        %reduce_sum3A_432 = tpu.scan <sum>, %exp3A_422 masked %reduce_sum3A_431 : vector<16xf32>, vector<16xi1> -> vector<16xf32>
        %reduce_sum3A_433 = vector.extract %reduce_sum3A_432[15] : f32 from vector<16xf32>
        %broadcast_in_dim3A_434 = vector.broadcast %reduce_sum3A_433 : f32 to vector<16xf32>
        %add3A_435 = arith.addf %add3A_391, %broadcast_in_dim3A_434 : vector<16xf32>
        %add3A_436 = arith.constant 8 : i32
        %add3A_437 = arith.addi %add3A_436, %add3A_414 : i32
        %add3A_438 = vector.broadcast %add3A_437 : i32 to vector<16xi32>
        %add3A_439 = arith.addi %iota3A, %add3A_438 : vector<16xi32>
        %gather3A_440 = tpu.vector_load_idx %arg8[%add3A_439] : memref<5152xi32, #tpu.memory_space<vmem>>[vector<16xi32>], vector<16xi32>,
        %sub3A_441 = arith.constant 1 : i32
        %sub3A_442 = vector.broadcast %sub3A_441 : i32 to vector<16xi32>
        %sub3A_443 = arith.subi %add3A_439, %sub3A_442 : vector<16xi32>
        %gather3A_444 = tpu.vector_load_idx %arg8[%sub3A_443] : memref<5152xi32, #tpu.memory_space<vmem>>[vector<16xi32>], vector<16xi32>,
        %add3A_445 = arith.constant 1 : i32
        %add3A_446 = vector.broadcast %add3A_445 : i32 to vector<16xi32>
        %add3A_447 = arith.addi %add3A_439, %add3A_446 : vector<16xi32>
        %gather3A_448 = tpu.vector_load_idx %arg8[%add3A_447] : memref<5152xi32, #tpu.memory_space<vmem>>[vector<16xi32>], vector<16xi32>,
        %shift_right_logical3A_449 = arith.constant 7 : i32
        %shift_right_logical3A_450 = vector.broadcast %shift_right_logical3A_449 : i32 to vector<16xi32>
        %shift_right_logical3A_451 = arith.shrui %gather3A_440, %shift_right_logical3A_450 : vector<16xi32>
        %and3A_452 = arith.constant 127 : i32
        %and3A_453 = vector.broadcast %and3A_452 : i32 to vector<16xi32>
        %and3A_454 = arith.andi %gather3A_440, %and3A_453 : vector<16xi32>
        %neg3A_455 = arith.constant 0.000000e+00 : f32
        %neg3A_456 = vector.broadcast %neg3A_455 : f32 to vector<16xf32>
        %neg3A_457 = arith.subf %neg3A_456, %sub3A_429 : vector<16xf32>
        %ne3A_458 = arith.cmpi ne, %gather3A_440, %gather3A_444 : vector<16xi32>
        tpu.vector_store_idx %arg16[%shift_right_logical3A_451, %and3A_454], %neg3A_457 masked %ne3A_458 {add = true} : memref<80x128xf32, #tpu.memory_space<vmem>>[vector<16xi32>, vector<16xi32>], vector<16xf32>, vector<16xi1>
        %ne3A_459 = arith.cmpi ne, %gather3A_440, %gather3A_448 : vector<16xi32>
        tpu.vector_store_idx %arg16[%shift_right_logical3A_451, %and3A_454], %add3A_428 masked %ne3A_459 {add = true} : memref<80x128xf32, #tpu.memory_space<vmem>>[vector<16xi32>, vector<16xi32>], vector<16xf32>, vector<16xi1>
        %add3A_460 = arith.constant 32 : i32
        %add3A_461 = arith.addi %mul3A_109, %add3A_460 : i32
        %get3A_462 = arith.index_cast %add3A_461 : i32 to index
        %get3A_463 = tpu.vector_load %arg14[%get3A_462] {strides = array<i32>} : memref<5120xf32, #tpu.memory_space<vmem>>, vector<16xf32>,
        %mul3A_464 = arith.constant 6.250000e-02 : f32
        %mul3A_465 = vector.broadcast %mul3A_464 : f32 to vector<16xf32>
        %mul3A_466 = arith.mulf %get3A_463, %mul3A_465 : vector<16xf32>
        %swap3A_467 = arith.index_cast %add3A_461 : i32 to index
        %swap3A_468 = tpu.vector_load %arg14[%swap3A_467] {strides = array<i32>} : memref<5120xf32, #tpu.memory_space<vmem>>, vector<16xf32>,
        tpu.vector_store %arg14[%swap3A_467], %mul3A_466 {strides = array<i32>} : memref<5120xf32, #tpu.memory_space<vmem>>, vector<16xf32>,
        %exp3A_469 = math.exp %mul3A_466 : vector<16xf32>
        %swap3A_470 = arith.index_cast %add3A_461 : i32 to index
        %swap3A_471 = tpu.vector_load %arg15[%swap3A_470] {strides = array<i32>} : memref<5120xf32, #tpu.memory_space<vmem>>, vector<16xf32>,
        tpu.vector_store %arg15[%swap3A_470], %exp3A_469 {strides = array<i32>} : memref<5120xf32, #tpu.memory_space<vmem>>, vector<16xf32>,
        %broadcast_in_dim3A_472 = arith.constant true
        %broadcast_in_dim3A_473 = vector.broadcast %broadcast_in_dim3A_472 : i1 to vector<16xi1>
        %masked_cumsum3A_474 = tpu.scan <sum>, %exp3A_469 masked %broadcast_in_dim3A_473 : vector<16xf32>, vector<16xi1> -> vector<16xf32>
        %add3A_475 = arith.addf %masked_cumsum3A_474, %add3A_435 : vector<16xf32>
        %sub3A_476 = arith.subf %add3A_475, %exp3A_469 : vector<16xf32>
        %reduce_sum3A_477 = arith.constant true
        %reduce_sum3A_478 = vector.broadcast %reduce_sum3A_477 : i1 to vector<16xi1>
        %reduce_sum3A_479 = tpu.scan <sum>, %exp3A_469 masked %reduce_sum3A_478 : vector<16xf32>, vector<16xi1> -> vector<16xf32>
        %reduce_sum3A_480 = vector.extract %reduce_sum3A_479[15] : f32 from vector<16xf32>
        %broadcast_in_dim3A_481 = vector.broadcast %reduce_sum3A_480 : f32 to vector<16xf32>
        %add3A_482 = arith.addf %add3A_435, %broadcast_in_dim3A_481 : vector<16xf32>
        %add3A_483 = arith.constant 8 : i32
        %add3A_484 = arith.addi %add3A_483, %add3A_461 : i32
        %add3A_485 = vector.broadcast %add3A_484 : i32 to vector<16xi32>
        %add3A_486 = arith.addi %iota3A, %add3A_485 : vector<16xi32>
        %gather3A_487 = tpu.vector_load_idx %arg8[%add3A_486] : memref<5152xi32, #tpu.memory_space<vmem>>[vector<16xi32>], vector<16xi32>,
        %sub3A_488 = arith.constant 1 : i32
        %sub3A_489 = vector.broadcast %sub3A_488 : i32 to vector<16xi32>
        %sub3A_490 = arith.subi %add3A_486, %sub3A_489 : vector<16xi32>
        %gather3A_491 = tpu.vector_load_idx %arg8[%sub3A_490] : memref<5152xi32, #tpu.memory_space<vmem>>[vector<16xi32>], vector<16xi32>,
        %add3A_492 = arith.constant 1 : i32
        %add3A_493 = vector.broadcast %add3A_492 : i32 to vector<16xi32>
        %add3A_494 = arith.addi %add3A_486, %add3A_493 : vector<16xi32>
        %gather3A_495 = tpu.vector_load_idx %arg8[%add3A_494] : memref<5152xi32, #tpu.memory_space<vmem>>[vector<16xi32>], vector<16xi32>,
        %shift_right_logical3A_496 = arith.constant 7 : i32
        %shift_right_logical3A_497 = vector.broadcast %shift_right_logical3A_496 : i32 to vector<16xi32>
        %shift_right_logical3A_498 = arith.shrui %gather3A_487, %shift_right_logical3A_497 : vector<16xi32>
        %and3A_499 = arith.constant 127 : i32
        %and3A_500 = vector.broadcast %and3A_499 : i32 to vector<16xi32>
        %and3A_501 = arith.andi %gather3A_487, %and3A_500 : vector<16xi32>
        %neg3A_502 = arith.constant 0.000000e+00 : f32
        %neg3A_503 = vector.broadcast %neg3A_502 : f32 to vector<16xf32>
        %neg3A_504 = arith.subf %neg3A_503, %sub3A_476 : vector<16xf32>
        %ne3A_505 = arith.cmpi ne, %gather3A_487, %gather3A_491 : vector<16xi32>
        tpu.vector_store_idx %arg16[%shift_right_logical3A_498, %and3A_501], %neg3A_504 masked %ne3A_505 {add = true} : memref<80x128xf32, #tpu.memory_space<vmem>>[vector<16xi32>, vector<16xi32>], vector<16xf32>, vector<16xi1>
        %ne3A_506 = arith.cmpi ne, %gather3A_487, %gather3A_495 : vector<16xi32>
        tpu.vector_store_idx %arg16[%shift_right_logical3A_498, %and3A_501], %add3A_475 masked %ne3A_506 {add = true} : memref<80x128xf32, #tpu.memory_space<vmem>>[vector<16xi32>, vector<16xi32>], vector<16xf32>, vector<16xi1>
        %add3A_507 = arith.constant 48 : i32
        %add3A_508 = arith.addi %mul3A_109, %add3A_507 : i32
        %get3A_509 = arith.index_cast %add3A_508 : i32 to index
        %get3A_510 = tpu.vector_load %arg14[%get3A_509] {strides = array<i32>} : memref<5120xf32, #tpu.memory_space<vmem>>, vector<16xf32>,
        %mul3A_511 = arith.constant 6.250000e-02 : f32
        %mul3A_512 = vector.broadcast %mul3A_511 : f32 to vector<16xf32>
        %mul3A_513 = arith.mulf %get3A_510, %mul3A_512 : vector<16xf32>
        %swap3A_514 = arith.index_cast %add3A_508 : i32 to index
        %swap3A_515 = tpu.vector_load %arg14[%swap3A_514] {strides = array<i32>} : memref<5120xf32, #tpu.memory_space<vmem>>, vector<16xf32>,
        tpu.vector_store %arg14[%swap3A_514], %mul3A_513 {strides = array<i32>} : memref<5120xf32, #tpu.memory_space<vmem>>, vector<16xf32>,
        %exp3A_516 = math.exp %mul3A_513 : vector<16xf32>
        %swap3A_517 = arith.index_cast %add3A_508 : i32 to index
        %swap3A_518 = tpu.vector_load %arg15[%swap3A_517] {strides = array<i32>} : memref<5120xf32, #tpu.memory_space<vmem>>, vector<16xf32>,
        tpu.vector_store %arg15[%swap3A_517], %exp3A_516 {strides = array<i32>} : memref<5120xf32, #tpu.memory_space<vmem>>, vector<16xf32>,
        %broadcast_in_dim3A_519 = arith.constant true
        %broadcast_in_dim3A_520 = vector.broadcast %broadcast_in_dim3A_519 : i1 to vector<16xi1>
        %masked_cumsum3A_521 = tpu.scan <sum>, %exp3A_516 masked %broadcast_in_dim3A_520 : vector<16xf32>, vector<16xi1> -> vector<16xf32>
        %add3A_522 = arith.addf %masked_cumsum3A_521, %add3A_482 : vector<16xf32>
        %sub3A_523 = arith.subf %add3A_522, %exp3A_516 : vector<16xf32>
        %reduce_sum3A_524 = arith.constant true
        %reduce_sum3A_525 = vector.broadcast %reduce_sum3A_524 : i1 to vector<16xi1>
        %reduce_sum3A_526 = tpu.scan <sum>, %exp3A_516 masked %reduce_sum3A_525 : vector<16xf32>, vector<16xi1> -> vector<16xf32>
        %reduce_sum3A_527 = vector.extract %reduce_sum3A_526[15] : f32 from vector<16xf32>
        %broadcast_in_dim3A_528 = vector.broadcast %reduce_sum3A_527 : f32 to vector<16xf32>
        %add3A_529 = arith.addf %add3A_482, %broadcast_in_dim3A_528 : vector<16xf32>
        %add3A_530 = arith.constant 8 : i32
        %add3A_531 = arith.addi %add3A_530, %add3A_508 : i32
        %add3A_532 = vector.broadcast %add3A_531 : i32 to vector<16xi32>
        %add3A_533 = arith.addi %iota3A, %add3A_532 : vector<16xi32>
        %gather3A_534 = tpu.vector_load_idx %arg8[%add3A_533] : memref<5152xi32, #tpu.memory_space<vmem>>[vector<16xi32>], vector<16xi32>,
        %sub3A_535 = arith.constant 1 : i32
        %sub3A_536 = vector.broadcast %sub3A_535 : i32 to vector<16xi32>
        %sub3A_537 = arith.subi %add3A_533, %sub3A_536 : vector<16xi32>
        %gather3A_538 = tpu.vector_load_idx %arg8[%sub3A_537] : memref<5152xi32, #tpu.memory_space<vmem>>[vector<16xi32>], vector<16xi32>,
        %add3A_539 = arith.constant 1 : i32
        %add3A_540 = vector.broadcast %add3A_539 : i32 to vector<16xi32>
        %add3A_541 = arith.addi %add3A_533, %add3A_540 : vector<16xi32>
        %gather3A_542 = tpu.vector_load_idx %arg8[%add3A_541] : memref<5152xi32, #tpu.memory_space<vmem>>[vector<16xi32>], vector<16xi32>,
        %shift_right_logical3A_543 = arith.constant 7 : i32
        %shift_right_logical3A_544 = vector.broadcast %shift_right_logical3A_543 : i32 to vector<16xi32>
        %shift_right_logical3A_545 = arith.shrui %gather3A_534, %shift_right_logical3A_544 : vector<16xi32>
        %and3A_546 = arith.constant 127 : i32
        %and3A_547 = vector.broadcast %and3A_546 : i32 to vector<16xi32>
        %and3A_548 = arith.andi %gather3A_534, %and3A_547 : vector<16xi32>
        %neg3A_549 = arith.constant 0.000000e+00 : f32
        %neg3A_550 = vector.broadcast %neg3A_549 : f32 to vector<16xf32>
        %neg3A_551 = arith.subf %neg3A_550, %sub3A_523 : vector<16xf32>
        %ne3A_552 = arith.cmpi ne, %gather3A_534, %gather3A_538 : vector<16xi32>
        tpu.vector_store_idx %arg16[%shift_right_logical3A_545, %and3A_548], %neg3A_551 masked %ne3A_552 {add = true} : memref<80x128xf32, #tpu.memory_space<vmem>>[vector<16xi32>, vector<16xi32>], vector<16xf32>, vector<16xi1>
        %ne3A_553 = arith.cmpi ne, %gather3A_534, %gather3A_542 : vector<16xi32>
        tpu.vector_store_idx %arg16[%shift_right_logical3A_545, %and3A_548], %add3A_522 masked %ne3A_553 {add = true} : memref<80x128xf32, #tpu.memory_space<vmem>>[vector<16xi32>, vector<16xi32>], vector<16xf32>, vector<16xi1>
        %add3A_554 = arith.constant 64 : i32
        %add3A_555 = arith.addi %mul3A_109, %add3A_554 : i32
        %get3A_556 = arith.index_cast %add3A_555 : i32 to index
        %get3A_557 = tpu.vector_load %arg14[%get3A_556] {strides = array<i32>} : memref<5120xf32, #tpu.memory_space<vmem>>, vector<16xf32>,
        %mul3A_558 = arith.constant 6.250000e-02 : f32
        %mul3A_559 = vector.broadcast %mul3A_558 : f32 to vector<16xf32>
        %mul3A_560 = arith.mulf %get3A_557, %mul3A_559 : vector<16xf32>
        %swap3A_561 = arith.index_cast %add3A_555 : i32 to index
        %swap3A_562 = tpu.vector_load %arg14[%swap3A_561] {strides = array<i32>} : memref<5120xf32, #tpu.memory_space<vmem>>, vector<16xf32>,
        tpu.vector_store %arg14[%swap3A_561], %mul3A_560 {strides = array<i32>} : memref<5120xf32, #tpu.memory_space<vmem>>, vector<16xf32>,
        %exp3A_563 = math.exp %mul3A_560 : vector<16xf32>
        %swap3A_564 = arith.index_cast %add3A_555 : i32 to index
        %swap3A_565 = tpu.vector_load %arg15[%swap3A_564] {strides = array<i32>} : memref<5120xf32, #tpu.memory_space<vmem>>, vector<16xf32>,
        tpu.vector_store %arg15[%swap3A_564], %exp3A_563 {strides = array<i32>} : memref<5120xf32, #tpu.memory_space<vmem>>, vector<16xf32>,
        %broadcast_in_dim3A_566 = arith.constant true
        %broadcast_in_dim3A_567 = vector.broadcast %broadcast_in_dim3A_566 : i1 to vector<16xi1>
        %masked_cumsum3A_568 = tpu.scan <sum>, %exp3A_563 masked %broadcast_in_dim3A_567 : vector<16xf32>, vector<16xi1> -> vector<16xf32>
        %add3A_569 = arith.addf %masked_cumsum3A_568, %add3A_529 : vector<16xf32>
        %sub3A_570 = arith.subf %add3A_569, %exp3A_563 : vector<16xf32>
        %reduce_sum3A_571 = arith.constant true
        %reduce_sum3A_572 = vector.broadcast %reduce_sum3A_571 : i1 to vector<16xi1>
        %reduce_sum3A_573 = tpu.scan <sum>, %exp3A_563 masked %reduce_sum3A_572 : vector<16xf32>, vector<16xi1> -> vector<16xf32>
        %reduce_sum3A_574 = vector.extract %reduce_sum3A_573[15] : f32 from vector<16xf32>
        %broadcast_in_dim3A_575 = vector.broadcast %reduce_sum3A_574 : f32 to vector<16xf32>
        %add3A_576 = arith.addf %add3A_529, %broadcast_in_dim3A_575 : vector<16xf32>
        %add3A_577 = arith.constant 8 : i32
        %add3A_578 = arith.addi %add3A_577, %add3A_555 : i32
        %add3A_579 = vector.broadcast %add3A_578 : i32 to vector<16xi32>
        %add3A_580 = arith.addi %iota3A, %add3A_579 : vector<16xi32>
        %gather3A_581 = tpu.vector_load_idx %arg8[%add3A_580] : memref<5152xi32, #tpu.memory_space<vmem>>[vector<16xi32>], vector<16xi32>,
        %sub3A_582 = arith.constant 1 : i32
        %sub3A_583 = vector.broadcast %sub3A_582 : i32 to vector<16xi32>
        %sub3A_584 = arith.subi %add3A_580, %sub3A_583 : vector<16xi32>
        %gather3A_585 = tpu.vector_load_idx %arg8[%sub3A_584] : memref<5152xi32, #tpu.memory_space<vmem>>[vector<16xi32>], vector<16xi32>,
        %add3A_586 = arith.constant 1 : i32
        %add3A_587 = vector.broadcast %add3A_586 : i32 to vector<16xi32>
        %add3A_588 = arith.addi %add3A_580, %add3A_587 : vector<16xi32>
        %gather3A_589 = tpu.vector_load_idx %arg8[%add3A_588] : memref<5152xi32, #tpu.memory_space<vmem>>[vector<16xi32>], vector<16xi32>,
        %shift_right_logical3A_590 = arith.constant 7 : i32
        %shift_right_logical3A_591 = vector.broadcast %shift_right_logical3A_590 : i32 to vector<16xi32>
        %shift_right_logical3A_592 = arith.shrui %gather3A_581, %shift_right_logical3A_591 : vector<16xi32>
        %and3A_593 = arith.constant 127 : i32
        %and3A_594 = vector.broadcast %and3A_593 : i32 to vector<16xi32>
        %and3A_595 = arith.andi %gather3A_581, %and3A_594 : vector<16xi32>
        %neg3A_596 = arith.constant 0.000000e+00 : f32
        %neg3A_597 = vector.broadcast %neg3A_596 : f32 to vector<16xf32>
        %neg3A_598 = arith.subf %neg3A_597, %sub3A_570 : vector<16xf32>
        %ne3A_599 = arith.cmpi ne, %gather3A_581, %gather3A_585 : vector<16xi32>
        tpu.vector_store_idx %arg16[%shift_right_logical3A_592, %and3A_595], %neg3A_598 masked %ne3A_599 {add = true} : memref<80x128xf32, #tpu.memory_space<vmem>>[vector<16xi32>, vector<16xi32>], vector<16xf32>, vector<16xi1>
        %ne3A_600 = arith.cmpi ne, %gather3A_581, %gather3A_589 : vector<16xi32>
        tpu.vector_store_idx %arg16[%shift_right_logical3A_592, %and3A_595], %add3A_569 masked %ne3A_600 {add = true} : memref<80x128xf32, #tpu.memory_space<vmem>>[vector<16xi32>, vector<16xi32>], vector<16xf32>, vector<16xi1>
        %add3A_601 = arith.constant 80 : i32
        %add3A_602 = arith.addi %mul3A_109, %add3A_601 : i32
        %get3A_603 = arith.index_cast %add3A_602 : i32 to index
        %get3A_604 = tpu.vector_load %arg14[%get3A_603] {strides = array<i32>} : memref<5120xf32, #tpu.memory_space<vmem>>, vector<16xf32>,
        %mul3A_605 = arith.constant 6.250000e-02 : f32
        %mul3A_606 = vector.broadcast %mul3A_605 : f32 to vector<16xf32>
        %mul3A_607 = arith.mulf %get3A_604, %mul3A_606 : vector<16xf32>
        %swap3A_608 = arith.index_cast %add3A_602 : i32 to index
        %swap3A_609 = tpu.vector_load %arg14[%swap3A_608] {strides = array<i32>} : memref<5120xf32, #tpu.memory_space<vmem>>, vector<16xf32>,
        tpu.vector_store %arg14[%swap3A_608], %mul3A_607 {strides = array<i32>} : memref<5120xf32, #tpu.memory_space<vmem>>, vector<16xf32>,
        %exp3A_610 = math.exp %mul3A_607 : vector<16xf32>
        %swap3A_611 = arith.index_cast %add3A_602 : i32 to index
        %swap3A_612 = tpu.vector_load %arg15[%swap3A_611] {strides = array<i32>} : memref<5120xf32, #tpu.memory_space<vmem>>, vector<16xf32>,
        tpu.vector_store %arg15[%swap3A_611], %exp3A_610 {strides = array<i32>} : memref<5120xf32, #tpu.memory_space<vmem>>, vector<16xf32>,
        %broadcast_in_dim3A_613 = arith.constant true
        %broadcast_in_dim3A_614 = vector.broadcast %broadcast_in_dim3A_613 : i1 to vector<16xi1>
        %masked_cumsum3A_615 = tpu.scan <sum>, %exp3A_610 masked %broadcast_in_dim3A_614 : vector<16xf32>, vector<16xi1> -> vector<16xf32>
        %add3A_616 = arith.addf %masked_cumsum3A_615, %add3A_576 : vector<16xf32>
        %sub3A_617 = arith.subf %add3A_616, %exp3A_610 : vector<16xf32>
        %reduce_sum3A_618 = arith.constant true
        %reduce_sum3A_619 = vector.broadcast %reduce_sum3A_618 : i1 to vector<16xi1>
        %reduce_sum3A_620 = tpu.scan <sum>, %exp3A_610 masked %reduce_sum3A_619 : vector<16xf32>, vector<16xi1> -> vector<16xf32>
        %reduce_sum3A_621 = vector.extract %reduce_sum3A_620[15] : f32 from vector<16xf32>
        %broadcast_in_dim3A_622 = vector.broadcast %reduce_sum3A_621 : f32 to vector<16xf32>
        %add3A_623 = arith.addf %add3A_576, %broadcast_in_dim3A_622 : vector<16xf32>
        %add3A_624 = arith.constant 8 : i32
        %add3A_625 = arith.addi %add3A_624, %add3A_602 : i32
        %add3A_626 = vector.broadcast %add3A_625 : i32 to vector<16xi32>
        %add3A_627 = arith.addi %iota3A, %add3A_626 : vector<16xi32>
        %gather3A_628 = tpu.vector_load_idx %arg8[%add3A_627] : memref<5152xi32, #tpu.memory_space<vmem>>[vector<16xi32>], vector<16xi32>,
        %sub3A_629 = arith.constant 1 : i32
        %sub3A_630 = vector.broadcast %sub3A_629 : i32 to vector<16xi32>
        %sub3A_631 = arith.subi %add3A_627, %sub3A_630 : vector<16xi32>
        %gather3A_632 = tpu.vector_load_idx %arg8[%sub3A_631] : memref<5152xi32, #tpu.memory_space<vmem>>[vector<16xi32>], vector<16xi32>,
        %add3A_633 = arith.constant 1 : i32
        %add3A_634 = vector.broadcast %add3A_633 : i32 to vector<16xi32>
        %add3A_635 = arith.addi %add3A_627, %add3A_634 : vector<16xi32>
        %gather3A_636 = tpu.vector_load_idx %arg8[%add3A_635] : memref<5152xi32, #tpu.memory_space<vmem>>[vector<16xi32>], vector<16xi32>,
        %shift_right_logical3A_637 = arith.constant 7 : i32
        %shift_right_logical3A_638 = vector.broadcast %shift_right_logical3A_637 : i32 to vector<16xi32>
        %shift_right_logical3A_639 = arith.shrui %gather3A_628, %shift_right_logical3A_638 : vector<16xi32>
        %and3A_640 = arith.constant 127 : i32
        %and3A_641 = vector.broadcast %and3A_640 : i32 to vector<16xi32>
        %and3A_642 = arith.andi %gather3A_628, %and3A_641 : vector<16xi32>
        %neg3A_643 = arith.constant 0.000000e+00 : f32
        %neg3A_644 = vector.broadcast %neg3A_643 : f32 to vector<16xf32>
        %neg3A_645 = arith.subf %neg3A_644, %sub3A_617 : vector<16xf32>
        %ne3A_646 = arith.cmpi ne, %gather3A_628, %gather3A_632 : vector<16xi32>
        tpu.vector_store_idx %arg16[%shift_right_logical3A_639, %and3A_642], %neg3A_645 masked %ne3A_646 {add = true} : memref<80x128xf32, #tpu.memory_space<vmem>>[vector<16xi32>, vector<16xi32>], vector<16xf32>, vector<16xi1>
        %ne3A_647 = arith.cmpi ne, %gather3A_628, %gather3A_636 : vector<16xi32>
        tpu.vector_store_idx %arg16[%shift_right_logical3A_639, %and3A_642], %add3A_616 masked %ne3A_647 {add = true} : memref<80x128xf32, #tpu.memory_space<vmem>>[vector<16xi32>, vector<16xi32>], vector<16xf32>, vector<16xi1>
        %add3A_648 = arith.constant 96 : i32
        %add3A_649 = arith.addi %mul3A_109, %add3A_648 : i32
        %get3A_650 = arith.index_cast %add3A_649 : i32 to index
        %get3A_651 = tpu.vector_load %arg14[%get3A_650] {strides = array<i32>} : memref<5120xf32, #tpu.memory_space<vmem>>, vector<16xf32>,
        %mul3A_652 = arith.constant 6.250000e-02 : f32
        %mul3A_653 = vector.broadcast %mul3A_652 : f32 to vector<16xf32>
        %mul3A_654 = arith.mulf %get3A_651, %mul3A_653 : vector<16xf32>
        %swap3A_655 = arith.index_cast %add3A_649 : i32 to index
        %swap3A_656 = tpu.vector_load %arg14[%swap3A_655] {strides = array<i32>} : memref<5120xf32, #tpu.memory_space<vmem>>, vector<16xf32>,
        tpu.vector_store %arg14[%swap3A_655], %mul3A_654 {strides = array<i32>} : memref<5120xf32, #tpu.memory_space<vmem>>, vector<16xf32>,
        %exp3A_657 = math.exp %mul3A_654 : vector<16xf32>
        %swap3A_658 = arith.index_cast %add3A_649 : i32 to index
        %swap3A_659 = tpu.vector_load %arg15[%swap3A_658] {strides = array<i32>} : memref<5120xf32, #tpu.memory_space<vmem>>, vector<16xf32>,
        tpu.vector_store %arg15[%swap3A_658], %exp3A_657 {strides = array<i32>} : memref<5120xf32, #tpu.memory_space<vmem>>, vector<16xf32>,
        %broadcast_in_dim3A_660 = arith.constant true
        %broadcast_in_dim3A_661 = vector.broadcast %broadcast_in_dim3A_660 : i1 to vector<16xi1>
        %masked_cumsum3A_662 = tpu.scan <sum>, %exp3A_657 masked %broadcast_in_dim3A_661 : vector<16xf32>, vector<16xi1> -> vector<16xf32>
        %add3A_663 = arith.addf %masked_cumsum3A_662, %add3A_623 : vector<16xf32>
        %sub3A_664 = arith.subf %add3A_663, %exp3A_657 : vector<16xf32>
        %reduce_sum3A_665 = arith.constant true
        %reduce_sum3A_666 = vector.broadcast %reduce_sum3A_665 : i1 to vector<16xi1>
        %reduce_sum3A_667 = tpu.scan <sum>, %exp3A_657 masked %reduce_sum3A_666 : vector<16xf32>, vector<16xi1> -> vector<16xf32>
        %reduce_sum3A_668 = vector.extract %reduce_sum3A_667[15] : f32 from vector<16xf32>
        %broadcast_in_dim3A_669 = vector.broadcast %reduce_sum3A_668 : f32 to vector<16xf32>
        %add3A_670 = arith.addf %add3A_623, %broadcast_in_dim3A_669 : vector<16xf32>
        %add3A_671 = arith.constant 8 : i32
        %add3A_672 = arith.addi %add3A_671, %add3A_649 : i32
        %add3A_673 = vector.broadcast %add3A_672 : i32 to vector<16xi32>
        %add3A_674 = arith.addi %iota3A, %add3A_673 : vector<16xi32>
        %gather3A_675 = tpu.vector_load_idx %arg8[%add3A_674] : memref<5152xi32, #tpu.memory_space<vmem>>[vector<16xi32>], vector<16xi32>,
        %sub3A_676 = arith.constant 1 : i32
        %sub3A_677 = vector.broadcast %sub3A_676 : i32 to vector<16xi32>
        %sub3A_678 = arith.subi %add3A_674, %sub3A_677 : vector<16xi32>
        %gather3A_679 = tpu.vector_load_idx %arg8[%sub3A_678] : memref<5152xi32, #tpu.memory_space<vmem>>[vector<16xi32>], vector<16xi32>,
        %add3A_680 = arith.constant 1 : i32
        %add3A_681 = vector.broadcast %add3A_680 : i32 to vector<16xi32>
        %add3A_682 = arith.addi %add3A_674, %add3A_681 : vector<16xi32>
        %gather3A_683 = tpu.vector_load_idx %arg8[%add3A_682] : memref<5152xi32, #tpu.memory_space<vmem>>[vector<16xi32>], vector<16xi32>,
        %shift_right_logical3A_684 = arith.constant 7 : i32
        %shift_right_logical3A_685 = vector.broadcast %shift_right_logical3A_684 : i32 to vector<16xi32>
        %shift_right_logical3A_686 = arith.shrui %gather3A_675, %shift_right_logical3A_685 : vector<16xi32>
        %and3A_687 = arith.constant 127 : i32
        %and3A_688 = vector.broadcast %and3A_687 : i32 to vector<16xi32>
        %and3A_689 = arith.andi %gather3A_675, %and3A_688 : vector<16xi32>
        %neg3A_690 = arith.constant 0.000000e+00 : f32
        %neg3A_691 = vector.broadcast %neg3A_690 : f32 to vector<16xf32>
        %neg3A_692 = arith.subf %neg3A_691, %sub3A_664 : vector<16xf32>
        %ne3A_693 = arith.cmpi ne, %gather3A_675, %gather3A_679 : vector<16xi32>
        tpu.vector_store_idx %arg16[%shift_right_logical3A_686, %and3A_689], %neg3A_692 masked %ne3A_693 {add = true} : memref<80x128xf32, #tpu.memory_space<vmem>>[vector<16xi32>, vector<16xi32>], vector<16xf32>, vector<16xi1>
        %ne3A_694 = arith.cmpi ne, %gather3A_675, %gather3A_683 : vector<16xi32>
        tpu.vector_store_idx %arg16[%shift_right_logical3A_686, %and3A_689], %add3A_663 masked %ne3A_694 {add = true} : memref<80x128xf32, #tpu.memory_space<vmem>>[vector<16xi32>, vector<16xi32>], vector<16xf32>, vector<16xi1>
        %add3A_695 = arith.constant 112 : i32
        %add3A_696 = arith.addi %mul3A_109, %add3A_695 : i32
        %get3A_697 = arith.index_cast %add3A_696 : i32 to index
        %get3A_698 = tpu.vector_load %arg14[%get3A_697] {strides = array<i32>} : memref<5120xf32, #tpu.memory_space<vmem>>, vector<16xf32>,
        %mul3A_699 = arith.constant 6.250000e-02 : f32
        %mul3A_700 = vector.broadcast %mul3A_699 : f32 to vector<16xf32>
        %mul3A_701 = arith.mulf %get3A_698, %mul3A_700 : vector<16xf32>
        %swap3A_702 = arith.index_cast %add3A_696 : i32 to index
        %swap3A_703 = tpu.vector_load %arg14[%swap3A_702] {strides = array<i32>} : memref<5120xf32, #tpu.memory_space<vmem>>, vector<16xf32>,
        tpu.vector_store %arg14[%swap3A_702], %mul3A_701 {strides = array<i32>} : memref<5120xf32, #tpu.memory_space<vmem>>, vector<16xf32>,
        %exp3A_704 = math.exp %mul3A_701 : vector<16xf32>
        %swap3A_705 = arith.index_cast %add3A_696 : i32 to index
        %swap3A_706 = tpu.vector_load %arg15[%swap3A_705] {strides = array<i32>} : memref<5120xf32, #tpu.memory_space<vmem>>, vector<16xf32>,
        tpu.vector_store %arg15[%swap3A_705], %exp3A_704 {strides = array<i32>} : memref<5120xf32, #tpu.memory_space<vmem>>, vector<16xf32>,
        %broadcast_in_dim3A_707 = arith.constant true
        %broadcast_in_dim3A_708 = vector.broadcast %broadcast_in_dim3A_707 : i1 to vector<16xi1>
        %masked_cumsum3A_709 = tpu.scan <sum>, %exp3A_704 masked %broadcast_in_dim3A_708 : vector<16xf32>, vector<16xi1> -> vector<16xf32>
        %add3A_710 = arith.addf %masked_cumsum3A_709, %add3A_670 : vector<16xf32>
        %sub3A_711 = arith.subf %add3A_710, %exp3A_704 : vector<16xf32>
        %reduce_sum3A_712 = arith.constant true
        %reduce_sum3A_713 = vector.broadcast %reduce_sum3A_712 : i1 to vector<16xi1>
        %reduce_sum3A_714 = tpu.scan <sum>, %exp3A_704 masked %reduce_sum3A_713 : vector<16xf32>, vector<16xi1> -> vector<16xf32>
        %reduce_sum3A_715 = vector.extract %reduce_sum3A_714[15] : f32 from vector<16xf32>
        %broadcast_in_dim3A_716 = vector.broadcast %reduce_sum3A_715 : f32 to vector<16xf32>
        %add3A_717 = arith.addf %add3A_670, %broadcast_in_dim3A_716 : vector<16xf32>
        %add3A_718 = arith.constant 8 : i32
        %add3A_719 = arith.addi %add3A_718, %add3A_696 : i32
        %add3A_720 = vector.broadcast %add3A_719 : i32 to vector<16xi32>
        %add3A_721 = arith.addi %iota3A, %add3A_720 : vector<16xi32>
        %gather3A_722 = tpu.vector_load_idx %arg8[%add3A_721] : memref<5152xi32, #tpu.memory_space<vmem>>[vector<16xi32>], vector<16xi32>,
        %sub3A_723 = arith.constant 1 : i32
        %sub3A_724 = vector.broadcast %sub3A_723 : i32 to vector<16xi32>
        %sub3A_725 = arith.subi %add3A_721, %sub3A_724 : vector<16xi32>
        %gather3A_726 = tpu.vector_load_idx %arg8[%sub3A_725] : memref<5152xi32, #tpu.memory_space<vmem>>[vector<16xi32>], vector<16xi32>,
        %add3A_727 = arith.constant 1 : i32
        %add3A_728 = vector.broadcast %add3A_727 : i32 to vector<16xi32>
        %add3A_729 = arith.addi %add3A_721, %add3A_728 : vector<16xi32>
        %gather3A_730 = tpu.vector_load_idx %arg8[%add3A_729] : memref<5152xi32, #tpu.memory_space<vmem>>[vector<16xi32>], vector<16xi32>,
        %shift_right_logical3A_731 = arith.constant 7 : i32
        %shift_right_logical3A_732 = vector.broadcast %shift_right_logical3A_731 : i32 to vector<16xi32>
        %shift_right_logical3A_733 = arith.shrui %gather3A_722, %shift_right_logical3A_732 : vector<16xi32>
        %and3A_734 = arith.constant 127 : i32
        %and3A_735 = vector.broadcast %and3A_734 : i32 to vector<16xi32>
        %and3A_736 = arith.andi %gather3A_722, %and3A_735 : vector<16xi32>
        %neg3A_737 = arith.constant 0.000000e+00 : f32
        %neg3A_738 = vector.broadcast %neg3A_737 : f32 to vector<16xf32>
        %neg3A_739 = arith.subf %neg3A_738, %sub3A_711 : vector<16xf32>
        %ne3A_740 = arith.cmpi ne, %gather3A_722, %gather3A_726 : vector<16xi32>
        tpu.vector_store_idx %arg16[%shift_right_logical3A_733, %and3A_736], %neg3A_739 masked %ne3A_740 {add = true} : memref<80x128xf32, #tpu.memory_space<vmem>>[vector<16xi32>, vector<16xi32>], vector<16xf32>, vector<16xi1>
        %ne3A_741 = arith.cmpi ne, %gather3A_722, %gather3A_730 : vector<16xi32>
        tpu.vector_store_idx %arg16[%shift_right_logical3A_733, %and3A_736], %add3A_710 masked %ne3A_741 {add = true} : memref<80x128xf32, #tpu.memory_space<vmem>>[vector<16xi32>, vector<16xi32>], vector<16xf32>, vector<16xi1>
        scf.yield %add3A_717 : vector<16xf32>
      } else {
        scf.yield %scan3A_91 : vector<16xf32>
      }
      %lt3A_103 = arith.cmpi slt, %add3A_97, %add3A_4 : i32
      %convert_element_type3A_104 = arith.extui %lt3A_103 : i1 to i32
      %cond3A_105 = arith.constant 0 : i32
      %cond3A_106 = arith.cmpi ne, %convert_element_type3A_104, %cond3A_105 : i32
      %cond3A_107 = scf.if %cond3A_106 -> (vector<16xf32>) {
        %mul3A_108 = arith.constant 128 : i32
        %mul3A_109 = arith.muli %add3A_97, %mul3A_108 : i32
        %add3A_110 = arith.constant 1 : i32
        %add3A_111 = arith.addi %add3A_97, %add3A_110 : i32
        %lt3A_112 = arith.cmpi slt, %add3A_111, %add3A_4 : i32
        %convert_element_type3A_113 = arith.extui %lt3A_112 : i1 to i32
        %cond3A_114 = arith.constant 0 : i32
        %cond3A_115 = arith.cmpi ne, %convert_element_type3A_113, %cond3A_114 : i32
        scf.if %cond3A_115 {
          %add3A_742 = arith.constant 1 : i32
          %add3A_743 = arith.addi %add3A_97, %add3A_742 : i32
          %mul3A_744 = arith.constant 128 : i32
          %mul3A_745 = arith.muli %add3A_743, %mul3A_744 : i32
          %add3A_746 = arith.addi %mul3A_10, %mul3A_745 : i32
          %dma_start3A_747 = arith.constant 0 : i32
          %dma_start3A_748 = tpu.memref_slice %arg3[%add3A_746, %dma_start3A_747] : memref<160000x256xf32, #tpu.memory_space<hbm>> -> memref<128x256xf32, #tpu.memory_space<hbm>>
          %dma_start3A_749 = arith.constant 0 : i32
          %dma_start3A_750 = tpu.memref_slice %arg3[%add3A_746, %dma_start3A_749] : memref<160000x256xf32, #tpu.memory_space<hbm>> -> memref<128x256xf32, #tpu.memory_space<hbm>>
          tpu.enqueue_dma source(%dma_start3A_750 : memref<128x256xf32, #tpu.memory_space<hbm>>) target(%arg9 : memref<128x256xf32, #tpu.memory_space<vmem>>) target_semaphore(%arg19 : memref<!tpu.dma_semaphore, #tpu.memory_space<semaphore_mem>>)
        } else {
        }
        %swap3A_116 = arith.constant 0 : index
        %swap3A_117 = tpu.vector_load %arg12[%swap3A_116] {strides = array<i32>} : memref<128xi32, #tpu.memory_space<vmem>>, vector<16xi32>,
        tpu.vector_store %arg12[%swap3A_116], %broadcast_in_dim3A_15 {strides = array<i32>} : memref<128xi32, #tpu.memory_space<vmem>>, vector<16xi32>,
        %swap3A_118 = arith.constant 16 : index
        %swap3A_119 = tpu.vector_load %arg12[%swap3A_118] {strides = array<i32>} : memref<128xi32, #tpu.memory_space<vmem>>, vector<16xi32>,
        tpu.vector_store %arg12[%swap3A_118], %broadcast_in_dim3A_15 {strides = array<i32>} : memref<128xi32, #tpu.memory_space<vmem>>, vector<16xi32>,
        %swap3A_120 = arith.constant 32 : index
        %swap3A_121 = tpu.vector_load %arg12[%swap3A_120] {strides = array<i32>} : memref<128xi32, #tpu.memory_space<vmem>>, vector<16xi32>,
        tpu.vector_store %arg12[%swap3A_120], %broadcast_in_dim3A_15 {strides = array<i32>} : memref<128xi32, #tpu.memory_space<vmem>>, vector<16xi32>,
        %swap3A_122 = arith.constant 48 : index
        %swap3A_123 = tpu.vector_load %arg12[%swap3A_122] {strides = array<i32>} : memref<128xi32, #tpu.memory_space<vmem>>, vector<16xi32>,
        tpu.vector_store %arg12[%swap3A_122], %broadcast_in_dim3A_15 {strides = array<i32>} : memref<128xi32, #tpu.memory_space<vmem>>, vector<16xi32>,
        %swap3A_124 = arith.constant 64 : index
        %swap3A_125 = tpu.vector_load %arg12[%swap3A_124] {strides = array<i32>} : memref<128xi32, #tpu.memory_space<vmem>>, vector<16xi32>,
        tpu.vector_store %arg12[%swap3A_124], %broadcast_in_dim3A_15 {strides = array<i32>} : memref<128xi32, #tpu.memory_space<vmem>>, vector<16xi32>,
        %swap3A_126 = arith.constant 80 : index
        %swap3A_127 = tpu.vector_load %arg12[%swap3A_126] {strides = array<i32>} : memref<128xi32, #tpu.memory_space<vmem>>, vector<16xi32>,
        tpu.vector_store %arg12[%swap3A_126], %broadcast_in_dim3A_15 {strides = array<i32>} : memref<128xi32, #tpu.memory_space<vmem>>, vector<16xi32>,
        %swap3A_128 = arith.constant 96 : index
        %swap3A_129 = tpu.vector_load %arg12[%swap3A_128] {strides = array<i32>} : memref<128xi32, #tpu.memory_space<vmem>>, vector<16xi32>,
        tpu.vector_store %arg12[%swap3A_128], %broadcast_in_dim3A_15 {strides = array<i32>} : memref<128xi32, #tpu.memory_space<vmem>>, vector<16xi32>,
        %swap3A_130 = arith.constant 112 : index
        %swap3A_131 = tpu.vector_load %arg12[%swap3A_130] {strides = array<i32>} : memref<128xi32, #tpu.memory_space<vmem>>, vector<16xi32>,
        tpu.vector_store %arg12[%swap3A_130], %broadcast_in_dim3A_15 {strides = array<i32>} : memref<128xi32, #tpu.memory_space<vmem>>, vector<16xi32>,
        %add3A_132 = arith.constant 0 : i32
        %add3A_133 = arith.addi %mul3A_109, %add3A_132 : i32
        %add3A_134 = arith.constant 8 : i32
        %add3A_135 = arith.addi %add3A_134, %add3A_133 : i32
        %get3A = arith.index_cast %add3A_135 : i32 to index
        %get3A_136 = tpu.vector_load %arg8[%get3A] {strides = array<i32>} : memref<5152xi32, #tpu.memory_space<vmem>>, vector<16xi32>,
        %add3A_137 = arith.constant 7 : i32
        %add3A_138 = arith.addi %add3A_137, %add3A_133 : i32
        %add3A_139 = vector.broadcast %add3A_138 : i32 to vector<16xi32>
        %add3A_140 = arith.addi %iota3A, %add3A_139 : vector<16xi32>
        %gather3A = tpu.vector_load_idx %arg8[%add3A_140] : memref<5152xi32, #tpu.memory_space<vmem>>[vector<16xi32>], vector<16xi32>,
        %ne3A = arith.cmpi ne, %get3A_136, %gather3A : vector<16xi32>
        %eq3A_141 = arith.constant 0 : i32
        %eq3A_142 = vector.broadcast %eq3A_141 : i32 to vector<16xi32>
        %eq3A_143 = arith.cmpi eq, %iota3A, %eq3A_142 : vector<16xi32>
        %or3A = arith.ori %ne3A, %eq3A_143 : vector<16xi1>
        %swap3A_144 = arith.constant 0 : i32
        %swap3A_145 = arith.index_cast %swap3A_144 : i32 to index
        %swap3A_146 = tpu.vector_load %arg12[%swap3A_145] masked %or3A {strides = array<i32>} : memref<128xi32, #tpu.memory_space<vmem>>, vector<16xi32>, vector<16xi1>
        tpu.vector_store %arg12[%swap3A_145], %get3A_136 masked %or3A {strides = array<i32>} : memref<128xi32, #tpu.memory_space<vmem>>, vector<16xi32>, vector<16xi1>
        %add3A_147 = arith.constant 0 : i32
        %add3A_148 = vector.broadcast %add3A_147 : i32 to vector<16xi32>
        %add3A_149 = arith.addi %iota3A, %add3A_148 : vector<16xi32>
        %swap3A_150 = arith.constant 0 : i32
        %swap3A_151 = arith.index_cast %swap3A_150 : i32 to index
        %swap3A_152 = tpu.vector_load %arg13[%swap3A_151] masked %or3A {strides = array<i32>} : memref<152xi32, #tpu.memory_space<vmem>>, vector<16xi32>, vector<16xi1>
        tpu.vector_store %arg13[%swap3A_151], %add3A_149 masked %or3A {strides = array<i32>} : memref<152xi32, #tpu.memory_space<vmem>>, vector<16xi32>, vector<16xi1>
        %convert_element_type3A_153 = arith.extui %or3A : vector<16xi1> to vector<16xi32>
        %reduce_sum3A = arith.constant true
        %reduce_sum3A_154 = vector.broadcast %reduce_sum3A : i1 to vector<16xi1>
        %reduce_sum3A_155 = tpu.scan <sum>, %convert_element_type3A_153 masked %reduce_sum3A_154 : vector<16xi32>, vector<16xi1> -> vector<16xi32>
        %reduce_sum3A_156 = vector.extract %reduce_sum3A_155[15] : i32 from vector<16xi32>
        %add3A_157 = arith.constant 0 : i32
        %add3A_158 = arith.addi %add3A_157, %reduce_sum3A_156 : i32
        %add3A_159 = arith.constant 16 : i32
        %add3A_160 = arith.addi %mul3A_109, %add3A_159 : i32
        %add3A_161 = arith.constant 8 : i32
        %add3A_162 = arith.addi %add3A_161, %add3A_160 : i32
        %get3A_163 = arith.index_cast %add3A_162 : i32 to index
        %get3A_164 = tpu.vector_load %arg8[%get3A_163] {strides = array<i32>} : memref<5152xi32, #tpu.memory_space<vmem>>, vector<16xi32>,
        %add3A_165 = arith.constant 7 : i32
        %add3A_166 = arith.addi %add3A_165, %add3A_160 : i32
        %add3A_167 = vector.broadcast %add3A_166 : i32 to vector<16xi32>
        %add3A_168 = arith.addi %iota3A, %add3A_167 : vector<16xi32>
        %gather3A_169 = tpu.vector_load_idx %arg8[%add3A_168] : memref<5152xi32, #tpu.memory_space<vmem>>[vector<16xi32>], vector<16xi32>,
        %ne3A_170 = arith.cmpi ne, %get3A_164, %gather3A_169 : vector<16xi32>
        %swap3A_171 = arith.index_cast %add3A_158 : i32 to index
        %swap3A_172 = tpu.vector_load %arg12[%swap3A_171] masked %ne3A_170 {strides = array<i32>} : memref<128xi32, #tpu.memory_space<vmem>>, vector<16xi32>, vector<16xi1>
        tpu.vector_store %arg12[%swap3A_171], %get3A_164 masked %ne3A_170 {strides = array<i32>} : memref<128xi32, #tpu.memory_space<vmem>>, vector<16xi32>, vector<16xi1>
        %add3A_173 = arith.constant 16 : i32
        %add3A_174 = vector.broadcast %add3A_173 : i32 to vector<16xi32>
        %add3A_175 = arith.addi %iota3A, %add3A_174 : vector<16xi32>
        %swap3A_176 = arith.index_cast %add3A_158 : i32 to index
        %swap3A_177 = tpu.vector_load %arg13[%swap3A_176] masked %ne3A_170 {strides = array<i32>} : memref<152xi32, #tpu.memory_space<vmem>>, vector<16xi32>, vector<16xi1>
        tpu.vector_store %arg13[%swap3A_176], %add3A_175 masked %ne3A_170 {strides = array<i32>} : memref<152xi32, #tpu.memory_space<vmem>>, vector<16xi32>, vector<16xi1>
        %convert_element_type3A_178 = arith.extui %ne3A_170 : vector<16xi1> to vector<16xi32>
        %reduce_sum3A_179 = arith.constant true
        %reduce_sum3A_180 = vector.broadcast %reduce_sum3A_179 : i1 to vector<16xi1>
        %reduce_sum3A_181 = tpu.scan <sum>, %convert_element_type3A_178 masked %reduce_sum3A_180 : vector<16xi32>, vector<16xi1> -> vector<16xi32>
        %reduce_sum3A_182 = vector.extract %reduce_sum3A_181[15] : i32 from vector<16xi32>
        %add3A_183 = arith.addi %add3A_158, %reduce_sum3A_182 : i32
        %add3A_184 = arith.constant 32 : i32
        %add3A_185 = arith.addi %mul3A_109, %add3A_184 : i32
        %add3A_186 = arith.constant 8 : i32
        %add3A_187 = arith.addi %add3A_186, %add3A_185 : i32
        %get3A_188 = arith.index_cast %add3A_187 : i32 to index
        %get3A_189 = tpu.vector_load %arg8[%get3A_188] {strides = array<i32>} : memref<5152xi32, #tpu.memory_space<vmem>>, vector<16xi32>,
        %add3A_190 = arith.constant 7 : i32
        %add3A_191 = arith.addi %add3A_190, %add3A_185 : i32
        %add3A_192 = vector.broadcast %add3A_191 : i32 to vector<16xi32>
        %add3A_193 = arith.addi %iota3A, %add3A_192 : vector<16xi32>
        %gather3A_194 = tpu.vector_load_idx %arg8[%add3A_193] : memref<5152xi32, #tpu.memory_space<vmem>>[vector<16xi32>], vector<16xi32>,
        %ne3A_195 = arith.cmpi ne, %get3A_189, %gather3A_194 : vector<16xi32>
        %swap3A_196 = arith.index_cast %add3A_183 : i32 to index
        %swap3A_197 = tpu.vector_load %arg12[%swap3A_196] masked %ne3A_195 {strides = array<i32>} : memref<128xi32, #tpu.memory_space<vmem>>, vector<16xi32>, vector<16xi1>
        tpu.vector_store %arg12[%swap3A_196], %get3A_189 masked %ne3A_195 {strides = array<i32>} : memref<128xi32, #tpu.memory_space<vmem>>, vector<16xi32>, vector<16xi1>
        %add3A_198 = arith.constant 32 : i32
        %add3A_199 = vector.broadcast %add3A_198 : i32 to vector<16xi32>
        %add3A_200 = arith.addi %iota3A, %add3A_199 : vector<16xi32>
        %swap3A_201 = arith.index_cast %add3A_183 : i32 to index
        %swap3A_202 = tpu.vector_load %arg13[%swap3A_201] masked %ne3A_195 {strides = array<i32>} : memref<152xi32, #tpu.memory_space<vmem>>, vector<16xi32>, vector<16xi1>
        tpu.vector_store %arg13[%swap3A_201], %add3A_200 masked %ne3A_195 {strides = array<i32>} : memref<152xi32, #tpu.memory_space<vmem>>, vector<16xi32>, vector<16xi1>
        %convert_element_type3A_203 = arith.extui %ne3A_195 : vector<16xi1> to vector<16xi32>
        %reduce_sum3A_204 = arith.constant true
        %reduce_sum3A_205 = vector.broadcast %reduce_sum3A_204 : i1 to vector<16xi1>
        %reduce_sum3A_206 = tpu.scan <sum>, %convert_element_type3A_203 masked %reduce_sum3A_205 : vector<16xi32>, vector<16xi1> -> vector<16xi32>
        %reduce_sum3A_207 = vector.extract %reduce_sum3A_206[15] : i32 from vector<16xi32>
        %add3A_208 = arith.addi %add3A_183, %reduce_sum3A_207 : i32
        %add3A_209 = arith.constant 48 : i32
        %add3A_210 = arith.addi %mul3A_109, %add3A_209 : i32
        %add3A_211 = arith.constant 8 : i32
        %add3A_212 = arith.addi %add3A_211, %add3A_210 : i32
        %get3A_213 = arith.index_cast %add3A_212 : i32 to index
        %get3A_214 = tpu.vector_load %arg8[%get3A_213] {strides = array<i32>} : memref<5152xi32, #tpu.memory_space<vmem>>, vector<16xi32>,
        %add3A_215 = arith.constant 7 : i32
        %add3A_216 = arith.addi %add3A_215, %add3A_210 : i32
        %add3A_217 = vector.broadcast %add3A_216 : i32 to vector<16xi32>
        %add3A_218 = arith.addi %iota3A, %add3A_217 : vector<16xi32>
        %gather3A_219 = tpu.vector_load_idx %arg8[%add3A_218] : memref<5152xi32, #tpu.memory_space<vmem>>[vector<16xi32>], vector<16xi32>,
        %ne3A_220 = arith.cmpi ne, %get3A_214, %gather3A_219 : vector<16xi32>
        %swap3A_221 = arith.index_cast %add3A_208 : i32 to index
        %swap3A_222 = tpu.vector_load %arg12[%swap3A_221] masked %ne3A_220 {strides = array<i32>} : memref<128xi32, #tpu.memory_space<vmem>>, vector<16xi32>, vector<16xi1>
        tpu.vector_store %arg12[%swap3A_221], %get3A_214 masked %ne3A_220 {strides = array<i32>} : memref<128xi32, #tpu.memory_space<vmem>>, vector<16xi32>, vector<16xi1>
        %add3A_223 = arith.constant 48 : i32
        %add3A_224 = vector.broadcast %add3A_223 : i32 to vector<16xi32>
        %add3A_225 = arith.addi %iota3A, %add3A_224 : vector<16xi32>
        %swap3A_226 = arith.index_cast %add3A_208 : i32 to index
        %swap3A_227 = tpu.vector_load %arg13[%swap3A_226] masked %ne3A_220 {strides = array<i32>} : memref<152xi32, #tpu.memory_space<vmem>>, vector<16xi32>, vector<16xi1>
        tpu.vector_store %arg13[%swap3A_226], %add3A_225 masked %ne3A_220 {strides = array<i32>} : memref<152xi32, #tpu.memory_space<vmem>>, vector<16xi32>, vector<16xi1>
        %convert_element_type3A_228 = arith.extui %ne3A_220 : vector<16xi1> to vector<16xi32>
        %reduce_sum3A_229 = arith.constant true
        %reduce_sum3A_230 = vector.broadcast %reduce_sum3A_229 : i1 to vector<16xi1>
        %reduce_sum3A_231 = tpu.scan <sum>, %convert_element_type3A_228 masked %reduce_sum3A_230 : vector<16xi32>, vector<16xi1> -> vector<16xi32>
        %reduce_sum3A_232 = vector.extract %reduce_sum3A_231[15] : i32 from vector<16xi32>
        %add3A_233 = arith.addi %add3A_208, %reduce_sum3A_232 : i32
        %add3A_234 = arith.constant 64 : i32
        %add3A_235 = arith.addi %mul3A_109, %add3A_234 : i32
        %add3A_236 = arith.constant 8 : i32
        %add3A_237 = arith.addi %add3A_236, %add3A_235 : i32
        %get3A_238 = arith.index_cast %add3A_237 : i32 to index
        %get3A_239 = tpu.vector_load %arg8[%get3A_238] {strides = array<i32>} : memref<5152xi32, #tpu.memory_space<vmem>>, vector<16xi32>,
        %add3A_240 = arith.constant 7 : i32
        %add3A_241 = arith.addi %add3A_240, %add3A_235 : i32
        %add3A_242 = vector.broadcast %add3A_241 : i32 to vector<16xi32>
        %add3A_243 = arith.addi %iota3A, %add3A_242 : vector<16xi32>
        %gather3A_244 = tpu.vector_load_idx %arg8[%add3A_243] : memref<5152xi32, #tpu.memory_space<vmem>>[vector<16xi32>], vector<16xi32>,
        %ne3A_245 = arith.cmpi ne, %get3A_239, %gather3A_244 : vector<16xi32>
        %swap3A_246 = arith.index_cast %add3A_233 : i32 to index
        %swap3A_247 = tpu.vector_load %arg12[%swap3A_246] masked %ne3A_245 {strides = array<i32>} : memref<128xi32, #tpu.memory_space<vmem>>, vector<16xi32>, vector<16xi1>
        tpu.vector_store %arg12[%swap3A_246], %get3A_239 masked %ne3A_245 {strides = array<i32>} : memref<128xi32, #tpu.memory_space<vmem>>, vector<16xi32>, vector<16xi1>
        %add3A_248 = arith.constant 64 : i32
        %add3A_249 = vector.broadcast %add3A_248 : i32 to vector<16xi32>
        %add3A_250 = arith.addi %iota3A, %add3A_249 : vector<16xi32>
        %swap3A_251 = arith.index_cast %add3A_233 : i32 to index
        %swap3A_252 = tpu.vector_load %arg13[%swap3A_251] masked %ne3A_245 {strides = array<i32>} : memref<152xi32, #tpu.memory_space<vmem>>, vector<16xi32>, vector<16xi1>
        tpu.vector_store %arg13[%swap3A_251], %add3A_250 masked %ne3A_245 {strides = array<i32>} : memref<152xi32, #tpu.memory_space<vmem>>, vector<16xi32>, vector<16xi1>
        %convert_element_type3A_253 = arith.extui %ne3A_245 : vector<16xi1> to vector<16xi32>
        %reduce_sum3A_254 = arith.constant true
        %reduce_sum3A_255 = vector.broadcast %reduce_sum3A_254 : i1 to vector<16xi1>
        %reduce_sum3A_256 = tpu.scan <sum>, %convert_element_type3A_253 masked %reduce_sum3A_255 : vector<16xi32>, vector<16xi1> -> vector<16xi32>
        %reduce_sum3A_257 = vector.extract %reduce_sum3A_256[15] : i32 from vector<16xi32>
        %add3A_258 = arith.addi %add3A_233, %reduce_sum3A_257 : i32
        %add3A_259 = arith.constant 80 : i32
        %add3A_260 = arith.addi %mul3A_109, %add3A_259 : i32
        %add3A_261 = arith.constant 8 : i32
        %add3A_262 = arith.addi %add3A_261, %add3A_260 : i32
        %get3A_263 = arith.index_cast %add3A_262 : i32 to index
        %get3A_264 = tpu.vector_load %arg8[%get3A_263] {strides = array<i32>} : memref<5152xi32, #tpu.memory_space<vmem>>, vector<16xi32>,
        %add3A_265 = arith.constant 7 : i32
        %add3A_266 = arith.addi %add3A_265, %add3A_260 : i32
        %add3A_267 = vector.broadcast %add3A_266 : i32 to vector<16xi32>
        %add3A_268 = arith.addi %iota3A, %add3A_267 : vector<16xi32>
        %gather3A_269 = tpu.vector_load_idx %arg8[%add3A_268] : memref<5152xi32, #tpu.memory_space<vmem>>[vector<16xi32>], vector<16xi32>,
        %ne3A_270 = arith.cmpi ne, %get3A_264, %gather3A_269 : vector<16xi32>
        %swap3A_271 = arith.index_cast %add3A_258 : i32 to index
        %swap3A_272 = tpu.vector_load %arg12[%swap3A_271] masked %ne3A_270 {strides = array<i32>} : memref<128xi32, #tpu.memory_space<vmem>>, vector<16xi32>, vector<16xi1>
        tpu.vector_store %arg12[%swap3A_271], %get3A_264 masked %ne3A_270 {strides = array<i32>} : memref<128xi32, #tpu.memory_space<vmem>>, vector<16xi32>, vector<16xi1>
        %add3A_273 = arith.constant 80 : i32
        %add3A_274 = vector.broadcast %add3A_273 : i32 to vector<16xi32>
        %add3A_275 = arith.addi %iota3A, %add3A_274 : vector<16xi32>
        %swap3A_276 = arith.index_cast %add3A_258 : i32 to index
        %swap3A_277 = tpu.vector_load %arg13[%swap3A_276] masked %ne3A_270 {strides = array<i32>} : memref<152xi32, #tpu.memory_space<vmem>>, vector<16xi32>, vector<16xi1>
        tpu.vector_store %arg13[%swap3A_276], %add3A_275 masked %ne3A_270 {strides = array<i32>} : memref<152xi32, #tpu.memory_space<vmem>>, vector<16xi32>, vector<16xi1>
        %convert_element_type3A_278 = arith.extui %ne3A_270 : vector<16xi1> to vector<16xi32>
        %reduce_sum3A_279 = arith.constant true
        %reduce_sum3A_280 = vector.broadcast %reduce_sum3A_279 : i1 to vector<16xi1>
        %reduce_sum3A_281 = tpu.scan <sum>, %convert_element_type3A_278 masked %reduce_sum3A_280 : vector<16xi32>, vector<16xi1> -> vector<16xi32>
        %reduce_sum3A_282 = vector.extract %reduce_sum3A_281[15] : i32 from vector<16xi32>
        %add3A_283 = arith.addi %add3A_258, %reduce_sum3A_282 : i32
        %add3A_284 = arith.constant 96 : i32
        %add3A_285 = arith.addi %mul3A_109, %add3A_284 : i32
        %add3A_286 = arith.constant 8 : i32
        %add3A_287 = arith.addi %add3A_286, %add3A_285 : i32
        %get3A_288 = arith.index_cast %add3A_287 : i32 to index
        %get3A_289 = tpu.vector_load %arg8[%get3A_288] {strides = array<i32>} : memref<5152xi32, #tpu.memory_space<vmem>>, vector<16xi32>,
        %add3A_290 = arith.constant 7 : i32
        %add3A_291 = arith.addi %add3A_290, %add3A_285 : i32
        %add3A_292 = vector.broadcast %add3A_291 : i32 to vector<16xi32>
        %add3A_293 = arith.addi %iota3A, %add3A_292 : vector<16xi32>
        %gather3A_294 = tpu.vector_load_idx %arg8[%add3A_293] : memref<5152xi32, #tpu.memory_space<vmem>>[vector<16xi32>], vector<16xi32>,
        %ne3A_295 = arith.cmpi ne, %get3A_289, %gather3A_294 : vector<16xi32>
        %swap3A_296 = arith.index_cast %add3A_283 : i32 to index
        %swap3A_297 = tpu.vector_load %arg12[%swap3A_296] masked %ne3A_295 {strides = array<i32>} : memref<128xi32, #tpu.memory_space<vmem>>, vector<16xi32>, vector<16xi1>
        tpu.vector_store %arg12[%swap3A_296], %get3A_289 masked %ne3A_295 {strides = array<i32>} : memref<128xi32, #tpu.memory_space<vmem>>, vector<16xi32>, vector<16xi1>
        %add3A_298 = arith.constant 96 : i32
        %add3A_299 = vector.broadcast %add3A_298 : i32 to vector<16xi32>
        %add3A_300 = arith.addi %iota3A, %add3A_299 : vector<16xi32>
        %swap3A_301 = arith.index_cast %add3A_283 : i32 to index
        %swap3A_302 = tpu.vector_load %arg13[%swap3A_301] masked %ne3A_295 {strides = array<i32>} : memref<152xi32, #tpu.memory_space<vmem>>, vector<16xi32>, vector<16xi1>
        tpu.vector_store %arg13[%swap3A_301], %add3A_300 masked %ne3A_295 {strides = array<i32>} : memref<152xi32, #tpu.memory_space<vmem>>, vector<16xi32>, vector<16xi1>
        %convert_element_type3A_303 = arith.extui %ne3A_295 : vector<16xi1> to vector<16xi32>
        %reduce_sum3A_304 = arith.constant true
        %reduce_sum3A_305 = vector.broadcast %reduce_sum3A_304 : i1 to vector<16xi1>
        %reduce_sum3A_306 = tpu.scan <sum>, %convert_element_type3A_303 masked %reduce_sum3A_305 : vector<16xi32>, vector<16xi1> -> vector<16xi32>
        %reduce_sum3A_307 = vector.extract %reduce_sum3A_306[15] : i32 from vector<16xi32>
        %add3A_308 = arith.addi %add3A_283, %reduce_sum3A_307 : i32
        %add3A_309 = arith.constant 112 : i32
        %add3A_310 = arith.addi %mul3A_109, %add3A_309 : i32
        %add3A_311 = arith.constant 8 : i32
        %add3A_312 = arith.addi %add3A_311, %add3A_310 : i32
        %get3A_313 = arith.index_cast %add3A_312 : i32 to index
        %get3A_314 = tpu.vector_load %arg8[%get3A_313] {strides = array<i32>} : memref<5152xi32, #tpu.memory_space<vmem>>, vector<16xi32>,
        %add3A_315 = arith.constant 7 : i32
        %add3A_316 = arith.addi %add3A_315, %add3A_310 : i32
        %add3A_317 = vector.broadcast %add3A_316 : i32 to vector<16xi32>
        %add3A_318 = arith.addi %iota3A, %add3A_317 : vector<16xi32>
        %gather3A_319 = tpu.vector_load_idx %arg8[%add3A_318] : memref<5152xi32, #tpu.memory_space<vmem>>[vector<16xi32>], vector<16xi32>,
        %ne3A_320 = arith.cmpi ne, %get3A_314, %gather3A_319 : vector<16xi32>
        %swap3A_321 = arith.index_cast %add3A_308 : i32 to index
        %swap3A_322 = tpu.vector_load %arg12[%swap3A_321] masked %ne3A_320 {strides = array<i32>} : memref<128xi32, #tpu.memory_space<vmem>>, vector<16xi32>, vector<16xi1>
        tpu.vector_store %arg12[%swap3A_321], %get3A_314 masked %ne3A_320 {strides = array<i32>} : memref<128xi32, #tpu.memory_space<vmem>>, vector<16xi32>, vector<16xi1>
        %add3A_323 = arith.constant 112 : i32
        %add3A_324 = vector.broadcast %add3A_323 : i32 to vector<16xi32>
        %add3A_325 = arith.addi %iota3A, %add3A_324 : vector<16xi32>
        %swap3A_326 = arith.index_cast %add3A_308 : i32 to index
        %swap3A_327 = tpu.vector_load %arg13[%swap3A_326] masked %ne3A_320 {strides = array<i32>} : memref<152xi32, #tpu.memory_space<vmem>>, vector<16xi32>, vector<16xi1>
        tpu.vector_store %arg13[%swap3A_326], %add3A_325 masked %ne3A_320 {strides = array<i32>} : memref<152xi32, #tpu.memory_space<vmem>>, vector<16xi32>, vector<16xi1>
        %convert_element_type3A_328 = arith.extui %ne3A_320 : vector<16xi1> to vector<16xi32>
        %reduce_sum3A_329 = arith.constant true
        %reduce_sum3A_330 = vector.broadcast %reduce_sum3A_329 : i1 to vector<16xi1>
        %reduce_sum3A_331 = tpu.scan <sum>, %convert_element_type3A_328 masked %reduce_sum3A_330 : vector<16xi32>, vector<16xi1> -> vector<16xi32>
        %reduce_sum3A_332 = vector.extract %reduce_sum3A_331[15] : i32 from vector<16xi32>
        %add3A_333 = arith.addi %add3A_308, %reduce_sum3A_332 : i32
        %broadcast_in_dim3A_334 = arith.constant 128 : i32
        %broadcast_in_dim3A_335 = vector.broadcast %broadcast_in_dim3A_334 : i32 to vector<16xi32>
        %swap3A_336 = arith.index_cast %add3A_333 : i32 to index
        %swap3A_337 = tpu.vector_load %arg13[%swap3A_336] {strides = array<i32>} : memref<152xi32, #tpu.memory_space<vmem>>, vector<16xi32>,
        tpu.vector_store %arg13[%swap3A_336], %broadcast_in_dim3A_335 {strides = array<i32>} : memref<152xi32, #tpu.memory_space<vmem>>, vector<16xi32>,
        %gt3A = arith.constant 0 : i32
        %gt3A_338 = arith.cmpi sgt, %add3A_333, %gt3A : i32
        %convert_element_type3A_339 = arith.extui %gt3A_338 : i1 to i32
        %cond3A_340 = arith.constant 0 : i32
        %cond3A_341 = arith.cmpi ne, %convert_element_type3A_339, %cond3A_340 : i32
        scf.if %cond3A_341 {
          %dma_start3A_742 = arith.constant 0 : i32
          %dma_start3A_743 = arith.constant 0 : i32
          %dma_start3A_744 = tpu.memref_slice %arg11[%dma_start3A_742, %dma_start3A_743] : memref<128x256xf32, #tpu.memory_space<vmem>> -> memref<32x256xf32, #tpu.memory_space<vmem>>
          %dma_start3A_745 = arith.constant 0 : i32
          %dma_start3A_746 = tpu.memref_slice %arg12[%dma_start3A_745] : memref<128xi32, #tpu.memory_space<vmem>> -> memref<32xi32, #tpu.memory_space<vmem>>
          %dma_start3A_747 = arith.constant 0 : i32
          %dma_start3A_748 = arith.constant 0 : i32
          %dma_start3A_749 = tpu.memref_slice %arg2[%dma_start3A_747, %dma_start3A_748] : memref<10000x256xf32, #tpu.memory_space<hbm>> -> memref<10000x256xf32, #tpu.memory_space<hbm>>
          tpu.enqueue_indirect_dma source(%dma_start3A_749 : memref<10000x256xf32, #tpu.memory_space<hbm>>) target(%dma_start3A_744 : memref<32x256xf32, #tpu.memory_space<vmem>>) offsets(%dma_start3A_746 : memref<32xi32, #tpu.memory_space<vmem>>) semaphore(%arg21 : memref<!tpu.dma_semaphore, #tpu.memory_space<semaphore_mem>>)
          %dma_wait3A_750 = arith.constant 0 : i32
          %dma_wait3A_751 = arith.constant 0 : i32
          %dma_wait3A_752 = tpu.memref_slice %arg11[%dma_wait3A_750, %dma_wait3A_751] : memref<128x256xf32, #tpu.memory_space<vmem>> -> memref<32x256xf32, #tpu.memory_space<vmem>>
          %dma_wait3A_753 = arith.constant 0 : i32
          %dma_wait3A_754 = tpu.memref_slice %arg12[%dma_wait3A_753] : memref<128xi32, #tpu.memory_space<vmem>> -> memref<32xi32, #tpu.memory_space<vmem>>
          %dma_wait3A_755 = arith.constant 0 : i32
          %dma_wait3A_756 = arith.constant 0 : i32
          %dma_wait3A_757 = tpu.memref_slice %arg2[%dma_wait3A_755, %dma_wait3A_756] : memref<10000x256xf32, #tpu.memory_space<hbm>> -> memref<10000x256xf32, #tpu.memory_space<hbm>>
          tpu.wait_indirect_dma semaphore(%arg21 : memref<!tpu.dma_semaphore, #tpu.memory_space<semaphore_mem>>) src(%dma_wait3A_757 : memref<10000x256xf32, #tpu.memory_space<hbm>>) dst(%dma_wait3A_752 : memref<32x256xf32, #tpu.memory_space<vmem>>)
        } else {
        }
        %gt3A_342 = arith.constant 32 : i32
        %gt3A_343 = arith.cmpi sgt, %add3A_333, %gt3A_342 : i32
        %convert_element_type3A_344 = arith.extui %gt3A_343 : i1 to i32
        %cond3A_345 = arith.constant 0 : i32
        %cond3A_346 = arith.cmpi ne, %convert_element_type3A_344, %cond3A_345 : i32
        scf.if %cond3A_346 {
          %dma_start3A_742 = arith.constant 32 : i32
          %dma_start3A_743 = arith.constant 0 : i32
          %dma_start3A_744 = tpu.memref_slice %arg11[%dma_start3A_742, %dma_start3A_743] : memref<128x256xf32, #tpu.memory_space<vmem>> -> memref<32x256xf32, #tpu.memory_space<vmem>>
          %dma_start3A_745 = arith.constant 32 : i32
          %dma_start3A_746 = tpu.memref_slice %arg12[%dma_start3A_745] : memref<128xi32, #tpu.memory_space<vmem>> -> memref<32xi32, #tpu.memory_space<vmem>>
          %dma_start3A_747 = arith.constant 0 : i32
          %dma_start3A_748 = arith.constant 0 : i32
          %dma_start3A_749 = tpu.memref_slice %arg2[%dma_start3A_747, %dma_start3A_748] : memref<10000x256xf32, #tpu.memory_space<hbm>> -> memref<10000x256xf32, #tpu.memory_space<hbm>>
          tpu.enqueue_indirect_dma source(%dma_start3A_749 : memref<10000x256xf32, #tpu.memory_space<hbm>>) target(%dma_start3A_744 : memref<32x256xf32, #tpu.memory_space<vmem>>) offsets(%dma_start3A_746 : memref<32xi32, #tpu.memory_space<vmem>>) semaphore(%arg21 : memref<!tpu.dma_semaphore, #tpu.memory_space<semaphore_mem>>)
          %dma_wait3A_750 = arith.constant 32 : i32
          %dma_wait3A_751 = arith.constant 0 : i32
          %dma_wait3A_752 = tpu.memref_slice %arg11[%dma_wait3A_750, %dma_wait3A_751] : memref<128x256xf32, #tpu.memory_space<vmem>> -> memref<32x256xf32, #tpu.memory_space<vmem>>
          %dma_wait3A_753 = arith.constant 32 : i32
          %dma_wait3A_754 = tpu.memref_slice %arg12[%dma_wait3A_753] : memref<128xi32, #tpu.memory_space<vmem>> -> memref<32xi32, #tpu.memory_space<vmem>>
          %dma_wait3A_755 = arith.constant 0 : i32
          %dma_wait3A_756 = arith.constant 0 : i32
          %dma_wait3A_757 = tpu.memref_slice %arg2[%dma_wait3A_755, %dma_wait3A_756] : memref<10000x256xf32, #tpu.memory_space<hbm>> -> memref<10000x256xf32, #tpu.memory_space<hbm>>
          tpu.wait_indirect_dma semaphore(%arg21 : memref<!tpu.dma_semaphore, #tpu.memory_space<semaphore_mem>>) src(%dma_wait3A_757 : memref<10000x256xf32, #tpu.memory_space<hbm>>) dst(%dma_wait3A_752 : memref<32x256xf32, #tpu.memory_space<vmem>>)
        } else {
        }
        %gt3A_347 = arith.constant 64 : i32
        %gt3A_348 = arith.cmpi sgt, %add3A_333, %gt3A_347 : i32
        %convert_element_type3A_349 = arith.extui %gt3A_348 : i1 to i32
        %cond3A_350 = arith.constant 0 : i32
        %cond3A_351 = arith.cmpi ne, %convert_element_type3A_349, %cond3A_350 : i32
        scf.if %cond3A_351 {
          %dma_start3A_742 = arith.constant 64 : i32
          %dma_start3A_743 = arith.constant 0 : i32
          %dma_start3A_744 = tpu.memref_slice %arg11[%dma_start3A_742, %dma_start3A_743] : memref<128x256xf32, #tpu.memory_space<vmem>> -> memref<32x256xf32, #tpu.memory_space<vmem>>
          %dma_start3A_745 = arith.constant 64 : i32
          %dma_start3A_746 = tpu.memref_slice %arg12[%dma_start3A_745] : memref<128xi32, #tpu.memory_space<vmem>> -> memref<32xi32, #tpu.memory_space<vmem>>
          %dma_start3A_747 = arith.constant 0 : i32
          %dma_start3A_748 = arith.constant 0 : i32
          %dma_start3A_749 = tpu.memref_slice %arg2[%dma_start3A_747, %dma_start3A_748] : memref<10000x256xf32, #tpu.memory_space<hbm>> -> memref<10000x256xf32, #tpu.memory_space<hbm>>
          tpu.enqueue_indirect_dma source(%dma_start3A_749 : memref<10000x256xf32, #tpu.memory_space<hbm>>) target(%dma_start3A_744 : memref<32x256xf32, #tpu.memory_space<vmem>>) offsets(%dma_start3A_746 : memref<32xi32, #tpu.memory_space<vmem>>) semaphore(%arg21 : memref<!tpu.dma_semaphore, #tpu.memory_space<semaphore_mem>>)
          %dma_wait3A_750 = arith.constant 64 : i32
          %dma_wait3A_751 = arith.constant 0 : i32
          %dma_wait3A_752 = tpu.memref_slice %arg11[%dma_wait3A_750, %dma_wait3A_751] : memref<128x256xf32, #tpu.memory_space<vmem>> -> memref<32x256xf32, #tpu.memory_space<vmem>>
          %dma_wait3A_753 = arith.constant 64 : i32
          %dma_wait3A_754 = tpu.memref_slice %arg12[%dma_wait3A_753] : memref<128xi32, #tpu.memory_space<vmem>> -> memref<32xi32, #tpu.memory_space<vmem>>
          %dma_wait3A_755 = arith.constant 0 : i32
          %dma_wait3A_756 = arith.constant 0 : i32
          %dma_wait3A_757 = tpu.memref_slice %arg2[%dma_wait3A_755, %dma_wait3A_756] : memref<10000x256xf32, #tpu.memory_space<hbm>> -> memref<10000x256xf32, #tpu.memory_space<hbm>>
          tpu.wait_indirect_dma semaphore(%arg21 : memref<!tpu.dma_semaphore, #tpu.memory_space<semaphore_mem>>) src(%dma_wait3A_757 : memref<10000x256xf32, #tpu.memory_space<hbm>>) dst(%dma_wait3A_752 : memref<32x256xf32, #tpu.memory_space<vmem>>)
        } else {
        }
        %gt3A_352 = arith.constant 96 : i32
        %gt3A_353 = arith.cmpi sgt, %add3A_333, %gt3A_352 : i32
        %convert_element_type3A_354 = arith.extui %gt3A_353 : i1 to i32
        %cond3A_355 = arith.constant 0 : i32
        %cond3A_356 = arith.cmpi ne, %convert_element_type3A_354, %cond3A_355 : i32
        scf.if %cond3A_356 {
          %dma_start3A_742 = arith.constant 96 : i32
          %dma_start3A_743 = arith.constant 0 : i32
          %dma_start3A_744 = tpu.memref_slice %arg11[%dma_start3A_742, %dma_start3A_743] : memref<128x256xf32, #tpu.memory_space<vmem>> -> memref<32x256xf32, #tpu.memory_space<vmem>>
          %dma_start3A_745 = arith.constant 96 : i32
          %dma_start3A_746 = tpu.memref_slice %arg12[%dma_start3A_745] : memref<128xi32, #tpu.memory_space<vmem>> -> memref<32xi32, #tpu.memory_space<vmem>>
          %dma_start3A_747 = arith.constant 0 : i32
          %dma_start3A_748 = arith.constant 0 : i32
          %dma_start3A_749 = tpu.memref_slice %arg2[%dma_start3A_747, %dma_start3A_748] : memref<10000x256xf32, #tpu.memory_space<hbm>> -> memref<10000x256xf32, #tpu.memory_space<hbm>>
          tpu.enqueue_indirect_dma source(%dma_start3A_749 : memref<10000x256xf32, #tpu.memory_space<hbm>>) target(%dma_start3A_744 : memref<32x256xf32, #tpu.memory_space<vmem>>) offsets(%dma_start3A_746 : memref<32xi32, #tpu.memory_space<vmem>>) semaphore(%arg21 : memref<!tpu.dma_semaphore, #tpu.memory_space<semaphore_mem>>)
          %dma_wait3A_750 = arith.constant 96 : i32
          %dma_wait3A_751 = arith.constant 0 : i32
          %dma_wait3A_752 = tpu.memref_slice %arg11[%dma_wait3A_750, %dma_wait3A_751] : memref<128x256xf32, #tpu.memory_space<vmem>> -> memref<32x256xf32, #tpu.memory_space<vmem>>
          %dma_wait3A_753 = arith.constant 96 : i32
          %dma_wait3A_754 = tpu.memref_slice %arg12[%dma_wait3A_753] : memref<128xi32, #tpu.memory_space<vmem>> -> memref<32xi32, #tpu.memory_space<vmem>>
          %dma_wait3A_755 = arith.constant 0 : i32
          %dma_wait3A_756 = arith.constant 0 : i32
          %dma_wait3A_757 = tpu.memref_slice %arg2[%dma_wait3A_755, %dma_wait3A_756] : memref<10000x256xf32, #tpu.memory_space<hbm>> -> memref<10000x256xf32, #tpu.memory_space<hbm>>
          tpu.wait_indirect_dma semaphore(%arg21 : memref<!tpu.dma_semaphore, #tpu.memory_space<semaphore_mem>>) src(%dma_wait3A_757 : memref<10000x256xf32, #tpu.memory_space<hbm>>) dst(%dma_wait3A_752 : memref<32x256xf32, #tpu.memory_space<vmem>>)
        } else {
        }
        %add3A_357 = arith.addi %mul3A_10, %mul3A_109 : i32
        %dma_wait3A = arith.constant 0 : i32
        %dma_wait3A_358 = tpu.memref_slice %arg3[%add3A_357, %dma_wait3A] : memref<160000x256xf32, #tpu.memory_space<hbm>> -> memref<128x256xf32, #tpu.memory_space<hbm>>
        %dma_wait3A_359 = arith.constant 0 : i32
        %dma_wait3A_360 = tpu.memref_slice %arg3[%add3A_357, %dma_wait3A_359] : memref<160000x256xf32, #tpu.memory_space<hbm>> -> memref<128x256xf32, #tpu.memory_space<hbm>>
        tpu.wait_dma2 semaphore(%arg20 : memref<!tpu.dma_semaphore, #tpu.memory_space<semaphore_mem>>) src(%dma_wait3A_360 : memref<128x256xf32, #tpu.memory_space<hbm>>) dst(%arg10 : memref<128x256xf32, #tpu.memory_space<vmem>>)
        %while3A = arith.constant 0 : i32
        %while3A_361 = arith.constant 0 : i32
        %while3A_362 = arith.subi %add3A_333, %while3A : i32
        %while3A_363 = arith.addi %while3A, %while3A_362 : i32
        %while3A_364 = arith.constant 1 : i32
        %while3A_365 = arith.divsi %while3A_362, %while3A_364 : i32
        %while3A_366 = arith.muli %while3A_365, %while3A_364 : i32
        %while3A_367 = arith.addi %while3A, %while3A_366 : i32
        %while3A_368 = arith.constant 1 : i32
        %while3A_369 = scf.for %while3A_742 = %while3A to %while3A_367 step %while3A_368 iter_args(%while3A_743 = %while3A_361) -> (i32)  : i32 {
          %get3A_744 = arith.index_cast %while3A_742 : i32 to index
          %get3A_745 = tpu.vector_load %arg13[%get3A_744] {strides = array<i32>} : memref<152xi32, #tpu.memory_space<vmem>>, vector<16xi32>,
          %slice3A = vector.extract_strided_slice %get3A_745 {offsets = [0], sizes = [1], strides = [1]} : vector<16xi32> to vector<1xi32>
          %squeeze3A = vector.extract %slice3A[0] : i32 from vector<1xi32>
          %slice3A_746 = vector.extract_strided_slice %get3A_745 {offsets = [1], sizes = [1], strides = [1]} : vector<16xi32> to vector<1xi32>
          %squeeze3A_747 = vector.extract %slice3A_746[0] : i32 from vector<1xi32>
          %get3A_748 = arith.index_cast %while3A_742 : i32 to index
          %get3A_749 = arith.constant 0 : index
          %get3A_750 = tpu.vector_load %arg11[%get3A_748, %get3A_749] {strides = array<i32>} : memref<128x256xf32, #tpu.memory_space<vmem>>, vector<16xf32>,
          %get3A_751 = arith.index_cast %while3A_742 : i32 to index
          %get3A_752 = arith.constant 16 : index
          %get3A_753 = tpu.vector_load %arg11[%get3A_751, %get3A_752] {strides = array<i32>} : memref<128x256xf32, #tpu.memory_space<vmem>>, vector<16xf32>,
          %get3A_754 = arith.index_cast %while3A_742 : i32 to index
          %get3A_755 = arith.constant 32 : index
          %get3A_756 = tpu.vector_load %arg11[%get3A_754, %get3A_755] {strides = array<i32>} : memref<128x256xf32, #tpu.memory_space<vmem>>, vector<16xf32>,
          %get3A_757 = arith.index_cast %while3A_742 : i32 to index
          %get3A_758 = arith.constant 48 : index
          %get3A_759 = tpu.vector_load %arg11[%get3A_757, %get3A_758] {strides = array<i32>} : memref<128x256xf32, #tpu.memory_space<vmem>>, vector<16xf32>,
          %get3A_760 = arith.index_cast %while3A_742 : i32 to index
          %get3A_761 = arith.constant 64 : index
          %get3A_762 = tpu.vector_load %arg11[%get3A_760, %get3A_761] {strides = array<i32>} : memref<128x256xf32, #tpu.memory_space<vmem>>, vector<16xf32>,
          %get3A_763 = arith.index_cast %while3A_742 : i32 to index
          %get3A_764 = arith.constant 80 : index
          %get3A_765 = tpu.vector_load %arg11[%get3A_763, %get3A_764] {strides = array<i32>} : memref<128x256xf32, #tpu.memory_space<vmem>>, vector<16xf32>,
          %get3A_766 = arith.index_cast %while3A_742 : i32 to index
          %get3A_767 = arith.constant 96 : index
          %get3A_768 = tpu.vector_load %arg11[%get3A_766, %get3A_767] {strides = array<i32>} : memref<128x256xf32, #tpu.memory_space<vmem>>, vector<16xf32>,
          %get3A_769 = arith.index_cast %while3A_742 : i32 to index
          %get3A_770 = arith.constant 112 : index
          %get3A_771 = tpu.vector_load %arg11[%get3A_769, %get3A_770] {strides = array<i32>} : memref<128x256xf32, #tpu.memory_space<vmem>>, vector<16xf32>,
          %get3A_772 = arith.index_cast %while3A_742 : i32 to index
          %get3A_773 = arith.constant 128 : index
          %get3A_774 = tpu.vector_load %arg11[%get3A_772, %get3A_773] {strides = array<i32>} : memref<128x256xf32, #tpu.memory_space<vmem>>, vector<16xf32>,
          %get3A_775 = arith.index_cast %while3A_742 : i32 to index
          %get3A_776 = arith.constant 144 : index
          %get3A_777 = tpu.vector_load %arg11[%get3A_775, %get3A_776] {strides = array<i32>} : memref<128x256xf32, #tpu.memory_space<vmem>>, vector<16xf32>,
          %get3A_778 = arith.index_cast %while3A_742 : i32 to index
          %get3A_779 = arith.constant 160 : index
          %get3A_780 = tpu.vector_load %arg11[%get3A_778, %get3A_779] {strides = array<i32>} : memref<128x256xf32, #tpu.memory_space<vmem>>, vector<16xf32>,
          %get3A_781 = arith.index_cast %while3A_742 : i32 to index
          %get3A_782 = arith.constant 176 : index
          %get3A_783 = tpu.vector_load %arg11[%get3A_781, %get3A_782] {strides = array<i32>} : memref<128x256xf32, #tpu.memory_space<vmem>>, vector<16xf32>,
          %get3A_784 = arith.index_cast %while3A_742 : i32 to index
          %get3A_785 = arith.constant 192 : index
          %get3A_786 = tpu.vector_load %arg11[%get3A_784, %get3A_785] {strides = array<i32>} : memref<128x256xf32, #tpu.memory_space<vmem>>, vector<16xf32>,
          %get3A_787 = arith.index_cast %while3A_742 : i32 to index
          %get3A_788 = arith.constant 208 : index
          %get3A_789 = tpu.vector_load %arg11[%get3A_787, %get3A_788] {strides = array<i32>} : memref<128x256xf32, #tpu.memory_space<vmem>>, vector<16xf32>,
          %get3A_790 = arith.index_cast %while3A_742 : i32 to index
          %get3A_791 = arith.constant 224 : index
          %get3A_792 = tpu.vector_load %arg11[%get3A_790, %get3A_791] {strides = array<i32>} : memref<128x256xf32, #tpu.memory_space<vmem>>, vector<16xf32>,
          %get3A_793 = arith.index_cast %while3A_742 : i32 to index
          %get3A_794 = arith.constant 240 : index
          %get3A_795 = tpu.vector_load %arg11[%get3A_793, %get3A_794] {strides = array<i32>} : memref<128x256xf32, #tpu.memory_space<vmem>>, vector<16xf32>,
          %while3A_796 = arith.constant 0 : i32
          %while3A_797 = arith.subi %squeeze3A_747, %squeeze3A : i32
          %while3A_798 = arith.addi %squeeze3A, %while3A_797 : i32
          %while3A_799 = arith.constant 1 : i32
          %while3A_800 = arith.divsi %while3A_797, %while3A_799 : i32
          %while3A_801 = arith.muli %while3A_800, %while3A_799 : i32
          %while3A_802 = arith.addi %squeeze3A, %while3A_801 : i32
          %while3A_803 = arith.constant 1 : i32
          %while3A_804 = scf.for %while3A_808 = %squeeze3A to %while3A_802 step %while3A_803 iter_args(%while3A_809 = %while3A_796) -> (i32)  : i32 {
            %get3A_810 = arith.index_cast %while3A_808 : i32 to index
            %get3A_811 = arith.constant 0 : index
            %get3A_812 = tpu.vector_load %arg10[%get3A_810, %get3A_811] {strides = array<i32>} : memref<128x256xf32, #tpu.memory_space<vmem>>, vector<16xf32>,
            %mul3A_813 = arith.mulf %get3A_812, %get3A_750 : vector<16xf32>
            %get3A_814 = arith.index_cast %while3A_808 : i32 to index
            %get3A_815 = arith.constant 16 : index
            %get3A_816 = tpu.vector_load %arg10[%get3A_814, %get3A_815] {strides = array<i32>} : memref<128x256xf32, #tpu.memory_space<vmem>>, vector<16xf32>,
            %mul3A_817 = arith.mulf %get3A_816, %get3A_753 : vector<16xf32>
            %add3A_818 = arith.addf %mul3A_813, %mul3A_817 : vector<16xf32>
            %get3A_819 = arith.index_cast %while3A_808 : i32 to index
            %get3A_820 = arith.constant 32 : index
            %get3A_821 = tpu.vector_load %arg10[%get3A_819, %get3A_820] {strides = array<i32>} : memref<128x256xf32, #tpu.memory_space<vmem>>, vector<16xf32>,
            %mul3A_822 = arith.mulf %get3A_821, %get3A_756 : vector<16xf32>
            %add3A_823 = arith.addf %add3A_818, %mul3A_822 : vector<16xf32>
            %get3A_824 = arith.index_cast %while3A_808 : i32 to index
            %get3A_825 = arith.constant 48 : index
            %get3A_826 = tpu.vector_load %arg10[%get3A_824, %get3A_825] {strides = array<i32>} : memref<128x256xf32, #tpu.memory_space<vmem>>, vector<16xf32>,
            %mul3A_827 = arith.mulf %get3A_826, %get3A_759 : vector<16xf32>
            %add3A_828 = arith.addf %add3A_823, %mul3A_827 : vector<16xf32>
            %get3A_829 = arith.index_cast %while3A_808 : i32 to index
            %get3A_830 = arith.constant 64 : index
            %get3A_831 = tpu.vector_load %arg10[%get3A_829, %get3A_830] {strides = array<i32>} : memref<128x256xf32, #tpu.memory_space<vmem>>, vector<16xf32>,
            %mul3A_832 = arith.mulf %get3A_831, %get3A_762 : vector<16xf32>
            %add3A_833 = arith.addf %add3A_828, %mul3A_832 : vector<16xf32>
            %get3A_834 = arith.index_cast %while3A_808 : i32 to index
            %get3A_835 = arith.constant 80 : index
            %get3A_836 = tpu.vector_load %arg10[%get3A_834, %get3A_835] {strides = array<i32>} : memref<128x256xf32, #tpu.memory_space<vmem>>, vector<16xf32>,
            %mul3A_837 = arith.mulf %get3A_836, %get3A_765 : vector<16xf32>
            %add3A_838 = arith.addf %add3A_833, %mul3A_837 : vector<16xf32>
            %get3A_839 = arith.index_cast %while3A_808 : i32 to index
            %get3A_840 = arith.constant 96 : index
            %get3A_841 = tpu.vector_load %arg10[%get3A_839, %get3A_840] {strides = array<i32>} : memref<128x256xf32, #tpu.memory_space<vmem>>, vector<16xf32>,
            %mul3A_842 = arith.mulf %get3A_841, %get3A_768 : vector<16xf32>
            %add3A_843 = arith.addf %add3A_838, %mul3A_842 : vector<16xf32>
            %get3A_844 = arith.index_cast %while3A_808 : i32 to index
            %get3A_845 = arith.constant 112 : index
            %get3A_846 = tpu.vector_load %arg10[%get3A_844, %get3A_845] {strides = array<i32>} : memref<128x256xf32, #tpu.memory_space<vmem>>, vector<16xf32>,
            %mul3A_847 = arith.mulf %get3A_846, %get3A_771 : vector<16xf32>
            %add3A_848 = arith.addf %add3A_843, %mul3A_847 : vector<16xf32>
            %get3A_849 = arith.index_cast %while3A_808 : i32 to index
            %get3A_850 = arith.constant 128 : index
            %get3A_851 = tpu.vector_load %arg10[%get3A_849, %get3A_850] {strides = array<i32>} : memref<128x256xf32, #tpu.memory_space<vmem>>, vector<16xf32>,
            %mul3A_852 = arith.mulf %get3A_851, %get3A_774 : vector<16xf32>
            %add3A_853 = arith.addf %add3A_848, %mul3A_852 : vector<16xf32>
            %get3A_854 = arith.index_cast %while3A_808 : i32 to index
            %get3A_855 = arith.constant 144 : index
            %get3A_856 = tpu.vector_load %arg10[%get3A_854, %get3A_855] {strides = array<i32>} : memref<128x256xf32, #tpu.memory_space<vmem>>, vector<16xf32>,
            %mul3A_857 = arith.mulf %get3A_856, %get3A_777 : vector<16xf32>
            %add3A_858 = arith.addf %add3A_853, %mul3A_857 : vector<16xf32>
            %get3A_859 = arith.index_cast %while3A_808 : i32 to index
            %get3A_860 = arith.constant 160 : index
            %get3A_861 = tpu.vector_load %arg10[%get3A_859, %get3A_860] {strides = array<i32>} : memref<128x256xf32, #tpu.memory_space<vmem>>, vector<16xf32>,
            %mul3A_862 = arith.mulf %get3A_861, %get3A_780 : vector<16xf32>
            %add3A_863 = arith.addf %add3A_858, %mul3A_862 : vector<16xf32>
            %get3A_864 = arith.index_cast %while3A_808 : i32 to index
            %get3A_865 = arith.constant 176 : index
            %get3A_866 = tpu.vector_load %arg10[%get3A_864, %get3A_865] {strides = array<i32>} : memref<128x256xf32, #tpu.memory_space<vmem>>, vector<16xf32>,
            %mul3A_867 = arith.mulf %get3A_866, %get3A_783 : vector<16xf32>
            %add3A_868 = arith.addf %add3A_863, %mul3A_867 : vector<16xf32>
            %get3A_869 = arith.index_cast %while3A_808 : i32 to index
            %get3A_870 = arith.constant 192 : index
            %get3A_871 = tpu.vector_load %arg10[%get3A_869, %get3A_870] {strides = array<i32>} : memref<128x256xf32, #tpu.memory_space<vmem>>, vector<16xf32>,
            %mul3A_872 = arith.mulf %get3A_871, %get3A_786 : vector<16xf32>
            %add3A_873 = arith.addf %add3A_868, %mul3A_872 : vector<16xf32>
            %get3A_874 = arith.index_cast %while3A_808 : i32 to index
            %get3A_875 = arith.constant 208 : index
            %get3A_876 = tpu.vector_load %arg10[%get3A_874, %get3A_875] {strides = array<i32>} : memref<128x256xf32, #tpu.memory_space<vmem>>, vector<16xf32>,
            %mul3A_877 = arith.mulf %get3A_876, %get3A_789 : vector<16xf32>
            %add3A_878 = arith.addf %add3A_873, %mul3A_877 : vector<16xf32>
            %get3A_879 = arith.index_cast %while3A_808 : i32 to index
            %get3A_880 = arith.constant 224 : index
            %get3A_881 = tpu.vector_load %arg10[%get3A_879, %get3A_880] {strides = array<i32>} : memref<128x256xf32, #tpu.memory_space<vmem>>, vector<16xf32>,
            %mul3A_882 = arith.mulf %get3A_881, %get3A_792 : vector<16xf32>
            %add3A_883 = arith.addf %add3A_878, %mul3A_882 : vector<16xf32>
            %get3A_884 = arith.index_cast %while3A_808 : i32 to index
            %get3A_885 = arith.constant 240 : index
            %get3A_886 = tpu.vector_load %arg10[%get3A_884, %get3A_885] {strides = array<i32>} : memref<128x256xf32, #tpu.memory_space<vmem>>, vector<16xf32>,
            %mul3A_887 = arith.mulf %get3A_886, %get3A_795 : vector<16xf32>
            %add3A_888 = arith.addf %add3A_883, %mul3A_887 : vector<16xf32>
            %add3A_889 = arith.addi %mul3A_109, %while3A_808 : i32
            %broadcast_in_dim3A_890 = vector.broadcast %add3A_889 : i32 to vector<16xi32>
            %reduce_sum3A_891 = arith.constant true
            %reduce_sum3A_892 = vector.broadcast %reduce_sum3A_891 : i1 to vector<16xi1>
            %reduce_sum3A_893 = tpu.scan <sum>, %add3A_888 masked %reduce_sum3A_892 : vector<16xf32>, vector<16xi1> -> vector<16xf32>
            %reduce_sum3A_894 = vector.extract %reduce_sum3A_893[15] : f32 from vector<16xf32>
            %broadcast_in_dim3A_895 = vector.broadcast %reduce_sum3A_894 : f32 to vector<16xf32>
            tpu.vector_store_idx %arg14[%broadcast_in_dim3A_890], %broadcast_in_dim3A_895 masked %eq3A_70 : memref<5120xf32, #tpu.memory_space<vmem>>[vector<16xi32>], vector<16xf32>, vector<16xi1>
            %while3A_896 = arith.constant 0 : i32
            scf.yield %while3A_896 : i32
          }
          %while3A_805 = arith.constant 1 : i32
          %while3A_806 = scf.for %while3A_808 = %while3A_802 to %while3A_798 step %while3A_805 iter_args(%while3A_809 = %while3A_804) -> (i32)  : i32 {
            %get3A_810 = arith.index_cast %while3A_808 : i32 to index
            %get3A_811 = arith.constant 0 : index
            %get3A_812 = tpu.vector_load %arg10[%get3A_810, %get3A_811] {strides = array<i32>} : memref<128x256xf32, #tpu.memory_space<vmem>>, vector<16xf32>,
            %mul3A_813 = arith.mulf %get3A_812, %get3A_750 : vector<16xf32>
            %get3A_814 = arith.index_cast %while3A_808 : i32 to index
            %get3A_815 = arith.constant 16 : index
            %get3A_816 = tpu.vector_load %arg10[%get3A_814, %get3A_815] {strides = array<i32>} : memref<128x256xf32, #tpu.memory_space<vmem>>, vector<16xf32>,
            %mul3A_817 = arith.mulf %get3A_816, %get3A_753 : vector<16xf32>
            %add3A_818 = arith.addf %mul3A_813, %mul3A_817 : vector<16xf32>
            %get3A_819 = arith.index_cast %while3A_808 : i32 to index
            %get3A_820 = arith.constant 32 : index
            %get3A_821 = tpu.vector_load %arg10[%get3A_819, %get3A_820] {strides = array<i32>} : memref<128x256xf32, #tpu.memory_space<vmem>>, vector<16xf32>,
            %mul3A_822 = arith.mulf %get3A_821, %get3A_756 : vector<16xf32>
            %add3A_823 = arith.addf %add3A_818, %mul3A_822 : vector<16xf32>
            %get3A_824 = arith.index_cast %while3A_808 : i32 to index
            %get3A_825 = arith.constant 48 : index
            %get3A_826 = tpu.vector_load %arg10[%get3A_824, %get3A_825] {strides = array<i32>} : memref<128x256xf32, #tpu.memory_space<vmem>>, vector<16xf32>,
            %mul3A_827 = arith.mulf %get3A_826, %get3A_759 : vector<16xf32>
            %add3A_828 = arith.addf %add3A_823, %mul3A_827 : vector<16xf32>
            %get3A_829 = arith.index_cast %while3A_808 : i32 to index
            %get3A_830 = arith.constant 64 : index
            %get3A_831 = tpu.vector_load %arg10[%get3A_829, %get3A_830] {strides = array<i32>} : memref<128x256xf32, #tpu.memory_space<vmem>>, vector<16xf32>,
            %mul3A_832 = arith.mulf %get3A_831, %get3A_762 : vector<16xf32>
            %add3A_833 = arith.addf %add3A_828, %mul3A_832 : vector<16xf32>
            %get3A_834 = arith.index_cast %while3A_808 : i32 to index
            %get3A_835 = arith.constant 80 : index
            %get3A_836 = tpu.vector_load %arg10[%get3A_834, %get3A_835] {strides = array<i32>} : memref<128x256xf32, #tpu.memory_space<vmem>>, vector<16xf32>,
            %mul3A_837 = arith.mulf %get3A_836, %get3A_765 : vector<16xf32>
            %add3A_838 = arith.addf %add3A_833, %mul3A_837 : vector<16xf32>
            %get3A_839 = arith.index_cast %while3A_808 : i32 to index
            %get3A_840 = arith.constant 96 : index
            %get3A_841 = tpu.vector_load %arg10[%get3A_839, %get3A_840] {strides = array<i32>} : memref<128x256xf32, #tpu.memory_space<vmem>>, vector<16xf32>,
            %mul3A_842 = arith.mulf %get3A_841, %get3A_768 : vector<16xf32>
            %add3A_843 = arith.addf %add3A_838, %mul3A_842 : vector<16xf32>
            %get3A_844 = arith.index_cast %while3A_808 : i32 to index
            %get3A_845 = arith.constant 112 : index
            %get3A_846 = tpu.vector_load %arg10[%get3A_844, %get3A_845] {strides = array<i32>} : memref<128x256xf32, #tpu.memory_space<vmem>>, vector<16xf32>,
            %mul3A_847 = arith.mulf %get3A_846, %get3A_771 : vector<16xf32>
            %add3A_848 = arith.addf %add3A_843, %mul3A_847 : vector<16xf32>
            %get3A_849 = arith.index_cast %while3A_808 : i32 to index
            %get3A_850 = arith.constant 128 : index
            %get3A_851 = tpu.vector_load %arg10[%get3A_849, %get3A_850] {strides = array<i32>} : memref<128x256xf32, #tpu.memory_space<vmem>>, vector<16xf32>,
            %mul3A_852 = arith.mulf %get3A_851, %get3A_774 : vector<16xf32>
            %add3A_853 = arith.addf %add3A_848, %mul3A_852 : vector<16xf32>
            %get3A_854 = arith.index_cast %while3A_808 : i32 to index
            %get3A_855 = arith.constant 144 : index
            %get3A_856 = tpu.vector_load %arg10[%get3A_854, %get3A_855] {strides = array<i32>} : memref<128x256xf32, #tpu.memory_space<vmem>>, vector<16xf32>,
            %mul3A_857 = arith.mulf %get3A_856, %get3A_777 : vector<16xf32>
            %add3A_858 = arith.addf %add3A_853, %mul3A_857 : vector<16xf32>
            %get3A_859 = arith.index_cast %while3A_808 : i32 to index
            %get3A_860 = arith.constant 160 : index
            %get3A_861 = tpu.vector_load %arg10[%get3A_859, %get3A_860] {strides = array<i32>} : memref<128x256xf32, #tpu.memory_space<vmem>>, vector<16xf32>,
            %mul3A_862 = arith.mulf %get3A_861, %get3A_780 : vector<16xf32>
            %add3A_863 = arith.addf %add3A_858, %mul3A_862 : vector<16xf32>
            %get3A_864 = arith.index_cast %while3A_808 : i32 to index
            %get3A_865 = arith.constant 176 : index
            %get3A_866 = tpu.vector_load %arg10[%get3A_864, %get3A_865] {strides = array<i32>} : memref<128x256xf32, #tpu.memory_space<vmem>>, vector<16xf32>,
            %mul3A_867 = arith.mulf %get3A_866, %get3A_783 : vector<16xf32>
            %add3A_868 = arith.addf %add3A_863, %mul3A_867 : vector<16xf32>
            %get3A_869 = arith.index_cast %while3A_808 : i32 to index
            %get3A_870 = arith.constant 192 : index
            %get3A_871 = tpu.vector_load %arg10[%get3A_869, %get3A_870] {strides = array<i32>} : memref<128x256xf32, #tpu.memory_space<vmem>>, vector<16xf32>,
            %mul3A_872 = arith.mulf %get3A_871, %get3A_786 : vector<16xf32>
            %add3A_873 = arith.addf %add3A_868, %mul3A_872 : vector<16xf32>
            %get3A_874 = arith.index_cast %while3A_808 : i32 to index
            %get3A_875 = arith.constant 208 : index
            %get3A_876 = tpu.vector_load %arg10[%get3A_874, %get3A_875] {strides = array<i32>} : memref<128x256xf32, #tpu.memory_space<vmem>>, vector<16xf32>,
            %mul3A_877 = arith.mulf %get3A_876, %get3A_789 : vector<16xf32>
            %add3A_878 = arith.addf %add3A_873, %mul3A_877 : vector<16xf32>
            %get3A_879 = arith.index_cast %while3A_808 : i32 to index
            %get3A_880 = arith.constant 224 : index
            %get3A_881 = tpu.vector_load %arg10[%get3A_879, %get3A_880] {strides = array<i32>} : memref<128x256xf32, #tpu.memory_space<vmem>>, vector<16xf32>,
            %mul3A_882 = arith.mulf %get3A_881, %get3A_792 : vector<16xf32>
            %add3A_883 = arith.addf %add3A_878, %mul3A_882 : vector<16xf32>
            %get3A_884 = arith.index_cast %while3A_808 : i32 to index
            %get3A_885 = arith.constant 240 : index
            %get3A_886 = tpu.vector_load %arg10[%get3A_884, %get3A_885] {strides = array<i32>} : memref<128x256xf32, #tpu.memory_space<vmem>>, vector<16xf32>,
            %mul3A_887 = arith.mulf %get3A_886, %get3A_795 : vector<16xf32>
            %add3A_888 = arith.addf %add3A_883, %mul3A_887 : vector<16xf32>
            %add3A_889 = arith.addi %mul3A_109, %while3A_808 : i32
            %broadcast_in_dim3A_890 = vector.broadcast %add3A_889 : i32 to vector<16xi32>
            %reduce_sum3A_891 = arith.constant true
            %reduce_sum3A_892 = vector.broadcast %reduce_sum3A_891 : i1 to vector<16xi1>
            %reduce_sum3A_893 = tpu.scan <sum>, %add3A_888 masked %reduce_sum3A_892 : vector<16xf32>, vector<16xi1> -> vector<16xf32>
            %reduce_sum3A_894 = vector.extract %reduce_sum3A_893[15] : f32 from vector<16xf32>
            %broadcast_in_dim3A_895 = vector.broadcast %reduce_sum3A_894 : f32 to vector<16xf32>
            tpu.vector_store_idx %arg14[%broadcast_in_dim3A_890], %broadcast_in_dim3A_895 masked %eq3A_70 : memref<5120xf32, #tpu.memory_space<vmem>>[vector<16xi32>], vector<16xf32>, vector<16xi1>
            %while3A_896 = arith.constant 0 : i32
            scf.yield %while3A_896 : i32
          }
          %while3A_807 = arith.constant 0 : i32
          scf.yield %while3A_807 : i32
        }
        %while3A_370 = arith.constant 1 : i32
        %while3A_371 = scf.for %while3A_742 = %while3A_367 to %while3A_363 step %while3A_370 iter_args(%while3A_743 = %while3A_369) -> (i32)  : i32 {
          %get3A_744 = arith.index_cast %while3A_742 : i32 to index
          %get3A_745 = tpu.vector_load %arg13[%get3A_744] {strides = array<i32>} : memref<152xi32, #tpu.memory_space<vmem>>, vector<16xi32>,
          %slice3A = vector.extract_strided_slice %get3A_745 {offsets = [0], sizes = [1], strides = [1]} : vector<16xi32> to vector<1xi32>
          %squeeze3A = vector.extract %slice3A[0] : i32 from vector<1xi32>
          %slice3A_746 = vector.extract_strided_slice %get3A_745 {offsets = [1], sizes = [1], strides = [1]} : vector<16xi32> to vector<1xi32>
          %squeeze3A_747 = vector.extract %slice3A_746[0] : i32 from vector<1xi32>
          %get3A_748 = arith.index_cast %while3A_742 : i32 to index
          %get3A_749 = arith.constant 0 : index
          %get3A_750 = tpu.vector_load %arg11[%get3A_748, %get3A_749] {strides = array<i32>} : memref<128x256xf32, #tpu.memory_space<vmem>>, vector<16xf32>,
          %get3A_751 = arith.index_cast %while3A_742 : i32 to index
          %get3A_752 = arith.constant 16 : index
          %get3A_753 = tpu.vector_load %arg11[%get3A_751, %get3A_752] {strides = array<i32>} : memref<128x256xf32, #tpu.memory_space<vmem>>, vector<16xf32>,
          %get3A_754 = arith.index_cast %while3A_742 : i32 to index
          %get3A_755 = arith.constant 32 : index
          %get3A_756 = tpu.vector_load %arg11[%get3A_754, %get3A_755] {strides = array<i32>} : memref<128x256xf32, #tpu.memory_space<vmem>>, vector<16xf32>,
          %get3A_757 = arith.index_cast %while3A_742 : i32 to index
          %get3A_758 = arith.constant 48 : index
          %get3A_759 = tpu.vector_load %arg11[%get3A_757, %get3A_758] {strides = array<i32>} : memref<128x256xf32, #tpu.memory_space<vmem>>, vector<16xf32>,
          %get3A_760 = arith.index_cast %while3A_742 : i32 to index
          %get3A_761 = arith.constant 64 : index
          %get3A_762 = tpu.vector_load %arg11[%get3A_760, %get3A_761] {strides = array<i32>} : memref<128x256xf32, #tpu.memory_space<vmem>>, vector<16xf32>,
          %get3A_763 = arith.index_cast %while3A_742 : i32 to index
          %get3A_764 = arith.constant 80 : index
          %get3A_765 = tpu.vector_load %arg11[%get3A_763, %get3A_764] {strides = array<i32>} : memref<128x256xf32, #tpu.memory_space<vmem>>, vector<16xf32>,
          %get3A_766 = arith.index_cast %while3A_742 : i32 to index
          %get3A_767 = arith.constant 96 : index
          %get3A_768 = tpu.vector_load %arg11[%get3A_766, %get3A_767] {strides = array<i32>} : memref<128x256xf32, #tpu.memory_space<vmem>>, vector<16xf32>,
          %get3A_769 = arith.index_cast %while3A_742 : i32 to index
          %get3A_770 = arith.constant 112 : index
          %get3A_771 = tpu.vector_load %arg11[%get3A_769, %get3A_770] {strides = array<i32>} : memref<128x256xf32, #tpu.memory_space<vmem>>, vector<16xf32>,
          %get3A_772 = arith.index_cast %while3A_742 : i32 to index
          %get3A_773 = arith.constant 128 : index
          %get3A_774 = tpu.vector_load %arg11[%get3A_772, %get3A_773] {strides = array<i32>} : memref<128x256xf32, #tpu.memory_space<vmem>>, vector<16xf32>,
          %get3A_775 = arith.index_cast %while3A_742 : i32 to index
          %get3A_776 = arith.constant 144 : index
          %get3A_777 = tpu.vector_load %arg11[%get3A_775, %get3A_776] {strides = array<i32>} : memref<128x256xf32, #tpu.memory_space<vmem>>, vector<16xf32>,
          %get3A_778 = arith.index_cast %while3A_742 : i32 to index
          %get3A_779 = arith.constant 160 : index
          %get3A_780 = tpu.vector_load %arg11[%get3A_778, %get3A_779] {strides = array<i32>} : memref<128x256xf32, #tpu.memory_space<vmem>>, vector<16xf32>,
          %get3A_781 = arith.index_cast %while3A_742 : i32 to index
          %get3A_782 = arith.constant 176 : index
          %get3A_783 = tpu.vector_load %arg11[%get3A_781, %get3A_782] {strides = array<i32>} : memref<128x256xf32, #tpu.memory_space<vmem>>, vector<16xf32>,
          %get3A_784 = arith.index_cast %while3A_742 : i32 to index
          %get3A_785 = arith.constant 192 : index
          %get3A_786 = tpu.vector_load %arg11[%get3A_784, %get3A_785] {strides = array<i32>} : memref<128x256xf32, #tpu.memory_space<vmem>>, vector<16xf32>,
          %get3A_787 = arith.index_cast %while3A_742 : i32 to index
          %get3A_788 = arith.constant 208 : index
          %get3A_789 = tpu.vector_load %arg11[%get3A_787, %get3A_788] {strides = array<i32>} : memref<128x256xf32, #tpu.memory_space<vmem>>, vector<16xf32>,
          %get3A_790 = arith.index_cast %while3A_742 : i32 to index
          %get3A_791 = arith.constant 224 : index
          %get3A_792 = tpu.vector_load %arg11[%get3A_790, %get3A_791] {strides = array<i32>} : memref<128x256xf32, #tpu.memory_space<vmem>>, vector<16xf32>,
          %get3A_793 = arith.index_cast %while3A_742 : i32 to index
          %get3A_794 = arith.constant 240 : index
          %get3A_795 = tpu.vector_load %arg11[%get3A_793, %get3A_794] {strides = array<i32>} : memref<128x256xf32, #tpu.memory_space<vmem>>, vector<16xf32>,
          %while3A_796 = arith.constant 0 : i32
          %while3A_797 = arith.subi %squeeze3A_747, %squeeze3A : i32
          %while3A_798 = arith.addi %squeeze3A, %while3A_797 : i32
          %while3A_799 = arith.constant 1 : i32
          %while3A_800 = arith.divsi %while3A_797, %while3A_799 : i32
          %while3A_801 = arith.muli %while3A_800, %while3A_799 : i32
          %while3A_802 = arith.addi %squeeze3A, %while3A_801 : i32
          %while3A_803 = arith.constant 1 : i32
          %while3A_804 = scf.for %while3A_808 = %squeeze3A to %while3A_802 step %while3A_803 iter_args(%while3A_809 = %while3A_796) -> (i32)  : i32 {
            %get3A_810 = arith.index_cast %while3A_808 : i32 to index
            %get3A_811 = arith.constant 0 : index
            %get3A_812 = tpu.vector_load %arg10[%get3A_810, %get3A_811] {strides = array<i32>} : memref<128x256xf32, #tpu.memory_space<vmem>>, vector<16xf32>,
            %mul3A_813 = arith.mulf %get3A_812, %get3A_750 : vector<16xf32>
            %get3A_814 = arith.index_cast %while3A_808 : i32 to index
            %get3A_815 = arith.constant 16 : index
            %get3A_816 = tpu.vector_load %arg10[%get3A_814, %get3A_815] {strides = array<i32>} : memref<128x256xf32, #tpu.memory_space<vmem>>, vector<16xf32>,
            %mul3A_817 = arith.mulf %get3A_816, %get3A_753 : vector<16xf32>
            %add3A_818 = arith.addf %mul3A_813, %mul3A_817 : vector<16xf32>
            %get3A_819 = arith.index_cast %while3A_808 : i32 to index
            %get3A_820 = arith.constant 32 : index
            %get3A_821 = tpu.vector_load %arg10[%get3A_819, %get3A_820] {strides = array<i32>} : memref<128x256xf32, #tpu.memory_space<vmem>>, vector<16xf32>,
            %mul3A_822 = arith.mulf %get3A_821, %get3A_756 : vector<16xf32>
            %add3A_823 = arith.addf %add3A_818, %mul3A_822 : vector<16xf32>
            %get3A_824 = arith.index_cast %while3A_808 : i32 to index
            %get3A_825 = arith.constant 48 : index
            %get3A_826 = tpu.vector_load %arg10[%get3A_824, %get3A_825] {strides = array<i32>} : memref<128x256xf32, #tpu.memory_space<vmem>>, vector<16xf32>,
            %mul3A_827 = arith.mulf %get3A_826, %get3A_759 : vector<16xf32>
            %add3A_828 = arith.addf %add3A_823, %mul3A_827 : vector<16xf32>
            %get3A_829 = arith.index_cast %while3A_808 : i32 to index
            %get3A_830 = arith.constant 64 : index
            %get3A_831 = tpu.vector_load %arg10[%get3A_829, %get3A_830] {strides = array<i32>} : memref<128x256xf32, #tpu.memory_space<vmem>>, vector<16xf32>,
            %mul3A_832 = arith.mulf %get3A_831, %get3A_762 : vector<16xf32>
            %add3A_833 = arith.addf %add3A_828, %mul3A_832 : vector<16xf32>
            %get3A_834 = arith.index_cast %while3A_808 : i32 to index
            %get3A_835 = arith.constant 80 : index
            %get3A_836 = tpu.vector_load %arg10[%get3A_834, %get3A_835] {strides = array<i32>} : memref<128x256xf32, #tpu.memory_space<vmem>>, vector<16xf32>,
            %mul3A_837 = arith.mulf %get3A_836, %get3A_765 : vector<16xf32>
            %add3A_838 = arith.addf %add3A_833, %mul3A_837 : vector<16xf32>
            %get3A_839 = arith.index_cast %while3A_808 : i32 to index
            %get3A_840 = arith.constant 96 : index
            %get3A_841 = tpu.vector_load %arg10[%get3A_839, %get3A_840] {strides = array<i32>} : memref<128x256xf32, #tpu.memory_space<vmem>>, vector<16xf32>,
            %mul3A_842 = arith.mulf %get3A_841, %get3A_768 : vector<16xf32>
            %add3A_843 = arith.addf %add3A_838, %mul3A_842 : vector<16xf32>
            %get3A_844 = arith.index_cast %while3A_808 : i32 to index
            %get3A_845 = arith.constant 112 : index
            %get3A_846 = tpu.vector_load %arg10[%get3A_844, %get3A_845] {strides = array<i32>} : memref<128x256xf32, #tpu.memory_space<vmem>>, vector<16xf32>,
            %mul3A_847 = arith.mulf %get3A_846, %get3A_771 : vector<16xf32>
            %add3A_848 = arith.addf %add3A_843, %mul3A_847 : vector<16xf32>
            %get3A_849 = arith.index_cast %while3A_808 : i32 to index
            %get3A_850 = arith.constant 128 : index
            %get3A_851 = tpu.vector_load %arg10[%get3A_849, %get3A_850] {strides = array<i32>} : memref<128x256xf32, #tpu.memory_space<vmem>>, vector<16xf32>,
            %mul3A_852 = arith.mulf %get3A_851, %get3A_774 : vector<16xf32>
            %add3A_853 = arith.addf %add3A_848, %mul3A_852 : vector<16xf32>
            %get3A_854 = arith.index_cast %while3A_808 : i32 to index
            %get3A_855 = arith.constant 144 : index
            %get3A_856 = tpu.vector_load %arg10[%get3A_854, %get3A_855] {strides = array<i32>} : memref<128x256xf32, #tpu.memory_space<vmem>>, vector<16xf32>,
            %mul3A_857 = arith.mulf %get3A_856, %get3A_777 : vector<16xf32>
            %add3A_858 = arith.addf %add3A_853, %mul3A_857 : vector<16xf32>
            %get3A_859 = arith.index_cast %while3A_808 : i32 to index
            %get3A_860 = arith.constant 160 : index
            %get3A_861 = tpu.vector_load %arg10[%get3A_859, %get3A_860] {strides = array<i32>} : memref<128x256xf32, #tpu.memory_space<vmem>>, vector<16xf32>,
            %mul3A_862 = arith.mulf %get3A_861, %get3A_780 : vector<16xf32>
            %add3A_863 = arith.addf %add3A_858, %mul3A_862 : vector<16xf32>
            %get3A_864 = arith.index_cast %while3A_808 : i32 to index
            %get3A_865 = arith.constant 176 : index
            %get3A_866 = tpu.vector_load %arg10[%get3A_864, %get3A_865] {strides = array<i32>} : memref<128x256xf32, #tpu.memory_space<vmem>>, vector<16xf32>,
            %mul3A_867 = arith.mulf %get3A_866, %get3A_783 : vector<16xf32>
            %add3A_868 = arith.addf %add3A_863, %mul3A_867 : vector<16xf32>
            %get3A_869 = arith.index_cast %while3A_808 : i32 to index
            %get3A_870 = arith.constant 192 : index
            %get3A_871 = tpu.vector_load %arg10[%get3A_869, %get3A_870] {strides = array<i32>} : memref<128x256xf32, #tpu.memory_space<vmem>>, vector<16xf32>,
            %mul3A_872 = arith.mulf %get3A_871, %get3A_786 : vector<16xf32>
            %add3A_873 = arith.addf %add3A_868, %mul3A_872 : vector<16xf32>
            %get3A_874 = arith.index_cast %while3A_808 : i32 to index
            %get3A_875 = arith.constant 208 : index
            %get3A_876 = tpu.vector_load %arg10[%get3A_874, %get3A_875] {strides = array<i32>} : memref<128x256xf32, #tpu.memory_space<vmem>>, vector<16xf32>,
            %mul3A_877 = arith.mulf %get3A_876, %get3A_789 : vector<16xf32>
            %add3A_878 = arith.addf %add3A_873, %mul3A_877 : vector<16xf32>
            %get3A_879 = arith.index_cast %while3A_808 : i32 to index
            %get3A_880 = arith.constant 224 : index
            %get3A_881 = tpu.vector_load %arg10[%get3A_879, %get3A_880] {strides = array<i32>} : memref<128x256xf32, #tpu.memory_space<vmem>>, vector<16xf32>,
            %mul3A_882 = arith.mulf %get3A_881, %get3A_792 : vector<16xf32>
            %add3A_883 = arith.addf %add3A_878, %mul3A_882 : vector<16xf32>
            %get3A_884 = arith.index_cast %while3A_808 : i32 to index
            %get3A_885 = arith.constant 240 : index
            %get3A_886 = tpu.vector_load %arg10[%get3A_884, %get3A_885] {strides = array<i32>} : memref<128x256xf32, #tpu.memory_space<vmem>>, vector<16xf32>,
            %mul3A_887 = arith.mulf %get3A_886, %get3A_795 : vector<16xf32>
            %add3A_888 = arith.addf %add3A_883, %mul3A_887 : vector<16xf32>
            %add3A_889 = arith.addi %mul3A_109, %while3A_808 : i32
            %broadcast_in_dim3A_890 = vector.broadcast %add3A_889 : i32 to vector<16xi32>
            %reduce_sum3A_891 = arith.constant true
            %reduce_sum3A_892 = vector.broadcast %reduce_sum3A_891 : i1 to vector<16xi1>
            %reduce_sum3A_893 = tpu.scan <sum>, %add3A_888 masked %reduce_sum3A_892 : vector<16xf32>, vector<16xi1> -> vector<16xf32>
            %reduce_sum3A_894 = vector.extract %reduce_sum3A_893[15] : f32 from vector<16xf32>
            %broadcast_in_dim3A_895 = vector.broadcast %reduce_sum3A_894 : f32 to vector<16xf32>
            tpu.vector_store_idx %arg14[%broadcast_in_dim3A_890], %broadcast_in_dim3A_895 masked %eq3A_70 : memref<5120xf32, #tpu.memory_space<vmem>>[vector<16xi32>], vector<16xf32>, vector<16xi1>
            %while3A_896 = arith.constant 0 : i32
            scf.yield %while3A_896 : i32
          }
          %while3A_805 = arith.constant 1 : i32
          %while3A_806 = scf.for %while3A_808 = %while3A_802 to %while3A_798 step %while3A_805 iter_args(%while3A_809 = %while3A_804) -> (i32)  : i32 {
            %get3A_810 = arith.index_cast %while3A_808 : i32 to index
            %get3A_811 = arith.constant 0 : index
            %get3A_812 = tpu.vector_load %arg10[%get3A_810, %get3A_811] {strides = array<i32>} : memref<128x256xf32, #tpu.memory_space<vmem>>, vector<16xf32>,
            %mul3A_813 = arith.mulf %get3A_812, %get3A_750 : vector<16xf32>
            %get3A_814 = arith.index_cast %while3A_808 : i32 to index
            %get3A_815 = arith.constant 16 : index
            %get3A_816 = tpu.vector_load %arg10[%get3A_814, %get3A_815] {strides = array<i32>} : memref<128x256xf32, #tpu.memory_space<vmem>>, vector<16xf32>,
            %mul3A_817 = arith.mulf %get3A_816, %get3A_753 : vector<16xf32>
            %add3A_818 = arith.addf %mul3A_813, %mul3A_817 : vector<16xf32>
            %get3A_819 = arith.index_cast %while3A_808 : i32 to index
            %get3A_820 = arith.constant 32 : index
            %get3A_821 = tpu.vector_load %arg10[%get3A_819, %get3A_820] {strides = array<i32>} : memref<128x256xf32, #tpu.memory_space<vmem>>, vector<16xf32>,
            %mul3A_822 = arith.mulf %get3A_821, %get3A_756 : vector<16xf32>
            %add3A_823 = arith.addf %add3A_818, %mul3A_822 : vector<16xf32>
            %get3A_824 = arith.index_cast %while3A_808 : i32 to index
            %get3A_825 = arith.constant 48 : index
            %get3A_826 = tpu.vector_load %arg10[%get3A_824, %get3A_825] {strides = array<i32>} : memref<128x256xf32, #tpu.memory_space<vmem>>, vector<16xf32>,
            %mul3A_827 = arith.mulf %get3A_826, %get3A_759 : vector<16xf32>
            %add3A_828 = arith.addf %add3A_823, %mul3A_827 : vector<16xf32>
            %get3A_829 = arith.index_cast %while3A_808 : i32 to index
            %get3A_830 = arith.constant 64 : index
            %get3A_831 = tpu.vector_load %arg10[%get3A_829, %get3A_830] {strides = array<i32>} : memref<128x256xf32, #tpu.memory_space<vmem>>, vector<16xf32>,
            %mul3A_832 = arith.mulf %get3A_831, %get3A_762 : vector<16xf32>
            %add3A_833 = arith.addf %add3A_828, %mul3A_832 : vector<16xf32>
            %get3A_834 = arith.index_cast %while3A_808 : i32 to index
            %get3A_835 = arith.constant 80 : index
            %get3A_836 = tpu.vector_load %arg10[%get3A_834, %get3A_835] {strides = array<i32>} : memref<128x256xf32, #tpu.memory_space<vmem>>, vector<16xf32>,
            %mul3A_837 = arith.mulf %get3A_836, %get3A_765 : vector<16xf32>
            %add3A_838 = arith.addf %add3A_833, %mul3A_837 : vector<16xf32>
            %get3A_839 = arith.index_cast %while3A_808 : i32 to index
            %get3A_840 = arith.constant 96 : index
            %get3A_841 = tpu.vector_load %arg10[%get3A_839, %get3A_840] {strides = array<i32>} : memref<128x256xf32, #tpu.memory_space<vmem>>, vector<16xf32>,
            %mul3A_842 = arith.mulf %get3A_841, %get3A_768 : vector<16xf32>
            %add3A_843 = arith.addf %add3A_838, %mul3A_842 : vector<16xf32>
            %get3A_844 = arith.index_cast %while3A_808 : i32 to index
            %get3A_845 = arith.constant 112 : index
            %get3A_846 = tpu.vector_load %arg10[%get3A_844, %get3A_845] {strides = array<i32>} : memref<128x256xf32, #tpu.memory_space<vmem>>, vector<16xf32>,
            %mul3A_847 = arith.mulf %get3A_846, %get3A_771 : vector<16xf32>
            %add3A_848 = arith.addf %add3A_843, %mul3A_847 : vector<16xf32>
            %get3A_849 = arith.index_cast %while3A_808 : i32 to index
            %get3A_850 = arith.constant 128 : index
            %get3A_851 = tpu.vector_load %arg10[%get3A_849, %get3A_850] {strides = array<i32>} : memref<128x256xf32, #tpu.memory_space<vmem>>, vector<16xf32>,
            %mul3A_852 = arith.mulf %get3A_851, %get3A_774 : vector<16xf32>
            %add3A_853 = arith.addf %add3A_848, %mul3A_852 : vector<16xf32>
            %get3A_854 = arith.index_cast %while3A_808 : i32 to index
            %get3A_855 = arith.constant 144 : index
            %get3A_856 = tpu.vector_load %arg10[%get3A_854, %get3A_855] {strides = array<i32>} : memref<128x256xf32, #tpu.memory_space<vmem>>, vector<16xf32>,
            %mul3A_857 = arith.mulf %get3A_856, %get3A_777 : vector<16xf32>
            %add3A_858 = arith.addf %add3A_853, %mul3A_857 : vector<16xf32>
            %get3A_859 = arith.index_cast %while3A_808 : i32 to index
            %get3A_860 = arith.constant 160 : index
            %get3A_861 = tpu.vector_load %arg10[%get3A_859, %get3A_860] {strides = array<i32>} : memref<128x256xf32, #tpu.memory_space<vmem>>, vector<16xf32>,
            %mul3A_862 = arith.mulf %get3A_861, %get3A_780 : vector<16xf32>
            %add3A_863 = arith.addf %add3A_858, %mul3A_862 : vector<16xf32>
            %get3A_864 = arith.index_cast %while3A_808 : i32 to index
            %get3A_865 = arith.constant 176 : index
            %get3A_866 = tpu.vector_load %arg10[%get3A_864, %get3A_865] {strides = array<i32>} : memref<128x256xf32, #tpu.memory_space<vmem>>, vector<16xf32>,
            %mul3A_867 = arith.mulf %get3A_866, %get3A_783 : vector<16xf32>
            %add3A_868 = arith.addf %add3A_863, %mul3A_867 : vector<16xf32>
            %get3A_869 = arith.index_cast %while3A_808 : i32 to index
            %get3A_870 = arith.constant 192 : index
            %get3A_871 = tpu.vector_load %arg10[%get3A_869, %get3A_870] {strides = array<i32>} : memref<128x256xf32, #tpu.memory_space<vmem>>, vector<16xf32>,
            %mul3A_872 = arith.mulf %get3A_871, %get3A_786 : vector<16xf32>
            %add3A_873 = arith.addf %add3A_868, %mul3A_872 : vector<16xf32>
            %get3A_874 = arith.index_cast %while3A_808 : i32 to index
            %get3A_875 = arith.constant 208 : index
            %get3A_876 = tpu.vector_load %arg10[%get3A_874, %get3A_875] {strides = array<i32>} : memref<128x256xf32, #tpu.memory_space<vmem>>, vector<16xf32>,
            %mul3A_877 = arith.mulf %get3A_876, %get3A_789 : vector<16xf32>
            %add3A_878 = arith.addf %add3A_873, %mul3A_877 : vector<16xf32>
            %get3A_879 = arith.index_cast %while3A_808 : i32 to index
            %get3A_880 = arith.constant 224 : index
            %get3A_881 = tpu.vector_load %arg10[%get3A_879, %get3A_880] {strides = array<i32>} : memref<128x256xf32, #tpu.memory_space<vmem>>, vector<16xf32>,
            %mul3A_882 = arith.mulf %get3A_881, %get3A_792 : vector<16xf32>
            %add3A_883 = arith.addf %add3A_878, %mul3A_882 : vector<16xf32>
            %get3A_884 = arith.index_cast %while3A_808 : i32 to index
            %get3A_885 = arith.constant 240 : index
            %get3A_886 = tpu.vector_load %arg10[%get3A_884, %get3A_885] {strides = array<i32>} : memref<128x256xf32, #tpu.memory_space<vmem>>, vector<16xf32>,
            %mul3A_887 = arith.mulf %get3A_886, %get3A_795 : vector<16xf32>
            %add3A_888 = arith.addf %add3A_883, %mul3A_887 : vector<16xf32>
            %add3A_889 = arith.addi %mul3A_109, %while3A_808 : i32
            %broadcast_in_dim3A_890 = vector.broadcast %add3A_889 : i32 to vector<16xi32>
            %reduce_sum3A_891 = arith.constant true
            %reduce_sum3A_892 = vector.broadcast %reduce_sum3A_891 : i1 to vector<16xi1>
            %reduce_sum3A_893 = tpu.scan <sum>, %add3A_888 masked %reduce_sum3A_892 : vector<16xf32>, vector<16xi1> -> vector<16xf32>
            %reduce_sum3A_894 = vector.extract %reduce_sum3A_893[15] : f32 from vector<16xf32>
            %broadcast_in_dim3A_895 = vector.broadcast %reduce_sum3A_894 : f32 to vector<16xf32>
            tpu.vector_store_idx %arg14[%broadcast_in_dim3A_890], %broadcast_in_dim3A_895 masked %eq3A_70 : memref<5120xf32, #tpu.memory_space<vmem>>[vector<16xi32>], vector<16xf32>, vector<16xi1>
            %while3A_896 = arith.constant 0 : i32
            scf.yield %while3A_896 : i32
          }
          %while3A_807 = arith.constant 0 : i32
          scf.yield %while3A_807 : i32
        }
        %add3A_372 = arith.constant 0 : i32
        %add3A_373 = arith.addi %mul3A_109, %add3A_372 : i32
        %get3A_374 = arith.index_cast %add3A_373 : i32 to index
        %get3A_375 = tpu.vector_load %arg14[%get3A_374] {strides = array<i32>} : memref<5120xf32, #tpu.memory_space<vmem>>, vector<16xf32>,
        %mul3A_376 = arith.constant 6.250000e-02 : f32
        %mul3A_377 = vector.broadcast %mul3A_376 : f32 to vector<16xf32>
        %mul3A_378 = arith.mulf %get3A_375, %mul3A_377 : vector<16xf32>
        %swap3A_379 = arith.index_cast %add3A_373 : i32 to index
        %swap3A_380 = tpu.vector_load %arg14[%swap3A_379] {strides = array<i32>} : memref<5120xf32, #tpu.memory_space<vmem>>, vector<16xf32>,
        tpu.vector_store %arg14[%swap3A_379], %mul3A_378 {strides = array<i32>} : memref<5120xf32, #tpu.memory_space<vmem>>, vector<16xf32>,
        %exp3A = math.exp %mul3A_378 : vector<16xf32>
        %swap3A_381 = arith.index_cast %add3A_373 : i32 to index
        %swap3A_382 = tpu.vector_load %arg15[%swap3A_381] {strides = array<i32>} : memref<5120xf32, #tpu.memory_space<vmem>>, vector<16xf32>,
        tpu.vector_store %arg15[%swap3A_381], %exp3A {strides = array<i32>} : memref<5120xf32, #tpu.memory_space<vmem>>, vector<16xf32>,
        %broadcast_in_dim3A_383 = arith.constant true
        %broadcast_in_dim3A_384 = vector.broadcast %broadcast_in_dim3A_383 : i1 to vector<16xi1>
        %masked_cumsum3A = tpu.scan <sum>, %exp3A masked %broadcast_in_dim3A_384 : vector<16xf32>, vector<16xi1> -> vector<16xf32>
        %add3A_385 = arith.addf %masked_cumsum3A, %cond3A_102 : vector<16xf32>
        %sub3A = arith.subf %add3A_385, %exp3A : vector<16xf32>
        %reduce_sum3A_386 = arith.constant true
        %reduce_sum3A_387 = vector.broadcast %reduce_sum3A_386 : i1 to vector<16xi1>
        %reduce_sum3A_388 = tpu.scan <sum>, %exp3A masked %reduce_sum3A_387 : vector<16xf32>, vector<16xi1> -> vector<16xf32>
        %reduce_sum3A_389 = vector.extract %reduce_sum3A_388[15] : f32 from vector<16xf32>
        %broadcast_in_dim3A_390 = vector.broadcast %reduce_sum3A_389 : f32 to vector<16xf32>
        %add3A_391 = arith.addf %cond3A_102, %broadcast_in_dim3A_390 : vector<16xf32>
        %add3A_392 = arith.constant 8 : i32
        %add3A_393 = arith.addi %add3A_392, %add3A_373 : i32
        %add3A_394 = vector.broadcast %add3A_393 : i32 to vector<16xi32>
        %add3A_395 = arith.addi %iota3A, %add3A_394 : vector<16xi32>
        %gather3A_396 = tpu.vector_load_idx %arg8[%add3A_395] : memref<5152xi32, #tpu.memory_space<vmem>>[vector<16xi32>], vector<16xi32>,
        %sub3A_397 = arith.constant 1 : i32
        %sub3A_398 = vector.broadcast %sub3A_397 : i32 to vector<16xi32>
        %sub3A_399 = arith.subi %add3A_395, %sub3A_398 : vector<16xi32>
        %gather3A_400 = tpu.vector_load_idx %arg8[%sub3A_399] : memref<5152xi32, #tpu.memory_space<vmem>>[vector<16xi32>], vector<16xi32>,
        %add3A_401 = arith.constant 1 : i32
        %add3A_402 = vector.broadcast %add3A_401 : i32 to vector<16xi32>
        %add3A_403 = arith.addi %add3A_395, %add3A_402 : vector<16xi32>
        %gather3A_404 = tpu.vector_load_idx %arg8[%add3A_403] : memref<5152xi32, #tpu.memory_space<vmem>>[vector<16xi32>], vector<16xi32>,
        %shift_right_logical3A = arith.constant 7 : i32
        %shift_right_logical3A_405 = vector.broadcast %shift_right_logical3A : i32 to vector<16xi32>
        %shift_right_logical3A_406 = arith.shrui %gather3A_396, %shift_right_logical3A_405 : vector<16xi32>
        %and3A = arith.constant 127 : i32
        %and3A_407 = vector.broadcast %and3A : i32 to vector<16xi32>
        %and3A_408 = arith.andi %gather3A_396, %and3A_407 : vector<16xi32>
        %neg3A = arith.constant 0.000000e+00 : f32
        %neg3A_409 = vector.broadcast %neg3A : f32 to vector<16xf32>
        %neg3A_410 = arith.subf %neg3A_409, %sub3A : vector<16xf32>
        %ne3A_411 = arith.cmpi ne, %gather3A_396, %gather3A_400 : vector<16xi32>
        tpu.vector_store_idx %arg16[%shift_right_logical3A_406, %and3A_408], %neg3A_410 masked %ne3A_411 {add = true} : memref<80x128xf32, #tpu.memory_space<vmem>>[vector<16xi32>, vector<16xi32>], vector<16xf32>, vector<16xi1>
        %ne3A_412 = arith.cmpi ne, %gather3A_396, %gather3A_404 : vector<16xi32>
        tpu.vector_store_idx %arg16[%shift_right_logical3A_406, %and3A_408], %add3A_385 masked %ne3A_412 {add = true} : memref<80x128xf32, #tpu.memory_space<vmem>>[vector<16xi32>, vector<16xi32>], vector<16xf32>, vector<16xi1>
        %add3A_413 = arith.constant 16 : i32
        %add3A_414 = arith.addi %mul3A_109, %add3A_413 : i32
        %get3A_415 = arith.index_cast %add3A_414 : i32 to index
        %get3A_416 = tpu.vector_load %arg14[%get3A_415] {strides = array<i32>} : memref<5120xf32, #tpu.memory_space<vmem>>, vector<16xf32>,
        %mul3A_417 = arith.constant 6.250000e-02 : f32
        %mul3A_418 = vector.broadcast %mul3A_417 : f32 to vector<16xf32>
        %mul3A_419 = arith.mulf %get3A_416, %mul3A_418 : vector<16xf32>
        %swap3A_420 = arith.index_cast %add3A_414 : i32 to index
        %swap3A_421 = tpu.vector_load %arg14[%swap3A_420] {strides = array<i32>} : memref<5120xf32, #tpu.memory_space<vmem>>, vector<16xf32>,
        tpu.vector_store %arg14[%swap3A_420], %mul3A_419 {strides = array<i32>} : memref<5120xf32, #tpu.memory_space<vmem>>, vector<16xf32>,
        %exp3A_422 = math.exp %mul3A_419 : vector<16xf32>
        %swap3A_423 = arith.index_cast %add3A_414 : i32 to index
        %swap3A_424 = tpu.vector_load %arg15[%swap3A_423] {strides = array<i32>} : memref<5120xf32, #tpu.memory_space<vmem>>, vector<16xf32>,
        tpu.vector_store %arg15[%swap3A_423], %exp3A_422 {strides = array<i32>} : memref<5120xf32, #tpu.memory_space<vmem>>, vector<16xf32>,
        %broadcast_in_dim3A_425 = arith.constant true
        %broadcast_in_dim3A_426 = vector.broadcast %broadcast_in_dim3A_425 : i1 to vector<16xi1>
        %masked_cumsum3A_427 = tpu.scan <sum>, %exp3A_422 masked %broadcast_in_dim3A_426 : vector<16xf32>, vector<16xi1> -> vector<16xf32>
        %add3A_428 = arith.addf %masked_cumsum3A_427, %add3A_391 : vector<16xf32>
        %sub3A_429 = arith.subf %add3A_428, %exp3A_422 : vector<16xf32>
        %reduce_sum3A_430 = arith.constant true
        %reduce_sum3A_431 = vector.broadcast %reduce_sum3A_430 : i1 to vector<16xi1>
        %reduce_sum3A_432 = tpu.scan <sum>, %exp3A_422 masked %reduce_sum3A_431 : vector<16xf32>, vector<16xi1> -> vector<16xf32>
        %reduce_sum3A_433 = vector.extract %reduce_sum3A_432[15] : f32 from vector<16xf32>
        %broadcast_in_dim3A_434 = vector.broadcast %reduce_sum3A_433 : f32 to vector<16xf32>
        %add3A_435 = arith.addf %add3A_391, %broadcast_in_dim3A_434 : vector<16xf32>
        %add3A_436 = arith.constant 8 : i32
        %add3A_437 = arith.addi %add3A_436, %add3A_414 : i32
        %add3A_438 = vector.broadcast %add3A_437 : i32 to vector<16xi32>
        %add3A_439 = arith.addi %iota3A, %add3A_438 : vector<16xi32>
        %gather3A_440 = tpu.vector_load_idx %arg8[%add3A_439] : memref<5152xi32, #tpu.memory_space<vmem>>[vector<16xi32>], vector<16xi32>,
        %sub3A_441 = arith.constant 1 : i32
        %sub3A_442 = vector.broadcast %sub3A_441 : i32 to vector<16xi32>
        %sub3A_443 = arith.subi %add3A_439, %sub3A_442 : vector<16xi32>
        %gather3A_444 = tpu.vector_load_idx %arg8[%sub3A_443] : memref<5152xi32, #tpu.memory_space<vmem>>[vector<16xi32>], vector<16xi32>,
        %add3A_445 = arith.constant 1 : i32
        %add3A_446 = vector.broadcast %add3A_445 : i32 to vector<16xi32>
        %add3A_447 = arith.addi %add3A_439, %add3A_446 : vector<16xi32>
        %gather3A_448 = tpu.vector_load_idx %arg8[%add3A_447] : memref<5152xi32, #tpu.memory_space<vmem>>[vector<16xi32>], vector<16xi32>,
        %shift_right_logical3A_449 = arith.constant 7 : i32
        %shift_right_logical3A_450 = vector.broadcast %shift_right_logical3A_449 : i32 to vector<16xi32>
        %shift_right_logical3A_451 = arith.shrui %gather3A_440, %shift_right_logical3A_450 : vector<16xi32>
        %and3A_452 = arith.constant 127 : i32
        %and3A_453 = vector.broadcast %and3A_452 : i32 to vector<16xi32>
        %and3A_454 = arith.andi %gather3A_440, %and3A_453 : vector<16xi32>
        %neg3A_455 = arith.constant 0.000000e+00 : f32
        %neg3A_456 = vector.broadcast %neg3A_455 : f32 to vector<16xf32>
        %neg3A_457 = arith.subf %neg3A_456, %sub3A_429 : vector<16xf32>
        %ne3A_458 = arith.cmpi ne, %gather3A_440, %gather3A_444 : vector<16xi32>
        tpu.vector_store_idx %arg16[%shift_right_logical3A_451, %and3A_454], %neg3A_457 masked %ne3A_458 {add = true} : memref<80x128xf32, #tpu.memory_space<vmem>>[vector<16xi32>, vector<16xi32>], vector<16xf32>, vector<16xi1>
        %ne3A_459 = arith.cmpi ne, %gather3A_440, %gather3A_448 : vector<16xi32>
        tpu.vector_store_idx %arg16[%shift_right_logical3A_451, %and3A_454], %add3A_428 masked %ne3A_459 {add = true} : memref<80x128xf32, #tpu.memory_space<vmem>>[vector<16xi32>, vector<16xi32>], vector<16xf32>, vector<16xi1>
        %add3A_460 = arith.constant 32 : i32
        %add3A_461 = arith.addi %mul3A_109, %add3A_460 : i32
        %get3A_462 = arith.index_cast %add3A_461 : i32 to index
        %get3A_463 = tpu.vector_load %arg14[%get3A_462] {strides = array<i32>} : memref<5120xf32, #tpu.memory_space<vmem>>, vector<16xf32>,
        %mul3A_464 = arith.constant 6.250000e-02 : f32
        %mul3A_465 = vector.broadcast %mul3A_464 : f32 to vector<16xf32>
        %mul3A_466 = arith.mulf %get3A_463, %mul3A_465 : vector<16xf32>
        %swap3A_467 = arith.index_cast %add3A_461 : i32 to index
        %swap3A_468 = tpu.vector_load %arg14[%swap3A_467] {strides = array<i32>} : memref<5120xf32, #tpu.memory_space<vmem>>, vector<16xf32>,
        tpu.vector_store %arg14[%swap3A_467], %mul3A_466 {strides = array<i32>} : memref<5120xf32, #tpu.memory_space<vmem>>, vector<16xf32>,
        %exp3A_469 = math.exp %mul3A_466 : vector<16xf32>
        %swap3A_470 = arith.index_cast %add3A_461 : i32 to index
        %swap3A_471 = tpu.vector_load %arg15[%swap3A_470] {strides = array<i32>} : memref<5120xf32, #tpu.memory_space<vmem>>, vector<16xf32>,
        tpu.vector_store %arg15[%swap3A_470], %exp3A_469 {strides = array<i32>} : memref<5120xf32, #tpu.memory_space<vmem>>, vector<16xf32>,
        %broadcast_in_dim3A_472 = arith.constant true
        %broadcast_in_dim3A_473 = vector.broadcast %broadcast_in_dim3A_472 : i1 to vector<16xi1>
        %masked_cumsum3A_474 = tpu.scan <sum>, %exp3A_469 masked %broadcast_in_dim3A_473 : vector<16xf32>, vector<16xi1> -> vector<16xf32>
        %add3A_475 = arith.addf %masked_cumsum3A_474, %add3A_435 : vector<16xf32>
        %sub3A_476 = arith.subf %add3A_475, %exp3A_469 : vector<16xf32>
        %reduce_sum3A_477 = arith.constant true
        %reduce_sum3A_478 = vector.broadcast %reduce_sum3A_477 : i1 to vector<16xi1>
        %reduce_sum3A_479 = tpu.scan <sum>, %exp3A_469 masked %reduce_sum3A_478 : vector<16xf32>, vector<16xi1> -> vector<16xf32>
        %reduce_sum3A_480 = vector.extract %reduce_sum3A_479[15] : f32 from vector<16xf32>
        %broadcast_in_dim3A_481 = vector.broadcast %reduce_sum3A_480 : f32 to vector<16xf32>
        %add3A_482 = arith.addf %add3A_435, %broadcast_in_dim3A_481 : vector<16xf32>
        %add3A_483 = arith.constant 8 : i32
        %add3A_484 = arith.addi %add3A_483, %add3A_461 : i32
        %add3A_485 = vector.broadcast %add3A_484 : i32 to vector<16xi32>
        %add3A_486 = arith.addi %iota3A, %add3A_485 : vector<16xi32>
        %gather3A_487 = tpu.vector_load_idx %arg8[%add3A_486] : memref<5152xi32, #tpu.memory_space<vmem>>[vector<16xi32>], vector<16xi32>,
        %sub3A_488 = arith.constant 1 : i32
        %sub3A_489 = vector.broadcast %sub3A_488 : i32 to vector<16xi32>
        %sub3A_490 = arith.subi %add3A_486, %sub3A_489 : vector<16xi32>
        %gather3A_491 = tpu.vector_load_idx %arg8[%sub3A_490] : memref<5152xi32, #tpu.memory_space<vmem>>[vector<16xi32>], vector<16xi32>,
        %add3A_492 = arith.constant 1 : i32
        %add3A_493 = vector.broadcast %add3A_492 : i32 to vector<16xi32>
        %add3A_494 = arith.addi %add3A_486, %add3A_493 : vector<16xi32>
        %gather3A_495 = tpu.vector_load_idx %arg8[%add3A_494] : memref<5152xi32, #tpu.memory_space<vmem>>[vector<16xi32>], vector<16xi32>,
        %shift_right_logical3A_496 = arith.constant 7 : i32
        %shift_right_logical3A_497 = vector.broadcast %shift_right_logical3A_496 : i32 to vector<16xi32>
        %shift_right_logical3A_498 = arith.shrui %gather3A_487, %shift_right_logical3A_497 : vector<16xi32>
        %and3A_499 = arith.constant 127 : i32
        %and3A_500 = vector.broadcast %and3A_499 : i32 to vector<16xi32>
        %and3A_501 = arith.andi %gather3A_487, %and3A_500 : vector<16xi32>
        %neg3A_502 = arith.constant 0.000000e+00 : f32
        %neg3A_503 = vector.broadcast %neg3A_502 : f32 to vector<16xf32>
        %neg3A_504 = arith.subf %neg3A_503, %sub3A_476 : vector<16xf32>
        %ne3A_505 = arith.cmpi ne, %gather3A_487, %gather3A_491 : vector<16xi32>
        tpu.vector_store_idx %arg16[%shift_right_logical3A_498, %and3A_501], %neg3A_504 masked %ne3A_505 {add = true} : memref<80x128xf32, #tpu.memory_space<vmem>>[vector<16xi32>, vector<16xi32>], vector<16xf32>, vector<16xi1>
        %ne3A_506 = arith.cmpi ne, %gather3A_487, %gather3A_495 : vector<16xi32>
        tpu.vector_store_idx %arg16[%shift_right_logical3A_498, %and3A_501], %add3A_475 masked %ne3A_506 {add = true} : memref<80x128xf32, #tpu.memory_space<vmem>>[vector<16xi32>, vector<16xi32>], vector<16xf32>, vector<16xi1>
        %add3A_507 = arith.constant 48 : i32
        %add3A_508 = arith.addi %mul3A_109, %add3A_507 : i32
        %get3A_509 = arith.index_cast %add3A_508 : i32 to index
        %get3A_510 = tpu.vector_load %arg14[%get3A_509] {strides = array<i32>} : memref<5120xf32, #tpu.memory_space<vmem>>, vector<16xf32>,
        %mul3A_511 = arith.constant 6.250000e-02 : f32
        %mul3A_512 = vector.broadcast %mul3A_511 : f32 to vector<16xf32>
        %mul3A_513 = arith.mulf %get3A_510, %mul3A_512 : vector<16xf32>
        %swap3A_514 = arith.index_cast %add3A_508 : i32 to index
        %swap3A_515 = tpu.vector_load %arg14[%swap3A_514] {strides = array<i32>} : memref<5120xf32, #tpu.memory_space<vmem>>, vector<16xf32>,
        tpu.vector_store %arg14[%swap3A_514], %mul3A_513 {strides = array<i32>} : memref<5120xf32, #tpu.memory_space<vmem>>, vector<16xf32>,
        %exp3A_516 = math.exp %mul3A_513 : vector<16xf32>
        %swap3A_517 = arith.index_cast %add3A_508 : i32 to index
        %swap3A_518 = tpu.vector_load %arg15[%swap3A_517] {strides = array<i32>} : memref<5120xf32, #tpu.memory_space<vmem>>, vector<16xf32>,
        tpu.vector_store %arg15[%swap3A_517], %exp3A_516 {strides = array<i32>} : memref<5120xf32, #tpu.memory_space<vmem>>, vector<16xf32>,
        %broadcast_in_dim3A_519 = arith.constant true
        %broadcast_in_dim3A_520 = vector.broadcast %broadcast_in_dim3A_519 : i1 to vector<16xi1>
        %masked_cumsum3A_521 = tpu.scan <sum>, %exp3A_516 masked %broadcast_in_dim3A_520 : vector<16xf32>, vector<16xi1> -> vector<16xf32>
        %add3A_522 = arith.addf %masked_cumsum3A_521, %add3A_482 : vector<16xf32>
        %sub3A_523 = arith.subf %add3A_522, %exp3A_516 : vector<16xf32>
        %reduce_sum3A_524 = arith.constant true
        %reduce_sum3A_525 = vector.broadcast %reduce_sum3A_524 : i1 to vector<16xi1>
        %reduce_sum3A_526 = tpu.scan <sum>, %exp3A_516 masked %reduce_sum3A_525 : vector<16xf32>, vector<16xi1> -> vector<16xf32>
        %reduce_sum3A_527 = vector.extract %reduce_sum3A_526[15] : f32 from vector<16xf32>
        %broadcast_in_dim3A_528 = vector.broadcast %reduce_sum3A_527 : f32 to vector<16xf32>
        %add3A_529 = arith.addf %add3A_482, %broadcast_in_dim3A_528 : vector<16xf32>
        %add3A_530 = arith.constant 8 : i32
        %add3A_531 = arith.addi %add3A_530, %add3A_508 : i32
        %add3A_532 = vector.broadcast %add3A_531 : i32 to vector<16xi32>
        %add3A_533 = arith.addi %iota3A, %add3A_532 : vector<16xi32>
        %gather3A_534 = tpu.vector_load_idx %arg8[%add3A_533] : memref<5152xi32, #tpu.memory_space<vmem>>[vector<16xi32>], vector<16xi32>,
        %sub3A_535 = arith.constant 1 : i32
        %sub3A_536 = vector.broadcast %sub3A_535 : i32 to vector<16xi32>
        %sub3A_537 = arith.subi %add3A_533, %sub3A_536 : vector<16xi32>
        %gather3A_538 = tpu.vector_load_idx %arg8[%sub3A_537] : memref<5152xi32, #tpu.memory_space<vmem>>[vector<16xi32>], vector<16xi32>,
        %add3A_539 = arith.constant 1 : i32
        %add3A_540 = vector.broadcast %add3A_539 : i32 to vector<16xi32>
        %add3A_541 = arith.addi %add3A_533, %add3A_540 : vector<16xi32>
        %gather3A_542 = tpu.vector_load_idx %arg8[%add3A_541] : memref<5152xi32, #tpu.memory_space<vmem>>[vector<16xi32>], vector<16xi32>,
        %shift_right_logical3A_543 = arith.constant 7 : i32
        %shift_right_logical3A_544 = vector.broadcast %shift_right_logical3A_543 : i32 to vector<16xi32>
        %shift_right_logical3A_545 = arith.shrui %gather3A_534, %shift_right_logical3A_544 : vector<16xi32>
        %and3A_546 = arith.constant 127 : i32
        %and3A_547 = vector.broadcast %and3A_546 : i32 to vector<16xi32>
        %and3A_548 = arith.andi %gather3A_534, %and3A_547 : vector<16xi32>
        %neg3A_549 = arith.constant 0.000000e+00 : f32
        %neg3A_550 = vector.broadcast %neg3A_549 : f32 to vector<16xf32>
        %neg3A_551 = arith.subf %neg3A_550, %sub3A_523 : vector<16xf32>
        %ne3A_552 = arith.cmpi ne, %gather3A_534, %gather3A_538 : vector<16xi32>
        tpu.vector_store_idx %arg16[%shift_right_logical3A_545, %and3A_548], %neg3A_551 masked %ne3A_552 {add = true} : memref<80x128xf32, #tpu.memory_space<vmem>>[vector<16xi32>, vector<16xi32>], vector<16xf32>, vector<16xi1>
        %ne3A_553 = arith.cmpi ne, %gather3A_534, %gather3A_542 : vector<16xi32>
        tpu.vector_store_idx %arg16[%shift_right_logical3A_545, %and3A_548], %add3A_522 masked %ne3A_553 {add = true} : memref<80x128xf32, #tpu.memory_space<vmem>>[vector<16xi32>, vector<16xi32>], vector<16xf32>, vector<16xi1>
        %add3A_554 = arith.constant 64 : i32
        %add3A_555 = arith.addi %mul3A_109, %add3A_554 : i32
        %get3A_556 = arith.index_cast %add3A_555 : i32 to index
        %get3A_557 = tpu.vector_load %arg14[%get3A_556] {strides = array<i32>} : memref<5120xf32, #tpu.memory_space<vmem>>, vector<16xf32>,
        %mul3A_558 = arith.constant 6.250000e-02 : f32
        %mul3A_559 = vector.broadcast %mul3A_558 : f32 to vector<16xf32>
        %mul3A_560 = arith.mulf %get3A_557, %mul3A_559 : vector<16xf32>
        %swap3A_561 = arith.index_cast %add3A_555 : i32 to index
        %swap3A_562 = tpu.vector_load %arg14[%swap3A_561] {strides = array<i32>} : memref<5120xf32, #tpu.memory_space<vmem>>, vector<16xf32>,
        tpu.vector_store %arg14[%swap3A_561], %mul3A_560 {strides = array<i32>} : memref<5120xf32, #tpu.memory_space<vmem>>, vector<16xf32>,
        %exp3A_563 = math.exp %mul3A_560 : vector<16xf32>
        %swap3A_564 = arith.index_cast %add3A_555 : i32 to index
        %swap3A_565 = tpu.vector_load %arg15[%swap3A_564] {strides = array<i32>} : memref<5120xf32, #tpu.memory_space<vmem>>, vector<16xf32>,
        tpu.vector_store %arg15[%swap3A_564], %exp3A_563 {strides = array<i32>} : memref<5120xf32, #tpu.memory_space<vmem>>, vector<16xf32>,
        %broadcast_in_dim3A_566 = arith.constant true
        %broadcast_in_dim3A_567 = vector.broadcast %broadcast_in_dim3A_566 : i1 to vector<16xi1>
        %masked_cumsum3A_568 = tpu.scan <sum>, %exp3A_563 masked %broadcast_in_dim3A_567 : vector<16xf32>, vector<16xi1> -> vector<16xf32>
        %add3A_569 = arith.addf %masked_cumsum3A_568, %add3A_529 : vector<16xf32>
        %sub3A_570 = arith.subf %add3A_569, %exp3A_563 : vector<16xf32>
        %reduce_sum3A_571 = arith.constant true
        %reduce_sum3A_572 = vector.broadcast %reduce_sum3A_571 : i1 to vector<16xi1>
        %reduce_sum3A_573 = tpu.scan <sum>, %exp3A_563 masked %reduce_sum3A_572 : vector<16xf32>, vector<16xi1> -> vector<16xf32>
        %reduce_sum3A_574 = vector.extract %reduce_sum3A_573[15] : f32 from vector<16xf32>
        %broadcast_in_dim3A_575 = vector.broadcast %reduce_sum3A_574 : f32 to vector<16xf32>
        %add3A_576 = arith.addf %add3A_529, %broadcast_in_dim3A_575 : vector<16xf32>
        %add3A_577 = arith.constant 8 : i32
        %add3A_578 = arith.addi %add3A_577, %add3A_555 : i32
        %add3A_579 = vector.broadcast %add3A_578 : i32 to vector<16xi32>
        %add3A_580 = arith.addi %iota3A, %add3A_579 : vector<16xi32>
        %gather3A_581 = tpu.vector_load_idx %arg8[%add3A_580] : memref<5152xi32, #tpu.memory_space<vmem>>[vector<16xi32>], vector<16xi32>,
        %sub3A_582 = arith.constant 1 : i32
        %sub3A_583 = vector.broadcast %sub3A_582 : i32 to vector<16xi32>
        %sub3A_584 = arith.subi %add3A_580, %sub3A_583 : vector<16xi32>
        %gather3A_585 = tpu.vector_load_idx %arg8[%sub3A_584] : memref<5152xi32, #tpu.memory_space<vmem>>[vector<16xi32>], vector<16xi32>,
        %add3A_586 = arith.constant 1 : i32
        %add3A_587 = vector.broadcast %add3A_586 : i32 to vector<16xi32>
        %add3A_588 = arith.addi %add3A_580, %add3A_587 : vector<16xi32>
        %gather3A_589 = tpu.vector_load_idx %arg8[%add3A_588] : memref<5152xi32, #tpu.memory_space<vmem>>[vector<16xi32>], vector<16xi32>,
        %shift_right_logical3A_590 = arith.constant 7 : i32
        %shift_right_logical3A_591 = vector.broadcast %shift_right_logical3A_590 : i32 to vector<16xi32>
        %shift_right_logical3A_592 = arith.shrui %gather3A_581, %shift_right_logical3A_591 : vector<16xi32>
        %and3A_593 = arith.constant 127 : i32
        %and3A_594 = vector.broadcast %and3A_593 : i32 to vector<16xi32>
        %and3A_595 = arith.andi %gather3A_581, %and3A_594 : vector<16xi32>
        %neg3A_596 = arith.constant 0.000000e+00 : f32
        %neg3A_597 = vector.broadcast %neg3A_596 : f32 to vector<16xf32>
        %neg3A_598 = arith.subf %neg3A_597, %sub3A_570 : vector<16xf32>
        %ne3A_599 = arith.cmpi ne, %gather3A_581, %gather3A_585 : vector<16xi32>
        tpu.vector_store_idx %arg16[%shift_right_logical3A_592, %and3A_595], %neg3A_598 masked %ne3A_599 {add = true} : memref<80x128xf32, #tpu.memory_space<vmem>>[vector<16xi32>, vector<16xi32>], vector<16xf32>, vector<16xi1>
        %ne3A_600 = arith.cmpi ne, %gather3A_581, %gather3A_589 : vector<16xi32>
        tpu.vector_store_idx %arg16[%shift_right_logical3A_592, %and3A_595], %add3A_569 masked %ne3A_600 {add = true} : memref<80x128xf32, #tpu.memory_space<vmem>>[vector<16xi32>, vector<16xi32>], vector<16xf32>, vector<16xi1>
        %add3A_601 = arith.constant 80 : i32
        %add3A_602 = arith.addi %mul3A_109, %add3A_601 : i32
        %get3A_603 = arith.index_cast %add3A_602 : i32 to index
        %get3A_604 = tpu.vector_load %arg14[%get3A_603] {strides = array<i32>} : memref<5120xf32, #tpu.memory_space<vmem>>, vector<16xf32>,
        %mul3A_605 = arith.constant 6.250000e-02 : f32
        %mul3A_606 = vector.broadcast %mul3A_605 : f32 to vector<16xf32>
        %mul3A_607 = arith.mulf %get3A_604, %mul3A_606 : vector<16xf32>
        %swap3A_608 = arith.index_cast %add3A_602 : i32 to index
        %swap3A_609 = tpu.vector_load %arg14[%swap3A_608] {strides = array<i32>} : memref<5120xf32, #tpu.memory_space<vmem>>, vector<16xf32>,
        tpu.vector_store %arg14[%swap3A_608], %mul3A_607 {strides = array<i32>} : memref<5120xf32, #tpu.memory_space<vmem>>, vector<16xf32>,
        %exp3A_610 = math.exp %mul3A_607 : vector<16xf32>
        %swap3A_611 = arith.index_cast %add3A_602 : i32 to index
        %swap3A_612 = tpu.vector_load %arg15[%swap3A_611] {strides = array<i32>} : memref<5120xf32, #tpu.memory_space<vmem>>, vector<16xf32>,
        tpu.vector_store %arg15[%swap3A_611], %exp3A_610 {strides = array<i32>} : memref<5120xf32, #tpu.memory_space<vmem>>, vector<16xf32>,
        %broadcast_in_dim3A_613 = arith.constant true
        %broadcast_in_dim3A_614 = vector.broadcast %broadcast_in_dim3A_613 : i1 to vector<16xi1>
        %masked_cumsum3A_615 = tpu.scan <sum>, %exp3A_610 masked %broadcast_in_dim3A_614 : vector<16xf32>, vector<16xi1> -> vector<16xf32>
        %add3A_616 = arith.addf %masked_cumsum3A_615, %add3A_576 : vector<16xf32>
        %sub3A_617 = arith.subf %add3A_616, %exp3A_610 : vector<16xf32>
        %reduce_sum3A_618 = arith.constant true
        %reduce_sum3A_619 = vector.broadcast %reduce_sum3A_618 : i1 to vector<16xi1>
        %reduce_sum3A_620 = tpu.scan <sum>, %exp3A_610 masked %reduce_sum3A_619 : vector<16xf32>, vector<16xi1> -> vector<16xf32>
        %reduce_sum3A_621 = vector.extract %reduce_sum3A_620[15] : f32 from vector<16xf32>
        %broadcast_in_dim3A_622 = vector.broadcast %reduce_sum3A_621 : f32 to vector<16xf32>
        %add3A_623 = arith.addf %add3A_576, %broadcast_in_dim3A_622 : vector<16xf32>
        %add3A_624 = arith.constant 8 : i32
        %add3A_625 = arith.addi %add3A_624, %add3A_602 : i32
        %add3A_626 = vector.broadcast %add3A_625 : i32 to vector<16xi32>
        %add3A_627 = arith.addi %iota3A, %add3A_626 : vector<16xi32>
        %gather3A_628 = tpu.vector_load_idx %arg8[%add3A_627] : memref<5152xi32, #tpu.memory_space<vmem>>[vector<16xi32>], vector<16xi32>,
        %sub3A_629 = arith.constant 1 : i32
        %sub3A_630 = vector.broadcast %sub3A_629 : i32 to vector<16xi32>
        %sub3A_631 = arith.subi %add3A_627, %sub3A_630 : vector<16xi32>
        %gather3A_632 = tpu.vector_load_idx %arg8[%sub3A_631] : memref<5152xi32, #tpu.memory_space<vmem>>[vector<16xi32>], vector<16xi32>,
        %add3A_633 = arith.constant 1 : i32
        %add3A_634 = vector.broadcast %add3A_633 : i32 to vector<16xi32>
        %add3A_635 = arith.addi %add3A_627, %add3A_634 : vector<16xi32>
        %gather3A_636 = tpu.vector_load_idx %arg8[%add3A_635] : memref<5152xi32, #tpu.memory_space<vmem>>[vector<16xi32>], vector<16xi32>,
        %shift_right_logical3A_637 = arith.constant 7 : i32
        %shift_right_logical3A_638 = vector.broadcast %shift_right_logical3A_637 : i32 to vector<16xi32>
        %shift_right_logical3A_639 = arith.shrui %gather3A_628, %shift_right_logical3A_638 : vector<16xi32>
        %and3A_640 = arith.constant 127 : i32
        %and3A_641 = vector.broadcast %and3A_640 : i32 to vector<16xi32>
        %and3A_642 = arith.andi %gather3A_628, %and3A_641 : vector<16xi32>
        %neg3A_643 = arith.constant 0.000000e+00 : f32
        %neg3A_644 = vector.broadcast %neg3A_643 : f32 to vector<16xf32>
        %neg3A_645 = arith.subf %neg3A_644, %sub3A_617 : vector<16xf32>
        %ne3A_646 = arith.cmpi ne, %gather3A_628, %gather3A_632 : vector<16xi32>
        tpu.vector_store_idx %arg16[%shift_right_logical3A_639, %and3A_642], %neg3A_645 masked %ne3A_646 {add = true} : memref<80x128xf32, #tpu.memory_space<vmem>>[vector<16xi32>, vector<16xi32>], vector<16xf32>, vector<16xi1>
        %ne3A_647 = arith.cmpi ne, %gather3A_628, %gather3A_636 : vector<16xi32>
        tpu.vector_store_idx %arg16[%shift_right_logical3A_639, %and3A_642], %add3A_616 masked %ne3A_647 {add = true} : memref<80x128xf32, #tpu.memory_space<vmem>>[vector<16xi32>, vector<16xi32>], vector<16xf32>, vector<16xi1>
        %add3A_648 = arith.constant 96 : i32
        %add3A_649 = arith.addi %mul3A_109, %add3A_648 : i32
        %get3A_650 = arith.index_cast %add3A_649 : i32 to index
        %get3A_651 = tpu.vector_load %arg14[%get3A_650] {strides = array<i32>} : memref<5120xf32, #tpu.memory_space<vmem>>, vector<16xf32>,
        %mul3A_652 = arith.constant 6.250000e-02 : f32
        %mul3A_653 = vector.broadcast %mul3A_652 : f32 to vector<16xf32>
        %mul3A_654 = arith.mulf %get3A_651, %mul3A_653 : vector<16xf32>
        %swap3A_655 = arith.index_cast %add3A_649 : i32 to index
        %swap3A_656 = tpu.vector_load %arg14[%swap3A_655] {strides = array<i32>} : memref<5120xf32, #tpu.memory_space<vmem>>, vector<16xf32>,
        tpu.vector_store %arg14[%swap3A_655], %mul3A_654 {strides = array<i32>} : memref<5120xf32, #tpu.memory_space<vmem>>, vector<16xf32>,
        %exp3A_657 = math.exp %mul3A_654 : vector<16xf32>
        %swap3A_658 = arith.index_cast %add3A_649 : i32 to index
        %swap3A_659 = tpu.vector_load %arg15[%swap3A_658] {strides = array<i32>} : memref<5120xf32, #tpu.memory_space<vmem>>, vector<16xf32>,
        tpu.vector_store %arg15[%swap3A_658], %exp3A_657 {strides = array<i32>} : memref<5120xf32, #tpu.memory_space<vmem>>, vector<16xf32>,
        %broadcast_in_dim3A_660 = arith.constant true
        %broadcast_in_dim3A_661 = vector.broadcast %broadcast_in_dim3A_660 : i1 to vector<16xi1>
        %masked_cumsum3A_662 = tpu.scan <sum>, %exp3A_657 masked %broadcast_in_dim3A_661 : vector<16xf32>, vector<16xi1> -> vector<16xf32>
        %add3A_663 = arith.addf %masked_cumsum3A_662, %add3A_623 : vector<16xf32>
        %sub3A_664 = arith.subf %add3A_663, %exp3A_657 : vector<16xf32>
        %reduce_sum3A_665 = arith.constant true
        %reduce_sum3A_666 = vector.broadcast %reduce_sum3A_665 : i1 to vector<16xi1>
        %reduce_sum3A_667 = tpu.scan <sum>, %exp3A_657 masked %reduce_sum3A_666 : vector<16xf32>, vector<16xi1> -> vector<16xf32>
        %reduce_sum3A_668 = vector.extract %reduce_sum3A_667[15] : f32 from vector<16xf32>
        %broadcast_in_dim3A_669 = vector.broadcast %reduce_sum3A_668 : f32 to vector<16xf32>
        %add3A_670 = arith.addf %add3A_623, %broadcast_in_dim3A_669 : vector<16xf32>
        %add3A_671 = arith.constant 8 : i32
        %add3A_672 = arith.addi %add3A_671, %add3A_649 : i32
        %add3A_673 = vector.broadcast %add3A_672 : i32 to vector<16xi32>
        %add3A_674 = arith.addi %iota3A, %add3A_673 : vector<16xi32>
        %gather3A_675 = tpu.vector_load_idx %arg8[%add3A_674] : memref<5152xi32, #tpu.memory_space<vmem>>[vector<16xi32>], vector<16xi32>,
        %sub3A_676 = arith.constant 1 : i32
        %sub3A_677 = vector.broadcast %sub3A_676 : i32 to vector<16xi32>
        %sub3A_678 = arith.subi %add3A_674, %sub3A_677 : vector<16xi32>
        %gather3A_679 = tpu.vector_load_idx %arg8[%sub3A_678] : memref<5152xi32, #tpu.memory_space<vmem>>[vector<16xi32>], vector<16xi32>,
        %add3A_680 = arith.constant 1 : i32
        %add3A_681 = vector.broadcast %add3A_680 : i32 to vector<16xi32>
        %add3A_682 = arith.addi %add3A_674, %add3A_681 : vector<16xi32>
        %gather3A_683 = tpu.vector_load_idx %arg8[%add3A_682] : memref<5152xi32, #tpu.memory_space<vmem>>[vector<16xi32>], vector<16xi32>,
        %shift_right_logical3A_684 = arith.constant 7 : i32
        %shift_right_logical3A_685 = vector.broadcast %shift_right_logical3A_684 : i32 to vector<16xi32>
        %shift_right_logical3A_686 = arith.shrui %gather3A_675, %shift_right_logical3A_685 : vector<16xi32>
        %and3A_687 = arith.constant 127 : i32
        %and3A_688 = vector.broadcast %and3A_687 : i32 to vector<16xi32>
        %and3A_689 = arith.andi %gather3A_675, %and3A_688 : vector<16xi32>
        %neg3A_690 = arith.constant 0.000000e+00 : f32
        %neg3A_691 = vector.broadcast %neg3A_690 : f32 to vector<16xf32>
        %neg3A_692 = arith.subf %neg3A_691, %sub3A_664 : vector<16xf32>
        %ne3A_693 = arith.cmpi ne, %gather3A_675, %gather3A_679 : vector<16xi32>
        tpu.vector_store_idx %arg16[%shift_right_logical3A_686, %and3A_689], %neg3A_692 masked %ne3A_693 {add = true} : memref<80x128xf32, #tpu.memory_space<vmem>>[vector<16xi32>, vector<16xi32>], vector<16xf32>, vector<16xi1>
        %ne3A_694 = arith.cmpi ne, %gather3A_675, %gather3A_683 : vector<16xi32>
        tpu.vector_store_idx %arg16[%shift_right_logical3A_686, %and3A_689], %add3A_663 masked %ne3A_694 {add = true} : memref<80x128xf32, #tpu.memory_space<vmem>>[vector<16xi32>, vector<16xi32>], vector<16xf32>, vector<16xi1>
        %add3A_695 = arith.constant 112 : i32
        %add3A_696 = arith.addi %mul3A_109, %add3A_695 : i32
        %get3A_697 = arith.index_cast %add3A_696 : i32 to index
        %get3A_698 = tpu.vector_load %arg14[%get3A_697] {strides = array<i32>} : memref<5120xf32, #tpu.memory_space<vmem>>, vector<16xf32>,
        %mul3A_699 = arith.constant 6.250000e-02 : f32
        %mul3A_700 = vector.broadcast %mul3A_699 : f32 to vector<16xf32>
        %mul3A_701 = arith.mulf %get3A_698, %mul3A_700 : vector<16xf32>
        %swap3A_702 = arith.index_cast %add3A_696 : i32 to index
        %swap3A_703 = tpu.vector_load %arg14[%swap3A_702] {strides = array<i32>} : memref<5120xf32, #tpu.memory_space<vmem>>, vector<16xf32>,
        tpu.vector_store %arg14[%swap3A_702], %mul3A_701 {strides = array<i32>} : memref<5120xf32, #tpu.memory_space<vmem>>, vector<16xf32>,
        %exp3A_704 = math.exp %mul3A_701 : vector<16xf32>
        %swap3A_705 = arith.index_cast %add3A_696 : i32 to index
        %swap3A_706 = tpu.vector_load %arg15[%swap3A_705] {strides = array<i32>} : memref<5120xf32, #tpu.memory_space<vmem>>, vector<16xf32>,
        tpu.vector_store %arg15[%swap3A_705], %exp3A_704 {strides = array<i32>} : memref<5120xf32, #tpu.memory_space<vmem>>, vector<16xf32>,
        %broadcast_in_dim3A_707 = arith.constant true
        %broadcast_in_dim3A_708 = vector.broadcast %broadcast_in_dim3A_707 : i1 to vector<16xi1>
        %masked_cumsum3A_709 = tpu.scan <sum>, %exp3A_704 masked %broadcast_in_dim3A_708 : vector<16xf32>, vector<16xi1> -> vector<16xf32>
        %add3A_710 = arith.addf %masked_cumsum3A_709, %add3A_670 : vector<16xf32>
        %sub3A_711 = arith.subf %add3A_710, %exp3A_704 : vector<16xf32>
        %reduce_sum3A_712 = arith.constant true
        %reduce_sum3A_713 = vector.broadcast %reduce_sum3A_712 : i1 to vector<16xi1>
        %reduce_sum3A_714 = tpu.scan <sum>, %exp3A_704 masked %reduce_sum3A_713 : vector<16xf32>, vector<16xi1> -> vector<16xf32>
        %reduce_sum3A_715 = vector.extract %reduce_sum3A_714[15] : f32 from vector<16xf32>
        %broadcast_in_dim3A_716 = vector.broadcast %reduce_sum3A_715 : f32 to vector<16xf32>
        %add3A_717 = arith.addf %add3A_670, %broadcast_in_dim3A_716 : vector<16xf32>
        %add3A_718 = arith.constant 8 : i32
        %add3A_719 = arith.addi %add3A_718, %add3A_696 : i32
        %add3A_720 = vector.broadcast %add3A_719 : i32 to vector<16xi32>
        %add3A_721 = arith.addi %iota3A, %add3A_720 : vector<16xi32>
        %gather3A_722 = tpu.vector_load_idx %arg8[%add3A_721] : memref<5152xi32, #tpu.memory_space<vmem>>[vector<16xi32>], vector<16xi32>,
        %sub3A_723 = arith.constant 1 : i32
        %sub3A_724 = vector.broadcast %sub3A_723 : i32 to vector<16xi32>
        %sub3A_725 = arith.subi %add3A_721, %sub3A_724 : vector<16xi32>
        %gather3A_726 = tpu.vector_load_idx %arg8[%sub3A_725] : memref<5152xi32, #tpu.memory_space<vmem>>[vector<16xi32>], vector<16xi32>,
        %add3A_727 = arith.constant 1 : i32
        %add3A_728 = vector.broadcast %add3A_727 : i32 to vector<16xi32>
        %add3A_729 = arith.addi %add3A_721, %add3A_728 : vector<16xi32>
        %gather3A_730 = tpu.vector_load_idx %arg8[%add3A_729] : memref<5152xi32, #tpu.memory_space<vmem>>[vector<16xi32>], vector<16xi32>,
        %shift_right_logical3A_731 = arith.constant 7 : i32
        %shift_right_logical3A_732 = vector.broadcast %shift_right_logical3A_731 : i32 to vector<16xi32>
        %shift_right_logical3A_733 = arith.shrui %gather3A_722, %shift_right_logical3A_732 : vector<16xi32>
        %and3A_734 = arith.constant 127 : i32
        %and3A_735 = vector.broadcast %and3A_734 : i32 to vector<16xi32>
        %and3A_736 = arith.andi %gather3A_722, %and3A_735 : vector<16xi32>
        %neg3A_737 = arith.constant 0.000000e+00 : f32
        %neg3A_738 = vector.broadcast %neg3A_737 : f32 to vector<16xf32>
        %neg3A_739 = arith.subf %neg3A_738, %sub3A_711 : vector<16xf32>
        %ne3A_740 = arith.cmpi ne, %gather3A_722, %gather3A_726 : vector<16xi32>
        tpu.vector_store_idx %arg16[%shift_right_logical3A_733, %and3A_736], %neg3A_739 masked %ne3A_740 {add = true} : memref<80x128xf32, #tpu.memory_space<vmem>>[vector<16xi32>, vector<16xi32>], vector<16xf32>, vector<16xi1>
        %ne3A_741 = arith.cmpi ne, %gather3A_722, %gather3A_730 : vector<16xi32>
        tpu.vector_store_idx %arg16[%shift_right_logical3A_733, %and3A_736], %add3A_710 masked %ne3A_741 {add = true} : memref<80x128xf32, #tpu.memory_space<vmem>>[vector<16xi32>, vector<16xi32>], vector<16xf32>, vector<16xi1>
        scf.yield %add3A_717 : vector<16xf32>
      } else {
        scf.yield %cond3A_102 : vector<16xf32>
      }
      scf.yield %cond3A_107 : vector<16xf32>
    }
    %scan3A_78 = arith.constant 20 : i32
    "tpu.region"() ({
      %run_scoped3A = tpu.sem_alloc : memref<!tpu.dma_semaphore, #tpu.memory_space<semaphore_mem>>
      %dma_start3A_90 = arith.constant 0 : i32
      %dma_start3A_91 = arith.constant 0 : i32
      %dma_start3A_92 = tpu.memref_slice %arg18[%dma_start3A_90, %dma_start3A_91] : memref<80x128xf32, #tpu.memory_space<vmem_shared>> -> memref<80x128xf32, #tpu.memory_space<vmem_shared>>
      tpu.enqueue_indirect_dma source(%arg16 : memref<80x128xf32, #tpu.memory_space<vmem>>) target(%dma_start3A_92 : memref<80x128xf32, #tpu.memory_space<vmem_shared>>) offsets(%arg17 : memref<80xi32, #tpu.memory_space<vmem>>) semaphore(%run_scoped3A : memref<!tpu.dma_semaphore, #tpu.memory_space<semaphore_mem>>) {add = true}
      %dma_wait3A = arith.constant 0 : i32
      %dma_wait3A_93 = arith.constant 0 : i32
      %dma_wait3A_94 = tpu.memref_slice %arg18[%dma_wait3A, %dma_wait3A_93] : memref<80x128xf32, #tpu.memory_space<vmem_shared>> -> memref<80x128xf32, #tpu.memory_space<vmem_shared>>
      tpu.wait_indirect_dma semaphore(%run_scoped3A : memref<!tpu.dma_semaphore, #tpu.memory_space<semaphore_mem>>) src(%arg16 : memref<80x128xf32, #tpu.memory_space<vmem>>) dst(%dma_wait3A_94 : memref<80x128xf32, #tpu.memory_space<vmem_shared>>)
      tpu.yield
    }) : () -> ()
    %barrier3A_79 = arith.constant 0 : index
    tpu.barrier barrier_id(%barrier3A_79)
    %eq3A_80 = arith.constant 0 : i32
    %eq3A_81 = arith.cmpi eq, %arg1, %eq3A_80 : i32
    %convert_element_type3A_82 = arith.extui %eq3A_81 : i1 to i32
    %cond3A_83 = arith.constant 0 : i32
    %cond3A_84 = arith.cmpi ne, %convert_element_type3A_82, %cond3A_83 : i32
    scf.if %cond3A_84 {
      "tpu.region"() ({
        %run_scoped3A = tpu.sem_alloc : memref<!tpu.dma_semaphore, #tpu.memory_space<semaphore_mem>>
        %dma_start3A_90 = arith.constant 0 : i32
        %dma_start3A_91 = arith.constant 0 : i32
        %dma_start3A_92 = tpu.memref_slice %arg7[%arg0, %dma_start3A_90, %dma_start3A_91] : memref<2x80x128xf32, #tpu.memory_space<hbm>> -> memref<1x80x128xf32, #tpu.memory_space<hbm>>
        %dma_start3A_93 = tpu.memref_squeeze %dma_start3A_92 : memref<1x80x128xf32, #tpu.memory_space<hbm>> -> memref<80x128xf32, #tpu.memory_space<hbm>>
        tpu.enqueue_dma source(%arg18 : memref<80x128xf32, #tpu.memory_space<vmem_shared>>) target(%dma_start3A_93 : memref<80x128xf32, #tpu.memory_space<hbm>>) target_semaphore(%run_scoped3A : memref<!tpu.dma_semaphore, #tpu.memory_space<semaphore_mem>>)
        %dma_wait3A = arith.constant 0 : i32
        %dma_wait3A_94 = arith.constant 0 : i32
        %dma_wait3A_95 = tpu.memref_slice %arg7[%arg0, %dma_wait3A, %dma_wait3A_94] : memref<2x80x128xf32, #tpu.memory_space<hbm>> -> memref<1x80x128xf32, #tpu.memory_space<hbm>>
        %dma_wait3A_96 = tpu.memref_squeeze %dma_wait3A_95 : memref<1x80x128xf32, #tpu.memory_space<hbm>> -> memref<80x128xf32, #tpu.memory_space<hbm>>
        tpu.wait_dma2 semaphore(%run_scoped3A : memref<!tpu.dma_semaphore, #tpu.memory_space<semaphore_mem>>) src(%arg18 : memref<80x128xf32, #tpu.memory_space<vmem_shared>>) dst(%dma_wait3A_96 : memref<80x128xf32, #tpu.memory_space<hbm>>)
        tpu.yield
      }) : () -> ()
    } else {
    }
    "tpu.region"() ({
      %run_scoped3A = tpu.sem_alloc : memref<!tpu.dma_semaphore, #tpu.memory_space<semaphore_mem>>
      %dma_start3A_90 = arith.constant 0 : i32
      %dma_start3A_91 = tpu.memref_slice %arg14[%dma_start3A_90] : memref<5120xf32, #tpu.memory_space<vmem>> -> memref<4992xf32, #tpu.memory_space<vmem>>
      %dma_start3A_92 = tpu.memref_slice %arg5[%mul3A_10] : memref<160000xf32, #tpu.memory_space<hbm>> -> memref<4992xf32, #tpu.memory_space<hbm>>
      %dma_start3A_93 = tpu.memref_slice %arg5[%mul3A_10] : memref<160000xf32, #tpu.memory_space<hbm>> -> memref<4992xf32, #tpu.memory_space<hbm>>
      %dma_start3A_94 = arith.constant 0 : i32
      %dma_start3A_95 = tpu.memref_slice %arg14[%dma_start3A_94] : memref<5120xf32, #tpu.memory_space<vmem>> -> memref<4992xf32, #tpu.memory_space<vmem>>
      tpu.enqueue_dma source(%dma_start3A_95 : memref<4992xf32, #tpu.memory_space<vmem>>) target(%dma_start3A_93 : memref<4992xf32, #tpu.memory_space<hbm>>) target_semaphore(%run_scoped3A : memref<!tpu.dma_semaphore, #tpu.memory_space<semaphore_mem>>)
      %dma_wait3A = arith.constant 0 : i32
      %dma_wait3A_96 = tpu.memref_slice %arg14[%dma_wait3A] : memref<5120xf32, #tpu.memory_space<vmem>> -> memref<4992xf32, #tpu.memory_space<vmem>>
      %dma_wait3A_97 = tpu.memref_slice %arg5[%mul3A_10] : memref<160000xf32, #tpu.memory_space<hbm>> -> memref<4992xf32, #tpu.memory_space<hbm>>
      %dma_wait3A_98 = tpu.memref_slice %arg5[%mul3A_10] : memref<160000xf32, #tpu.memory_space<hbm>> -> memref<4992xf32, #tpu.memory_space<hbm>>
      %dma_wait3A_99 = arith.constant 0 : i32
      %dma_wait3A_100 = tpu.memref_slice %arg14[%dma_wait3A_99] : memref<5120xf32, #tpu.memory_space<vmem>> -> memref<4992xf32, #tpu.memory_space<vmem>>
      tpu.wait_dma2 semaphore(%run_scoped3A : memref<!tpu.dma_semaphore, #tpu.memory_space<semaphore_mem>>) src(%dma_wait3A_100 : memref<4992xf32, #tpu.memory_space<vmem>>) dst(%dma_wait3A_98 : memref<4992xf32, #tpu.memory_space<hbm>>)
      tpu.yield
    }) : () -> ()
    "tpu.region"() ({
      %run_scoped3A = tpu.sem_alloc : memref<!tpu.dma_semaphore, #tpu.memory_space<semaphore_mem>>
      %dma_start3A_90 = arith.constant 0 : i32
      %dma_start3A_91 = tpu.memref_slice %arg15[%dma_start3A_90] : memref<5120xf32, #tpu.memory_space<vmem>> -> memref<4992xf32, #tpu.memory_space<vmem>>
      %dma_start3A_92 = tpu.memref_slice %arg6[%mul3A_10] : memref<160000xf32, #tpu.memory_space<hbm>> -> memref<4992xf32, #tpu.memory_space<hbm>>
      %dma_start3A_93 = tpu.memref_slice %arg6[%mul3A_10] : memref<160000xf32, #tpu.memory_space<hbm>> -> memref<4992xf32, #tpu.memory_space<hbm>>
      %dma_start3A_94 = arith.constant 0 : i32
      %dma_start3A_95 = tpu.memref_slice %arg15[%dma_start3A_94] : memref<5120xf32, #tpu.memory_space<vmem>> -> memref<4992xf32, #tpu.memory_space<vmem>>
      tpu.enqueue_dma source(%dma_start3A_95 : memref<4992xf32, #tpu.memory_space<vmem>>) target(%dma_start3A_93 : memref<4992xf32, #tpu.memory_space<hbm>>) target_semaphore(%run_scoped3A : memref<!tpu.dma_semaphore, #tpu.memory_space<semaphore_mem>>)
      %dma_wait3A = arith.constant 0 : i32
      %dma_wait3A_96 = tpu.memref_slice %arg15[%dma_wait3A] : memref<5120xf32, #tpu.memory_space<vmem>> -> memref<4992xf32, #tpu.memory_space<vmem>>
      %dma_wait3A_97 = tpu.memref_slice %arg6[%mul3A_10] : memref<160000xf32, #tpu.memory_space<hbm>> -> memref<4992xf32, #tpu.memory_space<hbm>>
      %dma_wait3A_98 = tpu.memref_slice %arg6[%mul3A_10] : memref<160000xf32, #tpu.memory_space<hbm>> -> memref<4992xf32, #tpu.memory_space<hbm>>
      %dma_wait3A_99 = arith.constant 0 : i32
      %dma_wait3A_100 = tpu.memref_slice %arg15[%dma_wait3A_99] : memref<5120xf32, #tpu.memory_space<vmem>> -> memref<4992xf32, #tpu.memory_space<vmem>>
      tpu.wait_dma2 semaphore(%run_scoped3A : memref<!tpu.dma_semaphore, #tpu.memory_space<semaphore_mem>>) src(%dma_wait3A_100 : memref<4992xf32, #tpu.memory_space<vmem>>) dst(%dma_wait3A_98 : memref<4992xf32, #tpu.memory_space<hbm>>)
      tpu.yield
    }) : () -> ()
    %eq3A_85 = arith.constant 40 : i32
    %eq3A_86 = arith.cmpi eq, %add3A_4, %eq3A_85 : i32
    %convert_element_type3A_87 = arith.extui %eq3A_86 : i1 to i32
    %cond3A_88 = arith.constant 0 : i32
    %cond3A_89 = arith.cmpi ne, %convert_element_type3A_87, %cond3A_88 : i32
    scf.if %cond3A_89 {
      %add3A_90 = arith.constant 4992 : i32
      %add3A_91 = arith.addi %mul3A_10, %add3A_90 : i32
      "tpu.region"() ({
        %run_scoped3A = tpu.sem_alloc : memref<!tpu.dma_semaphore, #tpu.memory_space<semaphore_mem>>
        %dma_start3A_94 = arith.constant 4992 : i32
        %dma_start3A_95 = tpu.memref_slice %arg14[%dma_start3A_94] : memref<5120xf32, #tpu.memory_space<vmem>> -> memref<128xf32, #tpu.memory_space<vmem>>
        %dma_start3A_96 = tpu.memref_slice %arg5[%add3A_91] : memref<160000xf32, #tpu.memory_space<hbm>> -> memref<128xf32, #tpu.memory_space<hbm>>
        %dma_start3A_97 = tpu.memref_slice %arg5[%add3A_91] : memref<160000xf32, #tpu.memory_space<hbm>> -> memref<128xf32, #tpu.memory_space<hbm>>
        %dma_start3A_98 = arith.constant 4992 : i32
        %dma_start3A_99 = tpu.memref_slice %arg14[%dma_start3A_98] : memref<5120xf32, #tpu.memory_space<vmem>> -> memref<128xf32, #tpu.memory_space<vmem>>
        tpu.enqueue_dma source(%dma_start3A_99 : memref<128xf32, #tpu.memory_space<vmem>>) target(%dma_start3A_97 : memref<128xf32, #tpu.memory_space<hbm>>) target_semaphore(%run_scoped3A : memref<!tpu.dma_semaphore, #tpu.memory_space<semaphore_mem>>)
        %dma_wait3A = arith.constant 4992 : i32
        %dma_wait3A_100 = tpu.memref_slice %arg14[%dma_wait3A] : memref<5120xf32, #tpu.memory_space<vmem>> -> memref<128xf32, #tpu.memory_space<vmem>>
        %dma_wait3A_101 = tpu.memref_slice %arg5[%add3A_91] : memref<160000xf32, #tpu.memory_space<hbm>> -> memref<128xf32, #tpu.memory_space<hbm>>
        %dma_wait3A_102 = tpu.memref_slice %arg5[%add3A_91] : memref<160000xf32, #tpu.memory_space<hbm>> -> memref<128xf32, #tpu.memory_space<hbm>>
        %dma_wait3A_103 = arith.constant 4992 : i32
        %dma_wait3A_104 = tpu.memref_slice %arg14[%dma_wait3A_103] : memref<5120xf32, #tpu.memory_space<vmem>> -> memref<128xf32, #tpu.memory_space<vmem>>
        tpu.wait_dma2 semaphore(%run_scoped3A : memref<!tpu.dma_semaphore, #tpu.memory_space<semaphore_mem>>) src(%dma_wait3A_104 : memref<128xf32, #tpu.memory_space<vmem>>) dst(%dma_wait3A_102 : memref<128xf32, #tpu.memory_space<hbm>>)
        tpu.yield
      }) : () -> ()
      %add3A_92 = arith.constant 4992 : i32
      %add3A_93 = arith.addi %mul3A_10, %add3A_92 : i32
      "tpu.region"() ({
        %run_scoped3A = tpu.sem_alloc : memref<!tpu.dma_semaphore, #tpu.memory_space<semaphore_mem>>
        %dma_start3A_94 = arith.constant 4992 : i32
        %dma_start3A_95 = tpu.memref_slice %arg15[%dma_start3A_94] : memref<5120xf32, #tpu.memory_space<vmem>> -> memref<128xf32, #tpu.memory_space<vmem>>
        %dma_start3A_96 = tpu.memref_slice %arg6[%add3A_93] : memref<160000xf32, #tpu.memory_space<hbm>> -> memref<128xf32, #tpu.memory_space<hbm>>
        %dma_start3A_97 = tpu.memref_slice %arg6[%add3A_93] : memref<160000xf32, #tpu.memory_space<hbm>> -> memref<128xf32, #tpu.memory_space<hbm>>
        %dma_start3A_98 = arith.constant 4992 : i32
        %dma_start3A_99 = tpu.memref_slice %arg15[%dma_start3A_98] : memref<5120xf32, #tpu.memory_space<vmem>> -> memref<128xf32, #tpu.memory_space<vmem>>
        tpu.enqueue_dma source(%dma_start3A_99 : memref<128xf32, #tpu.memory_space<vmem>>) target(%dma_start3A_97 : memref<128xf32, #tpu.memory_space<hbm>>) target_semaphore(%run_scoped3A : memref<!tpu.dma_semaphore, #tpu.memory_space<semaphore_mem>>)
        %dma_wait3A = arith.constant 4992 : i32
        %dma_wait3A_100 = tpu.memref_slice %arg15[%dma_wait3A] : memref<5120xf32, #tpu.memory_space<vmem>> -> memref<128xf32, #tpu.memory_space<vmem>>
        %dma_wait3A_101 = tpu.memref_slice %arg6[%add3A_93] : memref<160000xf32, #tpu.memory_space<hbm>> -> memref<128xf32, #tpu.memory_space<hbm>>
        %dma_wait3A_102 = tpu.memref_slice %arg6[%add3A_93] : memref<160000xf32, #tpu.memory_space<hbm>> -> memref<128xf32, #tpu.memory_space<hbm>>
        %dma_wait3A_103 = arith.constant 4992 : i32
        %dma_wait3A_104 = tpu.memref_slice %arg15[%dma_wait3A_103] : memref<5120xf32, #tpu.memory_space<vmem>> -> memref<128xf32, #tpu.memory_space<vmem>>
        tpu.wait_dma2 semaphore(%run_scoped3A : memref<!tpu.dma_semaphore, #tpu.memory_space<semaphore_mem>>) src(%dma_wait3A_104 : memref<128xf32, #tpu.memory_space<vmem>>) dst(%dma_wait3A_102 : memref<128xf32, #tpu.memory_space<hbm>>)
        tpu.yield
      }) : () -> ()
    } else {
    }
    return
  }
}

module attributes {stable_mosaic.version = 14 : i64} {
  func.func @_qm_body(%arg0: i32, %arg1: memref<1000x256xf32, #tpu.memory_space<vmem>>, %arg2: memref<256x256xf32, #tpu.memory_space<vmem>>, %arg3: memref<256x256xf32, #tpu.memory_space<vmem>>, %arg4: memref<1000x256xf32, #tpu.memory_space<vmem>>) attributes {dimension_semantics = [#tpu.dimension_semantics<arbitrary>], iteration_bounds = array<i64: 10>, scalar_prefetch = 0 : i64, scratch_operands = 0 : i64, tpu.core_type = #tpu.core_type<tc>, window_params = [{transform_indices = @transform_0, window_bounds = array<i64: 1000, 256>}, {pipeline_mode = #tpu.pipeline_mode<synchronous>, transform_indices = @transform_1, window_bounds = array<i64: 256, 256>}, {pipeline_mode = #tpu.pipeline_mode<synchronous>, transform_indices = @transform_2, window_bounds = array<i64: 256, 256>}, {transform_indices = @transform_3, window_bounds = array<i64: 1000, 256>}]} {
    %get3A = arith.constant 0 : index
    %get3A_0 = arith.constant 0 : index
    %get3A_1 = vector.load %arg2[%get3A, %get3A_0] : memref<256x256xf32, #tpu.memory_space<vmem>>, vector<256x256xf32>
    %get3A_2 = arith.constant 0 : index
    %get3A_3 = arith.constant 0 : index
    %get3A_4 = vector.load %arg3[%get3A_2, %get3A_3] : memref<256x256xf32, #tpu.memory_space<vmem>>, vector<256x256xf32>
    %dot_general3A = arith.constant dense<0.000000e+00> : vector<256x256xf32>
    %dot_general3A_5 = tpu.matmul %get3A_1, %get3A_4, %dot_general3A {dimension_numbers = #tpu.dot_dimension_numbers<[0], [0], [1], [1], [0, 1, 1, 1], [], []>, precision = #tpu.contract_precision<fp32>, transpose_lhs_hint = false} : vector<256x256xf32>, vector<256x256xf32>, vector<256x256xf32> -> vector<256x256xf32>
    %get3A_6 = arith.constant 0 : index
    %get3A_7 = arith.constant 0 : index
    %get3A_8 = vector.load %arg1[%get3A_6, %get3A_7] : memref<1000x256xf32, #tpu.memory_space<vmem>>, vector<1000x256xf32>
    %dot_general3A_9 = arith.constant dense<0.000000e+00> : vector<1000x256xf32>
    %dot_general3A_10 = tpu.matmul %get3A_8, %dot_general3A_5, %dot_general3A_9 {dimension_numbers = #tpu.dot_dimension_numbers<[1], [0], [0], [1], [0, 0, 1, 1], [], []>, precision = #tpu.contract_precision<fp32>, transpose_lhs_hint = false} : vector<1000x256xf32>, vector<256x256xf32>, vector<1000x256xf32> -> vector<1000x256xf32>
    %swap3A = arith.constant 0 : index
    %swap3A_11 = arith.constant 0 : index
    %swap3A_12 = vector.load %arg4[%swap3A, %swap3A_11] : memref<1000x256xf32, #tpu.memory_space<vmem>>, vector<1000x256xf32>
    tpu.vector_store %arg4[%swap3A, %swap3A_11], %dot_general3A_10 {strides = array<i32>} : memref<1000x256xf32, #tpu.memory_space<vmem>>, vector<1000x256xf32>,
    return
  }
  func.func @transform_0(%arg0: i32) -> (i32, i32) {
    %c0_i32 = arith.constant 0 : i32
    %c0_i32_0 = arith.constant 0 : i32
    return %arg0, %c0_i32 : i32, i32
  }
  func.func @transform_1(%arg0: i32) -> (i32, i32) {
    %c0_i32 = arith.constant 0 : i32
    %c0_i32_0 = arith.constant 0 : i32
    %c0_i32_1 = arith.constant 0 : i32
    return %c0_i32, %c0_i32_0 : i32, i32
  }
  func.func @transform_2(%arg0: i32) -> (i32, i32) {
    %c0_i32 = arith.constant 0 : i32
    %c0_i32_0 = arith.constant 0 : i32
    %c0_i32_1 = arith.constant 0 : i32
    return %c0_i32, %c0_i32_0 : i32, i32
  }
  func.func @transform_3(%arg0: i32) -> (i32, i32) {
    %c0_i32 = arith.constant 0 : i32
    %c0_i32_0 = arith.constant 0 : i32
    return %arg0, %c0_i32 : i32, i32
  }
}

</mosaic_0001>

<sc_bundles>
// kernel: kernel.5.cloned.1.call-start
scs
__scs_entry_jumppad:
0x0: {  	(pc) =	sbr.rel $0x88, $3  }
0x1: {  	(tag) =	ssettag $0x0;
	lr =	simm.s32 $0x1  }
0x2: {  	[smem:$0x3F9C] =	sst lr;
	_ =	strace $0xD0000000  }
0x3: {  	_ = 	snop  }
0x4: {  	_ = 	snop  }
0x5: {  	_ = 	snop  }
0x6: {  	_ = 	snop  }
0x7: {  	_ = 	snop  }
__scs_overlays_trampoline_lowered:
0x8: {  	[smem:$0x3FAB] =	sst s0  }
0x9: {  	[smem:$0x3FAC] =	sst s1  }
0xa: {  	[smem:$0x3FAD] =	sst s2  }
0xb: {  	[smem:$0x3FAE] =	sst s3  }
0xc: {  	[smem:$0x3FAF] =	sst s4  }
0xd: {  	[smem:$0x3FB0] =	sst s5  }
0xe: {  	[smem:$0x3FB1] =	sst s6  }
0xf: {  	[smem:$0x3FB2] =	sst s7  }
0x10: {  	[smem:$0x3FB3] =	sst s8  }
0x11: {  	[smem:$0x3FB4] =	sst s9;
	s0 =	simm.s32 @!p0 $0x0  }
0x12: {  	s1 =	sld [smem:$0x3F9A];
	s0 =	simm.s32 @p0 $0x1  }
0x13: {  	[smem:$0x3FB5] =	sst s0;
	s0 =	simm.s32 @!p1 $0x0  }
0x14: {  	s2 =	sld [smem:$0x3F99];
	s0 =	simm.s32 @p1 $0x1  }
0x15: {  	[smem:$0x3FB6] =	sst s0;
	s0 =	simm.s32 @!p2 $0x0  }
0x16: {  	s3 =	sld [smem:$0x3FDB];
	s0 =	simm.s32 @p2 $0x1  }
0x17: {  	s4 =	simm.s32 $0x1BF5;
	[smem:$0x3FB8] =	sst s0  }
0x18: {  	s0 =	sld [smem:$0x3F9B];
	_ =	swait.ge [sflag:s4], $0x0  }
0x19: {  	s7 =	sld [smem:$0x3F9C]  }
0x1a: {  	s8 =	sadd.s32 $0xFFFFE003, lr  }
0x1b: {  	s9 =	sadd.s32 $0xFFFFFEF7, lr;
	s5 =	simm.s32 $0xFFFFFFFF;
	p2 =	slt.u32 s8, $0xFFFFF086  }
0x1c: {  	p1 =	slt.u32 s9, $0xF7A;
	s5 =	simm.s32 @!p2 $0x0  }
0x1d: {  	s5 =	simm.s32 @p1 $0x1;
	p0 =	seq.s32 s7, s2  }
0x1e: {  	s7 =	smul.u32 @!p0 $0xF7A, s2;
	p2 =	seq.s32 @!p0 s5, $0x0  }
0x1f: {  	s9 =	smul.u32 $0xF7A, s1;
	s8 =	simm.s32 @!p0 $0x1BF5;
	p2 =	por !p2, p0  }
0x20: {  	[sflag:s8] =	ssyncset.s32 @!p0 $0xFFFFF086;
	s6 =	sadd.s32 @!p0 s3, s7;
	s7 =	simm.s32 @!p0 $0x108  }
0x21: {  	s3 =	sadd.s32 s3, s9;
	s6 =	sadd.s32 @!p0 $0x88, s6;
	s7 =	simm.s32 @p2 $0x1082  }
0x22: {  	[simem:s7], [sflag:s8] =	dma.local @!p0 [hbm:s6], $0xF7A  }
0x23: {  	s9 =	sor.u32 $0xD0000000, s2;
	s6 =	simm.s32 $0x108;
	_ =	swait.ge @!p0 [sflag:s8], $0x0  }
0x24: {  	s3 =	sadd.s32 $0x88, s3;
	s6 =	simm.s32 @!p1 $0x1082;
	[sflag:s4] =	ssyncset.s32 $0xFFFFF086  }
0x25: {  	[simem:s6], [sflag:s4] =	dma.local [hbm:s3], $0xF7A  }
0x26: {  	[smem:$0x3F9C] =	sst s1;
	(tag) =	ssettag s2;
	_ =	strace s9  }
0x27: {  	s1 =	sld [smem:$0x3FAC]  }
0x28: {  	s2 =	sld [smem:$0x3FAD]  }
0x29: {  	s4 =	sld [smem:$0x3FAF]  }
0x2a: {  	p0 =	seq.s32 s5, $0x0;
	s5 =	sld [smem:$0x3FB0]  }
0x2b: {  	s6 =	sld [smem:$0x3FB1]  }
0x2c: {  	s7 =	sld [smem:$0x3FB2]  }
0x2d: {  	s3 =	simm.s32 $0x108;
	s8 =	sld [smem:$0x3FB3]  }
0x2e: {  	s3 =	simm.s32 @!p0 $0x1082;
	s9 =	sld [smem:$0x3FB4]  }
0x2f: {  	lr =	sadd.s32 s0, s3;
	s0 =	sld [smem:$0x3FAB]  }
0x30: {  	s3 =	sld [smem:$0x3FAE]  }
0x31: {  	[smem:$0x3FB7] =	sst s10  }
0x32: {  	s10 =	sld [smem:$0x3FB5];
	_ =	sdelay $0x3  }
0x33: {  	p0 =	seq.s32 s10, $0x1;
	s10 =	sld [smem:$0x3FB7];
	_ =	sdelay $0x3  }
0x34: {  	[smem:$0x3FB7] =	sst s10  }
0x35: {  	s10 =	sld [smem:$0x3FB6];
	_ =	sdelay $0x3  }
0x36: {  	p1 =	seq.s32 s10, $0x1;
	s10 =	sld [smem:$0x3FB7];
	_ =	sdelay $0x3  }
0x37: {  	[smem:$0x3FB7] =	sst s10  }
0x38: {  	s10 =	sld [smem:$0x3FB8]  }
0x39: {  	_ = 	snop;
	(pc) =	sbr.ind lr, $3  }
0x3a: {  	_ = 	snop  }
0x3b: {  	_ = 	snop  }
0x3c: {  	p2 =	seq.s32 s10, $0x1;
	s10 =	sld [smem:$0x3FB7]  }
0x3d: {  	_ =	shalt  }
0x3e: {  	_ =	shalt  }
0x3f: {  	_ =	shalt  }
0x40: {  	_ =	shalt  }
0x41: {  	_ =	shalt  }
0x42: {  	_ =	shalt  }
0x43: {  	_ =	shalt  }
0x44: {  	_ =	shalt  }
0x45: {  	_ =	shalt  }
0x46: {  	_ =	shalt  }
0x47: {  	_ =	shalt  }
0x48: {  	_ =	shalt  }
0x49: {  	_ =	shalt  }
0x4a: {  	_ =	shalt  }
0x4b: {  	_ =	shalt  }
0x4c: {  	_ =	shalt  }
0x4d: {  	_ =	shalt  }
0x4e: {  	_ =	shalt  }
0x4f: {  	_ =	shalt  }
0x50: {  	_ =	shalt  }
0x51: {  	_ =	shalt  }
0x52: {  	_ =	shalt  }
0x53: {  	_ =	shalt  }
0x54: {  	_ =	shalt  }
0x55: {  	_ =	shalt  }
0x56: {  	_ =	shalt  }
0x57: {  	_ =	shalt  }
0x58: {  	_ =	shalt  }
0x59: {  	_ =	shalt  }
0x5a: {  	_ =	shalt  }
0x5b: {  	_ =	shalt  }
0x5c: {  	_ =	shalt  }
0x5d: {  	_ =	shalt  }
0x5e: {  	_ =	shalt  }
0x5f: {  	_ =	shalt  }
0x60: {  	_ =	shalt  }
0x61: {  	_ =	shalt  }
0x62: {  	_ =	shalt  }
0x63: {  	_ =	shalt  }
0x64: {  	_ =	shalt  }
0x65: {  	_ =	shalt  }
0x66: {  	_ =	shalt  }
0x67: {  	_ =	shalt  }
0x68: {  	_ =	shalt  }
0x69: {  	_ =	shalt  }
0x6a: {  	_ =	shalt  }
0x6b: {  	_ =	shalt  }
0x6c: {  	_ =	shalt  }
0x6d: {  	_ =	shalt  }
0x6e: {  	_ =	shalt  }
0x6f: {  	_ =	shalt  }
0x70: {  	_ =	shalt  }
0x71: {  	_ =	shalt  }
0x72: {  	_ =	shalt  }
0x73: {  	_ =	shalt  }
0x74: {  	_ =	shalt  }
0x75: {  	_ =	shalt  }
0x76: {  	_ =	shalt  }
0x77: {  	_ =	shalt  }
0x78: {  	_ =	shalt  }
0x79: {  	_ =	shalt  }
0x7a: {  	_ =	shalt  }
0x7b: {  	_ =	shalt  }
0x7c: {  	_ =	shalt  }
0x7d: {  	_ =	shalt  }
0x7e: {  	_ =	shalt  }
0x7f: {  	_ =	shalt  }
0x80: {  	_ =	shalt  }
0x81: {  	_ =	shalt  }
0x82: {  	_ =	shalt  }
0x83: {  	_ =	shalt  }
0x84: {  	_ =	shalt  }
0x85: {  	_ =	shalt  }
0x86: {  	_ =	shalt  }
0x87: {  	_ =	shalt  }
.Lfunc_end0:
.L_simem_size_0:
called_computation_lowered:
.L_overlay_start_0:
0x88: {  	s2 =	sld [smem:$0x3FD9]  }
0x89: {  	s3 =	sld [smem:$0x3FFE];
	_ =	sdelay $0x1  }
0x8a: {  	s1 =	srdreg.scid  }
0x8b: {  	s0 =	sand.u32 $0x1, s1  }
0x8c: {  	s14 =	sshll.u32 s0, $0xA;
	s2 =	sadd.s32 s3, s2  }
0x8d: {  	s2 =	sadd.s32 s2, s14  }
0x8e: {  	[smem:$0x3FC3] =	sst s2  }
0x8f: {  	_ = 	snop  }
0x90: {  	s2 =	sld [smem:$0x3FD0];
	_ =	sdelay $0x1  }
0x91: {  	s15 =	sld [smem:$0x3FC8]  }
0x92: {  	s5 =	simm.s32 $0xA;
	s6 =	simm.s32 $0x10;
	s4 =	sld [smem:$0x3FC7]  }
0x93: {  	[smem:s6], [sflag:s5] =	dma.local [hbm:s2], $0x1  }
0x94: {  	_ =	swait.eq [sflag:s5], $0x1  }
0x95: {  	[sflag:s5] =	ssyncset.done $0x0  }
0x96: {  	[sflag:s5] =	ssyncadd.s32 $0xFFFFFFFF  }
0x97: {  	s16 =	sld [smem:$0x11];
	(tm) =	ssettm $0x1  }
0x98: {  	s17 =	sld [smem:$0x3FFB];
	_ =	sdelay $0x3  }
0x99: {  	_ =	strace s17  }
0x9a: {  	s5 =	sld [smem:$0x3FFC];
	_ =	sdelay $0x3  }
0x9b: {  	_ =	strace s5  }
0x9c: {  	s5 =	sld [smem:$0x3FFD];
	_ =	sdelay $0x3  }
0x9d: {  	_ =	strace s5  }
0x9e: {  	_ =	strace $0x8FFFFFFF  }
0x9f: {  	s18 =	sld [smem:$0x3FDB];
	_ =	sdelay $0x1  }
0xa0: {  	s19 =	simm.s32 $_scs_section_size  }
0xa1: {  	s7 =	simm.s32 $_size__tile_overlayer_lowered;
	s8 =	simm.s32 $_tile_overlayer_lowered  }
0xa2: {  	s22 =	simm.s32 $0x1BFF;
	s21 =	sshll.u32 s8, $0x1;
	s5 =	sadd.s32 s19, s18  }
0xa3: {  	s9 =	simm.s32 $0x0;
	s20 =	sshll.u32 s7, $0x1;
	s7 =	sadd.s32 s21, s5  }
0xa4: {  	[timem:s9], [sflag:s22] =	dma.local [hbm:s7], s20  }
0xa5: {  	_ =	swait.ge [sflag:s22], s20  }
0xa6: {  	s6 =	ssub.s32 $0x0, s20;
	[sflag:s22] =	ssyncset.done $0x0  }
0xa7: {  	[sflag:s22] =	ssyncadd.s32 s6;
	_ =	sdelay $0x1  }
0xa8: {  	s23 =	simm.s32 $0x1B8B  }
0xa9: {  	_ =	swait.ge [sflag:s23], $0x1  }
0xaa: {  	[sflag:s23] =	ssyncset.done $0x0  }
0xab: {  	s25 =	simm.s32 $0x1B8E;
	s24 =	sld [smem:$0x3FFE];
	[sflag:s23] =	ssyncadd.s32 $0xFFFFFFFF  }
0xac: {  	s26 =	simm.s32 $execute0_lowered;
	[smem:$0x3FD2] =	sst s25  }
0xad: {  	s7 =	sshll.u32 s26, $0x1;
	_ =	strace $0x80000046;
	[dreg:$0x1] =	wrdreg $0xFFFFFFFF  }
0xae: {  	s28 =	simm.s32 $_size_execute0_lowered;
	s5 =	sadd.s32 s5, s7;
	[dreg:$0x0] =	wrdreg $0x0  }
0xaf: {  	s7 =	sshll.u32 s28, $0x1;
	[dreg:$0x2] =	wrdreg s5  }
0xb0: {  	[dreg:$0x3] =	wrdreg s7  }
0xb1: {  	[dreg:$0x4] =	wrdreg $0xC0  }
0xb2: {  	_ =	task [dreg:s9], $0x5FFFF  }
0xb3: {  	[dreg:$0x1] =	wrdreg $0xFFFFFFFF  }
0xb4: {  	[dreg:$0x0] =	wrdreg $0x60  }
0xb5: {  	[dreg:$0x2] =	wrdreg s24  }
0xb6: {  	[dreg:$0x3] =	wrdreg s15  }
0xb7: {  	[dreg:$0x4] =	wrdreg s4  }
0xb8: {  	[dreg:$0x5] =	wrdreg s16  }
0xb9: {  	[dreg:$0x6] =	wrdreg $0x1E6800  }
0xba: {  	[dreg:$0x7] =	wrdreg $0x9  }
0xbb: {  	_ =	task.clear_ibuf [dreg:s9], $0x8FFFF;
	_ =	strace $0x90000046  }
0xbc: {  	s29 =	simm.s32 $0x9;
	_ =	strace $0x80000048  }
0xbd: {  	_ =	swait.ge [sflag:s29], $0x1  }
0xbe: {  	[sflag:s29] =	ssyncadd.s32 $0xFFFFFFFF  }
0xbf: {  	_ =	strace $0x90000048  }
0xc0: {  	_ =	sfence  }
0xc1: {  	s30 =	sld [smem:$0x0];
	_ =	sdelay $0x2  }
0xc2: {  	s31 =	sshll.u32 s1, $0xD;
	s1 =	sshrl.u32 s1, $0x2  }
0xc3: {  	s3 =	sand.u32 $0x4000, s31;
	s1 =	sadd.s32 s1, s30  }
0xc4: {  	s0 =	sor.u32 s3, s0;
	s1 =	sshll.u32 s1, $0x11  }
0xc5: {  	s0 =	sor.u32 s1, s0  }
0xc6: {  	s0 =	sadd.s32 $0x8F2B, s0  }
0xc7: {  	[sflag:s0] =	ssyncadd.remote.s32 $0x1  }
0xc8: {  	_ =	sfence.sel $0xFFFF  }
0xc9: {  	[dreg:$0x0] =	wrdreg $0xFFFFFFFF;
	(pc) =	sbr.abs _section_cstart, $3  }
0xca: {  	[dreg:$0x1] =	wrdreg $0xFFFFFFFF  }
0xcb: {  	_ =	task.clear_ibuf [dreg:s9], $0x2FFFF;
	_ =	strace $0x9FFFFFFF  }
0xcc: {  	(tm) =	ssettm $0x7FFFFFFF  }
0xcd: {  	_ =	shalt  }
tec
execute0_lowered:
.L_overlay_start_1:
0x0: {  	(tag) =	ssettag $0x1  }
0x1: {  	s0 =	rddreg [dreg:$0x0]  }
0x2: {  	s1 =	rddreg [dreg:$0x1]  }
0x3: {  	s2 =	rddreg [dreg:$0x2]  }
0x4: {  	s7 =	rddreg [dreg:$0x3]  }
0x5: {  	s3 =	simm.s32 $0x0;
	s4 =	srdreg.scid;
	s8 =	stileid.u32  }
0x6: {  	s17 =	simm.s32 $0x19600;
	s19 =	simm.s32 $0x1BE00;
	[smem:$0x7FF] =	sst s3  }
0x7: {  	s5 =	sand.u32 $0x1, s4;
	s4 =	sadd.s32 $0x1400, s0;
	s11 =	sadd.s32 $0x4F600, s0  }
0x8: {  	_ =	strace $0x80000047;
	s6 =	sshll.u32 s5, $0x4;
	s9 =	smul.u32 $0x500, s5  }
0x9: {  	s12 =	ssub.s32 $0x2, s5;
	s5 =	simm.s32 $0x28;
	s10 =	sor.u32 s8, s6  }
0xa: {  	s20 =	sshrl.u32 s12, $0x1;
	s6 =	smul.u32 $0x27, s10;
	s0 =	sadd.s32 s9, s0  }
0xb: {  	s13 =	smin.u32 s10, $0x2;
	p0 =	slt.u32 s10, $0x2;
	s9 =	ssub.s32 s12, s20  }
0xc: {  	p1 =	sgt.u32 s10, $0x1;
	s20 =	simm.s32 $0x19480;
	s5 =	simm.s32 @!p0 $0x27  }
0xd: {  	s0 =	sadd.s32 $0x54600, s0;
	s31 =	smax.u32 s9, $0x1;
	p0 =	sne.s32 s8, $0x0  }
0xe: {  	s9 =	simm.s32 $0x0;
	s6 =	sadd.s32 s13, s6;
	[dreg:$0xa] =	wrdreg s0  }
0xf: {  	s24 =	sshll.u32 s5, $0x7;
	[dreg:$0xf] =	wrdreg s31;
	s0 =	simm.s32 $0x1  }
0x10: {  	s21 =	sshll.u32 s6, $0x4;
	s14 =	sshll.u32 s6, $0xC;
	[dreg:$0x8] =	wrdreg s24  }
0x11: {  	s24 =	simm.s32 $0x12480;
	s22 =	sadd.s32 s2, s21;
	s23 =	sadd.s32 $0x270, s21  }
0x12: {  	v0 =	vlaneseq.u32;
	v1 =	vimm.f32 $0.0e+00;
	v6 =	vimm.s32 $0xFFFFFFFF;
	s25 =	sadd.s32 s1, s14;
	s26 =	sadd.s32 s7, s21;
	[dreg:$0x6] =	wrdreg s22  }
0x13: {  	v7 =	vimm.s32 $0xFFFFFFFE;
	v8 =	vimm.s32 $0x0;
	vm0 =	vmmov $0x1;
	s28 =	sadd.s32 s11, s21;
	s21 =	simm.s32 $0x19500;
	[dreg:$0x9] =	wrdreg s25  }
.Ltmp0:
0x14: {  	v12 =	vimm.s32 $0x80;
	vm1 =	vmmov $0xffff;
	v2 =	vor.u32 $0x10, v0;
	s2 =	sadd.s32 s2, s23;
	[dreg:$0xb] =	wrdreg s26;
	(pc) =	sbr.rel .LBB2_1-.Ltmp0, $4  }
0x15: {  	v3 =	vor.u32 $0x20, v0;
	v4 =	vor.u32 $0x30, v0;
	v5 =	vor.u32 $0x40, v0;
	[dreg:$0xc] =	wrdreg s28;
	s29 =	sadd.s32 s7, s23;
	s30 =	sadd.s32 s11, s23  }
0x16: {  	v9 =	vor.u32 $0x50, v0;
	v10 =	vor.u32 $0x60, v0;
	v11 =	vor.u32 $0x70, v0;
	s11 =	simm.s32 $0x4;
	s22 =	simm.s32 $0x11480;
	[dreg:$0x7] =	wrdreg s2  }
0x17: {  	v14 =	vshrl.u32 v0, $0x3;
	v13 =	vand.u32 $0x7, v0;
	v15 =	vor.u32 $0x8, v0;
	s23 =	simm.s32 $0x11C80;
	s25 =	simm.s32 $0x12C80;
	[dreg:$0xd] =	wrdreg s29  }
0x18: {  	v16 =	vadd.s32 $0xFFFFFFFF, v0;
	v17 =	vadd.s32 $0x1, v0;
	v14 =	vmul.u32 $0x8, v14;
	s26 =	simm.s32 $0x3;
	s7 =	simm.s32 $0x2;
	[dreg:$0xe] =	wrdreg s30  }
.LBB2_33:
0x19: {  	s2 =	rddreg [dreg:$0x4]  }
0x1a: {  	s8 =	simm.s32 $0x50;
	s9 =	simm.s32 $0x1E600;
	s11 =	simm.s32 $0x4  }
0x1b: {  	[spmem:s2] =	stream.indirect.scatter.add.f32 [tilespmem:s19], [sflag:$0x4], $0x80, s9, s8, $0xb8;
	[tilespmem:$0x1E900] =	vst v63  }
0x1c: {  	_ =	swait.ge [sflag:s11], $0x2800  }
0x1d: {  	[sflag:s11] =	ssyncset.done $0x0  }
0x1e: {  	[sflag:s11] =	ssyncadd.s32 $0xFFFFD800  }
0x1f: {  	[bflag:$0x0] =	sbarrier.arrive $0xFFFF  }
0x20: {  	s2 =	sshrl.u32 @!p0 s2, $0x3;
	s8 =	simm.s32 @!p0 $0x1C04;
	s9 =	rddreg [dreg:$0xa]  }
0x21: {  	[hbm:s9], [sflag:s8] =	dma.local @!p0 [spmem:s2], $0x500  }
0x22: {  	s2 =	simm.s32 @!p0 $0x4  }
0x23: {  	_ =	swait.ge @!p0 [sflag:s2], $0x500  }
0x24: {  	[sflag:s2] =	ssyncset.done @!p0 $0x0  }
0x25: {  	s18 =	rddreg [dreg:$0xb];
	[sflag:s2] =	ssyncadd.s32 @!p0 $0xFFFFFB00  }
0x26: {  	[hbm4b:s18+s3] =	stream.linear.scatter [tilespmem:s17], [sflag:$0x4], $0x1380, $0x38;
	[tilespmem:$0x1E900] =	vst v63  }
0x27: {  	_ =	swait.ge [sflag:s11], $0x1380  }
0x28: {  	[sflag:s11] =	ssyncset.done $0x0  }
0x29: {  	s29 =	simm.s32 $0x1AA00;
	s28 =	rddreg [dreg:$0xc];
	[sflag:s11] =	ssyncadd.s32 $0xFFFFEC80  }
0x2a: {  	[hbm4b:s28+s3] =	stream.linear.scatter [tilespmem:s29], [sflag:$0x4], $0x1380, $0x38;
	[tilespmem:$0x1E900] =	vst v63  }
0x2b: {  	_ =	swait.ge [sflag:s11], $0x1380  }
0x2c: {  	s8 =	simm.s32 @!p1 $0x1A980;
	[sflag:s11] =	ssyncset.done $0x0  }
0x2d: {  	s2 =	simm.s32 @!p1 $0x0;
	s9 =	rddreg [dreg:$0xd];
	[sflag:s11] =	ssyncadd.s32 $0xFFFFEC80  }
0x2e: {  	[hbm4b:s9+s2] =	stream.linear.scatter @!p1 [tilespmem:s8], [sflag:$0x4], $0x80, $0x38;
	[tilespmem:$0x1E900] =	vst v63  }
0x2f: {  	s8 =	simm.s32 @!p1 $0x4  }
0x30: {  	_ =	swait.ge @!p1 [sflag:s8], $0x80  }
0x31: {  	[sflag:s8] =	ssyncset.done @!p1 $0x0  }
0x32: {  	s9 =	simm.s32 @!p1 $0x1BD80;
	s10 =	rddreg [dreg:$0xe];
	[sflag:s8] =	ssyncadd.s32 @!p1 $0xFFFFFF80  }
0x33: {  	[hbm4b:s10+s2] =	stream.linear.scatter @!p1 [tilespmem:s9], [sflag:$0x4], $0x80, $0x38;
	[tilespmem:$0x1E900] =	vst v63  }
0x34: {  	_ =	swait.ge @!p1 [sflag:s8], $0x80  }
0x35: {  	s30 =	rddreg [dreg:$0x10]  }
0x36: {  	s31 =	rddreg [dreg:$0xf];
	s9 =	sadd.s32 $0x1, s30  }
0x37: {  	p2 =	sne.s32 s9, s31  }
.Ltmp1:
0x38: {  	_ = 	snop;
	(pc) =	sbr.rel @!p2 .LBB2_34-.Ltmp1, $3  }
0x39: {  	_ =	sdelay $0x1  }
0x3a: {  	[sflag:s8] =	ssyncset.done @!p1 $0x0  }
0x3b: {  	[sflag:s8] =	ssyncadd.s32 @!p1 $0xFFFFFF80  }
.LBB2_1:
0x3c: {  	[dreg:$0x10] =	wrdreg s9;
	s2 =	simm.s32 $0x10;
	s8 =	sand.u32 $0x3FF0, s3  }
.LBB2_2:
0x3d: {  	p2 =	sne.s32 s2, $0x27F0;
	[tilespmem:s8+$0x1BE00] =	vst v1;
	s8 =	smov.u32 s2;
	s2 =	sadd.s32 $0x10, s2  }
.Ltmp2:
0x3e: {  	(pc) =	sbr.rel @p2 .LBB2_2-.Ltmp2, $2  }
0x3f: {  	_ =	sdelay $0x2  }
0x40: {  	s8 =	sand.u32 $0x3FF0, s8  }
0x41: {  	[tilespmem:s8+$0x1BE00] =	vst v1  }
0x42: {  	[tilespmem:$0x1E600] =	vst v0  }
0x43: {  	[tilespmem:$0x1E610] =	vst v2  }
0x44: {  	[tilespmem:$0x1E620] =	vst v3  }
0x45: {  	[tilespmem:$0x1E630] =	vst v4  }
0x46: {  	s2 =	simm.s32 @!p0 $0x1BE00;
	s8 =	rddreg [dreg:$0x4];
	[tilespmem:$0x1E640] =	vst v5  }
0x47: {  	[spmem:s8] =	stream.linear.scatter @!p0 [tilespmem:s2], [sflag:$0x4], $0x2800, $0x38;
	[tilespmem:$0x1E900] =	vst v63  }
0x48: {  	s2 =	simm.s32 @!p0 $0x4  }
0x49: {  	_ =	swait.ge @!p0 [sflag:s2], $0x2800  }
0x4a: {  	[sflag:s2] =	ssyncset.done @!p0 $0x0  }
0x4b: {  	[sflag:s2] =	ssyncadd.s32 @!p0 $0xFFFFD800  }
0x4c: {  	[bflag:$0x0] =	sbarrier.arrive $0xFFFF  }
0x4d: {  	s28 =	simm.s32 $0x8;
	[tilespmem:$0x0] =	vst v6;
	s18 =	rddreg [dreg:$0x6]  }
0x4e: {  	[tilespmem:s28], [sflag:$0x4] =	stream.linear.gather [hbm4b:s18+s3], $0x1380, $0x38;
	[tilespmem:$0x1E900] =	vst v63  }
0x4f: {  	_ =	swait.ge [sflag:s11], $0x1380  }
0x50: {  	s8 =	simm.s32 @!p1 $0x1388;
	[sflag:s11] =	ssyncset.done $0x0  }
0x51: {  	s2 =	simm.s32 @!p1 $0x0;
	s9 =	rddreg [dreg:$0x7];
	[sflag:s11] =	ssyncadd.s32 $0xFFFFEC80  }
0x52: {  	[tilespmem:s8], [sflag:$0x4] =	stream.linear.gather @!p1 [hbm4b:s9+s2], $0x80, $0x38;
	[tilespmem:$0x1E900] =	vst v63  }
0x53: {  	s2 =	simm.s32 @!p1 $0x4  }
.Ltmp3:
0x54: {  	_ =	swait.ge @!p1 [sflag:s2], $0x80;
	(pc) =	sbr.rel .LBB2_4-.Ltmp3, $4  }
0x55: {  	s31 =	simm.s32 $0x1480;
	[sflag:s2] =	ssyncset.done @!p1 $0x0  }
0x56: {  	s10 =	simm.s32 $0x80;
	s29 =	rddreg [dreg:$0x8];
	[sflag:s2] =	ssyncadd.s32 @!p1 $0xFFFFFF80  }
0x57: {  	s11 =	simm.s32 $0x0;
	s9 =	simm.s32 $0x0;
	s30 =	rddreg [dreg:$0x9];
	[tilespmem:s29+$0x8] =	vst v7  }
0x58: {  	v18 =	vimm.f32 $0.0e+00;
	[tilespmem:s31], [sflag:$0x1] =	stream.linear.gather [hbm4b:s30+s9], $0x8000, $0x38;
	[tilespmem:$0x1E900] =	vst v63  }
.LBB2_36:
0x59: {  	_ =	swait.ge [sflag:s7], $0x8000  }
0x5a: {  	[sflag:s7] =	ssyncset.done $0x0  }
0x5b: {  	[sflag:s7] =	ssyncadd.s32 $0xFFFF8000  }
.LBB2_31:
0x5c: {  	v19 =	vld [tilespmem:s12+$0x19600];
	_ =	sdelay $0x4  }
0x5d: {  	v19 =	vmul.f32 $6.250000000e-02, v19;
	_ =	sdelay $0x1  }
0x5e: {  	v20 =	vmul.f32 $1.442695020e+00, v19;
	_ =	sdelay $0x1  }
0x5f: {  	(erf) = vpow2.f32 v20;
	_ =	sdelay $0x8  }
0x60: {  	s2 =	sor.u32 $0x8, s12;
	v20 =	vpop (erf)  }
0x61: {  	v21 =	vadd.s32 s2, v0;
	(xrf2) =	vadd.scan.msk.f32 $0xffff, v20  }
0x62: {  	v22 =	vadd.s32 s2, v16  }
0x63: {  	v23 =	vadd.s32 s2, v17  }
0x64: {  	[tilespmem:s12+$0x19600] =	vst v19  }
0x65: {  	[tilespmem:s12+$0x1AA00] =	vst v20  }
0x66: {  	v19 =	vld.idx.msk [tilespmem:v21+s3+$0x0], $0xffff  }
0x67: {  	v47 =	vld.idx.msk [tilespmem:v22+s3+$0x0], $0xffff  }
0x68: {  	v48 =	vld.idx.msk [tilespmem:v23+s3+$0x0], $0xffff;
	_ =	sdelay $0x2  }
0x69: {  	v49, _, _ =	vpop (xrf2)  }
0x6a: {  	vm2 =	vne.s32 v19, v47;
	v24 =	vadd.f32 v49, v18  }
0x6b: {  	vm3 =	vne.s32 v19, v48  }
0x6c: {  	v20 =	vsub.f32 v20, v24;
	_ =	sdelay $0x1  }
0x6d: {  	v20 =	vadd.f32 $0.0e+00, v20;
	_ =	sdelay $0x1  }
0x6e: {  	[tilespmem:v19+s19+$0x0] =	vst.idx.add.f32.msk vm2, v20  }
0x6f: {  	[tilespmem:v19+s19+$0x0] =	vst.idx.add.f32.msk vm3, v24  }
0x70: {  	v19 =	vld [tilespmem:s12+$0x19610];
	_ =	sdelay $0x4  }
0x71: {  	v19 =	vmul.f32 $6.250000000e-02, v19;
	_ =	sdelay $0x1  }
0x72: {  	v20 =	vmul.f32 $1.442695020e+00, v19;
	_ =	sdelay $0x1  }
0x73: {  	(erf) = vpow2.f32 v20;
	_ =	sdelay $0x8  }
0x74: {  	s15 =	sor.u32 $0x18, s12;
	v20 =	vpop (erf)  }
0x75: {  	v50 =	vadd.s32 s15, v0;
	(xrf2) =	vadd.scan.msk.f32 $0xffff, v20  }
0x76: {  	v51 =	vadd.s32 s15, v16  }
0x77: {  	v52 =	vadd.s32 s15, v17  }
0x78: {  	[tilespmem:s12+$0x19610] =	vst v19  }
0x79: {  	[tilespmem:s12+$0x1AA10] =	vst v20  }
0x7a: {  	v19 =	vld.idx.msk [tilespmem:v50+s3+$0x0], $0xffff  }
0x7b: {  	v53 =	vld.idx.msk [tilespmem:v51+s3+$0x0], $0xffff  }
0x7c: {  	v54 =	vbroadcast v49, $0xF;
	v55 =	vld.idx.msk [tilespmem:v52+s3+$0x0], $0xffff;
	_ =	sdelay $0x1  }
0x7d: {  	v18 =	vadd.f32 v54, v18  }
0x7e: {  	v56, _, _ =	vpop (xrf2)  }
0x7f: {  	vm2 =	vne.s32 v19, v53;
	v57 =	vadd.f32 v56, v18  }
0x80: {  	vm3 =	vne.s32 v19, v55  }
0x81: {  	v20 =	vsub.f32 v20, v57;
	_ =	sdelay $0x1  }
0x82: {  	v20 =	vadd.f32 $0.0e+00, v20;
	_ =	sdelay $0x1  }
0x83: {  	[tilespmem:v19+s19+$0x0] =	vst.idx.add.f32.msk vm2, v20  }
0x84: {  	[tilespmem:v19+s19+$0x0] =	vst.idx.add.f32.msk vm3, v57  }
0x85: {  	v19 =	vld [tilespmem:s12+$0x19620];
	_ =	sdelay $0x4  }
0x86: {  	v19 =	vmul.f32 $6.250000000e-02, v19;
	_ =	sdelay $0x1  }
0x87: {  	v20 =	vmul.f32 $1.442695020e+00, v19;
	_ =	sdelay $0x1  }
0x88: {  	(erf) = vpow2.f32 v20;
	_ =	sdelay $0x8  }
0x89: {  	s16 =	sor.u32 $0x28, s12;
	v20 =	vpop (erf)  }
0x8a: {  	v58 =	vadd.s32 s16, v0;
	(xrf2) =	vadd.scan.msk.f32 $0xffff, v20  }
0x8b: {  	v59 =	vadd.s32 s16, v16  }
0x8c: {  	v60 =	vadd.s32 s16, v17  }
0x8d: {  	[tilespmem:s12+$0x19620] =	vst v19  }
0x8e: {  	[tilespmem:s12+$0x1AA20] =	vst v20  }
0x8f: {  	v19 =	vld.idx.msk [tilespmem:v58+s3+$0x0], $0xffff  }
0x90: {  	v61 =	vld.idx.msk [tilespmem:v59+s3+$0x0], $0xffff  }
0x91: {  	v22 =	vbroadcast v56, $0xF;
	v62 =	vld.idx.msk [tilespmem:v60+s3+$0x0], $0xffff;
	_ =	sdelay $0x1  }
0x92: {  	v18 =	vadd.f32 v22, v18  }
0x93: {  	v63, _, _ =	vpop (xrf2)  }
0x94: {  	vm2 =	vne.s32 v19, v61;
	v28 =	vadd.f32 v63, v18  }
0x95: {  	vm3 =	vne.s32 v19, v62  }
0x96: {  	v20 =	vsub.f32 v20, v28;
	_ =	sdelay $0x1  }
0x97: {  	v20 =	vadd.f32 $0.0e+00, v20;
	_ =	sdelay $0x1  }
0x98: {  	[tilespmem:v19+s19+$0x0] =	vst.idx.add.f32.msk vm2, v20  }
0x99: {  	[tilespmem:v19+s19+$0x0] =	vst.idx.add.f32.msk vm3, v28  }
0x9a: {  	v19 =	vld [tilespmem:s12+$0x19630];
	_ =	sdelay $0x4  }
0x9b: {  	v19 =	vmul.f32 $6.250000000e-02, v19;
	_ =	sdelay $0x1  }
0x9c: {  	v20 =	vmul.f32 $1.442695020e+00, v19;
	_ =	sdelay $0x1  }
0x9d: {  	(erf) = vpow2.f32 v20;
	_ =	sdelay $0x8  }
0x9e: {  	s18 =	sor.u32 $0x38, s12;
	v20 =	vpop (erf)  }
0x9f: {  	v29 =	vadd.s32 s18, v0;
	(xrf2) =	vadd.scan.msk.f32 $0xffff, v20  }
0xa0: {  	v30 =	vadd.s32 s18, v16  }
0xa1: {  	v31 =	vadd.s32 s18, v17  }
0xa2: {  	[tilespmem:s12+$0x19630] =	vst v19  }
0xa3: {  	[tilespmem:s12+$0x1AA30] =	vst v20  }
0xa4: {  	v19 =	vld.idx.msk [tilespmem:v29+s3+$0x0], $0xffff  }
0xa5: {  	v32 =	vld.idx.msk [tilespmem:v30+s3+$0x0], $0xffff  }
0xa6: {  	v22 =	vbroadcast v63, $0xF;
	v33 =	vld.idx.msk [tilespmem:v31+s3+$0x0], $0xffff;
	_ =	sdelay $0x1  }
0xa7: {  	v18 =	vadd.f32 v22, v18  }
0xa8: {  	v34, _, _ =	vpop (xrf2)  }
0xa9: {  	vm2 =	vne.s32 v19, v32;
	v35 =	vadd.f32 v34, v18  }
0xaa: {  	vm3 =	vne.s32 v19, v33  }
0xab: {  	v20 =	vsub.f32 v20, v35;
	_ =	sdelay $0x1  }
0xac: {  	v20 =	vadd.f32 $0.0e+00, v20;
	_ =	sdelay $0x1  }
0xad: {  	[tilespmem:v19+s19+$0x0] =	vst.idx.add.f32.msk vm2, v20  }
0xae: {  	[tilespmem:v19+s19+$0x0] =	vst.idx.add.f32.msk vm3, v35  }
0xaf: {  	v19 =	vld [tilespmem:s12+$0x19640];
	_ =	sdelay $0x4  }
0xb0: {  	v19 =	vmul.f32 $6.250000000e-02, v19;
	_ =	sdelay $0x1  }
0xb1: {  	v20 =	vmul.f32 $1.442695020e+00, v19;
	_ =	sdelay $0x1  }
0xb2: {  	(erf) = vpow2.f32 v20;
	_ =	sdelay $0x8  }
0xb3: {  	s28 =	sor.u32 $0x48, s12;
	v20 =	vpop (erf)  }
0xb4: {  	v36 =	vadd.s32 s28, v0;
	(xrf2) =	vadd.scan.msk.f32 $0xffff, v20  }
0xb5: {  	v37 =	vadd.s32 s28, v16  }
0xb6: {  	v38 =	vadd.s32 s28, v17  }
0xb7: {  	[tilespmem:s12+$0x19640] =	vst v19  }
0xb8: {  	[tilespmem:s12+$0x1AA40] =	vst v20  }
0xb9: {  	v19 =	vld.idx.msk [tilespmem:v36+s3+$0x0], $0xffff  }
0xba: {  	v39 =	vld.idx.msk [tilespmem:v37+s3+$0x0], $0xffff  }
0xbb: {  	v22 =	vbroadcast v34, $0xF;
	v40 =	vld.idx.msk [tilespmem:v38+s3+$0x0], $0xffff;
	_ =	sdelay $0x1  }
0xbc: {  	v18 =	vadd.f32 v22, v18  }
0xbd: {  	v41, _, _ =	vpop (xrf2)  }
0xbe: {  	vm2 =	vne.s32 v19, v39;
	v42 =	vadd.f32 v41, v18  }
0xbf: {  	vm3 =	vne.s32 v19, v40  }
0xc0: {  	v20 =	vsub.f32 v20, v42;
	_ =	sdelay $0x1  }
0xc1: {  	v20 =	vadd.f32 $0.0e+00, v20;
	_ =	sdelay $0x1  }
0xc2: {  	[tilespmem:v19+s19+$0x0] =	vst.idx.add.f32.msk vm2, v20  }
0xc3: {  	[tilespmem:v19+s19+$0x0] =	vst.idx.add.f32.msk vm3, v42  }
0xc4: {  	v19 =	vld [tilespmem:s12+$0x19650];
	_ =	sdelay $0x4  }
0xc5: {  	v19 =	vmul.f32 $6.250000000e-02, v19;
	_ =	sdelay $0x1  }
0xc6: {  	v20 =	vmul.f32 $1.442695020e+00, v19;
	_ =	sdelay $0x1  }
0xc7: {  	(erf) = vpow2.f32 v20;
	_ =	sdelay $0x8  }
0xc8: {  	s29 =	sor.u32 $0x58, s12;
	v20 =	vpop (erf)  }
0xc9: {  	v43 =	vadd.s32 s29, v0;
	(xrf2) =	vadd.scan.msk.f32 $0xffff, v20  }
0xca: {  	v44 =	vadd.s32 s29, v16  }
0xcb: {  	v45 =	vadd.s32 s29, v17  }
0xcc: {  	[tilespmem:s12+$0x19650] =	vst v19  }
0xcd: {  	[tilespmem:s12+$0x1AA50] =	vst v20  }
0xce: {  	v19 =	vld.idx.msk [tilespmem:v43+s3+$0x0], $0xffff  }
0xcf: {  	v46 =	vld.idx.msk [tilespmem:v44+s3+$0x0], $0xffff  }
0xd0: {  	v22 =	vbroadcast v41, $0xF;
	v47 =	vld.idx.msk [tilespmem:v45+s3+$0x0], $0xffff;
	_ =	sdelay $0x1  }
0xd1: {  	v18 =	vadd.f32 v22, v18  }
0xd2: {  	v48, _, _ =	vpop (xrf2)  }
0xd3: {  	vm2 =	vne.s32 v19, v46;
	v49 =	vadd.f32 v48, v18  }
0xd4: {  	vm3 =	vne.s32 v19, v47  }
0xd5: {  	v20 =	vsub.f32 v20, v49;
	_ =	sdelay $0x1  }
0xd6: {  	v20 =	vadd.f32 $0.0e+00, v20;
	_ =	sdelay $0x1  }
0xd7: {  	[tilespmem:v19+s19+$0x0] =	vst.idx.add.f32.msk vm2, v20  }
0xd8: {  	[tilespmem:v19+s19+$0x0] =	vst.idx.add.f32.msk vm3, v49  }
0xd9: {  	v19 =	vld [tilespmem:s12+$0x19660];
	_ =	sdelay $0x4  }
0xda: {  	v19 =	vmul.f32 $6.250000000e-02, v19;
	_ =	sdelay $0x1  }
0xdb: {  	v20 =	vmul.f32 $1.442695020e+00, v19;
	_ =	sdelay $0x1  }
0xdc: {  	(erf) = vpow2.f32 v20;
	_ =	sdelay $0x8  }
0xdd: {  	s30 =	sor.u32 $0x68, s12;
	v20 =	vpop (erf)  }
0xde: {  	v50 =	vadd.s32 s30, v0;
	(xrf2) =	vadd.scan.msk.f32 $0xffff, v20  }
0xdf: {  	v51 =	vadd.s32 s30, v16  }
0xe0: {  	v52 =	vadd.s32 s30, v17  }
0xe1: {  	[tilespmem:s12+$0x19660] =	vst v19  }
0xe2: {  	[tilespmem:s12+$0x1AA60] =	vst v20  }
0xe3: {  	v19 =	vld.idx.msk [tilespmem:v50+s3+$0x0], $0xffff  }
0xe4: {  	v53 =	vld.idx.msk [tilespmem:v51+s3+$0x0], $0xffff  }
0xe5: {  	v22 =	vbroadcast v48, $0xF;
	v54 =	vld.idx.msk [tilespmem:v52+s3+$0x0], $0xffff;
	_ =	sdelay $0x1  }
0xe6: {  	v18 =	vadd.f32 v22, v18  }
0xe7: {  	v55, _, _ =	vpop (xrf2)  }
0xe8: {  	vm2 =	vne.s32 v19, v53;
	v56 =	vadd.f32 v55, v18  }
0xe9: {  	vm3 =	vne.s32 v19, v54  }
0xea: {  	v20 =	vsub.f32 v20, v56;
	_ =	sdelay $0x1  }
0xeb: {  	v20 =	vadd.f32 $0.0e+00, v20;
	_ =	sdelay $0x1  }
0xec: {  	[tilespmem:v19+s19+$0x0] =	vst.idx.add.f32.msk vm2, v20  }
0xed: {  	[tilespmem:v19+s19+$0x0] =	vst.idx.add.f32.msk vm3, v56  }
0xee: {  	v19 =	vld [tilespmem:s12+$0x19670];
	_ =	sdelay $0x4  }
0xef: {  	v19 =	vmul.f32 $6.250000000e-02, v19;
	_ =	sdelay $0x1  }
0xf0: {  	v20 =	vmul.f32 $1.442695020e+00, v19;
	_ =	sdelay $0x1  }
0xf1: {  	(erf) = vpow2.f32 v20;
	_ =	sdelay $0x8  }
0xf2: {  	s31 =	sor.u32 $0x78, s12;
	v20 =	vpop (erf)  }
0xf3: {  	v57 =	vadd.s32 s31, v0;
	(xrf2) =	vadd.scan.msk.f32 $0xffff, v20  }
0xf4: {  	v58 =	vadd.s32 s31, v16  }
0xf5: {  	v59 =	vadd.s32 s31, v17  }
0xf6: {  	[tilespmem:s12+$0x19670] =	vst v19  }
0xf7: {  	[tilespmem:s12+$0x1AA70] =	vst v20  }
0xf8: {  	v19 =	vld.idx.msk [tilespmem:v57+s3+$0x0], $0xffff  }
0xf9: {  	v60 =	vld.idx.msk [tilespmem:v58+s3+$0x0], $0xffff  }
0xfa: {  	v22 =	vbroadcast v55, $0xF;
	v61 =	vld.idx.msk [tilespmem:v59+s3+$0x0], $0xffff;
	_ =	sdelay $0x1  }
0xfb: {  	v18 =	vadd.f32 v22, v18  }
0xfc: {  	v62, _, _ =	vpop (xrf2)  }
0xfd: {  	vm2 =	vne.s32 v19, v60;
	v63 =	vadd.f32 v62, v18  }
0xfe: {  	vm3 =	vne.s32 v19, v61  }
0xff: {  	v20 =	vsub.f32 v20, v63;
	_ =	sdelay $0x1  }
0x100: {  	v20 =	vadd.f32 $0.0e+00, v20  }
0x101: {  	v22 =	vbroadcast v62, $0xF  }
0x102: {  	[tilespmem:v19+s19+$0x0] =	vst.idx.add.f32.msk vm2, v20  }
0x103: {  	v18 =	vadd.f32 v22, v18;
	[tilespmem:v19+s19+$0x0] =	vst.idx.add.f32.msk vm3, v63  }
.LBB2_32:
0x104: {  	s11 =	sadd.s32 $0x1, s11  }
0x105: {  	p2 =	sne.s32 s11, $0x14  }
.Ltmp4:
0x106: {  	_ = 	snop;
	(pc) =	sbr.rel @!p2 .LBB2_33-.Ltmp4, $2  }
0x107: {  	_ =	sdelay $0x2  }
0x108: {  	s9 =	sadd.s32 $0x100, s9;
	s10 =	sadd.s32 $0x100, s10  }
.LBB2_4:
0x109: {  	s13 =	sshll.u32 s11, $0x1  }
0x10a: {  	p3 =	sge.u32 s13, s5  }
.Ltmp5:
0x10b: {  	_ = 	snop;
	(pc) =	sbr.rel @p3 .LBB2_18-.Ltmp5, $3  }
0x10c: {  	_ =	sdelay $0x1  }
0x10d: {  	s12 =	sshllo.u32 s11, $0x1  }
0x10e: {  	p2 =	sge.u32 s12, s5  }
0x10f: {  	s2 =	sadd.s32 @!p2 s6, s12  }
0x110: {  	s2 =	sshll.u32 @!p2 s2, $0xC  }
0x111: {  	s2 =	sand.u32 @!p2 $0x1FFFF000, s2  }
0x112: {  	s8 =	simm.s32 @!p2 $0x0;
	s14 =	simm.s32 @!p2 $0x9480;
	s2 =	sadd.s32 @!p2 s1, s2  }
0x113: {  	[tilespmem:s14], [sflag:$0x2] =	stream.linear.gather @!p2 [hbm4b:s2+s8], $0x8000, $0x38;
	[tilespmem:$0x1E900] =	vst v63  }
0x114: {  	[tilespmem:$0x19480] =	vst v8  }
0x115: {  	[tilespmem:$0x19490] =	vst v8  }
0x116: {  	s14 =	sshll.u32 s11, $0x8;
	[tilespmem:$0x194A0] =	vst v8  }
0x117: {  	[tilespmem:$0x194B0] =	vst v8;
	s31 =	sor.u32 $0x7, s14  }
0x118: {  	[tilespmem:$0x194C0] =	vst v8;
	v19 =	vadd.s32 s31, v0  }
0x119: {  	[tilespmem:$0x194D0] =	vst v8  }
0x11a: {  	[tilespmem:$0x194E0] =	vst v8  }
0x11b: {  	[tilespmem:$0x194F0] =	vst v8  }
0x11c: {  	v20 =	vld [tilespmem:s14+$0x8]  }
0x11d: {  	v19 =	vld.idx.msk [tilespmem:v19+s3+$0x0], $0xffff;
	_ =	sdelay $0x3  }
0x11e: {  	s8 =	sor.u32 $0x17, s14  }
0x11f: {  	vm2 =	vne.s32 v20, v19;
	v19 =	vadd.s32 s8, v0  }
0x120: {  	vm2 =	vmor vm2, vm0  }
0x121: {  	[tilespmem:s20+$0x0] =	vst.msk vm2, v20  }
0x122: {  	v20 =	vsel vm2, $0x1, v8;
	[tilespmem:s21+$0x0] =	vst.msk vm2, v0  }
0x123: {  	(xrf0) =	vadd.scan.msk.s32 $0xffff, v20;
	v20 =	vld [tilespmem:s14+$0x18]  }
0x124: {  	v19 =	vld.idx.msk [tilespmem:v19+s3+$0x0], $0xffff;
	_ =	sdelay $0x4  }
0x125: {  	v21, _, _ =	vpop (xrf0);
	vm2 =	vne.s32 v20, v19  }
0x126: {  	(v2sf) =	vpush v21, $0xF;
	v19 =	vsel vm2, $0x1, v8  }
0x127: {  	(xrf0) =	vadd.scan.msk.s32 $0xffff, v19;
	_ =	sdelay $0x5  }
0x128: {  	v19, _, _ =	vpop (xrf0)  }
0x129: {  	(v2sf) =	vpush v19, $0xF;
	_ =	sdelay $0x4  }
0x12a: {  	s15 =	sor.u32 $0x27, s14  }
0x12b: {  	v19 =	vadd.s32 s15, v0  }
0x12c: {  	s16 =	spop (v2sf)  }
0x12d: {  	[tilespmem:s16+$0x19480] =	vst.msk vm2, v20  }
0x12e: {  	[tilespmem:s16+$0x19500] =	vst.msk vm2, v2  }
0x12f: {  	v20 =	vld [tilespmem:s14+$0x28]  }
0x130: {  	v19 =	vld.idx.msk [tilespmem:v19+s3+$0x0], $0xffff;
	_ =	sdelay $0x2  }
0x131: {  	s18 =	sor.u32 $0x37, s14  }
0x132: {  	v58 =	vadd.s32 s18, v0;
	s15 =	spop (v2sf)  }
0x133: {  	vm2 =	vne.s32 v20, v19;
	s2 =	sadd.s32 s16, s15  }
0x134: {  	v19 =	vsel vm2, $0x1, v8;
	[tilespmem:s2+$0x19480] =	vst.msk vm2, v20  }
0x135: {  	(xrf0) =	vadd.scan.msk.s32 $0xffff, v19;
	[tilespmem:s2+$0x19500] =	vst.msk vm2, v3  }
0x136: {  	v19 =	vld [tilespmem:s14+$0x38]  }
0x137: {  	v20 =	vld.idx.msk [tilespmem:v58+s3+$0x0], $0xffff;
	_ =	sdelay $0x3  }
0x138: {  	v59, _, _ =	vpop (xrf0)  }
0x139: {  	(v2sf) =	vpush v59, $0xF;
	vm2 =	vne.s32 v19, v20  }
0x13a: {  	v20 =	vsel vm2, $0x1, v8  }
0x13b: {  	(xrf0) =	vadd.scan.msk.s32 $0xffff, v20;
	_ =	sdelay $0x5  }
0x13c: {  	v20, _, _ =	vpop (xrf0)  }
0x13d: {  	(v2sf) =	vpush v20, $0xF;
	_ =	sdelay $0x4  }
0x13e: {  	s28 =	sor.u32 $0x47, s14  }
0x13f: {  	v20 =	vadd.s32 s28, v0;
	s29 =	spop (v2sf)  }
0x140: {  	s2 =	sadd.s32 s2, s29  }
0x141: {  	[tilespmem:s2+$0x19480] =	vst.msk vm2, v19  }
0x142: {  	[tilespmem:s2+$0x19500] =	vst.msk vm2, v4  }
0x143: {  	v19 =	vld [tilespmem:s14+$0x48]  }
0x144: {  	v20 =	vld.idx.msk [tilespmem:v20+s3+$0x0], $0xffff;
	_ =	sdelay $0x2  }
0x145: {  	s30 =	sor.u32 $0x57, s14  }
0x146: {  	v60 =	vadd.s32 s30, v0;
	s31 =	spop (v2sf)  }
0x147: {  	vm2 =	vne.s32 v19, v20;
	s2 =	sadd.s32 s2, s31  }
0x148: {  	[tilespmem:s2+$0x19480] =	vst.msk vm2, v19;
	v19 =	vsel vm2, $0x1, v8  }
0x149: {  	[tilespmem:s2+$0x19500] =	vst.msk vm2, v5;
	(xrf0) =	vadd.scan.msk.s32 $0xffff, v19  }
0x14a: {  	v19 =	vld [tilespmem:s14+$0x58]  }
0x14b: {  	v20 =	vld.idx.msk [tilespmem:v60+s3+$0x0], $0xffff;
	_ =	sdelay $0x3  }
0x14c: {  	v61, _, _ =	vpop (xrf0)  }
0x14d: {  	vm2 =	vne.s32 v19, v20;
	(v2sf) =	vpush v61, $0xF  }
0x14e: {  	v20 =	vsel vm2, $0x1, v8  }
0x14f: {  	(xrf0) =	vadd.scan.msk.s32 $0xffff, v20;
	_ =	sdelay $0x5  }
0x150: {  	v20, _, _ =	vpop (xrf0)  }
0x151: {  	(v2sf) =	vpush v20, $0xF;
	_ =	sdelay $0x4  }
0x152: {  	s16 =	sor.u32 $0x67, s14  }
0x153: {  	v20 =	vadd.s32 s16, v0;
	s18 =	spop (v2sf)  }
0x154: {  	s2 =	sadd.s32 s2, s18  }
0x155: {  	[tilespmem:s2+$0x19480] =	vst.msk vm2, v19  }
0x156: {  	[tilespmem:s2+$0x19500] =	vst.msk vm2, v9  }
0x157: {  	v19 =	vld [tilespmem:s14+$0x68]  }
0x158: {  	v20 =	vld.idx.msk [tilespmem:v20+s3+$0x0], $0xffff;
	_ =	sdelay $0x2  }
0x159: {  	s28 =	sor.u32 $0x77, s14  }
0x15a: {  	v62 =	vadd.s32 s28, v0;
	s29 =	spop (v2sf)  }
0x15b: {  	s2 =	sadd.s32 s2, s29;
	vm2 =	vne.s32 v19, v20  }
0x15c: {  	[tilespmem:s2+$0x19480] =	vst.msk vm2, v19  }
0x15d: {  	[tilespmem:s2+$0x19500] =	vst.msk vm2, v10  }
0x15e: {  	v19 =	vld [tilespmem:s14+$0x78]  }
0x15f: {  	v20 =	vld.idx.msk [tilespmem:v62+s3+$0x0], $0xffff;
	_ =	sdelay $0x4  }
0x160: {  	v63 =	vsel vm2, $0x1, v8;
	vm2 =	vne.s32 v19, v20  }
0x161: {  	(xrf0) =	vadd.scan.msk.s32 $0xffff, v63;
	v20 =	vsel vm2, $0x1, v8  }
0x162: {  	(xrf0) =	vadd.scan.msk.s32 $0xffff, v20;
	_ =	sdelay $0x4  }
0x163: {  	v20, _, _ =	vpop (xrf0)  }
0x164: {  	(v2sf) =	vpush v20, $0xF;
	v20, _, _ =	vpop (xrf0)  }
0x165: {  	(v2sf) =	vpush v20, $0xF;
	_ =	sdelay $0xd  }
0x166: {  	s30 =	spop (v2sf)  }
0x167: {  	s2 =	sadd.s32 s2, s30;
	s31 =	spop (v2sf)  }
0x168: {  	s15 =	sadd.s32 s2, s31  }
0x169: {  	p3 =	slt.s32 s15, $0x1  }
.Ltmp6:
0x16a: {  	_ = 	snop;
	(pc) =	sbr.rel @p3 .LBB2_35-.Ltmp6, $4  }
0x16b: {  	_ = 	snop  }
0x16c: {  	[tilespmem:s2+$0x19480] =	vst.msk vm2, v19  }
0x16d: {  	[tilespmem:s2+$0x19500] =	vst.msk vm2, v11  }
0x16e: {  	[tilespmem:s15+$0x19500] =	vst v12  }
0x16f: {  	v19 =	vld [tilespmem:$0x19480];
	_ =	sdelay $0x4  }
0x170: {  	v20 =	vshll.u32 v19, $0x1  }
0x171: {  	v19 =	vand.u32 $0x7, v19;
	v20 =	vand.u32 $0xFFFFFFF0, v20  }
0x172: {  	v19 =	vor.u32 v19, v20  }
0x173: {  	v20 =	vperm.xlane v19, v13;
	_ =	sdelay $0x1  }
0x174: {  	v19 =	vperm.xlane v19, v15;
	v20 =	vadd.s32 v14, v20;
	_ =	sdelay $0x1  }
0x175: {  	v19 =	vadd.s32 v14, v19;
	_ =	sdelay $0x2  }
0x176: {  	[tilespmem:s22], [sflag:$0x3] =	stream.indirect_vreg.gather [hbm4b:s4+s3], $0x80, v20, vm1, $0xb8;
	[tilespmem:$0x1E900] =	vst v63  }
0x177: {  	_ = 	snop  }
0x178: {  	[tilespmem:s23], [sflag:$0x3] =	stream.indirect_vreg.gather [hbm4b:s4+s3], $0x80, v19, vm1, $0xb8;
	[tilespmem:$0x1E900] =	vst v63  }
0x179: {  	v19 =	vld [tilespmem:$0x19490];
	_ =	sdelay $0x4  }
0x17a: {  	v20 =	vshll.u32 v19, $0x1  }
0x17b: {  	v19 =	vand.u32 $0x7, v19;
	v20 =	vand.u32 $0xFFFFFFF0, v20  }
0x17c: {  	v19 =	vor.u32 v19, v20  }
0x17d: {  	v20 =	vperm.xlane v19, v13;
	_ =	sdelay $0x1  }
0x17e: {  	v19 =	vperm.xlane v19, v15;
	v20 =	vadd.s32 v14, v20;
	_ =	sdelay $0x1  }
0x17f: {  	v19 =	vadd.s32 v14, v19;
	_ =	sdelay $0x2  }
0x180: {  	[tilespmem:s24], [sflag:$0x3] =	stream.indirect_vreg.gather [hbm4b:s4+s3], $0x80, v20, vm1, $0xb8;
	[tilespmem:$0x1E900] =	vst v63  }
0x181: {  	_ = 	snop  }
0x182: {  	[tilespmem:s25], [sflag:$0x3] =	stream.indirect_vreg.gather [hbm4b:s4+s3], $0x80, v19, vm1, $0xb8;
	[tilespmem:$0x1E900] =	vst v63  }
0x183: {  	_ =	swait.ge [sflag:s26], $0x2000  }
0x184: {  	[sflag:s26] =	ssyncset.done $0x0  }
0x185: {  	p3 =	slt.u32 s15, $0x21;
	[sflag:s26] =	ssyncadd.s32 $0xFFFFE000  }
0x186: {  	v19 =	vld @!p3 [tilespmem:$0x194A0];
	_ =	sdelay $0x4  }
0x187: {  	v20 =	vshll.u32 @!p3 v19, $0x1  }
0x188: {  	v21 =	vlaneseq.u32 @!p3;
	v19 =	vand.u32 @!p3 $0x7, v19;
	v20 =	vand.u32 @!p3 $0xFFFFFFF0, v20  }
0x189: {  	v22 =	vshrl.u32 @!p3 v21, $0x3;
	v19 =	vor.u32 @!p3 v19, v20;
	v20 =	vand.u32 @!p3 $0x7, v21  }
0x18a: {  	v22 =	vmul.u32 @!p3 $0x8, v22;
	v23 =	vperm.xlane @!p3 v19, v20  }
0x18b: {  	v21 =	vor.u32 @!p3 $0x8, v21  }
0x18c: {  	v19 =	vperm.xlane @!p3 v19, v21;
	v23 =	vadd.s32 @!p3 v22, v23;
	_ =	sdelay $0x1  }
0x18d: {  	v19 =	vadd.s32 @!p3 v22, v19;
	_ =	sdelay $0x1  }
0x18e: {  	vm2 =	vmmov @!p3 $0xffff;
	s2 =	simm.s32 @!p3 $0x0;
	s8 =	simm.s32 @!p3 $0x13480  }
0x18f: {  	[tilespmem:s8], [sflag:$0x3] =	stream.indirect_vreg.gather @!p3 [hbm4b:s4+s2], $0x80, v23, vm2, $0xb8;
	[tilespmem:$0x1E900] =	vst v63  }
0x190: {  	s8 =	simm.s32 @!p3 $0x13C80  }
0x191: {  	[tilespmem:s8], [sflag:$0x3] =	stream.indirect_vreg.gather @!p3 [hbm4b:s4+s2], $0x80, v19, vm2, $0xb8;
	[tilespmem:$0x1E900] =	vst v63  }
0x192: {  	v19 =	vld @!p3 [tilespmem:$0x194B0];
	_ =	sdelay $0x4  }
0x193: {  	v23 =	vshll.u32 @!p3 v19, $0x1  }
0x194: {  	v19 =	vand.u32 @!p3 $0x7, v19;
	v23 =	vand.u32 @!p3 $0xFFFFFFF0, v23  }
0x195: {  	v19 =	vor.u32 @!p3 v19, v23  }
0x196: {  	v20 =	vperm.xlane @!p3 v19, v20;
	_ =	sdelay $0x1  }
0x197: {  	v19 =	vperm.xlane @!p3 v19, v21;
	v20 =	vadd.s32 @!p3 v22, v20;
	_ =	sdelay $0x1  }
0x198: {  	v19 =	vadd.s32 @!p3 v22, v19;
	_ =	sdelay $0x1  }
0x199: {  	p4 =	slt.u32 @!p3 s15, $0x41;
	s8 =	simm.s32 @!p3 $0x14480  }
0x19a: {  	[tilespmem:s8], [sflag:$0x3] =	stream.indirect_vreg.gather @!p3 [hbm4b:s4+s2], $0x80, v20, vm2, $0xb8;
	[tilespmem:$0x1E900] =	vst v63  }
0x19b: {  	p4 =	por p3, p4;
	s8 =	simm.s32 @!p3 $0x14C80  }
0x19c: {  	[tilespmem:s8], [sflag:$0x3] =	stream.indirect_vreg.gather @!p3 [hbm4b:s4+s2], $0x80, v19, vm2, $0xb8;
	[tilespmem:$0x1E900] =	vst v63  }
.Ltmp7:
0x19d: {  	_ = 	snop;
	(pc) =	sbr.rel @p4 .LBB2_8-.Ltmp7, $4  }
0x19e: {  	s2 =	simm.s32 @!p3 $0x3  }
0x19f: {  	_ =	swait.ge @!p3 [sflag:s2], $0x2000  }
0x1a0: {  	[sflag:s2] =	ssyncset.done @!p3 $0x0  }
0x1a1: {  	[sflag:s2] =	ssyncadd.s32 @!p3 $0xFFFFE000  }
0x1a2: {  	v19 =	vld [tilespmem:$0x194C0];
	_ =	sdelay $0x4  }
0x1a3: {  	v20 =	vshll.u32 v19, $0x1  }
0x1a4: {  	v19 =	vand.u32 $0x7, v19;
	v20 =	vand.u32 $0xFFFFFFF0, v20  }
0x1a5: {  	v19 =	vor.u32 v19, v20  }
0x1a6: {  	v20 =	vperm.xlane v19, v13;
	_ =	sdelay $0x1  }
0x1a7: {  	v19 =	vperm.xlane v19, v15;
	v20 =	vadd.s32 v14, v20;
	_ =	sdelay $0x1  }
0x1a8: {  	v19 =	vadd.s32 v14, v19;
	_ =	sdelay $0x1  }
0x1a9: {  	s2 =	simm.s32 $0x15480  }
0x1aa: {  	[tilespmem:s2], [sflag:$0x3] =	stream.indirect_vreg.gather [hbm4b:s4+s3], $0x80, v20, vm1, $0xb8;
	[tilespmem:$0x1E900] =	vst v63  }
0x1ab: {  	s29 =	simm.s32 $0x15C80  }
0x1ac: {  	[tilespmem:s29], [sflag:$0x3] =	stream.indirect_vreg.gather [hbm4b:s4+s3], $0x80, v19, vm1, $0xb8;
	[tilespmem:$0x1E900] =	vst v63  }
0x1ad: {  	v19 =	vld [tilespmem:$0x194D0];
	_ =	sdelay $0x4  }
0x1ae: {  	v20 =	vshll.u32 v19, $0x1  }
0x1af: {  	v19 =	vand.u32 $0x7, v19;
	v20 =	vand.u32 $0xFFFFFFF0, v20  }
0x1b0: {  	v19 =	vor.u32 v19, v20  }
0x1b1: {  	v20 =	vperm.xlane v19, v13;
	_ =	sdelay $0x1  }
0x1b2: {  	v19 =	vperm.xlane v19, v15;
	v20 =	vadd.s32 v14, v20;
	_ =	sdelay $0x1  }
0x1b3: {  	v19 =	vadd.s32 v14, v19;
	_ =	sdelay $0x1  }
0x1b4: {  	s30 =	simm.s32 $0x16480  }
0x1b5: {  	[tilespmem:s30], [sflag:$0x3] =	stream.indirect_vreg.gather [hbm4b:s4+s3], $0x80, v20, vm1, $0xb8;
	[tilespmem:$0x1E900] =	vst v63  }
0x1b6: {  	s31 =	simm.s32 $0x16C80  }
0x1b7: {  	[tilespmem:s31], [sflag:$0x3] =	stream.indirect_vreg.gather [hbm4b:s4+s3], $0x80, v19, vm1, $0xb8;
	[tilespmem:$0x1E900] =	vst v63  }
0x1b8: {  	_ =	swait.ge [sflag:s26], $0x2000  }
0x1b9: {  	[sflag:s26] =	ssyncset.done $0x0  }
0x1ba: {  	p3 =	slt.u32 s15, $0x61;
	[sflag:s26] =	ssyncadd.s32 $0xFFFFE000  }
0x1bb: {  	v19 =	vld @!p3 [tilespmem:$0x194E0];
	_ =	sdelay $0x4  }
0x1bc: {  	v20 =	vshll.u32 @!p3 v19, $0x1  }
0x1bd: {  	v21 =	vlaneseq.u32 @!p3;
	v19 =	vand.u32 @!p3 $0x7, v19;
	v20 =	vand.u32 @!p3 $0xFFFFFFF0, v20  }
0x1be: {  	v22 =	vshrl.u32 @!p3 v21, $0x3;
	v19 =	vor.u32 @!p3 v19, v20;
	v20 =	vand.u32 @!p3 $0x7, v21  }
0x1bf: {  	v22 =	vmul.u32 @!p3 $0x8, v22;
	v23 =	vperm.xlane @!p3 v19, v20  }
0x1c0: {  	v21 =	vor.u32 @!p3 $0x8, v21  }
0x1c1: {  	v19 =	vperm.xlane @!p3 v19, v21;
	v23 =	vadd.s32 @!p3 v22, v23;
	_ =	sdelay $0x1  }
0x1c2: {  	v19 =	vadd.s32 @!p3 v22, v19;
	_ =	sdelay $0x1  }
0x1c3: {  	vm2 =	vmmov @!p3 $0xffff;
	s8 =	simm.s32 @!p3 $0x17480;
	s2 =	simm.s32 @!p3 $0x0  }
0x1c4: {  	[tilespmem:s8], [sflag:$0x3] =	stream.indirect_vreg.gather @!p3 [hbm4b:s4+s2], $0x80, v23, vm2, $0xb8;
	[tilespmem:$0x1E900] =	vst v63  }
0x1c5: {  	s8 =	simm.s32 @!p3 $0x17C80  }
0x1c6: {  	[tilespmem:s8], [sflag:$0x3] =	stream.indirect_vreg.gather @!p3 [hbm4b:s4+s2], $0x80, v19, vm2, $0xb8;
	[tilespmem:$0x1E900] =	vst v63  }
0x1c7: {  	v19 =	vld @!p3 [tilespmem:$0x194F0];
	_ =	sdelay $0x4  }
0x1c8: {  	v23 =	vshll.u32 @!p3 v19, $0x1  }
0x1c9: {  	v19 =	vand.u32 @!p3 $0x7, v19;
	v23 =	vand.u32 @!p3 $0xFFFFFFF0, v23  }
0x1ca: {  	v19 =	vor.u32 @!p3 v19, v23  }
0x1cb: {  	v20 =	vperm.xlane @!p3 v19, v20;
	_ =	sdelay $0x1  }
0x1cc: {  	v19 =	vperm.xlane @!p3 v19, v21;
	v20 =	vadd.s32 @!p3 v22, v20;
	_ =	sdelay $0x1  }
0x1cd: {  	v19 =	vadd.s32 @!p3 v22, v19;
	_ =	sdelay $0x1  }
0x1ce: {  	s8 =	simm.s32 @!p3 $0x18480  }
0x1cf: {  	[tilespmem:s8], [sflag:$0x3] =	stream.indirect_vreg.gather @!p3 [hbm4b:s4+s2], $0x80, v20, vm2, $0xb8;
	[tilespmem:$0x1E900] =	vst v63  }
0x1d0: {  	s8 =	simm.s32 @!p3 $0x18C80  }
0x1d1: {  	[tilespmem:s8], [sflag:$0x3] =	stream.indirect_vreg.gather @!p3 [hbm4b:s4+s2], $0x80, v19, vm2, $0xb8;
	[tilespmem:$0x1E900] =	vst v63  }
0x1d2: {  	s2 =	simm.s32 @!p3 $0x3  }
0x1d3: {  	_ =	swait.ge @!p3 [sflag:s2], $0x2000  }
0x1d4: {  	[sflag:s2] =	ssyncset.done @!p3 $0x0  }
0x1d5: {  	[sflag:s2] =	ssyncadd.s32 @!p3 $0xFFFFE000  }
.LBB2_8:
.Ltmp8:
0x1d6: {  	(pc) =	sbr.rel .LBB2_9-.Ltmp8, $4  }
0x1d7: {  	_ = 	snop  }
0x1d8: {  	_ =	swait.ge [sflag:s0], $0x8000  }
0x1d9: {  	[sflag:s0] =	ssyncset.done $0x0  }
0x1da: {  	s16 =	simm.s32 $0x0;
	[sflag:s0] =	ssyncadd.s32 $0xFFFF8000  }
.LBB2_35:
0x1db: {  	_ =	swait.ge [sflag:s0], $0x8000  }
0x1dc: {  	[sflag:s0] =	ssyncset.done $0x0  }
0x1dd: {  	[sflag:s0] =	ssyncadd.s32 $0xFFFF8000  }
.LBB2_17:
0x1de: {  	v19 =	vld [tilespmem:s14+$0x19600];
	_ =	sdelay $0x4  }
0x1df: {  	v19 =	vmul.f32 $6.250000000e-02, v19;
	_ =	sdelay $0x1  }
0x1e0: {  	v20 =	vmul.f32 $1.442695020e+00, v19;
	_ =	sdelay $0x1  }
0x1e1: {  	(erf) = vpow2.f32 v20;
	_ =	sdelay $0x8  }
0x1e2: {  	s2 =	sor.u32 $0x8, s14;
	v20 =	vpop (erf)  }
0x1e3: {  	v21 =	vadd.s32 s2, v0;
	(xrf2) =	vadd.scan.msk.f32 $0xffff, v20  }
0x1e4: {  	v22 =	vadd.s32 s2, v16  }
0x1e5: {  	v23 =	vadd.s32 s2, v17  }
0x1e6: {  	[tilespmem:s14+$0x19600] =	vst v19  }
0x1e7: {  	[tilespmem:s14+$0x1AA00] =	vst v20  }
0x1e8: {  	v19 =	vld.idx.msk [tilespmem:v21+s3+$0x0], $0xffff  }
0x1e9: {  	v47 =	vld.idx.msk [tilespmem:v22+s3+$0x0], $0xffff  }
0x1ea: {  	v48 =	vld.idx.msk [tilespmem:v23+s3+$0x0], $0xffff;
	_ =	sdelay $0x2  }
0x1eb: {  	v49, _, _ =	vpop (xrf2)  }
0x1ec: {  	vm2 =	vne.s32 v19, v47;
	v24 =	vadd.f32 v49, v18  }
0x1ed: {  	vm3 =	vne.s32 v19, v48  }
0x1ee: {  	v20 =	vsub.f32 v20, v24;
	_ =	sdelay $0x1  }
0x1ef: {  	v20 =	vadd.f32 $0.0e+00, v20;
	_ =	sdelay $0x1  }
0x1f0: {  	[tilespmem:v19+s19+$0x0] =	vst.idx.add.f32.msk vm2, v20  }
0x1f1: {  	[tilespmem:v19+s19+$0x0] =	vst.idx.add.f32.msk vm3, v24  }
0x1f2: {  	v19 =	vld [tilespmem:s14+$0x19610];
	_ =	sdelay $0x4  }
0x1f3: {  	v19 =	vmul.f32 $6.250000000e-02, v19;
	_ =	sdelay $0x1  }
0x1f4: {  	v20 =	vmul.f32 $1.442695020e+00, v19;
	_ =	sdelay $0x1  }
0x1f5: {  	(erf) = vpow2.f32 v20;
	_ =	sdelay $0x8  }
0x1f6: {  	s15 =	sor.u32 $0x18, s14;
	v20 =	vpop (erf)  }
0x1f7: {  	v50 =	vadd.s32 s15, v0;
	(xrf2) =	vadd.scan.msk.f32 $0xffff, v20  }
0x1f8: {  	v51 =	vadd.s32 s15, v16  }
0x1f9: {  	v52 =	vadd.s32 s15, v17  }
0x1fa: {  	[tilespmem:s14+$0x19610] =	vst v19  }
0x1fb: {  	[tilespmem:s14+$0x1AA10] =	vst v20  }
0x1fc: {  	v19 =	vld.idx.msk [tilespmem:v50+s3+$0x0], $0xffff  }
0x1fd: {  	v53 =	vld.idx.msk [tilespmem:v51+s3+$0x0], $0xffff  }
0x1fe: {  	v54 =	vbroadcast v49, $0xF;
	v55 =	vld.idx.msk [tilespmem:v52+s3+$0x0], $0xffff;
	_ =	sdelay $0x1  }
0x1ff: {  	v18 =	vadd.f32 v54, v18  }
0x200: {  	v56, _, _ =	vpop (xrf2)  }
0x201: {  	vm2 =	vne.s32 v19, v53;
	v57 =	vadd.f32 v56, v18  }
0x202: {  	vm3 =	vne.s32 v19, v55  }
0x203: {  	v20 =	vsub.f32 v20, v57;
	_ =	sdelay $0x1  }
0x204: {  	v20 =	vadd.f32 $0.0e+00, v20;
	_ =	sdelay $0x1  }
0x205: {  	[tilespmem:v19+s19+$0x0] =	vst.idx.add.f32.msk vm2, v20  }
0x206: {  	[tilespmem:v19+s19+$0x0] =	vst.idx.add.f32.msk vm3, v57  }
0x207: {  	v19 =	vld [tilespmem:s14+$0x19620];
	_ =	sdelay $0x4  }
0x208: {  	v19 =	vmul.f32 $6.250000000e-02, v19;
	_ =	sdelay $0x1  }
0x209: {  	v20 =	vmul.f32 $1.442695020e+00, v19;
	_ =	sdelay $0x1  }
0x20a: {  	(erf) = vpow2.f32 v20;
	_ =	sdelay $0x8  }
0x20b: {  	s16 =	sor.u32 $0x28, s14;
	v20 =	vpop (erf)  }
0x20c: {  	v58 =	vadd.s32 s16, v0;
	(xrf2) =	vadd.scan.msk.f32 $0xffff, v20  }
0x20d: {  	v59 =	vadd.s32 s16, v16  }
0x20e: {  	v60 =	vadd.s32 s16, v17  }
0x20f: {  	[tilespmem:s14+$0x19620] =	vst v19  }
0x210: {  	[tilespmem:s14+$0x1AA20] =	vst v20  }
0x211: {  	v19 =	vld.idx.msk [tilespmem:v58+s3+$0x0], $0xffff  }
0x212: {  	v61 =	vld.idx.msk [tilespmem:v59+s3+$0x0], $0xffff  }
0x213: {  	v22 =	vbroadcast v56, $0xF;
	v62 =	vld.idx.msk [tilespmem:v60+s3+$0x0], $0xffff;
	_ =	sdelay $0x1  }
0x214: {  	v18 =	vadd.f32 v22, v18  }
0x215: {  	v63, _, _ =	vpop (xrf2)  }
0x216: {  	vm2 =	vne.s32 v19, v61;
	v28 =	vadd.f32 v63, v18  }
0x217: {  	vm3 =	vne.s32 v19, v62  }
0x218: {  	v20 =	vsub.f32 v20, v28;
	_ =	sdelay $0x1  }
0x219: {  	v20 =	vadd.f32 $0.0e+00, v20;
	_ =	sdelay $0x1  }
0x21a: {  	[tilespmem:v19+s19+$0x0] =	vst.idx.add.f32.msk vm2, v20  }
0x21b: {  	[tilespmem:v19+s19+$0x0] =	vst.idx.add.f32.msk vm3, v28  }
0x21c: {  	v19 =	vld [tilespmem:s14+$0x19630];
	_ =	sdelay $0x4  }
0x21d: {  	v19 =	vmul.f32 $6.250000000e-02, v19;
	_ =	sdelay $0x1  }
0x21e: {  	v20 =	vmul.f32 $1.442695020e+00, v19;
	_ =	sdelay $0x1  }
0x21f: {  	(erf) = vpow2.f32 v20;
	_ =	sdelay $0x8  }
0x220: {  	s18 =	sor.u32 $0x38, s14;
	v20 =	vpop (erf)  }
0x221: {  	v29 =	vadd.s32 s18, v0;
	(xrf2) =	vadd.scan.msk.f32 $0xffff, v20  }
0x222: {  	v30 =	vadd.s32 s18, v16  }
0x223: {  	v31 =	vadd.s32 s18, v17  }
0x224: {  	[tilespmem:s14+$0x19630] =	vst v19  }
0x225: {  	[tilespmem:s14+$0x1AA30] =	vst v20  }
0x226: {  	v19 =	vld.idx.msk [tilespmem:v29+s3+$0x0], $0xffff  }
0x227: {  	v32 =	vld.idx.msk [tilespmem:v30+s3+$0x0], $0xffff  }
0x228: {  	v22 =	vbroadcast v63, $0xF;
	v33 =	vld.idx.msk [tilespmem:v31+s3+$0x0], $0xffff;
	_ =	sdelay $0x1  }
0x229: {  	v18 =	vadd.f32 v22, v18  }
0x22a: {  	v34, _, _ =	vpop (xrf2)  }
0x22b: {  	vm2 =	vne.s32 v19, v32;
	v35 =	vadd.f32 v34, v18  }
0x22c: {  	vm3 =	vne.s32 v19, v33  }
0x22d: {  	v20 =	vsub.f32 v20, v35;
	_ =	sdelay $0x1  }
0x22e: {  	v20 =	vadd.f32 $0.0e+00, v20;
	_ =	sdelay $0x1  }
0x22f: {  	[tilespmem:v19+s19+$0x0] =	vst.idx.add.f32.msk vm2, v20  }
0x230: {  	[tilespmem:v19+s19+$0x0] =	vst.idx.add.f32.msk vm3, v35  }
0x231: {  	v19 =	vld [tilespmem:s14+$0x19640];
	_ =	sdelay $0x4  }
0x232: {  	v19 =	vmul.f32 $6.250000000e-02, v19;
	_ =	sdelay $0x1  }
0x233: {  	v20 =	vmul.f32 $1.442695020e+00, v19;
	_ =	sdelay $0x1  }
0x234: {  	(erf) = vpow2.f32 v20;
	_ =	sdelay $0x8  }
0x235: {  	s28 =	sor.u32 $0x48, s14;
	v20 =	vpop (erf)  }
0x236: {  	v36 =	vadd.s32 s28, v0;
	(xrf2) =	vadd.scan.msk.f32 $0xffff, v20  }
0x237: {  	v37 =	vadd.s32 s28, v16  }
0x238: {  	v38 =	vadd.s32 s28, v17  }
0x239: {  	[tilespmem:s14+$0x19640] =	vst v19  }
0x23a: {  	[tilespmem:s14+$0x1AA40] =	vst v20  }
0x23b: {  	v19 =	vld.idx.msk [tilespmem:v36+s3+$0x0], $0xffff  }
0x23c: {  	v39 =	vld.idx.msk [tilespmem:v37+s3+$0x0], $0xffff  }
0x23d: {  	v22 =	vbroadcast v34, $0xF;
	v40 =	vld.idx.msk [tilespmem:v38+s3+$0x0], $0xffff;
	_ =	sdelay $0x1  }
0x23e: {  	v18 =	vadd.f32 v22, v18  }
0x23f: {  	v41, _, _ =	vpop (xrf2)  }
0x240: {  	vm2 =	vne.s32 v19, v39;
	v42 =	vadd.f32 v41, v18  }
0x241: {  	vm3 =	vne.s32 v19, v40  }
0x242: {  	v20 =	vsub.f32 v20, v42;
	_ =	sdelay $0x1  }
0x243: {  	v20 =	vadd.f32 $0.0e+00, v20;
	_ =	sdelay $0x1  }
0x244: {  	[tilespmem:v19+s19+$0x0] =	vst.idx.add.f32.msk vm2, v20  }
0x245: {  	[tilespmem:v19+s19+$0x0] =	vst.idx.add.f32.msk vm3, v42  }
0x246: {  	v19 =	vld [tilespmem:s14+$0x19650];
	_ =	sdelay $0x4  }
0x247: {  	v19 =	vmul.f32 $6.250000000e-02, v19;
	_ =	sdelay $0x1  }
0x248: {  	v20 =	vmul.f32 $1.442695020e+00, v19;
	_ =	sdelay $0x1  }
0x249: {  	(erf) = vpow2.f32 v20;
	_ =	sdelay $0x8  }
0x24a: {  	s29 =	sor.u32 $0x58, s14;
	v20 =	vpop (erf)  }
0x24b: {  	v43 =	vadd.s32 s29, v0;
	(xrf2) =	vadd.scan.msk.f32 $0xffff, v20  }
0x24c: {  	v44 =	vadd.s32 s29, v16  }
0x24d: {  	v45 =	vadd.s32 s29, v17  }
0x24e: {  	[tilespmem:s14+$0x19650] =	vst v19  }
0x24f: {  	[tilespmem:s14+$0x1AA50] =	vst v20  }
0x250: {  	v19 =	vld.idx.msk [tilespmem:v43+s3+$0x0], $0xffff  }
0x251: {  	v46 =	vld.idx.msk [tilespmem:v44+s3+$0x0], $0xffff  }
0x252: {  	v22 =	vbroadcast v41, $0xF;
	v47 =	vld.idx.msk [tilespmem:v45+s3+$0x0], $0xffff;
	_ =	sdelay $0x1  }
0x253: {  	v18 =	vadd.f32 v22, v18  }
0x254: {  	v48, _, _ =	vpop (xrf2)  }
0x255: {  	vm2 =	vne.s32 v19, v46;
	v49 =	vadd.f32 v48, v18  }
0x256: {  	vm3 =	vne.s32 v19, v47  }
0x257: {  	v20 =	vsub.f32 v20, v49;
	_ =	sdelay $0x1  }
0x258: {  	v20 =	vadd.f32 $0.0e+00, v20;
	_ =	sdelay $0x1  }
0x259: {  	[tilespmem:v19+s19+$0x0] =	vst.idx.add.f32.msk vm2, v20  }
0x25a: {  	[tilespmem:v19+s19+$0x0] =	vst.idx.add.f32.msk vm3, v49  }
0x25b: {  	v19 =	vld [tilespmem:s14+$0x19660];
	_ =	sdelay $0x4  }
0x25c: {  	v19 =	vmul.f32 $6.250000000e-02, v19;
	_ =	sdelay $0x1  }
0x25d: {  	v20 =	vmul.f32 $1.442695020e+00, v19;
	_ =	sdelay $0x1  }
0x25e: {  	(erf) = vpow2.f32 v20;
	_ =	sdelay $0x8  }
0x25f: {  	s30 =	sor.u32 $0x68, s14;
	v20 =	vpop (erf)  }
0x260: {  	v50 =	vadd.s32 s30, v0;
	(xrf2) =	vadd.scan.msk.f32 $0xffff, v20  }
0x261: {  	v51 =	vadd.s32 s30, v16  }
0x262: {  	v52 =	vadd.s32 s30, v17  }
0x263: {  	[tilespmem:s14+$0x19660] =	vst v19  }
0x264: {  	[tilespmem:s14+$0x1AA60] =	vst v20  }
0x265: {  	v19 =	vld.idx.msk [tilespmem:v50+s3+$0x0], $0xffff  }
0x266: {  	v53 =	vld.idx.msk [tilespmem:v51+s3+$0x0], $0xffff  }
0x267: {  	v22 =	vbroadcast v48, $0xF;
	v54 =	vld.idx.msk [tilespmem:v52+s3+$0x0], $0xffff;
	_ =	sdelay $0x1  }
0x268: {  	v18 =	vadd.f32 v22, v18  }
0x269: {  	v55, _, _ =	vpop (xrf2)  }
0x26a: {  	vm2 =	vne.s32 v19, v53;
	v56 =	vadd.f32 v55, v18  }
0x26b: {  	vm3 =	vne.s32 v19, v54  }
0x26c: {  	v20 =	vsub.f32 v20, v56;
	_ =	sdelay $0x1  }
0x26d: {  	v20 =	vadd.f32 $0.0e+00, v20;
	_ =	sdelay $0x1  }
0x26e: {  	[tilespmem:v19+s19+$0x0] =	vst.idx.add.f32.msk vm2, v20  }
0x26f: {  	[tilespmem:v19+s19+$0x0] =	vst.idx.add.f32.msk vm3, v56  }
0x270: {  	v19 =	vld [tilespmem:s14+$0x19670];
	_ =	sdelay $0x4  }
0x271: {  	v19 =	vmul.f32 $6.250000000e-02, v19;
	_ =	sdelay $0x1  }
0x272: {  	v20 =	vmul.f32 $1.442695020e+00, v19;
	_ =	sdelay $0x1  }
0x273: {  	(erf) = vpow2.f32 v20;
	_ =	sdelay $0x8  }
0x274: {  	s31 =	sor.u32 $0x78, s14;
	v20 =	vpop (erf)  }
0x275: {  	v57 =	vadd.s32 s31, v0;
	(xrf2) =	vadd.scan.msk.f32 $0xffff, v20  }
0x276: {  	v58 =	vadd.s32 s31, v16  }
0x277: {  	v59 =	vadd.s32 s31, v17  }
0x278: {  	[tilespmem:s14+$0x19670] =	vst v19  }
0x279: {  	[tilespmem:s14+$0x1AA70] =	vst v20  }
0x27a: {  	v19 =	vld.idx.msk [tilespmem:v57+s3+$0x0], $0xffff  }
0x27b: {  	v60 =	vld.idx.msk [tilespmem:v58+s3+$0x0], $0xffff  }
0x27c: {  	v22 =	vbroadcast v55, $0xF;
	v61 =	vld.idx.msk [tilespmem:v59+s3+$0x0], $0xffff;
	_ =	sdelay $0x1  }
0x27d: {  	v18 =	vadd.f32 v22, v18  }
0x27e: {  	v62, _, _ =	vpop (xrf2)  }
0x27f: {  	vm2 =	vne.s32 v19, v60;
	v63 =	vadd.f32 v62, v18  }
0x280: {  	vm3 =	vne.s32 v19, v61  }
0x281: {  	v20 =	vsub.f32 v20, v63;
	_ =	sdelay $0x1  }
0x282: {  	v20 =	vadd.f32 $0.0e+00, v20  }
0x283: {  	v22 =	vbroadcast v62, $0xF  }
0x284: {  	[tilespmem:v19+s19+$0x0] =	vst.idx.add.f32.msk vm2, v20  }
0x285: {  	v18 =	vadd.f32 v22, v18;
	[tilespmem:v19+s19+$0x0] =	vst.idx.add.f32.msk vm3, v63  }
.LBB2_18:
.Ltmp9:
0x286: {  	(pc) =	sbr.rel @p2 .LBB2_32-.Ltmp9, $1  }
0x287: {  	_ =	sdelay $0x3  }
0x288: {  	s2 =	sadd.s32 $0x2, s13  }
0x289: {  	p2 =	sge.u32 s2, s5  }
0x28a: {  	s2 =	sadd.s32 @!p2 s6, s2  }
0x28b: {  	s2 =	sshll.u32 @!p2 s2, $0xC  }
0x28c: {  	s2 =	sand.u32 @!p2 $0x1FFFF000, s2  }
0x28d: {  	s8 =	simm.s32 @!p2 $0x0;
	s13 =	simm.s32 @!p2 $0x1480;
	s2 =	sadd.s32 @!p2 s1, s2  }
0x28e: {  	[tilespmem:s13], [sflag:$0x1] =	stream.linear.gather @!p2 [hbm4b:s2+s8], $0x8000, $0x38;
	[tilespmem:$0x1E900] =	vst v63  }
0x28f: {  	[tilespmem:$0x19480] =	vst v8  }
0x290: {  	[tilespmem:$0x19490] =	vst v8  }
0x291: {  	s12 =	sshll.u32 s12, $0x7;
	[tilespmem:$0x194A0] =	vst v8  }
0x292: {  	s14 =	sor.u32 $0x7, s12;
	[tilespmem:$0x194B0] =	vst v8  }
0x293: {  	v19 =	vadd.s32 s14, v0;
	[tilespmem:$0x194C0] =	vst v8  }
0x294: {  	[tilespmem:$0x194D0] =	vst v8  }
0x295: {  	[tilespmem:$0x194E0] =	vst v8  }
0x296: {  	s2 =	sand.u32 $0x3FFFFF80, s12;
	[tilespmem:$0x194F0] =	vst v8  }
0x297: {  	v20 =	vld [tilespmem:s2+$0x8]  }
0x298: {  	v19 =	vld.idx.msk [tilespmem:v19+s3+$0x0], $0xffff;
	_ =	sdelay $0x3  }
0x299: {  	s15 =	sor.u32 $0x17, s12  }
0x29a: {  	vm2 =	vne.s32 v20, v19;
	v19 =	vadd.s32 s15, v0  }
0x29b: {  	vm2 =	vmor vm2, vm0  }
0x29c: {  	[tilespmem:s20+$0x0] =	vst.msk vm2, v20  }
0x29d: {  	v20 =	vsel vm2, $0x1, v8;
	[tilespmem:s21+$0x0] =	vst.msk vm2, v0  }
0x29e: {  	(xrf0) =	vadd.scan.msk.s32 $0xffff, v20;
	v20 =	vld [tilespmem:s2+$0x18]  }
0x29f: {  	v19 =	vld.idx.msk [tilespmem:v19+s3+$0x0], $0xffff;
	_ =	sdelay $0x4  }
0x2a0: {  	v21, _, _ =	vpop (xrf0);
	vm2 =	vne.s32 v20, v19  }
0x2a1: {  	(v2sf) =	vpush v21, $0xF;
	v19 =	vsel vm2, $0x1, v8  }
0x2a2: {  	(xrf0) =	vadd.scan.msk.s32 $0xffff, v19;
	_ =	sdelay $0x5  }
0x2a3: {  	v19, _, _ =	vpop (xrf0)  }
0x2a4: {  	(v2sf) =	vpush v19, $0xF;
	_ =	sdelay $0x4  }
0x2a5: {  	s16 =	sor.u32 $0x27, s12  }
0x2a6: {  	v19 =	vadd.s32 s16, v0  }
0x2a7: {  	s18 =	spop (v2sf)  }
0x2a8: {  	[tilespmem:s18+$0x19480] =	vst.msk vm2, v20  }
0x2a9: {  	[tilespmem:s18+$0x19500] =	vst.msk vm2, v2  }
0x2aa: {  	v20 =	vld [tilespmem:s2+$0x28]  }
0x2ab: {  	v19 =	vld.idx.msk [tilespmem:v19+s3+$0x0], $0xffff;
	_ =	sdelay $0x2  }
0x2ac: {  	s28 =	sor.u32 $0x37, s12  }
0x2ad: {  	v58 =	vadd.s32 s28, v0;
	s29 =	spop (v2sf)  }
0x2ae: {  	vm2 =	vne.s32 v20, v19;
	s8 =	sadd.s32 s18, s29  }
0x2af: {  	v19 =	vsel vm2, $0x1, v8;
	[tilespmem:s8+$0x19480] =	vst.msk vm2, v20  }
0x2b0: {  	(xrf0) =	vadd.scan.msk.s32 $0xffff, v19;
	[tilespmem:s8+$0x19500] =	vst.msk vm2, v3  }
0x2b1: {  	v19 =	vld [tilespmem:s2+$0x38]  }
0x2b2: {  	v20 =	vld.idx.msk [tilespmem:v58+s3+$0x0], $0xffff;
	_ =	sdelay $0x3  }
0x2b3: {  	v59, _, _ =	vpop (xrf0)  }
0x2b4: {  	(v2sf) =	vpush v59, $0xF;
	vm2 =	vne.s32 v19, v20  }
0x2b5: {  	v20 =	vsel vm2, $0x1, v8  }
0x2b6: {  	(xrf0) =	vadd.scan.msk.s32 $0xffff, v20;
	_ =	sdelay $0x5  }
0x2b7: {  	v20, _, _ =	vpop (xrf0)  }
0x2b8: {  	(v2sf) =	vpush v20, $0xF;
	_ =	sdelay $0x4  }
0x2b9: {  	s30 =	sor.u32 $0x47, s12  }
0x2ba: {  	v20 =	vadd.s32 s30, v0;
	s31 =	spop (v2sf)  }
0x2bb: {  	s8 =	sadd.s32 s8, s31  }
0x2bc: {  	[tilespmem:s8+$0x19480] =	vst.msk vm2, v19  }
0x2bd: {  	[tilespmem:s8+$0x19500] =	vst.msk vm2, v4  }
0x2be: {  	v19 =	vld [tilespmem:s2+$0x48]  }
0x2bf: {  	v20 =	vld.idx.msk [tilespmem:v20+s3+$0x0], $0xffff;
	_ =	sdelay $0x2  }
0x2c0: {  	s14 =	sor.u32 $0x57, s12  }
0x2c1: {  	v60 =	vadd.s32 s14, v0;
	s15 =	spop (v2sf)  }
0x2c2: {  	vm2 =	vne.s32 v19, v20;
	s8 =	sadd.s32 s8, s15  }
0x2c3: {  	[tilespmem:s8+$0x19480] =	vst.msk vm2, v19;
	v19 =	vsel vm2, $0x1, v8  }
0x2c4: {  	[tilespmem:s8+$0x19500] =	vst.msk vm2, v5;
	(xrf0) =	vadd.scan.msk.s32 $0xffff, v19  }
0x2c5: {  	v19 =	vld [tilespmem:s2+$0x58]  }
0x2c6: {  	v20 =	vld.idx.msk [tilespmem:v60+s3+$0x0], $0xffff;
	_ =	sdelay $0x3  }
0x2c7: {  	v61, _, _ =	vpop (xrf0)  }
0x2c8: {  	vm2 =	vne.s32 v19, v20;
	(v2sf) =	vpush v61, $0xF  }
0x2c9: {  	v20 =	vsel vm2, $0x1, v8  }
0x2ca: {  	(xrf0) =	vadd.scan.msk.s32 $0xffff, v20;
	_ =	sdelay $0x5  }
0x2cb: {  	v20, _, _ =	vpop (xrf0)  }
0x2cc: {  	(v2sf) =	vpush v20, $0xF;
	_ =	sdelay $0x4  }
0x2cd: {  	s16 =	sor.u32 $0x67, s12  }
0x2ce: {  	v20 =	vadd.s32 s16, v0;
	s18 =	spop (v2sf)  }
0x2cf: {  	s8 =	sadd.s32 s8, s18  }
0x2d0: {  	[tilespmem:s8+$0x19480] =	vst.msk vm2, v19  }
0x2d1: {  	[tilespmem:s8+$0x19500] =	vst.msk vm2, v9  }
0x2d2: {  	v19 =	vld [tilespmem:s2+$0x68]  }
0x2d3: {  	v20 =	vld.idx.msk [tilespmem:v20+s3+$0x0], $0xffff;
	_ =	sdelay $0x2  }
0x2d4: {  	s28 =	sor.u32 $0x77, s12  }
0x2d5: {  	v62 =	vadd.s32 s28, v0;
	s29 =	spop (v2sf)  }
0x2d6: {  	s8 =	sadd.s32 s8, s29;
	vm2 =	vne.s32 v19, v20  }
0x2d7: {  	[tilespmem:s8+$0x19480] =	vst.msk vm2, v19  }
0x2d8: {  	[tilespmem:s8+$0x19500] =	vst.msk vm2, v10  }
0x2d9: {  	v19 =	vld [tilespmem:s2+$0x78]  }
0x2da: {  	v20 =	vld.idx.msk [tilespmem:v62+s3+$0x0], $0xffff;
	_ =	sdelay $0x4  }
0x2db: {  	v63 =	vsel vm2, $0x1, v8;
	vm2 =	vne.s32 v19, v20  }
0x2dc: {  	(xrf0) =	vadd.scan.msk.s32 $0xffff, v63;
	v20 =	vsel vm2, $0x1, v8  }
0x2dd: {  	(xrf0) =	vadd.scan.msk.s32 $0xffff, v20;
	_ =	sdelay $0x4  }
0x2de: {  	v20, _, _ =	vpop (xrf0)  }
0x2df: {  	(v2sf) =	vpush v20, $0xF;
	v20, _, _ =	vpop (xrf0)  }
0x2e0: {  	(v2sf) =	vpush v20, $0xF;
	_ =	sdelay $0xd  }
0x2e1: {  	s30 =	spop (v2sf)  }
0x2e2: {  	s2 =	sadd.s32 s8, s30;
	s31 =	spop (v2sf)  }
0x2e3: {  	s13 =	sadd.s32 s2, s31  }
0x2e4: {  	p2 =	slt.s32 s13, $0x1  }
.Ltmp10:
0x2e5: {  	_ = 	snop;
	(pc) =	sbr.rel @p2 .LBB2_36-.Ltmp10, $4  }
0x2e6: {  	_ = 	snop  }
0x2e7: {  	[tilespmem:s2+$0x19480] =	vst.msk vm2, v19  }
0x2e8: {  	[tilespmem:s2+$0x19500] =	vst.msk vm2, v11  }
0x2e9: {  	[tilespmem:s13+$0x19500] =	vst v12  }
0x2ea: {  	v19 =	vld [tilespmem:$0x19480];
	_ =	sdelay $0x4  }
0x2eb: {  	v20 =	vshll.u32 v19, $0x1  }
0x2ec: {  	v19 =	vand.u32 $0x7, v19;
	v20 =	vand.u32 $0xFFFFFFF0, v20  }
0x2ed: {  	v19 =	vor.u32 v19, v20  }
0x2ee: {  	v20 =	vperm.xlane v19, v13;
	_ =	sdelay $0x1  }
0x2ef: {  	v19 =	vperm.xlane v19, v15;
	v20 =	vadd.s32 v14, v20;
	_ =	sdelay $0x1  }
0x2f0: {  	v19 =	vadd.s32 v14, v19;
	_ =	sdelay $0x2  }
0x2f1: {  	[tilespmem:s22], [sflag:$0x3] =	stream.indirect_vreg.gather [hbm4b:s4+s3], $0x80, v20, vm1, $0xb8;
	[tilespmem:$0x1E900] =	vst v63  }
0x2f2: {  	_ = 	snop  }
0x2f3: {  	[tilespmem:s23], [sflag:$0x3] =	stream.indirect_vreg.gather [hbm4b:s4+s3], $0x80, v19, vm1, $0xb8;
	[tilespmem:$0x1E900] =	vst v63  }
0x2f4: {  	v19 =	vld [tilespmem:$0x19490];
	_ =	sdelay $0x4  }
0x2f5: {  	v20 =	vshll.u32 v19, $0x1  }
0x2f6: {  	v19 =	vand.u32 $0x7, v19;
	v20 =	vand.u32 $0xFFFFFFF0, v20  }
0x2f7: {  	v19 =	vor.u32 v19, v20  }
0x2f8: {  	v20 =	vperm.xlane v19, v13;
	_ =	sdelay $0x1  }
0x2f9: {  	v19 =	vperm.xlane v19, v15;
	v20 =	vadd.s32 v14, v20;
	_ =	sdelay $0x1  }
0x2fa: {  	v19 =	vadd.s32 v14, v19;
	_ =	sdelay $0x2  }
0x2fb: {  	[tilespmem:s24], [sflag:$0x3] =	stream.indirect_vreg.gather [hbm4b:s4+s3], $0x80, v20, vm1, $0xb8;
	[tilespmem:$0x1E900] =	vst v63  }
0x2fc: {  	_ = 	snop  }
0x2fd: {  	[tilespmem:s25], [sflag:$0x3] =	stream.indirect_vreg.gather [hbm4b:s4+s3], $0x80, v19, vm1, $0xb8;
	[tilespmem:$0x1E900] =	vst v63  }
0x2fe: {  	_ =	swait.ge [sflag:s26], $0x2000  }
0x2ff: {  	[sflag:s26] =	ssyncset.done $0x0  }
0x300: {  	p2 =	slt.u32 s13, $0x21;
	[sflag:s26] =	ssyncadd.s32 $0xFFFFE000  }
0x301: {  	v19 =	vld @!p2 [tilespmem:$0x194A0];
	_ =	sdelay $0x4  }
0x302: {  	v20 =	vshll.u32 @!p2 v19, $0x1  }
0x303: {  	v21 =	vlaneseq.u32 @!p2;
	v19 =	vand.u32 @!p2 $0x7, v19;
	v20 =	vand.u32 @!p2 $0xFFFFFFF0, v20  }
0x304: {  	v22 =	vshrl.u32 @!p2 v21, $0x3;
	v19 =	vor.u32 @!p2 v19, v20;
	v20 =	vand.u32 @!p2 $0x7, v21  }
0x305: {  	v22 =	vmul.u32 @!p2 $0x8, v22;
	v23 =	vperm.xlane @!p2 v19, v20  }
0x306: {  	v21 =	vor.u32 @!p2 $0x8, v21  }
0x307: {  	v19 =	vperm.xlane @!p2 v19, v21;
	v23 =	vadd.s32 @!p2 v22, v23;
	_ =	sdelay $0x1  }
0x308: {  	v19 =	vadd.s32 @!p2 v22, v19;
	_ =	sdelay $0x1  }
0x309: {  	vm2 =	vmmov @!p2 $0xffff;
	s2 =	simm.s32 @!p2 $0x0;
	s8 =	simm.s32 @!p2 $0x13480  }
0x30a: {  	[tilespmem:s8], [sflag:$0x3] =	stream.indirect_vreg.gather @!p2 [hbm4b:s4+s2], $0x80, v23, vm2, $0xb8;
	[tilespmem:$0x1E900] =	vst v63  }
0x30b: {  	s8 =	simm.s32 @!p2 $0x13C80  }
0x30c: {  	[tilespmem:s8], [sflag:$0x3] =	stream.indirect_vreg.gather @!p2 [hbm4b:s4+s2], $0x80, v19, vm2, $0xb8;
	[tilespmem:$0x1E900] =	vst v63  }
0x30d: {  	v19 =	vld @!p2 [tilespmem:$0x194B0];
	_ =	sdelay $0x4  }
0x30e: {  	v23 =	vshll.u32 @!p2 v19, $0x1  }
0x30f: {  	v19 =	vand.u32 @!p2 $0x7, v19;
	v23 =	vand.u32 @!p2 $0xFFFFFFF0, v23  }
0x310: {  	v19 =	vor.u32 @!p2 v19, v23  }
0x311: {  	v20 =	vperm.xlane @!p2 v19, v20;
	_ =	sdelay $0x1  }
0x312: {  	v19 =	vperm.xlane @!p2 v19, v21;
	v20 =	vadd.s32 @!p2 v22, v20;
	_ =	sdelay $0x1  }
0x313: {  	v19 =	vadd.s32 @!p2 v22, v19;
	_ =	sdelay $0x1  }
0x314: {  	p3 =	slt.u32 @!p2 s13, $0x41;
	s8 =	simm.s32 @!p2 $0x14480  }
0x315: {  	[tilespmem:s8], [sflag:$0x3] =	stream.indirect_vreg.gather @!p2 [hbm4b:s4+s2], $0x80, v20, vm2, $0xb8;
	[tilespmem:$0x1E900] =	vst v63  }
0x316: {  	p3 =	por p2, p3;
	s8 =	simm.s32 @!p2 $0x14C80  }
0x317: {  	[tilespmem:s8], [sflag:$0x3] =	stream.indirect_vreg.gather @!p2 [hbm4b:s4+s2], $0x80, v19, vm2, $0xb8;
	[tilespmem:$0x1E900] =	vst v63  }
.Ltmp11:
0x318: {  	_ = 	snop;
	(pc) =	sbr.rel @p3 .LBB2_22-.Ltmp11, $4  }
0x319: {  	s2 =	simm.s32 @!p2 $0x3  }
0x31a: {  	_ =	swait.ge @!p2 [sflag:s2], $0x2000  }
0x31b: {  	[sflag:s2] =	ssyncset.done @!p2 $0x0  }
0x31c: {  	[sflag:s2] =	ssyncadd.s32 @!p2 $0xFFFFE000  }
0x31d: {  	v19 =	vld [tilespmem:$0x194C0];
	_ =	sdelay $0x4  }
0x31e: {  	v20 =	vshll.u32 v19, $0x1  }
0x31f: {  	v19 =	vand.u32 $0x7, v19;
	v20 =	vand.u32 $0xFFFFFFF0, v20  }
0x320: {  	v19 =	vor.u32 v19, v20  }
0x321: {  	v20 =	vperm.xlane v19, v13;
	_ =	sdelay $0x1  }
0x322: {  	v19 =	vperm.xlane v19, v15;
	v20 =	vadd.s32 v14, v20;
	_ =	sdelay $0x1  }
0x323: {  	v19 =	vadd.s32 v14, v19;
	_ =	sdelay $0x1  }
0x324: {  	s2 =	simm.s32 $0x15480  }
0x325: {  	[tilespmem:s2], [sflag:$0x3] =	stream.indirect_vreg.gather [hbm4b:s4+s3], $0x80, v20, vm1, $0xb8;
	[tilespmem:$0x1E900] =	vst v63  }
0x326: {  	s29 =	simm.s32 $0x15C80  }
0x327: {  	[tilespmem:s29], [sflag:$0x3] =	stream.indirect_vreg.gather [hbm4b:s4+s3], $0x80, v19, vm1, $0xb8;
	[tilespmem:$0x1E900] =	vst v63  }
0x328: {  	v19 =	vld [tilespmem:$0x194D0];
	_ =	sdelay $0x4  }
0x329: {  	v20 =	vshll.u32 v19, $0x1  }
0x32a: {  	v19 =	vand.u32 $0x7, v19;
	v20 =	vand.u32 $0xFFFFFFF0, v20  }
0x32b: {  	v19 =	vor.u32 v19, v20  }
0x32c: {  	v20 =	vperm.xlane v19, v13;
	_ =	sdelay $0x1  }
0x32d: {  	v19 =	vperm.xlane v19, v15;
	v20 =	vadd.s32 v14, v20;
	_ =	sdelay $0x1  }
0x32e: {  	v19 =	vadd.s32 v14, v19;
	_ =	sdelay $0x1  }
0x32f: {  	s30 =	simm.s32 $0x16480  }
0x330: {  	[tilespmem:s30], [sflag:$0x3] =	stream.indirect_vreg.gather [hbm4b:s4+s3], $0x80, v20, vm1, $0xb8;
	[tilespmem:$0x1E900] =	vst v63  }
0x331: {  	s31 =	simm.s32 $0x16C80  }
0x332: {  	[tilespmem:s31], [sflag:$0x3] =	stream.indirect_vreg.gather [hbm4b:s4+s3], $0x80, v19, vm1, $0xb8;
	[tilespmem:$0x1E900] =	vst v63  }
0x333: {  	_ =	swait.ge [sflag:s26], $0x2000  }
0x334: {  	[sflag:s26] =	ssyncset.done $0x0  }
0x335: {  	p2 =	slt.u32 s13, $0x61;
	[sflag:s26] =	ssyncadd.s32 $0xFFFFE000  }
0x336: {  	v19 =	vld @!p2 [tilespmem:$0x194E0];
	_ =	sdelay $0x4  }
0x337: {  	v20 =	vshll.u32 @!p2 v19, $0x1  }
0x338: {  	v21 =	vlaneseq.u32 @!p2;
	v19 =	vand.u32 @!p2 $0x7, v19;
	v20 =	vand.u32 @!p2 $0xFFFFFFF0, v20  }
0x339: {  	v22 =	vshrl.u32 @!p2 v21, $0x3;
	v19 =	vor.u32 @!p2 v19, v20;
	v20 =	vand.u32 @!p2 $0x7, v21  }
0x33a: {  	v22 =	vmul.u32 @!p2 $0x8, v22;
	v23 =	vperm.xlane @!p2 v19, v20  }
0x33b: {  	v21 =	vor.u32 @!p2 $0x8, v21  }
0x33c: {  	v19 =	vperm.xlane @!p2 v19, v21;
	v23 =	vadd.s32 @!p2 v22, v23;
	_ =	sdelay $0x1  }
0x33d: {  	v19 =	vadd.s32 @!p2 v22, v19;
	_ =	sdelay $0x1  }
0x33e: {  	vm2 =	vmmov @!p2 $0xffff;
	s8 =	simm.s32 @!p2 $0x17480;
	s2 =	simm.s32 @!p2 $0x0  }
0x33f: {  	[tilespmem:s8], [sflag:$0x3] =	stream.indirect_vreg.gather @!p2 [hbm4b:s4+s2], $0x80, v23, vm2, $0xb8;
	[tilespmem:$0x1E900] =	vst v63  }
0x340: {  	s8 =	simm.s32 @!p2 $0x17C80  }
0x341: {  	[tilespmem:s8], [sflag:$0x3] =	stream.indirect_vreg.gather @!p2 [hbm4b:s4+s2], $0x80, v19, vm2, $0xb8;
	[tilespmem:$0x1E900] =	vst v63  }
0x342: {  	v19 =	vld @!p2 [tilespmem:$0x194F0];
	_ =	sdelay $0x4  }
0x343: {  	v23 =	vshll.u32 @!p2 v19, $0x1  }
0x344: {  	v19 =	vand.u32 @!p2 $0x7, v19;
	v23 =	vand.u32 @!p2 $0xFFFFFFF0, v23  }
0x345: {  	v19 =	vor.u32 @!p2 v19, v23  }
0x346: {  	v20 =	vperm.xlane @!p2 v19, v20;
	_ =	sdelay $0x1  }
0x347: {  	v19 =	vperm.xlane @!p2 v19, v21;
	v20 =	vadd.s32 @!p2 v22, v20;
	_ =	sdelay $0x1  }
0x348: {  	v19 =	vadd.s32 @!p2 v22, v19;
	_ =	sdelay $0x1  }
0x349: {  	s8 =	simm.s32 @!p2 $0x18480  }
0x34a: {  	[tilespmem:s8], [sflag:$0x3] =	stream.indirect_vreg.gather @!p2 [hbm4b:s4+s2], $0x80, v20, vm2, $0xb8;
	[tilespmem:$0x1E900] =	vst v63  }
0x34b: {  	s8 =	simm.s32 @!p2 $0x18C80  }
0x34c: {  	[tilespmem:s8], [sflag:$0x3] =	stream.indirect_vreg.gather @!p2 [hbm4b:s4+s2], $0x80, v19, vm2, $0xb8;
	[tilespmem:$0x1E900] =	vst v63  }
0x34d: {  	s2 =	simm.s32 @!p2 $0x3  }
0x34e: {  	_ =	swait.ge @!p2 [sflag:s2], $0x2000  }
0x34f: {  	[sflag:s2] =	ssyncset.done @!p2 $0x0  }
0x350: {  	[sflag:s2] =	ssyncadd.s32 @!p2 $0xFFFFE000  }
.LBB2_22:
.Ltmp12:
0x351: {  	(pc) =	sbr.rel .LBB2_23-.Ltmp12, $4  }
0x352: {  	_ = 	snop  }
0x353: {  	_ =	swait.ge [sflag:s7], $0x8000  }
0x354: {  	[sflag:s7] =	ssyncset.done $0x0  }
0x355: {  	s14 =	simm.s32 $0x0;
	[sflag:s7] =	ssyncadd.s32 $0xFFFF8000  }
.LBB2_11:
0x356: {  	s2 =	smov.u32 s29  }
.LBB2_15:
0x357: {  	v35 =	vld [tilespmem:s28+$0x1480]  }
0x358: {  	v36 =	vld [tilespmem:s28+$0x1490];
	_ =	sdelay $0x1  }
0x359: {  	v37 =	vld [tilespmem:s28+$0x14A0];
	_ =	sdelay $0x1  }
0x35a: {  	v38 =	vld [tilespmem:s28+$0x14B0]  }
0x35b: {  	v33 =	vmul.f32 v35, v33;
	v34 =	vmul.f32 v36, v34  }
0x35c: {  	v52 =	vld [tilespmem:s28+$0x14C0]  }
0x35d: {  	v32 =	vmul.f32 v37, v32;
	v33 =	vadd.f32 v34, v33  }
0x35e: {  	v53 =	vld [tilespmem:s28+$0x14D0]  }
0x35f: {  	v31 =	vmul.f32 v38, v31;
	v32 =	vadd.f32 v32, v33  }
0x360: {  	v54 =	vld [tilespmem:s28+$0x14E0]  }
0x361: {  	v30 =	vmul.f32 v52, v30;
	v31 =	vadd.f32 v31, v32  }
0x362: {  	v55 =	vld [tilespmem:s28+$0x14F0]  }
0x363: {  	v29 =	vmul.f32 v53, v29;
	v30 =	vadd.f32 v30, v31  }
0x364: {  	v56 =	vld [tilespmem:s28+$0x1880]  }
0x365: {  	v28 =	vmul.f32 v54, v28;
	v29 =	vadd.f32 v29, v30  }
0x366: {  	v57 =	vld [tilespmem:s28+$0x1890]  }
0x367: {  	v27 =	vmul.f32 v55, v27;
	v28 =	vadd.f32 v28, v29  }
0x368: {  	v58 =	vld [tilespmem:s28+$0x18A0]  }
0x369: {  	v26 =	vmul.f32 v56, v26;
	v27 =	vadd.f32 v27, v28  }
0x36a: {  	v59 =	vld [tilespmem:s28+$0x18B0]  }
0x36b: {  	v25 =	vmul.f32 v57, v25;
	v26 =	vadd.f32 v26, v27  }
0x36c: {  	v60 =	vld [tilespmem:s28+$0x18C0]  }
0x36d: {  	v24 =	vmul.f32 v58, v24;
	v25 =	vadd.f32 v25, v26  }
0x36e: {  	v61 =	vld [tilespmem:s28+$0x18D0]  }
0x36f: {  	v22 =	vmul.f32 v59, v22;
	v24 =	vadd.f32 v24, v25  }
0x370: {  	v62 =	vld [tilespmem:s28+$0x18E0]  }
0x371: {  	v20 =	vmul.f32 v60, v20;
	v22 =	vadd.f32 v22, v24  }
0x372: {  	v63 =	vld [tilespmem:s28+$0x18F0]  }
0x373: {  	v19 =	vmul.f32 v61, v19;
	v20 =	vadd.f32 v20, v22;
	_ =	sdelay $0x1  }
0x374: {  	v19 =	vadd.f32 v19, v20;
	v20 =	vmul.f32 v62, v21;
	_ =	sdelay $0x1  }
0x375: {  	v19 =	vadd.f32 v20, v19;
	v20 =	vmul.f32 v63, v23;
	_ =	sdelay $0x1  }
0x376: {  	v19 =	vadd.f32 v20, v19;
	_ =	sdelay $0x1  }
0x377: {  	(xrf2) =	vadd.scan.msk.f32 $0xffff, v19;
	_ =	sdelay $0x5  }
0x378: {  	s2 =	sadd.s32 @p3 $0x1, s2  }
0x379: {  	s29 =	smov.u32 @p3 s2  }
0x37a: {  	v19 =	vmov s29;
	_ =	sdelay $0x1  }
0x37b: {  	v20, _, _ =	vpop (xrf2)  }
0x37c: {  	v20 =	vbroadcast v20, $0xF;
	_ =	sdelay $0x1  }
0x37d: {  	[tilespmem:v19+s17+$0x0] =	vst.idx.msk $0x1, v20  }
.LBB2_16:
0x37e: {  	s16 =	sadd.s32 $0x1, s16  }
0x37f: {  	p3 =	slt.s32 s16, s15  }
.Ltmp13:
0x380: {  	_ = 	snop;
	(pc) =	sbr.rel @!p3 .LBB2_17-.Ltmp13, $1  }
0x381: {  	_ =	sdelay $0x3  }
.LBB2_9:
0x382: {  	v19 =	vld [tilespmem:s16+$0x19500];
	_ =	sdelay $0x4  }
0x383: {  	(v2sf) =	vpush v19, $0x0  }
0x384: {  	(v2sf) =	vpush v19, $0x1;
	_ =	sdelay $0xd  }
0x385: {  	s8 =	spop (v2sf)  }
0x386: {  	s2 =	spop (v2sf)  }
0x387: {  	p3 =	sle.s32 s2, s8  }
.Ltmp14:
0x388: {  	_ = 	snop;
	(pc) =	sbr.rel @p3 .LBB2_16-.Ltmp14, $1  }
0x389: {  	_ =	sdelay $0x3  }
0x38a: {  	s18 =	sshll.u32 s16, $0x8;
	s28 =	sshll.u32 s16, $0x7  }
0x38b: {  	s18 =	sand.u32 $0xFFFFF800, s18;
	s28 =	sand.u32 $0x380, s28  }
0x38c: {  	s18 =	sor.u32 s28, s18  }
0x38d: {  	s28 =	sadd.s32 $0x11480, s18;
	v33 =	vld [tilespmem:s18+$0x11480]  }
0x38e: {  	v34 =	vld [tilespmem:s28+$0x10]  }
0x38f: {  	v32 =	vld [tilespmem:s28+$0x20]  }
0x390: {  	v31 =	vld [tilespmem:s28+$0x30]  }
0x391: {  	v30 =	vld [tilespmem:s28+$0x40]  }
0x392: {  	v29 =	vld [tilespmem:s28+$0x50]  }
0x393: {  	v28 =	vld [tilespmem:s28+$0x60]  }
0x394: {  	v27 =	vld [tilespmem:s28+$0x70]  }
0x395: {  	v26 =	vld [tilespmem:s28+$0x400]  }
0x396: {  	s30 =	ssub.s32 s2, s8;
	v25 =	vld [tilespmem:s28+$0x410]  }
0x397: {  	p4 =	sne.s32 s30, $0x1;
	v24 =	vld [tilespmem:s28+$0x420]  }
.Ltmp15:
0x398: {  	v22 =	vld [tilespmem:s28+$0x430];
	(pc) =	sbr.rel @!p4 .LBB2_11-.Ltmp15, $4  }
0x399: {  	v20 =	vld [tilespmem:s28+$0x440]  }
0x39a: {  	s2 =	sshll.u32 s8, $0x7;
	s18 =	sshll.u32 s8, $0x8;
	v19 =	vld [tilespmem:s28+$0x450]  }
0x39b: {  	s29 =	sadd.s32 s8, s9;
	s31 =	sand.u32 $0x380, s2;
	v21 =	vld [tilespmem:s28+$0x460];
	s8 =	sand.u32 $0xFFFFF800, s18  }
0x39c: {  	p3 =	por $0x0, $0x0;
	v23 =	vld [tilespmem:s28+$0x470];
	s28 =	sor.u32 s31, s8;
	s8 =	sadd.s32 $0xFFFFFFFF, s30  }
0x39d: {  	v35 =	vld [tilespmem:s28+$0x1480]  }
0x39e: {  	v36 =	vld [tilespmem:s28+$0x1490];
	_ =	sdelay $0x1  }
0x39f: {  	v37 =	vld [tilespmem:s28+$0x14A0];
	_ =	sdelay $0x1  }
0x3a0: {  	v38 =	vld [tilespmem:s28+$0x14B0]  }
0x3a1: {  	v35 =	vmul.f32 v35, v33;
	v36 =	vmul.f32 v36, v34  }
0x3a2: {  	v39 =	vld [tilespmem:s28+$0x14C0]  }
0x3a3: {  	v59 =	vmul.f32 v37, v32;
	v35 =	vadd.f32 v36, v35  }
0x3a4: {  	v60 =	vld [tilespmem:s28+$0x14D0]  }
0x3a5: {  	v61 =	vmul.f32 v38, v31;
	v35 =	vadd.f32 v59, v35  }
0x3a6: {  	v62 =	vld [tilespmem:s28+$0x14E0]  }
0x3a7: {  	v63 =	vmul.f32 v39, v30;
	v35 =	vadd.f32 v61, v35  }
0x3a8: {  	v42 =	vld [tilespmem:s28+$0x14F0]  }
0x3a9: {  	v43 =	vmul.f32 v60, v29;
	v35 =	vadd.f32 v63, v35  }
0x3aa: {  	v44 =	vld [tilespmem:s28+$0x1880]  }
0x3ab: {  	v45 =	vmul.f32 v62, v28;
	v35 =	vadd.f32 v43, v35  }
0x3ac: {  	v46 =	vld [tilespmem:s28+$0x1890]  }
0x3ad: {  	v47 =	vmul.f32 v42, v27;
	v35 =	vadd.f32 v45, v35  }
0x3ae: {  	v48 =	vld [tilespmem:s28+$0x18A0]  }
0x3af: {  	v49 =	vmul.f32 v44, v26;
	v35 =	vadd.f32 v47, v35  }
0x3b0: {  	v50 =	vld [tilespmem:s28+$0x18B0]  }
0x3b1: {  	v51 =	vmul.f32 v46, v25;
	v35 =	vadd.f32 v49, v35  }
0x3b2: {  	v52 =	vld [tilespmem:s28+$0x18C0]  }
0x3b3: {  	v53 =	vmul.f32 v48, v24;
	v35 =	vadd.f32 v51, v35  }
0x3b4: {  	v54 =	vld [tilespmem:s28+$0x18D0]  }
0x3b5: {  	v55 =	vmul.f32 v50, v22;
	v35 =	vadd.f32 v53, v35  }
0x3b6: {  	v56 =	vld [tilespmem:s28+$0x18E0]  }
0x3b7: {  	v57 =	vmul.f32 v52, v20;
	v35 =	vadd.f32 v55, v35  }
0x3b8: {  	v58 =	vld [tilespmem:s28+$0x18F0]  }
0x3b9: {  	v59 =	vmul.f32 v54, v19;
	v35 =	vadd.f32 v57, v35;
	_ =	sdelay $0x1  }
0x3ba: {  	v60 =	vmul.f32 v56, v21;
	v35 =	vadd.f32 v59, v35;
	_ =	sdelay $0x1  }
0x3bb: {  	v61 =	vmul.f32 v58, v23;
	v35 =	vadd.f32 v60, v35;
	_ =	sdelay $0x1  }
0x3bc: {  	v35 =	vadd.f32 v61, v35;
	_ =	sdelay $0x1  }
0x3bd: {  	(xrf2) =	vadd.scan.msk.f32 $0xffff, v35;
	_ =	sdelay $0x7  }
0x3be: {  	p4 =	sne.s32 s8, $0x1;
	v62 =	vmov s29  }
.Ltmp16:
0x3bf: {  	_ = 	snop;
	(pc) =	sbr.rel @!p4 .LBB2_13-.Ltmp16, $4  }
0x3c0: {  	v63, _, _ =	vpop (xrf2)  }
0x3c1: {  	s30 =	sadd.s32 $0x80, s2;
	s31 =	sadd.s32 $0x100, s18;
	v36 =	vbroadcast v63, $0xF  }
0x3c2: {  	p3 =	por $0x1, $0x1;
	s2 =	sand.u32 $0xFFFFF800, s31;
	s18 =	sand.u32 $0x380, s30  }
0x3c3: {  	s28 =	sor.u32 s18, s2;
	s18 =	sadd.s32 $0xFFFFFFFF, s8;
	s2 =	smov.u32 s29;
	[tilespmem:v62+s17+$0x0] =	vst.idx.msk $0x1, v36  }
.LBB2_14:
0x3c4: {  	p4 =	sne.s32 s18, $0x1;
	v35 =	vld [tilespmem:s28+$0x1480]  }
0x3c5: {  	v36 =	vld [tilespmem:s28+$0x1490];
	_ =	sdelay $0x1  }
0x3c6: {  	v37 =	vld [tilespmem:s28+$0x14A0];
	_ =	sdelay $0x1  }
0x3c7: {  	v38 =	vld [tilespmem:s28+$0x14B0]  }
0x3c8: {  	v35 =	vmul.f32 v35, v33;
	v36 =	vmul.f32 v36, v34  }
0x3c9: {  	v39 =	vld [tilespmem:s28+$0x14C0]  }
0x3ca: {  	v35 =	vadd.f32 v36, v35;
	v36 =	vmul.f32 v37, v32  }
0x3cb: {  	v37 =	vld [tilespmem:s28+$0x14D0]  }
0x3cc: {  	v35 =	vadd.f32 v36, v35;
	v36 =	vmul.f32 v38, v31  }
0x3cd: {  	v38 =	vld [tilespmem:s28+$0x14E0]  }
0x3ce: {  	v35 =	vadd.f32 v36, v35;
	v36 =	vmul.f32 v39, v30  }
0x3cf: {  	v39 =	vld [tilespmem:s28+$0x14F0]  }
0x3d0: {  	v35 =	vadd.f32 v36, v35;
	v36 =	vmul.f32 v37, v29  }
0x3d1: {  	v37 =	vld [tilespmem:s28+$0x1880]  }
0x3d2: {  	v35 =	vadd.f32 v36, v35;
	v36 =	vmul.f32 v38, v28  }
0x3d3: {  	v38 =	vld [tilespmem:s28+$0x1890]  }
0x3d4: {  	v35 =	vadd.f32 v36, v35;
	v36 =	vmul.f32 v39, v27  }
0x3d5: {  	v39 =	vld [tilespmem:s28+$0x18A0]  }
0x3d6: {  	v35 =	vadd.f32 v36, v35;
	v36 =	vmul.f32 v37, v26  }
0x3d7: {  	v37 =	vld [tilespmem:s28+$0x18B0]  }
0x3d8: {  	v35 =	vadd.f32 v36, v35;
	v36 =	vmul.f32 v38, v25  }
0x3d9: {  	v38 =	vld [tilespmem:s28+$0x18C0]  }
0x3da: {  	v35 =	vadd.f32 v36, v35;
	v36 =	vmul.f32 v39, v24  }
0x3db: {  	v39 =	vld [tilespmem:s28+$0x18D0]  }
0x3dc: {  	v35 =	vadd.f32 v36, v35;
	v36 =	vmul.f32 v37, v22  }
0x3dd: {  	v37 =	vld [tilespmem:s28+$0x18E0]  }
0x3de: {  	v35 =	vadd.f32 v36, v35;
	v36 =	vmul.f32 v38, v20  }
0x3df: {  	v38 =	vld [tilespmem:s28+$0x18F0]  }
0x3e0: {  	v35 =	vadd.f32 v36, v35;
	v36 =	vmul.f32 v39, v19;
	_ =	sdelay $0x1  }
0x3e1: {  	v35 =	vadd.f32 v36, v35;
	v36 =	vmul.f32 v37, v21;
	_ =	sdelay $0x1  }
0x3e2: {  	v35 =	vadd.f32 v36, v35;
	v36 =	vmul.f32 v38, v23;
	_ =	sdelay $0x1  }
0x3e3: {  	v35 =	vadd.f32 v36, v35;
	_ =	sdelay $0x1  }
0x3e4: {  	(xrf2) =	vadd.scan.msk.f32 $0xffff, v35;
	_ =	sdelay $0x6  }
0x3e5: {  	s2 =	sadd.s32 $0x1, s2  }
0x3e6: {  	v35 =	vmov s2  }
.Ltmp17:
0x3e7: {  	(pc) =	sbr.rel @p4 .LBB2_14-.Ltmp17, $4  }
0x3e8: {  	v36, _, _ =	vpop (xrf2)  }
0x3e9: {  	s30 =	sadd.s32 $0x80, s30;
	s31 =	sadd.s32 $0x100, s31;
	v36 =	vbroadcast v36, $0xF  }
0x3ea: {  	s8 =	sand.u32 $0xFFFFF800, s31;
	s28 =	sand.u32 $0x380, s30  }
0x3eb: {  	s18 =	sadd.s32 $0xFFFFFFFF, s18;
	s28 =	sor.u32 s28, s8;
	[tilespmem:v35+s17+$0x0] =	vst.idx.msk $0x1, v36  }
.Ltmp18:
0x3ec: {  	_ = 	snop;
	(pc) =	sbr.rel .LBB2_15-.Ltmp18, $1  }
0x3ed: {  	_ =	sdelay $0x3  }
.LBB2_13:
.Ltmp19:
0x3ee: {  	(pc) =	sbr.rel .LBB2_15-.Ltmp19, $2  }
0x3ef: {  	_ =	sdelay $0x2  }
0x3f0: {  	s2 =	smov.u32 s29  }
.LBB2_25:
0x3f1: {  	s16 =	smov.u32 s2  }
.LBB2_29:
0x3f2: {  	v35 =	vld [tilespmem:s15+$0x9480]  }
0x3f3: {  	v36 =	vld [tilespmem:s15+$0x9490];
	_ =	sdelay $0x1  }
0x3f4: {  	v37 =	vld [tilespmem:s15+$0x94A0];
	_ =	sdelay $0x1  }
0x3f5: {  	v38 =	vld [tilespmem:s15+$0x94B0]  }
0x3f6: {  	v33 =	vmul.f32 v35, v33;
	v34 =	vmul.f32 v36, v34  }
0x3f7: {  	v52 =	vld [tilespmem:s15+$0x94C0]  }
0x3f8: {  	v32 =	vmul.f32 v37, v32;
	v33 =	vadd.f32 v34, v33  }
0x3f9: {  	v53 =	vld [tilespmem:s15+$0x94D0]  }
0x3fa: {  	v31 =	vmul.f32 v38, v31;
	v32 =	vadd.f32 v32, v33  }
0x3fb: {  	v54 =	vld [tilespmem:s15+$0x94E0]  }
0x3fc: {  	v30 =	vmul.f32 v52, v30;
	v31 =	vadd.f32 v31, v32  }
0x3fd: {  	v55 =	vld [tilespmem:s15+$0x94F0]  }
0x3fe: {  	v29 =	vmul.f32 v53, v29;
	v30 =	vadd.f32 v30, v31  }
0x3ff: {  	v56 =	vld [tilespmem:s15+$0x9880]  }
0x400: {  	v28 =	vmul.f32 v54, v28;
	v29 =	vadd.f32 v29, v30  }
0x401: {  	v57 =	vld [tilespmem:s15+$0x9890]  }
0x402: {  	v27 =	vmul.f32 v55, v27;
	v28 =	vadd.f32 v28, v29  }
0x403: {  	v58 =	vld [tilespmem:s15+$0x98A0]  }
0x404: {  	v26 =	vmul.f32 v56, v26;
	v27 =	vadd.f32 v27, v28  }
0x405: {  	v59 =	vld [tilespmem:s15+$0x98B0]  }
0x406: {  	v25 =	vmul.f32 v57, v25;
	v26 =	vadd.f32 v26, v27  }
0x407: {  	v60 =	vld [tilespmem:s15+$0x98C0]  }
0x408: {  	v24 =	vmul.f32 v58, v24;
	v25 =	vadd.f32 v25, v26  }
0x409: {  	v61 =	vld [tilespmem:s15+$0x98D0]  }
0x40a: {  	v22 =	vmul.f32 v59, v22;
	v24 =	vadd.f32 v24, v25  }
0x40b: {  	v62 =	vld [tilespmem:s15+$0x98E0]  }
0x40c: {  	v20 =	vmul.f32 v60, v20;
	v22 =	vadd.f32 v22, v24  }
0x40d: {  	v63 =	vld [tilespmem:s15+$0x98F0]  }
0x40e: {  	v19 =	vmul.f32 v61, v19;
	v20 =	vadd.f32 v20, v22;
	_ =	sdelay $0x1  }
0x40f: {  	v19 =	vadd.f32 v19, v20;
	v20 =	vmul.f32 v62, v21;
	_ =	sdelay $0x1  }
0x410: {  	v19 =	vadd.f32 v20, v19;
	v20 =	vmul.f32 v63, v23;
	_ =	sdelay $0x1  }
0x411: {  	v19 =	vadd.f32 v20, v19;
	_ =	sdelay $0x1  }
0x412: {  	(xrf2) =	vadd.scan.msk.f32 $0xffff, v19;
	_ =	sdelay $0x5  }
0x413: {  	s8 =	sadd.s32 @p2 $0x1, s16  }
0x414: {  	s2 =	smov.u32 @p2 s8  }
0x415: {  	v19 =	vmov s2;
	_ =	sdelay $0x1  }
0x416: {  	v20, _, _ =	vpop (xrf2)  }
0x417: {  	v20 =	vbroadcast v20, $0xF;
	_ =	sdelay $0x1  }
0x418: {  	[tilespmem:v19+s17+$0x0] =	vst.idx.msk $0x1, v20  }
.LBB2_30:
0x419: {  	s14 =	sadd.s32 $0x1, s14  }
0x41a: {  	p2 =	slt.s32 s14, s13  }
.Ltmp20:
0x41b: {  	_ = 	snop;
	(pc) =	sbr.rel @!p2 .LBB2_31-.Ltmp20, $1  }
0x41c: {  	_ =	sdelay $0x3  }
.LBB2_23:
0x41d: {  	v19 =	vld [tilespmem:s14+$0x19500];
	_ =	sdelay $0x4  }
0x41e: {  	(v2sf) =	vpush v19, $0x0  }
0x41f: {  	(v2sf) =	vpush v19, $0x1;
	_ =	sdelay $0xd  }
0x420: {  	s8 =	spop (v2sf)  }
0x421: {  	s2 =	spop (v2sf)  }
0x422: {  	p2 =	sle.s32 s2, s8  }
.Ltmp21:
0x423: {  	_ = 	snop;
	(pc) =	sbr.rel @p2 .LBB2_30-.Ltmp21, $1  }
0x424: {  	_ =	sdelay $0x3  }
0x425: {  	s15 =	sshll.u32 s14, $0x8;
	s16 =	sshll.u32 s14, $0x7  }
0x426: {  	s15 =	sand.u32 $0xFFFFF800, s15;
	s16 =	sand.u32 $0x380, s16  }
0x427: {  	s15 =	sor.u32 s16, s15  }
0x428: {  	s28 =	sadd.s32 $0x11480, s15;
	v33 =	vld [tilespmem:s15+$0x11480]  }
0x429: {  	v34 =	vld [tilespmem:s28+$0x10]  }
0x42a: {  	v32 =	vld [tilespmem:s28+$0x20]  }
0x42b: {  	v31 =	vld [tilespmem:s28+$0x30]  }
0x42c: {  	v30 =	vld [tilespmem:s28+$0x40]  }
0x42d: {  	v29 =	vld [tilespmem:s28+$0x50]  }
0x42e: {  	v28 =	vld [tilespmem:s28+$0x60]  }
0x42f: {  	v27 =	vld [tilespmem:s28+$0x70]  }
0x430: {  	v26 =	vld [tilespmem:s28+$0x400]  }
0x431: {  	s29 =	ssub.s32 s2, s8;
	v25 =	vld [tilespmem:s28+$0x410]  }
0x432: {  	p3 =	sne.s32 s29, $0x1;
	v24 =	vld [tilespmem:s28+$0x420]  }
.Ltmp22:
0x433: {  	v22 =	vld [tilespmem:s28+$0x430];
	(pc) =	sbr.rel @!p3 .LBB2_25-.Ltmp22, $4  }
0x434: {  	v20 =	vld [tilespmem:s28+$0x440]  }
0x435: {  	s18 =	sshll.u32 s8, $0x8;
	s16 =	sshll.u32 s8, $0x7;
	v19 =	vld [tilespmem:s28+$0x450]  }
0x436: {  	s2 =	sadd.s32 s8, s10;
	s8 =	sand.u32 $0xFFFFF800, s18;
	s31 =	sand.u32 $0x380, s16;
	v21 =	vld [tilespmem:s28+$0x460]  }
0x437: {  	p2 =	por $0x0, $0x0;
	v23 =	vld [tilespmem:s28+$0x470];
	s15 =	sor.u32 s31, s8;
	s8 =	sadd.s32 $0xFFFFFFFF, s29  }
0x438: {  	v35 =	vld [tilespmem:s15+$0x9480]  }
0x439: {  	v36 =	vld [tilespmem:s15+$0x9490];
	_ =	sdelay $0x1  }
0x43a: {  	v37 =	vld [tilespmem:s15+$0x94A0];
	_ =	sdelay $0x1  }
0x43b: {  	v38 =	vld [tilespmem:s15+$0x94B0]  }
0x43c: {  	v35 =	vmul.f32 v35, v33;
	v36 =	vmul.f32 v36, v34  }
0x43d: {  	v39 =	vld [tilespmem:s15+$0x94C0]  }
0x43e: {  	v59 =	vmul.f32 v37, v32;
	v35 =	vadd.f32 v36, v35  }
0x43f: {  	v60 =	vld [tilespmem:s15+$0x94D0]  }
0x440: {  	v61 =	vmul.f32 v38, v31;
	v35 =	vadd.f32 v59, v35  }
0x441: {  	v62 =	vld [tilespmem:s15+$0x94E0]  }
0x442: {  	v63 =	vmul.f32 v39, v30;
	v35 =	vadd.f32 v61, v35  }
0x443: {  	v42 =	vld [tilespmem:s15+$0x94F0]  }
0x444: {  	v43 =	vmul.f32 v60, v29;
	v35 =	vadd.f32 v63, v35  }
0x445: {  	v44 =	vld [tilespmem:s15+$0x9880]  }
0x446: {  	v45 =	vmul.f32 v62, v28;
	v35 =	vadd.f32 v43, v35  }
0x447: {  	v46 =	vld [tilespmem:s15+$0x9890]  }
0x448: {  	v47 =	vmul.f32 v42, v27;
	v35 =	vadd.f32 v45, v35  }
0x449: {  	v48 =	vld [tilespmem:s15+$0x98A0]  }
0x44a: {  	v49 =	vmul.f32 v44, v26;
	v35 =	vadd.f32 v47, v35  }
0x44b: {  	v50 =	vld [tilespmem:s15+$0x98B0]  }
0x44c: {  	v51 =	vmul.f32 v46, v25;
	v35 =	vadd.f32 v49, v35  }
0x44d: {  	v52 =	vld [tilespmem:s15+$0x98C0]  }
0x44e: {  	v53 =	vmul.f32 v48, v24;
	v35 =	vadd.f32 v51, v35  }
0x44f: {  	v54 =	vld [tilespmem:s15+$0x98D0]  }
0x450: {  	v55 =	vmul.f32 v50, v22;
	v35 =	vadd.f32 v53, v35  }
0x451: {  	v56 =	vld [tilespmem:s15+$0x98E0]  }
0x452: {  	v57 =	vmul.f32 v52, v20;
	v35 =	vadd.f32 v55, v35  }
0x453: {  	v58 =	vld [tilespmem:s15+$0x98F0]  }
0x454: {  	v59 =	vmul.f32 v54, v19;
	v35 =	vadd.f32 v57, v35;
	_ =	sdelay $0x1  }
0x455: {  	v60 =	vmul.f32 v56, v21;
	v35 =	vadd.f32 v59, v35;
	_ =	sdelay $0x1  }
0x456: {  	v61 =	vmul.f32 v58, v23;
	v35 =	vadd.f32 v60, v35;
	_ =	sdelay $0x1  }
0x457: {  	v35 =	vadd.f32 v61, v35;
	_ =	sdelay $0x1  }
0x458: {  	(xrf2) =	vadd.scan.msk.f32 $0xffff, v35;
	_ =	sdelay $0x7  }
0x459: {  	p3 =	sne.s32 s8, $0x1;
	v62 =	vmov s2  }
.Ltmp23:
0x45a: {  	_ = 	snop;
	(pc) =	sbr.rel @!p3 .LBB2_27-.Ltmp23, $4  }
0x45b: {  	v63, _, _ =	vpop (xrf2)  }
0x45c: {  	s28 =	sadd.s32 $0x80, s16;
	s29 =	sadd.s32 $0x100, s18;
	v36 =	vbroadcast v63, $0xF  }
0x45d: {  	s18 =	sadd.s32 $0xFFFFFFFF, s8;
	s31 =	sand.u32 $0xFFFFF800, s29;
	s16 =	sand.u32 $0x380, s28  }
0x45e: {  	p2 =	por $0x1, $0x1;
	s15 =	sor.u32 s16, s31;
	s16 =	smov.u32 s2;
	[tilespmem:v62+s17+$0x0] =	vst.idx.msk $0x1, v36  }
.LBB2_28:
0x45f: {  	p3 =	sne.s32 s18, $0x1;
	v35 =	vld [tilespmem:s15+$0x9480]  }
0x460: {  	v36 =	vld [tilespmem:s15+$0x9490];
	_ =	sdelay $0x1  }
0x461: {  	v37 =	vld [tilespmem:s15+$0x94A0];
	_ =	sdelay $0x1  }
0x462: {  	v38 =	vld [tilespmem:s15+$0x94B0]  }
0x463: {  	v35 =	vmul.f32 v35, v33;
	v36 =	vmul.f32 v36, v34  }
0x464: {  	v39 =	vld [tilespmem:s15+$0x94C0]  }
0x465: {  	v35 =	vadd.f32 v36, v35;
	v36 =	vmul.f32 v37, v32  }
0x466: {  	v37 =	vld [tilespmem:s15+$0x94D0]  }
0x467: {  	v35 =	vadd.f32 v36, v35;
	v36 =	vmul.f32 v38, v31  }
0x468: {  	v38 =	vld [tilespmem:s15+$0x94E0]  }
0x469: {  	v35 =	vadd.f32 v36, v35;
	v36 =	vmul.f32 v39, v30  }
0x46a: {  	v39 =	vld [tilespmem:s15+$0x94F0]  }
0x46b: {  	v35 =	vadd.f32 v36, v35;
	v36 =	vmul.f32 v37, v29  }
0x46c: {  	v37 =	vld [tilespmem:s15+$0x9880]  }
0x46d: {  	v35 =	vadd.f32 v36, v35;
	v36 =	vmul.f32 v38, v28  }
0x46e: {  	v38 =	vld [tilespmem:s15+$0x9890]  }
0x46f: {  	v35 =	vadd.f32 v36, v35;
	v36 =	vmul.f32 v39, v27  }
0x470: {  	v39 =	vld [tilespmem:s15+$0x98A0]  }
0x471: {  	v35 =	vadd.f32 v36, v35;
	v36 =	vmul.f32 v37, v26  }
0x472: {  	v37 =	vld [tilespmem:s15+$0x98B0]  }
0x473: {  	v35 =	vadd.f32 v36, v35;
	v36 =	vmul.f32 v38, v25  }
0x474: {  	v38 =	vld [tilespmem:s15+$0x98C0]  }
0x475: {  	v35 =	vadd.f32 v36, v35;
	v36 =	vmul.f32 v39, v24  }
0x476: {  	v39 =	vld [tilespmem:s15+$0x98D0]  }
0x477: {  	v35 =	vadd.f32 v36, v35;
	v36 =	vmul.f32 v37, v22  }
0x478: {  	v37 =	vld [tilespmem:s15+$0x98E0]  }
0x479: {  	v35 =	vadd.f32 v36, v35;
	v36 =	vmul.f32 v38, v20  }
0x47a: {  	v38 =	vld [tilespmem:s15+$0x98F0]  }
0x47b: {  	v35 =	vadd.f32 v36, v35;
	v36 =	vmul.f32 v39, v19;
	_ =	sdelay $0x1  }
0x47c: {  	v35 =	vadd.f32 v36, v35;
	v36 =	vmul.f32 v37, v21;
	_ =	sdelay $0x1  }
0x47d: {  	v35 =	vadd.f32 v36, v35;
	v36 =	vmul.f32 v38, v23;
	_ =	sdelay $0x1  }
0x47e: {  	v35 =	vadd.f32 v36, v35;
	_ =	sdelay $0x1  }
0x47f: {  	(xrf2) =	vadd.scan.msk.f32 $0xffff, v35;
	_ =	sdelay $0x6  }
0x480: {  	s16 =	sadd.s32 $0x1, s16  }
0x481: {  	v35 =	vmov s16  }
.Ltmp24:
0x482: {  	(pc) =	sbr.rel @p3 .LBB2_28-.Ltmp24, $4  }
0x483: {  	v36, _, _ =	vpop (xrf2)  }
0x484: {  	s28 =	sadd.s32 $0x80, s28;
	s29 =	sadd.s32 $0x100, s29;
	v36 =	vbroadcast v36, $0xF  }
0x485: {  	s8 =	sand.u32 $0xFFFFF800, s29;
	s15 =	sand.u32 $0x380, s28  }
0x486: {  	s18 =	sadd.s32 $0xFFFFFFFF, s18;
	s15 =	sor.u32 s15, s8;
	[tilespmem:v35+s17+$0x0] =	vst.idx.msk $0x1, v36  }
.Ltmp25:
0x487: {  	_ = 	snop;
	(pc) =	sbr.rel .LBB2_29-.Ltmp25, $1  }
0x488: {  	_ =	sdelay $0x3  }
.LBB2_27:
.Ltmp26:
0x489: {  	(pc) =	sbr.rel .LBB2_29-.Ltmp26, $2  }
0x48a: {  	_ =	sdelay $0x2  }
0x48b: {  	s16 =	smov.u32 s2  }
.LBB2_34:
0x48c: {  	_ =	sfence.sel $0x180000  }
0x48d: {  	[bflag:$0x0] =	sbarrier.arrive $0xFFFF  }
0x48e: {  	_ =	strace $0x90000047  }
0x48f: {  	[bflag:$0x2] =	sbarrier.arrive $0xFFFF  }
0x490: {  	s0 =	rddreg [dreg:$0x5]  }
0x491: {  	s0 =	sadd.s32 @!p0 $0x100000, s0  }
0x492: {  	[sflag:s0] =	ssyncadd.tile.s32 @!p0 $0x1;
	_ =	shalt  }
.Lfunc_end2:
_tile_overlayer_lowered:
.L_overlay_start_2:
0x493: {  	(tag) =	ssettag $0x2  }
0x494: {  	s0 =	rddreg [dreg:$0x0];
	s2 =	stileid.u32  }
0x495: {  	s1 =	rddreg [dreg:$0x1];
	p0 =	sne.s32 s2, $0x0  }
0x496: {  	s3 =	rddreg [dreg:$0x2];
	[bflag:$0x3] =	sbarrier.arrive $0xFFFF;
	s2 =	simm.s32 @!p0 $0x1C04  }
0x497: {  	[timem:s3], [sflag:s2] =	dma.local @!p0 [hbm:s0], s1  }
0x498: {  	s0 =	simm.s32 @!p0 $0x4  }
0x499: {  	_ =	swait.ge @!p0 [sflag:s0], s1  }
0x49a: {  	s1 =	ssub.s32 @!p0 $0x0, s1;
	[sflag:s0] =	ssyncset.done @!p0 $0x0  }
0x49b: {  	[sflag:s0] =	ssyncadd.s32 @!p0 s1  }
0x49c: {  	[bflag:$0x3] =	sbarrier.arrive $0xFFFF  }
0x49d: {  	_ =	shalt  }

// kernel: kernel.8.cloned.1.call-start
scs
__scs_entry_jumppad:
0x0: {  	(pc) =	sbr.rel $0x88, $3  }
0x1: {  	(tag) =	ssettag $0x0;
	lr =	simm.s32 $0x1  }
0x2: {  	[smem:$0x3F9C] =	sst lr;
	_ =	strace $0xD0000000  }
0x3: {  	_ = 	snop  }
0x4: {  	_ = 	snop  }
0x5: {  	_ = 	snop  }
0x6: {  	_ = 	snop  }
0x7: {  	_ = 	snop  }
__scs_overlays_trampoline_lowered:
0x8: {  	[smem:$0x3FAB] =	sst s0  }
0x9: {  	[smem:$0x3FAC] =	sst s1  }
0xa: {  	[smem:$0x3FAD] =	sst s2  }
0xb: {  	[smem:$0x3FAE] =	sst s3  }
0xc: {  	[smem:$0x3FAF] =	sst s4  }
0xd: {  	[smem:$0x3FB0] =	sst s5  }
0xe: {  	[smem:$0x3FB1] =	sst s6  }
0xf: {  	[smem:$0x3FB2] =	sst s7  }
0x10: {  	[smem:$0x3FB3] =	sst s8  }
0x11: {  	[smem:$0x3FB4] =	sst s9;
	s0 =	simm.s32 @!p0 $0x0  }
0x12: {  	s1 =	sld [smem:$0x3F9A];
	s0 =	simm.s32 @p0 $0x1  }
0x13: {  	[smem:$0x3FB5] =	sst s0;
	s0 =	simm.s32 @!p1 $0x0  }
0x14: {  	s2 =	sld [smem:$0x3F99];
	s0 =	simm.s32 @p1 $0x1  }
0x15: {  	[smem:$0x3FB6] =	sst s0;
	s0 =	simm.s32 @!p2 $0x0  }
0x16: {  	s3 =	sld [smem:$0x3FDB];
	s0 =	simm.s32 @p2 $0x1  }
0x17: {  	s4 =	simm.s32 $0x1BF5;
	[smem:$0x3FB8] =	sst s0  }
0x18: {  	s0 =	sld [smem:$0x3F9B];
	_ =	swait.ge [sflag:s4], $0x0  }
0x19: {  	s7 =	sld [smem:$0x3F9C]  }
0x1a: {  	s8 =	sadd.s32 $0xFFFFE003, lr  }
0x1b: {  	s9 =	sadd.s32 $0xFFFFFEF7, lr;
	s5 =	simm.s32 $0xFFFFFFFF;
	p2 =	slt.u32 s8, $0xFFFFF086  }
0x1c: {  	p1 =	slt.u32 s9, $0xF7A;
	s5 =	simm.s32 @!p2 $0x0  }
0x1d: {  	s5 =	simm.s32 @p1 $0x1;
	p0 =	seq.s32 s7, s2  }
0x1e: {  	s7 =	smul.u32 @!p0 $0xF7A, s2;
	p2 =	seq.s32 @!p0 s5, $0x0  }
0x1f: {  	s9 =	smul.u32 $0xF7A, s1;
	s8 =	simm.s32 @!p0 $0x1BF5;
	p2 =	por !p2, p0  }
0x20: {  	[sflag:s8] =	ssyncset.s32 @!p0 $0xFFFFF086;
	s6 =	sadd.s32 @!p0 s3, s7;
	s7 =	simm.s32 @!p0 $0x108  }
0x21: {  	s3 =	sadd.s32 s3, s9;
	s6 =	sadd.s32 @!p0 $0x88, s6;
	s7 =	simm.s32 @p2 $0x1082  }
0x22: {  	[simem:s7], [sflag:s8] =	dma.local @!p0 [hbm:s6], $0xF7A  }
0x23: {  	s9 =	sor.u32 $0xD0000000, s2;
	s6 =	simm.s32 $0x108;
	_ =	swait.ge @!p0 [sflag:s8], $0x0  }
0x24: {  	s3 =	sadd.s32 $0x88, s3;
	s6 =	simm.s32 @!p1 $0x1082;
	[sflag:s4] =	ssyncset.s32 $0xFFFFF086  }
0x25: {  	[simem:s6], [sflag:s4] =	dma.local [hbm:s3], $0xF7A  }
0x26: {  	[smem:$0x3F9C] =	sst s1;
	(tag) =	ssettag s2;
	_ =	strace s9  }
0x27: {  	s1 =	sld [smem:$0x3FAC]  }
0x28: {  	s2 =	sld [smem:$0x3FAD]  }
0x29: {  	s4 =	sld [smem:$0x3FAF]  }
0x2a: {  	p0 =	seq.s32 s5, $0x0;
	s5 =	sld [smem:$0x3FB0]  }
0x2b: {  	s6 =	sld [smem:$0x3FB1]  }
0x2c: {  	s7 =	sld [smem:$0x3FB2]  }
0x2d: {  	s3 =	simm.s32 $0x108;
	s8 =	sld [smem:$0x3FB3]  }
0x2e: {  	s3 =	simm.s32 @!p0 $0x1082;
	s9 =	sld [smem:$0x3FB4]  }
0x2f: {  	lr =	sadd.s32 s0, s3;
	s0 =	sld [smem:$0x3FAB]  }
0x30: {  	s3 =	sld [smem:$0x3FAE]  }
0x31: {  	[smem:$0x3FB7] =	sst s10  }
0x32: {  	s10 =	sld [smem:$0x3FB5];
	_ =	sdelay $0x3  }
0x33: {  	p0 =	seq.s32 s10, $0x1;
	s10 =	sld [smem:$0x3FB7];
	_ =	sdelay $0x3  }
0x34: {  	[smem:$0x3FB7] =	sst s10  }
0x35: {  	s10 =	sld [smem:$0x3FB6];
	_ =	sdelay $0x3  }
0x36: {  	p1 =	seq.s32 s10, $0x1;
	s10 =	sld [smem:$0x3FB7];
	_ =	sdelay $0x3  }
0x37: {  	[smem:$0x3FB7] =	sst s10  }
0x38: {  	s10 =	sld [smem:$0x3FB8]  }
0x39: {  	_ = 	snop;
	(pc) =	sbr.ind lr, $3  }
0x3a: {  	_ = 	snop  }
0x3b: {  	_ = 	snop  }
0x3c: {  	p2 =	seq.s32 s10, $0x1;
	s10 =	sld [smem:$0x3FB7]  }
0x3d: {  	_ =	shalt  }
0x3e: {  	_ =	shalt  }
0x3f: {  	_ =	shalt  }
0x40: {  	_ =	shalt  }
0x41: {  	_ =	shalt  }
0x42: {  	_ =	shalt  }
0x43: {  	_ =	shalt  }
0x44: {  	_ =	shalt  }
0x45: {  	_ =	shalt  }
0x46: {  	_ =	shalt  }
0x47: {  	_ =	shalt  }
0x48: {  	_ =	shalt  }
0x49: {  	_ =	shalt  }
0x4a: {  	_ =	shalt  }
0x4b: {  	_ =	shalt  }
0x4c: {  	_ =	shalt  }
0x4d: {  	_ =	shalt  }
0x4e: {  	_ =	shalt  }
0x4f: {  	_ =	shalt  }
0x50: {  	_ =	shalt  }
0x51: {  	_ =	shalt  }
0x52: {  	_ =	shalt  }
0x53: {  	_ =	shalt  }
0x54: {  	_ =	shalt  }
0x55: {  	_ =	shalt  }
0x56: {  	_ =	shalt  }
0x57: {  	_ =	shalt  }
0x58: {  	_ =	shalt  }
0x59: {  	_ =	shalt  }
0x5a: {  	_ =	shalt  }
0x5b: {  	_ =	shalt  }
0x5c: {  	_ =	shalt  }
0x5d: {  	_ =	shalt  }
0x5e: {  	_ =	shalt  }
0x5f: {  	_ =	shalt  }
0x60: {  	_ =	shalt  }
0x61: {  	_ =	shalt  }
0x62: {  	_ =	shalt  }
0x63: {  	_ =	shalt  }
0x64: {  	_ =	shalt  }
0x65: {  	_ =	shalt  }
0x66: {  	_ =	shalt  }
0x67: {  	_ =	shalt  }
0x68: {  	_ =	shalt  }
0x69: {  	_ =	shalt  }
0x6a: {  	_ =	shalt  }
0x6b: {  	_ =	shalt  }
0x6c: {  	_ =	shalt  }
0x6d: {  	_ =	shalt  }
0x6e: {  	_ =	shalt  }
0x6f: {  	_ =	shalt  }
0x70: {  	_ =	shalt  }
0x71: {  	_ =	shalt  }
0x72: {  	_ =	shalt  }
0x73: {  	_ =	shalt  }
0x74: {  	_ =	shalt  }
0x75: {  	_ =	shalt  }
0x76: {  	_ =	shalt  }
0x77: {  	_ =	shalt  }
0x78: {  	_ =	shalt  }
0x79: {  	_ =	shalt  }
0x7a: {  	_ =	shalt  }
0x7b: {  	_ =	shalt  }
0x7c: {  	_ =	shalt  }
0x7d: {  	_ =	shalt  }
0x7e: {  	_ =	shalt  }
0x7f: {  	_ =	shalt  }
0x80: {  	_ =	shalt  }
0x81: {  	_ =	shalt  }
0x82: {  	_ =	shalt  }
0x83: {  	_ =	shalt  }
0x84: {  	_ =	shalt  }
0x85: {  	_ =	shalt  }
0x86: {  	_ =	shalt  }
0x87: {  	_ =	shalt  }
.Lfunc_end0:
.L_simem_size_0:
called_computation.1_lowered:
.L_overlay_start_0:
0x88: {  	s2 =	sld [smem:$0x3FD9]  }
0x89: {  	s3 =	sld [smem:$0x3FFE];
	_ =	sdelay $0x1  }
0x8a: {  	s1 =	srdreg.scid  }
0x8b: {  	s0 =	sand.u32 $0x1, s1  }
0x8c: {  	s14 =	sshll.u32 s0, $0xA;
	s2 =	sadd.s32 s3, s2  }
0x8d: {  	s2 =	sadd.s32 s2, s14  }
0x8e: {  	[smem:$0x3FC3] =	sst s2  }
0x8f: {  	_ = 	snop  }
0x90: {  	s2 =	sld [smem:$0x3FD0];
	_ =	sdelay $0x2  }
0x91: {  	s4 =	simm.s32 $0xA;
	s5 =	simm.s32 $0x10;
	s15 =	sld [smem:$0x3FC7]  }
0x92: {  	[smem:s5], [sflag:s4] =	dma.local [hbm:s2], $0x1  }
0x93: {  	_ =	swait.eq [sflag:s4], $0x1  }
0x94: {  	[sflag:s4] =	ssyncset.done $0x0  }
0x95: {  	[sflag:s4] =	ssyncadd.s32 $0xFFFFFFFF  }
0x96: {  	s16 =	sld [smem:$0x10];
	(tm) =	ssettm $0x1  }
0x97: {  	s17 =	sld [smem:$0x3FFB];
	_ =	sdelay $0x3  }
0x98: {  	_ =	strace s17  }
0x99: {  	s4 =	sld [smem:$0x3FFC];
	_ =	sdelay $0x3  }
0x9a: {  	_ =	strace s4  }
0x9b: {  	s4 =	sld [smem:$0x3FFD];
	_ =	sdelay $0x3  }
0x9c: {  	_ =	strace s4  }
0x9d: {  	_ =	strace $0x8FFFFFFF  }
0x9e: {  	s18 =	sld [smem:$0x3FDB];
	_ =	sdelay $0x1  }
0x9f: {  	s19 =	simm.s32 $_scs_section_size  }
0xa0: {  	s6 =	simm.s32 $_size__tile_overlayer_lowered;
	s7 =	simm.s32 $_tile_overlayer_lowered  }
0xa1: {  	s22 =	simm.s32 $0x1BFF;
	s21 =	sshll.u32 s7, $0x1;
	s4 =	sadd.s32 s19, s18  }
0xa2: {  	s8 =	simm.s32 $0x0;
	s20 =	sshll.u32 s6, $0x1;
	s6 =	sadd.s32 s21, s4  }
0xa3: {  	[timem:s8], [sflag:s22] =	dma.local [hbm:s6], s20  }
0xa4: {  	_ =	swait.ge [sflag:s22], s20  }
0xa5: {  	s5 =	ssub.s32 $0x0, s20;
	[sflag:s22] =	ssyncset.done $0x0  }
0xa6: {  	[sflag:s22] =	ssyncadd.s32 s5;
	_ =	sdelay $0x1  }
0xa7: {  	s23 =	simm.s32 $0x1B8B  }
0xa8: {  	_ =	swait.ge [sflag:s23], $0x1  }
0xa9: {  	[sflag:s23] =	ssyncset.done $0x0  }
0xaa: {  	s25 =	simm.s32 $0x1B8E;
	s24 =	sld [smem:$0x3FFE];
	[sflag:s23] =	ssyncadd.s32 $0xFFFFFFFF  }
0xab: {  	s26 =	simm.s32 $execute0_lowered;
	[smem:$0x3FD2] =	sst s25  }
0xac: {  	s6 =	sshll.u32 s26, $0x1;
	_ =	strace $0x80000049;
	[dreg:$0x1] =	wrdreg $0xFFFFFFFF  }
0xad: {  	s28 =	simm.s32 $_size_execute0_lowered;
	s4 =	sadd.s32 s4, s6;
	[dreg:$0x0] =	wrdreg $0x0  }
0xae: {  	s6 =	sshll.u32 s28, $0x1;
	[dreg:$0x2] =	wrdreg s4  }
0xaf: {  	[dreg:$0x3] =	wrdreg s6  }
0xb0: {  	[dreg:$0x4] =	wrdreg $0xC0  }
0xb1: {  	_ =	task [dreg:s8], $0x5FFFF  }
0xb2: {  	[dreg:$0x1] =	wrdreg $0xFFFFFFFF  }
0xb3: {  	[dreg:$0x0] =	wrdreg $0x60  }
0xb4: {  	[dreg:$0x2] =	wrdreg s24  }
0xb5: {  	[dreg:$0x3] =	wrdreg s15  }
0xb6: {  	[dreg:$0x4] =	wrdreg s16  }
0xb7: {  	[dreg:$0x5] =	wrdreg $0x9  }
0xb8: {  	_ =	task.clear_ibuf [dreg:s8], $0x6FFFF;
	_ =	strace $0x90000049  }
0xb9: {  	s29 =	simm.s32 $0x9;
	_ =	strace $0x8000004B  }
0xba: {  	_ =	swait.ge [sflag:s29], $0x1  }
0xbb: {  	[sflag:s29] =	ssyncadd.s32 $0xFFFFFFFF  }
0xbc: {  	_ =	strace $0x9000004B  }
0xbd: {  	_ =	sfence  }
0xbe: {  	s30 =	sld [smem:$0x0];
	_ =	sdelay $0x2  }
0xbf: {  	s31 =	sshll.u32 s1, $0xD;
	s1 =	sshrl.u32 s1, $0x2  }
0xc0: {  	s3 =	sand.u32 $0x4000, s31;
	s1 =	sadd.s32 s1, s30  }
0xc1: {  	s0 =	sor.u32 s3, s0;
	s1 =	sshll.u32 s1, $0x11  }
0xc2: {  	s0 =	sor.u32 s1, s0  }
0xc3: {  	s0 =	sadd.s32 $0x8F2B, s0  }
0xc4: {  	[sflag:s0] =	ssyncadd.remote.s32 $0x1  }
0xc5: {  	_ =	sfence.sel $0xFFFF  }
0xc6: {  	[dreg:$0x0] =	wrdreg $0xFFFFFFFF;
	(pc) =	sbr.abs _section_cstart, $3  }
0xc7: {  	[dreg:$0x1] =	wrdreg $0xFFFFFFFF  }
0xc8: {  	_ =	task.clear_ibuf [dreg:s8], $0x2FFFF;
	_ =	strace $0x9FFFFFFF  }
0xc9: {  	(tm) =	ssettm $0x7FFFFFFF  }
tec
execute0_lowered:
.L_overlay_start_1:
0x0: {  	(tag) =	ssettag $0x1  }
0x1: {  	s9 =	rddreg [dreg:$0x0]  }
0x2: {  	s6 =	rddreg [dreg:$0x1]  }
0x3: {  	s11 =	rddreg [dreg:$0x2];
	s1 =	srdreg.scid  }
0x4: {  	s0 =	rddreg [dreg:$0x3];
	s2 =	simm.s32 $0x0;
	s15 =	simm.s32 $0x3C00  }
0x5: {  	s16 =	simm.s32 $0x6400;
	s17 =	simm.s32 $0x2800;
	s18 =	simm.s32 $0x0  }
0x6: {  	s3 =	sand.u32 $0x1, s1;
	s1 =	stileid.u32;
	[smem:$0x7FF] =	sst s2  }
0x7: {  	s7 =	sadd.s32 $0x4F600, s9;
	s4 =	sshll.u32 s3, $0x4;
	_ =	strace $0x8000004A  }
0x8: {  	s5 =	ssub.s32 $0x2, s3;
	s3 =	sadd.s32 $0x54600, s9;
	s13 =	sor.u32 s1, s4  }
0x9: {  	s9 =	sadd.s32 $0x54B00, s9;
	s10 =	sshrl.u32 s5, $0x1;
	s4 =	smul.u32 $0x27, s13  }
0xa: {  	s8 =	smin.u32 s13, $0x2;
	s12 =	ssub.s32 s5, s10;
	p0 =	slt.u32 s13, $0x2  }
0xb: {  	s12 =	smax.u32 s12, $0x1;
	s4 =	sadd.s32 s8, s4;
	s8 =	simm.s32 $0x140  }
0xc: {  	s31 =	sshll.u32 s4, $0x4;
	s8 =	simm.s32 @!p0 $0x138;
	p0 =	sgt.u32 s13, $0x1  }
0xd: {  	s13 =	simm.s32 $0x1;
	s4 =	sadd.s32 s6, s31;
	s14 =	sadd.s32 $0x270, s31  }
0xe: {  	s5 =	sadd.s32 s7, s31;
	s10 =	sadd.s32 s11, s31;
	s6 =	sadd.s32 s6, s14  }
0xf: {  	s7 =	sadd.s32 s7, s14;
	s11 =	sadd.s32 s11, s14;
	s14 =	simm.s32 $0x1400  }
.LBB2_1:
0x10: {  	[tilespmem:s2], [sflag:$0x1] =	stream.linear.gather [hbm4b:s4+s2], $0x1380, $0x38;
	[tilespmem:$0x8C00] =	vst v63  }
0x11: {  	_ =	swait.ge [sflag:s13], $0x1380  }
0x12: {  	[sflag:s13] =	ssyncset.done $0x0  }
0x13: {  	[sflag:s13] =	ssyncadd.s32 $0xFFFFEC80  }
0x14: {  	[tilespmem:s14], [sflag:$0x1] =	stream.linear.gather [hbm4b:s5+s2], $0x1380, $0x38;
	[tilespmem:$0x8C00] =	vst v63  }
0x15: {  	_ =	swait.ge [sflag:s13], $0x1380  }
0x16: {  	[sflag:s13] =	ssyncset.done $0x0  }
0x17: {  	s19 =	simm.s32 @!p0 $0x0;
	s20 =	simm.s32 @!p0 $0x1380;
	[sflag:s13] =	ssyncadd.s32 $0xFFFFEC80  }
0x18: {  	[tilespmem:s20], [sflag:$0x1] =	stream.linear.gather @!p0 [hbm4b:s6+s19], $0x80, $0x38;
	[tilespmem:$0x8C00] =	vst v63  }
0x19: {  	s20 =	simm.s32 @!p0 $0x1  }
0x1a: {  	_ =	swait.ge @!p0 [sflag:s20], $0x80  }
0x1b: {  	[sflag:s20] =	ssyncset.done @!p0 $0x0  }
0x1c: {  	s21 =	simm.s32 @!p0 $0x2780;
	[sflag:s20] =	ssyncadd.s32 @!p0 $0xFFFFFF80  }
0x1d: {  	[tilespmem:s21], [sflag:$0x1] =	stream.linear.gather @!p0 [hbm4b:s7+s19], $0x80, $0x38;
	[tilespmem:$0x8C00] =	vst v63  }
0x1e: {  	_ =	swait.ge @!p0 [sflag:s20], $0x80  }
0x1f: {  	[sflag:s20] =	ssyncset.done @!p0 $0x0  }
0x20: {  	[sflag:s20] =	ssyncadd.s32 @!p0 $0xFFFFFF80  }
0x21: {  	[tilespmem:s15], [sflag:$0x1] =	stream.linear.gather [hbm4b:s3+s2], $0x2800, $0x38;
	[tilespmem:$0x8C00] =	vst v63  }
0x22: {  	_ =	swait.ge [sflag:s13], $0x2800  }
0x23: {  	[sflag:s13] =	ssyncset.done $0x0  }
0x24: {  	[sflag:s13] =	ssyncadd.s32 $0xFFFFD800  }
0x25: {  	[tilespmem:s16], [sflag:$0x1] =	stream.linear.gather [hbm4b:s9+s2], $0x2800, $0x38;
	[tilespmem:$0x8C00] =	vst v63  }
0x26: {  	_ =	swait.ge [sflag:s13], $0x2800  }
0x27: {  	[sflag:s13] =	ssyncset.done $0x0  }
0x28: {  	s19 =	simm.s32 $0x0;
	[sflag:s13] =	ssyncadd.s32 $0xFFFFD800  }
0x29: {  	s20 =	simm.s32 $0x40;
	v0 =	vld [tilespmem:s19+$0x6400]  }
.LBB2_2:
0x2a: {  	p1 =	sne.s32 s20, $0x9FC0;
	v1 =	vld [tilespmem:s19+$0x3C00];
	_ =	sdelay $0x2  }
.Ltmp0:
0x2b: {  	(pc) =	sbr.rel @p1 .LBB2_2-.Ltmp0, $4  }
0x2c: {  	_ = 	snop  }
0x2d: {  	v1 =	vadd.f32 v0, v1  }
0x2e: {  	s21 =	sshra.s32 s20, $0x2  }
0x2f: {  	s20 =	sadd.s32 $0x40, s20;
	v0 =	vld [tilespmem:s21+$0x6400];
	[tilespmem:s19+$0x3C00] =	vst v1;
	s19 =	smov.u32 s21  }
0x30: {  	v1 =	vld [tilespmem:s19+$0x3C00];
	_ =	sdelay $0x2  }
0x31: {  	p2 =	sne.s32 s8, $0x1  }
.Ltmp1:
0x32: {  	_ = 	snop;
	(pc) =	sbr.rel @!p2 .LBB2_4-.Ltmp1, $3  }
0x33: {  	v0 =	vadd.f32 v0, v1;
	_ =	sdelay $0x1  }
0x34: {  	s21 =	simm.s32 $0x0;
	s20 =	simm.s32 $0x1400;
	[tilespmem:s19+$0x3C00] =	vst v0  }
0x35: {  	p1 =	por $0x0, $0x0;
	s19 =	simm.s32 $0x2800;
	v0 =	vld [tilespmem:s21+$0x0];
	s21 =	sadd.s32 $0xFFFFFFFF, s8  }
0x36: {  	_ =	sdelay $0x7  }
0x37: {  	v0 =	vld.idx.msk [tilespmem:v0+s15+$0x0], $0xffff;
	_ =	sdelay $0x4  }
0x38: {  	(erf) = vrcp.f32 v0;
	_ =	sdelay $0x4  }
0x39: {  	v0 =	vld [tilespmem:s20+$0x0];
	_ =	sdelay $0x2  }
0x3a: {  	p2 =	sne.s32 s21, $0x1  }
.Ltmp2:
0x3b: {  	v1 =	vpop (erf);
	(pc) =	sbr.rel @!p2 .LBB2_6-.Ltmp2, $3  }
0x3c: {  	v0 =	vmul.f32 v1, v0;
	_ =	sdelay $0x1  }
0x3d: {  	s23 =	simm.s32 $0x10;
	s24 =	sadd.s32 $0xFFFFFFFF, s21;
	[tilespmem:s19+$0x0] =	vst v0  }
0x3e: {  	p1 =	por $0x1, $0x1;
	s22 =	simm.s32 $0x1400;
	s21 =	simm.s32 $0x2800;
	v0 =	vld [tilespmem:s23+$0x0]  }
.LBB2_7:
0x3f: {  	p2 =	sne.s32 s24, $0x1;
	_ =	sdelay $0x6  }
0x40: {  	v0 =	vld.idx.msk [tilespmem:v0+s15+$0x0], $0xffff;
	_ =	sdelay $0x5  }
0x41: {  	(erf) = vrcp.f32 v0;
	_ =	sdelay $0x3  }
0x42: {  	s22 =	sadd.s32 $0x10, s22  }
0x43: {  	v0 =	vld [tilespmem:s22+$0x0];
	_ =	sdelay $0x3  }
.Ltmp3:
0x44: {  	v1 =	vpop (erf);
	(pc) =	sbr.rel @p2 .LBB2_7-.Ltmp3, $4  }
0x45: {  	v0 =	vmul.f32 v1, v0  }
0x46: {  	s21 =	sadd.s32 $0x10, s21  }
0x47: {  	s23 =	sadd.s32 $0x10, s23;
	[tilespmem:s21+$0x0] =	vst v0  }
0x48: {  	s24 =	sadd.s32 $0xFFFFFFFF, s24;
	v0 =	vld [tilespmem:s23+$0x0]  }
.LBB2_8:
0x49: {  	_ =	sdelay $0x7  }
0x4a: {  	v0 =	vld.idx.msk [tilespmem:v0+s15+$0x0], $0xffff;
	_ =	sdelay $0x4  }
0x4b: {  	(erf) = vrcp.f32 v0;
	_ =	sdelay $0x2  }
0x4c: {  	s22 =	sadd.s32 @p1 $0x10, s22  }
0x4d: {  	s20 =	smov.u32 @p1 s22  }
0x4e: {  	v63 =	vld [tilespmem:s20+$0x0];
	_ =	sdelay $0x3  }
0x4f: {  	v1 =	vpop (erf)  }
0x50: {  	s20 =	sadd.s32 @p1 $0x10, s21;
	v0 =	vmul.f32 v1, v63  }
0x51: {  	s19 =	smov.u32 @p1 s20  }
0x52: {  	[tilespmem:s19+$0x0] =	vst v0  }
0x53: {  	[hbm4b:s10+s2] =	stream.linear.scatter [tilespmem:s17], [sflag:$0x1], $0x1380, $0x38;
	[tilespmem:$0x8C00] =	vst v63  }
0x54: {  	_ =	swait.ge [sflag:s13], $0x1380  }
0x55: {  	s18 =	sadd.s32 $0x1, s18;
	s20 =	simm.s32 @!p0 $0x3B80;
	[sflag:s13] =	ssyncset.done $0x0  }
0x56: {  	p1 =	sne.s32 s18, s12;
	s19 =	simm.s32 @!p0 $0x0;
	[sflag:s13] =	ssyncadd.s32 $0xFFFFEC80  }
0x57: {  	[hbm4b:s11+s19] =	stream.linear.scatter @!p0 [tilespmem:s20], [sflag:$0x1], $0x80, $0x38;
	[tilespmem:$0x8C00] =	vst v63  }
.Ltmp4:
0x58: {  	_ = 	snop;
	(pc) =	sbr.rel @p1 .LBB2_1-.Ltmp4, $4  }
.Ltmp5:
0x59: {  	s19 =	simm.s32 @!p0 $0x1;
	(pc) =	sbr.rel @!p1 .LBB2_9-.Ltmp5, $4  }
0x5a: {  	_ =	swait.ge @!p0 [sflag:s19], $0x80  }
0x5b: {  	[sflag:s19] =	ssyncset.done @!p0 $0x0  }
0x5c: {  	[sflag:s19] =	ssyncadd.s32 @!p0 $0xFFFFFF80  }
0x5d: {  	_ = 	snop  }
.LBB2_4:
.Ltmp6:
0x5e: {  	(pc) =	sbr.rel .LBB2_8-.Ltmp6, $2  }
0x5f: {  	_ =	sdelay $0x2  }
0x60: {  	s22 =	simm.s32 $0x1400;
	s21 =	simm.s32 $0x2800  }
.LBB2_6:
.Ltmp7:
0x61: {  	(pc) =	sbr.rel .LBB2_8-.Ltmp7, $2  }
0x62: {  	_ =	sdelay $0x2  }
0x63: {  	s22 =	simm.s32 $0x1400;
	s21 =	simm.s32 $0x2800  }
.LBB2_9:
0x64: {  	_ =	sfence.sel $0x180000  }
0x65: {  	[bflag:$0x0] =	sbarrier.arrive $0xFFFF  }
0x66: {  	p0 =	sne.s32 s1, $0x0;
	_ =	strace $0x9000004A  }
0x67: {  	s0 =	sadd.s32 @!p0 $0x100000, s0;
	[bflag:$0x2] =	sbarrier.arrive $0xFFFF  }
0x68: {  	[sflag:s0] =	ssyncadd.tile.s32 @!p0 $0x1;
	_ =	shalt  }
.Lfunc_end2:
_tile_overlayer_lowered:
.L_overlay_start_2:
0x69: {  	(tag) =	ssettag $0x2  }
0x6a: {  	s0 =	rddreg [dreg:$0x0];
	s2 =	stileid.u32  }
0x6b: {  	s1 =	rddreg [dreg:$0x1];
	p0 =	sne.s32 s2, $0x0  }
0x6c: {  	s3 =	rddreg [dreg:$0x2];
	[bflag:$0x3] =	sbarrier.arrive $0xFFFF;
	s2 =	simm.s32 @!p0 $0x1C01  }
0x6d: {  	[timem:s3], [sflag:s2] =	dma.local @!p0 [hbm:s0], s1  }
0x6e: {  	s0 =	simm.s32 @!p0 $0x1  }
0x6f: {  	_ =	swait.ge @!p0 [sflag:s0], s1  }
0x70: {  	s1 =	ssub.s32 @!p0 $0x0, s1;
	[sflag:s0] =	ssyncset.done @!p0 $0x0  }
0x71: {  	[sflag:s0] =	ssyncadd.s32 @!p0 s1  }
0x72: {  	[bflag:$0x3] =	sbarrier.arrive $0xFFFF  }
0x73: {  	_ =	shalt  }

</sc_bundles>
